<compile_context>
chip_gen: v7x
topology: tpu7x:2x2x1
jax: 0.10.2.dev20260603
libtpu: 0.0.44.dev20260713+nightly
codegen_flags: <defaults>
</compile_context>

<pallas_src>
import functools

import jax
import jax.numpy as jnp
from jax import lax
from jax.experimental import pallas as pl
from jax.experimental.pallas import tpu as pltpu
from jax.experimental.pallas import tpu_sc as plsc

B = 4
N = 10000
NT = B * N
D = 128
E = 160000

NC = 2
NS = 16
EPT = E // NS
W = 80
NWIN = EPT // W
NWT = 10
RPT = N // NWT
NBUF = 3


def _segsum_body(half, h_hbm, e_hbm, z_hbm, agg_hbm, src_f, dst_f, rows0,
                 rows1, rows2, acc_sh, g0, g1, g2, t0, t1, t2):
    c = lax.axis_index("c")
    s = lax.axis_index("s")
    rows = (rows0, rows1, rows2)
    gsem = (g0, g1, g2)
    ssem = (t0, t1, t2)
    if True:
        b = 2 * half + c

        off = b * 2 * E + s * EPT
        pltpu.async_copy(e_hbm.at[pl.ds(off, EPT)], src_f, g0)
        pltpu.async_copy(e_hbm.at[pl.ds(off + E, EPT)], dst_f, g1)

        @pl.when(s < NWT)
        def _zero_slice():
            pltpu.async_copy(z_hbm.at[pl.ds(s * RPT, RPT)],
                             acc_sh.at[pl.ds(s * RPT, RPT)], g2)

        pltpu.make_async_copy(e_hbm.at[pl.ds(off, EPT)], src_f, g0).wait()
        boff = c * N

        @pl.loop(0, EPT // 16)
        def _off(i):
            src_f[pl.ds(i * 16, 16)] = src_f[pl.ds(i * 16, 16)] + boff

        pltpu.make_async_copy(e_hbm.at[pl.ds(off + E, EPT)], dst_f, g1).wait()

        @pl.when(s < NWT)
        def _zero_wait():
            pltpu.make_async_copy(z_hbm.at[pl.ds(s * RPT, RPT)],
                                  acc_sh.at[pl.ds(s * RPT, RPT)], g2).wait()

        plsc.subcore_barrier()

        def _src(w):
            return src_f.at[pl.ds(w * W, W)]

        def _dst(w):
            return dst_f.at[pl.ds(w * W, W)]

        for j in range(NBUF):
            pltpu.async_copy(h_hbm.at[_src(j)], rows[j], gsem[j])

        @pl.loop(0, NWIN // NBUF)
        def _ring(k):
            w0 = NBUF * k
            for j in range(NBUF):
                pltpu.make_async_copy(
                    h_hbm.at[_src(w0 + j)], rows[j], gsem[j]).wait()
                pltpu.async_copy(
                    rows[j], acc_sh.at[_dst(w0 + j)], ssem[j], add=True)
            for j in range(NBUF):
                pltpu.make_async_copy(
                    rows[j], acc_sh.at[_dst(w0 + j)], ssem[j]).wait()

                @pl.when(w0 + j + NBUF < NWIN)
                def _prefetch():
                    pltpu.async_copy(
                        h_hbm.at[_src(w0 + j + NBUF)], rows[j], gsem[j])

        for j in range(NWIN % NBUF):
            w = (NWIN // NBUF) * NBUF + j
            pltpu.make_async_copy(h_hbm.at[_src(w)], rows[j], gsem[j]).wait()
            pltpu.sync_copy(rows[j], acc_sh.at[_dst(w)], add=True)

        plsc.subcore_barrier()

        @pl.when(s < NWT)
        def _writeback():
            pltpu.sync_copy(acc_sh.at[pl.ds(s * RPT, RPT)],
                            agg_hbm.at[pl.ds(c * N + s * RPT, RPT)])


@functools.cache
def _make_segsum(half):
    return pl.kernel(
        functools.partial(_segsum_body, half),
        out_type=jax.ShapeDtypeStruct((2 * N, D), jnp.float32),
        mesh=plsc.VectorSubcoreMesh(
            core_axis_name="c", subcore_axis_name="s",
            num_cores=NC, num_subcores=NS,
        ),
        scratch_types=[
            pltpu.VMEM((EPT,), jnp.int32),
            pltpu.VMEM((EPT,), jnp.int32),
            pltpu.VMEM((W, D), jnp.float32),
            pltpu.VMEM((W, D), jnp.float32),
            pltpu.VMEM((W, D), jnp.float32),
            pltpu.VMEM_SHARED((N, D), jnp.float32),
            pltpu.SemaphoreType.DMA,
            pltpu.SemaphoreType.DMA,
            pltpu.SemaphoreType.DMA,
            pltpu.SemaphoreType.DMA,
            pltpu.SemaphoreType.DMA,
            pltpu.SemaphoreType.DMA,
        ],
    )


def _segsum(half, h_half, ef):
    return _make_segsum(half)(h_half, ef, jnp.zeros((N, D), jnp.float32))


ROWS_BLK = 2000


def _gin_body(agg_ref, w_ref, b_ref, g_ref, be_ref, out_ref):
    z = jnp.dot(agg_ref[...], w_ref[...], preferred_element_type=jnp.float32)
    z = z + b_ref[...]
    mu = jnp.mean(z, axis=1, keepdims=True)
    var = jnp.mean((z - mu) ** 2, axis=1, keepdims=True)
    zn = (z - mu) * lax.rsqrt(var + 1e-5) * g_ref[...] + be_ref[...]
    out_ref[...] = jnp.maximum(zn, 0.0)


def _gin_dense(agg, w, b, g, be):
    nrows = agg.shape[0]
    return pl.pallas_call(
        _gin_body,
        grid=(nrows // ROWS_BLK,),
        in_specs=[
            pl.BlockSpec((ROWS_BLK, D), lambda i: (i, 0)),
            pl.BlockSpec((D, D), lambda i: (0, 0)),
            pl.BlockSpec((1, D), lambda i: (0, 0)),
            pl.BlockSpec((1, D), lambda i: (0, 0)),
            pl.BlockSpec((1, D), lambda i: (0, 0)),
        ],
        out_specs=pl.BlockSpec((ROWS_BLK, D), lambda i: (i, 0)),
        out_shape=jax.ShapeDtypeStruct((nrows, D), jnp.float32),
    )(agg, w, b.reshape(1, D), g.reshape(1, D), be.reshape(1, D))


def _final_body(agg_ref, x_ref, h1_ref, h2_ref, cw_ref, cb_ref, cg_ref,
                cbe_ref, w0_ref, w1_ref, w2_ref, w3_ref, bc1_ref, sg_ref,
                bnb_ref, wc2_ref, out_ref):
    i = pl.program_id(0)
    z = jnp.dot(agg_ref[...], cw_ref[...], preferred_element_type=jnp.float32)
    z = z + cb_ref[...]
    mu = jnp.mean(z, axis=1, keepdims=True)
    var = jnp.mean((z - mu) ** 2, axis=1, keepdims=True)
    zn = (z - mu) * lax.rsqrt(var + 1e-5) * cg_ref[...] + cbe_ref[...]
    h3 = jnp.maximum(zn, 0.0)
    y = jnp.dot(x_ref[...], w0_ref[...], preferred_element_type=jnp.float32)
    y += jnp.dot(h1_ref[...], w1_ref[...], preferred_element_type=jnp.float32)
    y += jnp.dot(h2_ref[...], w2_ref[...], preferred_element_type=jnp.float32)
    y += jnp.dot(h3, w3_ref[...], preferred_element_type=jnp.float32)
    y = y + bc1_ref[...]
    v = jnp.maximum(y * sg_ref[...] + bnb_ref[...], 0.0)
    u = jnp.sum(v * wc2_ref[...], axis=1)
    part = jnp.sum(u) * (1.0 / N)

    @pl.when(i == 0)
    def _():
        out_ref[...] = jnp.zeros_like(out_ref)

    g = i // (N // ROWS_BLK)
    row = lax.broadcasted_iota(jnp.int32, (2, D), 0)
    out_ref[...] += jnp.where(row == g, part, 0.0)


def _final(agg3, x, h1, h2, cw, cb, cg, cbe, wc1, bc1, bn_g, bn_b, wc2):
    h2d = 2 * D
    sg = (bn_g * (1.0 / jnp.sqrt(1.0 + 1e-5))).reshape(1, h2d)
    out = pl.pallas_call(
        _final_body,
        grid=(x.shape[0] // ROWS_BLK,),
        in_specs=[pl.BlockSpec((ROWS_BLK, D), lambda i: (i, 0))] * 4
        + [pl.BlockSpec((D, D), lambda i: (0, 0))]
        + [pl.BlockSpec((1, D), lambda i: (0, 0))] * 3
        + [pl.BlockSpec((D, h2d), lambda i: (0, 0))] * 4
        + [pl.BlockSpec((1, h2d), lambda i: (0, 0))] * 4,
        out_specs=pl.BlockSpec((2, D), lambda i: (0, 0)),
        out_shape=jax.ShapeDtypeStruct((2, D), jnp.float32),
    )(
        agg3, x, h1, h2,
        cw, cb.reshape(1, D), cg.reshape(1, D), cbe.reshape(1, D),
        wc1[0:D], wc1[D:2 * D], wc1[2 * D:3 * D], wc1[3 * D:4 * D],
        bc1.reshape(1, h2d), sg, bn_b.reshape(1, h2d), wc2.reshape(1, h2d),
    )
    return out[:, :1]


def kernel(graph_nodes, graph_edge_links, mask, conv0_W, conv0_b, conv0_g,
           conv0_be, conv1_W, conv1_b, conv1_g, conv1_be, conv2_W, conv2_b,
           conv2_g, conv2_be, Wc1, bc1, bn_g, bn_b, Wc2, bc2):
    x = graph_nodes.reshape(NT, D).astype(jnp.float32)
    ef = graph_edge_links.reshape(-1)
    convs = [(conv0_W, conv0_b, conv0_g, conv0_be),
             (conv1_W, conv1_b, conv1_g, conv1_be),
             (conv2_W, conv2_b, conv2_g, conv2_be)]
    pooled_halves = []
    for half in (0, 1):
        xh = x[half * 2 * N:(half + 1) * 2 * N]
        agg1 = _segsum(half, xh, ef)
        h1 = _gin_dense(agg1, *convs[0])
        agg2 = _segsum(half, h1, ef)
        h2 = _gin_dense(agg2, *convs[1])
        agg3 = _segsum(half, h2, ef)
        ph = _final(agg3, xh, h1, h2, *convs[2], Wc1, bc1, bn_g, bn_b, Wc2)
        pooled_halves.append(ph)
    return jnp.concatenate(pooled_halves, axis=0) + bc2

# --- scband reference (transcript-rebuilt; emitter-appended) ---
"""Pipeline reference for scband-mhgnn-56126632624863 (READ-ONLY COPY).

The authoritative reference and input builder live on the scoring server;
editing this copy changes nothing except your own understanding.
"""

import jax, jax.numpy as jnp
import numpy as np

B, N, D, H, E = 4, 10000, 128, 128, 160000


def _layer_norm(x, g, b, eps=1e-5):
    mu = jnp.mean(x, axis=-1, keepdims=True)
    var = jnp.mean((x - mu) ** 2, axis=-1, keepdims=True)
    return (x - mu) / jnp.sqrt(var + eps) * g + b


def setup_inputs(seed: int = 0) -> dict:
    key = jax.random.key(seed)
    ks = jax.random.split(key, 16)
    inp = {}
    inp["graph_nodes"] = jax.random.normal(ks[0], (B, N, D), dtype=jnp.float32)
    inp["graph_edge_links"] = jax.random.randint(ks[1], (B, 2, E), 0, N, dtype=jnp.int32)
    inp["mask"] = jnp.ones((B, 2, N), dtype=bool)
    in_dims = [D, H, H]
    for i in range(3):
        s = 1.0 / np.sqrt(in_dims[i])
        inp["conv%d_W" % i] = jax.random.uniform(ks[2 + i], (in_dims[i], H), minval=-s, maxval=s, dtype=jnp.float32)
        inp["conv%d_b" % i] = jnp.zeros((H,), dtype=jnp.float32)
        inp["conv%d_g" % i] = jnp.ones((H,), dtype=jnp.float32)
        inp["conv%d_be" % i] = jnp.zeros((H,), dtype=jnp.float32)
    mid = D + 3 * H
    s = 1.0 / np.sqrt(mid)
    inp["Wc1"] = jax.random.uniform(ks[8], (mid, 2 * H), minval=-s, maxval=s, dtype=jnp.float32)
    inp["bc1"] = jnp.zeros((2 * H,), dtype=jnp.float32)
    inp["bn_g"] = jnp.ones((2 * H,), dtype=jnp.float32)
    inp["bn_b"] = jnp.zeros((2 * H,), dtype=jnp.float32)
    s = 1.0 / np.sqrt(2 * H)
    inp["Wc2"] = jax.random.uniform(ks[9], (2 * H, 1), minval=-s, maxval=s, dtype=jnp.float32)
    inp["bc2"] = jnp.zeros((1,), dtype=jnp.float32)
    return inp


def _forward(graph_nodes, params, graph_edge_links):
    Bc, Nc, Dc = graph_nodes.shape
    x = graph_nodes.reshape(Bc * Nc, Dc).astype(jnp.float32)
    offs = (jnp.arange(Bc, dtype=jnp.int32) * Nc)[:, None, None]
    ei = (graph_edge_links + offs).transpose(1, 0, 2).reshape(2, -1)
    src, dst = ei[0], ei[1]
    (c0W, c0b, c0g, c0be, c1W, c1b, c1g, c1be, c2W, c2b, c2g, c2be, Wc1, bc1, bn_g, bn_b, Wc2, bc2) = params
    convs = [(c0W, c0b, c0g, c0be), (c1W, c1b, c1g, c1be), (c2W, c2b, c2g, c2be)]
    eps_gin = -1.0
    h = x
    outs = [x]
    for (W, b, g, be) in convs:
        agg = jax.ops.segment_sum(h[src], dst, num_segments=Bc * Nc)
        z = (1.0 + eps_gin) * h + agg
        z = z @ W + b
        z = _layer_norm(z, g, be)
        z = jax.nn.relu(z)
        h = jax.nn.relu(z)
        outs.append(h)
    xcat = jnp.concatenate(outs, axis=1)
    v = xcat @ Wc1 + bc1
    v = v / jnp.sqrt(1.0 + 1e-5) * bn_g + bn_b
    v = jax.nn.relu(v)
    v = v @ Wc2 + bc2
    seg = jnp.repeat(jnp.arange(Bc), Nc)
    pooled = jax.ops.segment_sum(v, seg, num_segments=Bc) / Nc
    return pooled


def reference(graph_nodes, graph_edge_links, mask, conv0_W, conv0_b, conv0_g, conv0_be, conv1_W, conv1_b, conv1_g, conv1_be, conv2_W, conv2_b, conv2_g, conv2_be, Wc1, bc1, bn_g, bn_b, Wc2, bc2):
    params = (conv0_W, conv0_b, conv0_g, conv0_be, conv1_W, conv1_b, conv1_g, conv1_be, conv2_W, conv2_b, conv2_g, conv2_be, Wc1, bc1, bn_g, bn_b, Wc2, bc2)
    return _forward(graph_nodes, params, graph_edge_links)

if __name__ == "__main__":
    import jax
    _d = setup_inputs()
    print(jax.jit(kernel)(*tuple(_d.values())))

</pallas_src>

<mosaic_0001>
#map = affine_map<(d0, d1) -> (0, 0)>
#map1 = affine_map<(d0, d1) -> (0)>
module attributes {stable_mosaic.version = 14 : i64} {
  func.func @_segsum_body(%arg0: i32, %arg1: i32, %arg2: memref<20000x128xf32, #tpu.memory_space<hbm>>, %arg3: memref<1280000xi32, #tpu.memory_space<hbm>>, %arg4: memref<10000x128xf32, #tpu.memory_space<hbm>>, %arg5: memref<20000x128xf32, #tpu.memory_space<hbm>>, %arg6: memref<10000xi32, #tpu.memory_space<vmem>>, %arg7: memref<10000xi32, #tpu.memory_space<vmem>>, %arg8: memref<80x128xf32, #tpu.memory_space<vmem>>, %arg9: memref<80x128xf32, #tpu.memory_space<vmem>>, %arg10: memref<80x128xf32, #tpu.memory_space<vmem>>, %arg11: memref<10000x128xf32, #tpu.memory_space<vmem_shared>>, %arg12: memref<!tpu.dma_semaphore, #tpu.memory_space<semaphore_mem>>, %arg13: memref<!tpu.dma_semaphore, #tpu.memory_space<semaphore_mem>>, %arg14: memref<!tpu.dma_semaphore, #tpu.memory_space<semaphore_mem>>, %arg15: memref<!tpu.dma_semaphore, #tpu.memory_space<semaphore_mem>>, %arg16: memref<!tpu.dma_semaphore, #tpu.memory_space<semaphore_mem>>, %arg17: memref<!tpu.dma_semaphore, #tpu.memory_space<semaphore_mem>>) attributes {dimension_semantics = [#tpu.dimension_semantics<core_parallel>, #tpu.dimension_semantics<subcore_parallel>], iteration_bounds = array<i64: 2, 16>, scalar_prefetch = 0 : i64, scratch_operands = 12 : i64, tpu.core_type = #tpu.core_type<sc_vector_subcore>, window_params = [{transform_indices = #map}, {transform_indices = #map1}, {transform_indices = #map}, {transform_indices = #map}]} {
    %add3A = arith.constant 2 : i32
    %add3A_0 = arith.addi %add3A, %arg0 : i32
    %mul3A = arith.constant 2 : i32
    %mul3A_1 = arith.muli %add3A_0, %mul3A : i32
    %mul3A_2 = arith.constant 160000 : i32
    %mul3A_3 = arith.muli %mul3A_1, %mul3A_2 : i32
    %mul3A_4 = arith.constant 10000 : i32
    %mul3A_5 = arith.muli %arg1, %mul3A_4 : i32
    %add3A_6 = arith.addi %mul3A_3, %mul3A_5 : i32
    %dma_start3A = tpu.memref_slice %arg3[%add3A_6] : memref<1280000xi32, #tpu.memory_space<hbm>> -> memref<10000xi32, #tpu.memory_space<hbm>>
    %dma_start3A_7 = tpu.memref_slice %arg3[%add3A_6] : memref<1280000xi32, #tpu.memory_space<hbm>> -> memref<10000xi32, #tpu.memory_space<hbm>>
    tpu.enqueue_dma source(%dma_start3A_7 : memref<10000xi32, #tpu.memory_space<hbm>>) target(%arg6 : memref<10000xi32, #tpu.memory_space<vmem>>) target_semaphore(%arg12 : memref<!tpu.dma_semaphore, #tpu.memory_space<semaphore_mem>>)
    %add3A_8 = arith.constant 160000 : i32
    %add3A_9 = arith.addi %add3A_6, %add3A_8 : i32
    %dma_start3A_10 = tpu.memref_slice %arg3[%add3A_9] : memref<1280000xi32, #tpu.memory_space<hbm>> -> memref<10000xi32, #tpu.memory_space<hbm>>
    %dma_start3A_11 = tpu.memref_slice %arg3[%add3A_9] : memref<1280000xi32, #tpu.memory_space<hbm>> -> memref<10000xi32, #tpu.memory_space<hbm>>
    tpu.enqueue_dma source(%dma_start3A_11 : memref<10000xi32, #tpu.memory_space<hbm>>) target(%arg7 : memref<10000xi32, #tpu.memory_space<vmem>>) target_semaphore(%arg13 : memref<!tpu.dma_semaphore, #tpu.memory_space<semaphore_mem>>)
    %lt3A = arith.constant 10 : i32
    %lt3A_12 = arith.cmpi slt, %arg1, %lt3A : i32
    %convert_element_type3A = arith.extui %lt3A_12 : i1 to i32
    %cond3A = arith.constant 0 : i32
    %cond3A_13 = arith.cmpi ne, %convert_element_type3A, %cond3A : i32
    scf.if %cond3A_13 {
      %mul3A_66 = arith.constant 1000 : i32
      %mul3A_67 = arith.muli %arg1, %mul3A_66 : i32
      %mul3A_68 = arith.constant 1000 : i32
      %mul3A_69 = arith.muli %arg1, %mul3A_68 : i32
      %dma_start3A_70 = arith.constant 0 : i32
      %dma_start3A_71 = tpu.memref_slice %arg11[%mul3A_69, %dma_start3A_70] : memref<10000x128xf32, #tpu.memory_space<vmem_shared>> -> memref<1000x128xf32, #tpu.memory_space<vmem_shared>>
      %dma_start3A_72 = arith.constant 0 : i32
      %dma_start3A_73 = tpu.memref_slice %arg4[%mul3A_67, %dma_start3A_72] : memref<10000x128xf32, #tpu.memory_space<hbm>> -> memref<1000x128xf32, #tpu.memory_space<hbm>>
      tpu.enqueue_dma source(%dma_start3A_73 : memref<1000x128xf32, #tpu.memory_space<hbm>>) target(%dma_start3A_71 : memref<1000x128xf32, #tpu.memory_space<vmem_shared>>) target_semaphore(%arg14 : memref<!tpu.dma_semaphore, #tpu.memory_space<semaphore_mem>>)
    } else {
    }
    %dma_wait3A = tpu.memref_slice %arg3[%add3A_6] : memref<1280000xi32, #tpu.memory_space<hbm>> -> memref<10000xi32, #tpu.memory_space<hbm>>
    %dma_wait3A_14 = tpu.memref_slice %arg3[%add3A_6] : memref<1280000xi32, #tpu.memory_space<hbm>> -> memref<10000xi32, #tpu.memory_space<hbm>>
    tpu.wait_dma2 semaphore(%arg12 : memref<!tpu.dma_semaphore, #tpu.memory_space<semaphore_mem>>) src(%dma_wait3A_14 : memref<10000xi32, #tpu.memory_space<hbm>>) dst(%arg6 : memref<10000xi32, #tpu.memory_space<vmem>>)
    %mul3A_15 = arith.constant 10000 : i32
    %mul3A_16 = arith.muli %arg0, %mul3A_15 : i32
    %scan3A = arith.constant 0 : i32
    %scan3A_17 = arith.constant 625 : i32
    %scan3A_18 = arith.addi %scan3A, %scan3A_17 : i32
    %scan3A_19 = arith.constant 1 : i32
    scf.for %scan3A_66 = %scan3A to %scan3A_18 step %scan3A_19  : i32 {
      %mul3A_67 = arith.constant 1 : i32
      %mul3A_68 = arith.muli %scan3A_66, %mul3A_67 : i32
      %add3A_69 = arith.constant 0 : i32
      %add3A_70 = arith.addi %add3A_69, %mul3A_68 : i32
      %mul3A_71 = arith.constant 16 : i32
      %mul3A_72 = arith.muli %add3A_70, %mul3A_71 : i32
      %get3A = arith.index_cast %mul3A_72 : i32 to index
      %get3A_73 = tpu.vector_load %arg6[%get3A] {strides = array<i32>} : memref<10000xi32, #tpu.memory_space<vmem>>, vector<16xi32>,
      %get3A_74 = vector.shape_cast %get3A_73 : vector<16xi32> to vector<16xi32>
      %add3A_75 = vector.broadcast %mul3A_16 : i32 to vector<16xi32>
      %add3A_76 = arith.addi %get3A_74, %add3A_75 : vector<16xi32>
      %mul3A_77 = arith.constant 16 : i32
      %mul3A_78 = arith.muli %add3A_70, %mul3A_77 : i32
      %swap3A = arith.index_cast %mul3A_78 : i32 to index
      %swap3A_79 = tpu.vector_load %arg6[%swap3A] {strides = array<i32>} : memref<10000xi32, #tpu.memory_space<vmem>>, vector<16xi32>,
      %swap3A_80 = vector.shape_cast %swap3A_79 : vector<16xi32> to vector<16xi32>
      %swap3A_81 = vector.shape_cast %add3A_76 : vector<16xi32> to vector<16xi32>
      tpu.vector_store %arg6[%swap3A], %swap3A_81 {strides = array<i32>} : memref<10000xi32, #tpu.memory_space<vmem>>, vector<16xi32>,
    }
    %scan3A_20 = arith.constant 625 : i32
    %add3A_21 = arith.constant 160000 : i32
    %add3A_22 = arith.addi %add3A_6, %add3A_21 : i32
    %dma_wait3A_23 = tpu.memref_slice %arg3[%add3A_22] : memref<1280000xi32, #tpu.memory_space<hbm>> -> memref<10000xi32, #tpu.memory_space<hbm>>
    %dma_wait3A_24 = tpu.memref_slice %arg3[%add3A_22] : memref<1280000xi32, #tpu.memory_space<hbm>> -> memref<10000xi32, #tpu.memory_space<hbm>>
    tpu.wait_dma2 semaphore(%arg13 : memref<!tpu.dma_semaphore, #tpu.memory_space<semaphore_mem>>) src(%dma_wait3A_24 : memref<10000xi32, #tpu.memory_space<hbm>>) dst(%arg7 : memref<10000xi32, #tpu.memory_space<vmem>>)
    %lt3A_25 = arith.constant 10 : i32
    %lt3A_26 = arith.cmpi slt, %arg1, %lt3A_25 : i32
    %convert_element_type3A_27 = arith.extui %lt3A_26 : i1 to i32
    %cond3A_28 = arith.constant 0 : i32
    %cond3A_29 = arith.cmpi ne, %convert_element_type3A_27, %cond3A_28 : i32
    scf.if %cond3A_29 {
      %mul3A_66 = arith.constant 1000 : i32
      %mul3A_67 = arith.muli %arg1, %mul3A_66 : i32
      %mul3A_68 = arith.constant 1000 : i32
      %mul3A_69 = arith.muli %arg1, %mul3A_68 : i32
      %dma_wait3A_70 = arith.constant 0 : i32
      %dma_wait3A_71 = tpu.memref_slice %arg11[%mul3A_69, %dma_wait3A_70] : memref<10000x128xf32, #tpu.memory_space<vmem_shared>> -> memref<1000x128xf32, #tpu.memory_space<vmem_shared>>
      %dma_wait3A_72 = arith.constant 0 : i32
      %dma_wait3A_73 = tpu.memref_slice %arg4[%mul3A_67, %dma_wait3A_72] : memref<10000x128xf32, #tpu.memory_space<hbm>> -> memref<1000x128xf32, #tpu.memory_space<hbm>>
      tpu.wait_dma2 semaphore(%arg14 : memref<!tpu.dma_semaphore, #tpu.memory_space<semaphore_mem>>) src(%dma_wait3A_73 : memref<1000x128xf32, #tpu.memory_space<hbm>>) dst(%dma_wait3A_71 : memref<1000x128xf32, #tpu.memory_space<vmem_shared>>)
    } else {
    }
    %barrier3A = arith.constant 0 : index
    tpu.barrier barrier_id(%barrier3A)
    %dma_start3A_30 = arith.constant 0 : i32
    %dma_start3A_31 = tpu.memref_slice %arg6[%dma_start3A_30] : memref<10000xi32, #tpu.memory_space<vmem>> -> memref<80xi32, #tpu.memory_space<vmem>>
    %dma_start3A_32 = arith.constant 0 : i32
    %dma_start3A_33 = arith.constant 0 : i32
    %dma_start3A_34 = tpu.memref_slice %arg2[%dma_start3A_32, %dma_start3A_33] : memref<20000x128xf32, #tpu.memory_space<hbm>> -> memref<20000x128xf32, #tpu.memory_space<hbm>>
    tpu.enqueue_indirect_dma source(%dma_start3A_34 : memref<20000x128xf32, #tpu.memory_space<hbm>>) target(%arg8 : memref<80x128xf32, #tpu.memory_space<vmem>>) offsets(%dma_start3A_31 : memref<80xi32, #tpu.memory_space<vmem>>) semaphore(%arg12 : memref<!tpu.dma_semaphore, #tpu.memory_space<semaphore_mem>>)
    %dma_start3A_35 = arith.constant 80 : i32
    %dma_start3A_36 = tpu.memref_slice %arg6[%dma_start3A_35] : memref<10000xi32, #tpu.memory_space<vmem>> -> memref<80xi32, #tpu.memory_space<vmem>>
    %dma_start3A_37 = arith.constant 0 : i32
    %dma_start3A_38 = arith.constant 0 : i32
    %dma_start3A_39 = tpu.memref_slice %arg2[%dma_start3A_37, %dma_start3A_38] : memref<20000x128xf32, #tpu.memory_space<hbm>> -> memref<20000x128xf32, #tpu.memory_space<hbm>>
    tpu.enqueue_indirect_dma source(%dma_start3A_39 : memref<20000x128xf32, #tpu.memory_space<hbm>>) target(%arg9 : memref<80x128xf32, #tpu.memory_space<vmem>>) offsets(%dma_start3A_36 : memref<80xi32, #tpu.memory_space<vmem>>) semaphore(%arg13 : memref<!tpu.dma_semaphore, #tpu.memory_space<semaphore_mem>>)
    %dma_start3A_40 = arith.constant 160 : i32
    %dma_start3A_41 = tpu.memref_slice %arg6[%dma_start3A_40] : memref<10000xi32, #tpu.memory_space<vmem>> -> memref<80xi32, #tpu.memory_space<vmem>>
    %dma_start3A_42 = arith.constant 0 : i32
    %dma_start3A_43 = arith.constant 0 : i32
    %dma_start3A_44 = tpu.memref_slice %arg2[%dma_start3A_42, %dma_start3A_43] : memref<20000x128xf32, #tpu.memory_space<hbm>> -> memref<20000x128xf32, #tpu.memory_space<hbm>>
    tpu.enqueue_indirect_dma source(%dma_start3A_44 : memref<20000x128xf32, #tpu.memory_space<hbm>>) target(%arg10 : memref<80x128xf32, #tpu.memory_space<vmem>>) offsets(%dma_start3A_41 : memref<80xi32, #tpu.memory_space<vmem>>) semaphore(%arg14 : memref<!tpu.dma_semaphore, #tpu.memory_space<semaphore_mem>>)
    %scan3A_45 = arith.constant 0 : i32
    %scan3A_46 = arith.constant 41 : i32
    %scan3A_47 = arith.addi %scan3A_45, %scan3A_46 : i32
    %scan3A_48 = arith.constant 1 : i32
    scf.for %scan3A_66 = %scan3A_45 to %scan3A_47 step %scan3A_48  : i32 {
      %mul3A_67 = arith.constant 1 : i32
      %mul3A_68 = arith.muli %scan3A_66, %mul3A_67 : i32
      %add3A_69 = arith.constant 0 : i32
      %add3A_70 = arith.addi %add3A_69, %mul3A_68 : i32
      %mul3A_71 = arith.constant 3 : i32
      %mul3A_72 = arith.muli %mul3A_71, %add3A_70 : i32
      %add3A_73 = arith.constant 0 : i32
      %add3A_74 = arith.addi %mul3A_72, %add3A_73 : i32
      %mul3A_75 = arith.constant 80 : i32
      %mul3A_76 = arith.muli %add3A_74, %mul3A_75 : i32
      %dma_wait3A_77 = tpu.memref_slice %arg6[%mul3A_76] : memref<10000xi32, #tpu.memory_space<vmem>> -> memref<80xi32, #tpu.memory_space<vmem>>
      %dma_wait3A_78 = arith.constant 0 : i32
      %dma_wait3A_79 = arith.constant 0 : i32
      %dma_wait3A_80 = tpu.memref_slice %arg2[%dma_wait3A_78, %dma_wait3A_79] : memref<20000x128xf32, #tpu.memory_space<hbm>> -> memref<20000x128xf32, #tpu.memory_space<hbm>>
      tpu.wait_indirect_dma semaphore(%arg12 : memref<!tpu.dma_semaphore, #tpu.memory_space<semaphore_mem>>) src(%dma_wait3A_80 : memref<20000x128xf32, #tpu.memory_space<hbm>>) dst(%arg8 : memref<80x128xf32, #tpu.memory_space<vmem>>)
      %add3A_81 = arith.constant 0 : i32
      %add3A_82 = arith.addi %mul3A_72, %add3A_81 : i32
      %mul3A_83 = arith.constant 80 : i32
      %mul3A_84 = arith.muli %add3A_82, %mul3A_83 : i32
      %dma_start3A_85 = tpu.memref_slice %arg7[%mul3A_84] : memref<10000xi32, #tpu.memory_space<vmem>> -> memref<80xi32, #tpu.memory_space<vmem>>
      %dma_start3A_86 = arith.constant 0 : i32
      %dma_start3A_87 = arith.constant 0 : i32
      %dma_start3A_88 = tpu.memref_slice %arg11[%dma_start3A_86, %dma_start3A_87] : memref<10000x128xf32, #tpu.memory_space<vmem_shared>> -> memref<10000x128xf32, #tpu.memory_space<vmem_shared>>
      tpu.enqueue_indirect_dma source(%arg8 : memref<80x128xf32, #tpu.memory_space<vmem>>) target(%dma_start3A_88 : memref<10000x128xf32, #tpu.memory_space<vmem_shared>>) offsets(%dma_start3A_85 : memref<80xi32, #tpu.memory_space<vmem>>) semaphore(%arg15 : memref<!tpu.dma_semaphore, #tpu.memory_space<semaphore_mem>>) {add = true}
      %add3A_89 = arith.constant 1 : i32
      %add3A_90 = arith.addi %mul3A_72, %add3A_89 : i32
      %mul3A_91 = arith.constant 80 : i32
      %mul3A_92 = arith.muli %add3A_90, %mul3A_91 : i32
      %dma_wait3A_93 = tpu.memref_slice %arg6[%mul3A_92] : memref<10000xi32, #tpu.memory_space<vmem>> -> memref<80xi32, #tpu.memory_space<vmem>>
      %dma_wait3A_94 = arith.constant 0 : i32
      %dma_wait3A_95 = arith.constant 0 : i32
      %dma_wait3A_96 = tpu.memref_slice %arg2[%dma_wait3A_94, %dma_wait3A_95] : memref<20000x128xf32, #tpu.memory_space<hbm>> -> memref<20000x128xf32, #tpu.memory_space<hbm>>
      tpu.wait_indirect_dma semaphore(%arg13 : memref<!tpu.dma_semaphore, #tpu.memory_space<semaphore_mem>>) src(%dma_wait3A_96 : memref<20000x128xf32, #tpu.memory_space<hbm>>) dst(%arg9 : memref<80x128xf32, #tpu.memory_space<vmem>>)
      %add3A_97 = arith.constant 1 : i32
      %add3A_98 = arith.addi %mul3A_72, %add3A_97 : i32
      %mul3A_99 = arith.constant 80 : i32
      %mul3A_100 = arith.muli %add3A_98, %mul3A_99 : i32
      %dma_start3A_101 = tpu.memref_slice %arg7[%mul3A_100] : memref<10000xi32, #tpu.memory_space<vmem>> -> memref<80xi32, #tpu.memory_space<vmem>>
      %dma_start3A_102 = arith.constant 0 : i32
      %dma_start3A_103 = arith.constant 0 : i32
      %dma_start3A_104 = tpu.memref_slice %arg11[%dma_start3A_102, %dma_start3A_103] : memref<10000x128xf32, #tpu.memory_space<vmem_shared>> -> memref<10000x128xf32, #tpu.memory_space<vmem_shared>>
      tpu.enqueue_indirect_dma source(%arg9 : memref<80x128xf32, #tpu.memory_space<vmem>>) target(%dma_start3A_104 : memref<10000x128xf32, #tpu.memory_space<vmem_shared>>) offsets(%dma_start3A_101 : memref<80xi32, #tpu.memory_space<vmem>>) semaphore(%arg16 : memref<!tpu.dma_semaphore, #tpu.memory_space<semaphore_mem>>) {add = true}
      %add3A_105 = arith.constant 2 : i32
      %add3A_106 = arith.addi %mul3A_72, %add3A_105 : i32
      %mul3A_107 = arith.constant 80 : i32
      %mul3A_108 = arith.muli %add3A_106, %mul3A_107 : i32
      %dma_wait3A_109 = tpu.memref_slice %arg6[%mul3A_108] : memref<10000xi32, #tpu.memory_space<vmem>> -> memref<80xi32, #tpu.memory_space<vmem>>
      %dma_wait3A_110 = arith.constant 0 : i32
      %dma_wait3A_111 = arith.constant 0 : i32
      %dma_wait3A_112 = tpu.memref_slice %arg2[%dma_wait3A_110, %dma_wait3A_111] : memref<20000x128xf32, #tpu.memory_space<hbm>> -> memref<20000x128xf32, #tpu.memory_space<hbm>>
      tpu.wait_indirect_dma semaphore(%arg14 : memref<!tpu.dma_semaphore, #tpu.memory_space<semaphore_mem>>) src(%dma_wait3A_112 : memref<20000x128xf32, #tpu.memory_space<hbm>>) dst(%arg10 : memref<80x128xf32, #tpu.memory_space<vmem>>)
      %add3A_113 = arith.constant 2 : i32
      %add3A_114 = arith.addi %mul3A_72, %add3A_113 : i32
      %mul3A_115 = arith.constant 80 : i32
      %mul3A_116 = arith.muli %add3A_114, %mul3A_115 : i32
      %dma_start3A_117 = tpu.memref_slice %arg7[%mul3A_116] : memref<10000xi32, #tpu.memory_space<vmem>> -> memref<80xi32, #tpu.memory_space<vmem>>
      %dma_start3A_118 = arith.constant 0 : i32
      %dma_start3A_119 = arith.constant 0 : i32
      %dma_start3A_120 = tpu.memref_slice %arg11[%dma_start3A_118, %dma_start3A_119] : memref<10000x128xf32, #tpu.memory_space<vmem_shared>> -> memref<10000x128xf32, #tpu.memory_space<vmem_shared>>
      tpu.enqueue_indirect_dma source(%arg10 : memref<80x128xf32, #tpu.memory_space<vmem>>) target(%dma_start3A_120 : memref<10000x128xf32, #tpu.memory_space<vmem_shared>>) offsets(%dma_start3A_117 : memref<80xi32, #tpu.memory_space<vmem>>) semaphore(%arg17 : memref<!tpu.dma_semaphore, #tpu.memory_space<semaphore_mem>>) {add = true}
      %add3A_121 = arith.constant 0 : i32
      %add3A_122 = arith.addi %mul3A_72, %add3A_121 : i32
      %mul3A_123 = arith.constant 80 : i32
      %mul3A_124 = arith.muli %add3A_122, %mul3A_123 : i32
      %dma_wait3A_125 = tpu.memref_slice %arg7[%mul3A_124] : memref<10000xi32, #tpu.memory_space<vmem>> -> memref<80xi32, #tpu.memory_space<vmem>>
      %dma_wait3A_126 = arith.constant 0 : i32
      %dma_wait3A_127 = arith.constant 0 : i32
      %dma_wait3A_128 = tpu.memref_slice %arg11[%dma_wait3A_126, %dma_wait3A_127] : memref<10000x128xf32, #tpu.memory_space<vmem_shared>> -> memref<10000x128xf32, #tpu.memory_space<vmem_shared>>
      tpu.wait_indirect_dma semaphore(%arg15 : memref<!tpu.dma_semaphore, #tpu.memory_space<semaphore_mem>>) src(%arg8 : memref<80x128xf32, #tpu.memory_space<vmem>>) dst(%dma_wait3A_128 : memref<10000x128xf32, #tpu.memory_space<vmem_shared>>)
      %add3A_129 = arith.constant 0 : i32
      %add3A_130 = arith.addi %mul3A_72, %add3A_129 : i32
      %add3A_131 = arith.constant 3 : i32
      %add3A_132 = arith.addi %add3A_130, %add3A_131 : i32
      %lt3A_133 = arith.constant 125 : i32
      %lt3A_134 = arith.cmpi slt, %add3A_132, %lt3A_133 : i32
      %convert_element_type3A_135 = arith.extui %lt3A_134 : i1 to i32
      %cond3A_136 = arith.constant 0 : i32
      %cond3A_137 = arith.cmpi ne, %convert_element_type3A_135, %cond3A_136 : i32
      scf.if %cond3A_137 {
        %add3A_172 = arith.constant 0 : i32
        %add3A_173 = arith.addi %mul3A_72, %add3A_172 : i32
        %add3A_174 = arith.constant 3 : i32
        %add3A_175 = arith.addi %add3A_173, %add3A_174 : i32
        %mul3A_176 = arith.constant 80 : i32
        %mul3A_177 = arith.muli %add3A_175, %mul3A_176 : i32
        %dma_start3A_178 = tpu.memref_slice %arg6[%mul3A_177] : memref<10000xi32, #tpu.memory_space<vmem>> -> memref<80xi32, #tpu.memory_space<vmem>>
        %dma_start3A_179 = arith.constant 0 : i32
        %dma_start3A_180 = arith.constant 0 : i32
        %dma_start3A_181 = tpu.memref_slice %arg2[%dma_start3A_179, %dma_start3A_180] : memref<20000x128xf32, #tpu.memory_space<hbm>> -> memref<20000x128xf32, #tpu.memory_space<hbm>>
        tpu.enqueue_indirect_dma source(%dma_start3A_181 : memref<20000x128xf32, #tpu.memory_space<hbm>>) target(%arg8 : memref<80x128xf32, #tpu.memory_space<vmem>>) offsets(%dma_start3A_178 : memref<80xi32, #tpu.memory_space<vmem>>) semaphore(%arg12 : memref<!tpu.dma_semaphore, #tpu.memory_space<semaphore_mem>>)
      } else {
      }
      %add3A_138 = arith.constant 1 : i32
      %add3A_139 = arith.addi %mul3A_72, %add3A_138 : i32
      %mul3A_140 = arith.constant 80 : i32
      %mul3A_141 = arith.muli %add3A_139, %mul3A_140 : i32
      %dma_wait3A_142 = tpu.memref_slice %arg7[%mul3A_141] : memref<10000xi32, #tpu.memory_space<vmem>> -> memref<80xi32, #tpu.memory_space<vmem>>
      %dma_wait3A_143 = arith.constant 0 : i32
      %dma_wait3A_144 = arith.constant 0 : i32
      %dma_wait3A_145 = tpu.memref_slice %arg11[%dma_wait3A_143, %dma_wait3A_144] : memref<10000x128xf32, #tpu.memory_space<vmem_shared>> -> memref<10000x128xf32, #tpu.memory_space<vmem_shared>>
      tpu.wait_indirect_dma semaphore(%arg16 : memref<!tpu.dma_semaphore, #tpu.memory_space<semaphore_mem>>) src(%arg9 : memref<80x128xf32, #tpu.memory_space<vmem>>) dst(%dma_wait3A_145 : memref<10000x128xf32, #tpu.memory_space<vmem_shared>>)
      %add3A_146 = arith.constant 1 : i32
      %add3A_147 = arith.addi %mul3A_72, %add3A_146 : i32
      %add3A_148 = arith.constant 3 : i32
      %add3A_149 = arith.addi %add3A_147, %add3A_148 : i32
      %lt3A_150 = arith.constant 125 : i32
      %lt3A_151 = arith.cmpi slt, %add3A_149, %lt3A_150 : i32
      %convert_element_type3A_152 = arith.extui %lt3A_151 : i1 to i32
      %cond3A_153 = arith.constant 0 : i32
      %cond3A_154 = arith.cmpi ne, %convert_element_type3A_152, %cond3A_153 : i32
      scf.if %cond3A_154 {
        %add3A_172 = arith.constant 1 : i32
        %add3A_173 = arith.addi %mul3A_72, %add3A_172 : i32
        %add3A_174 = arith.constant 3 : i32
        %add3A_175 = arith.addi %add3A_173, %add3A_174 : i32
        %mul3A_176 = arith.constant 80 : i32
        %mul3A_177 = arith.muli %add3A_175, %mul3A_176 : i32
        %dma_start3A_178 = tpu.memref_slice %arg6[%mul3A_177] : memref<10000xi32, #tpu.memory_space<vmem>> -> memref<80xi32, #tpu.memory_space<vmem>>
        %dma_start3A_179 = arith.constant 0 : i32
        %dma_start3A_180 = arith.constant 0 : i32
        %dma_start3A_181 = tpu.memref_slice %arg2[%dma_start3A_179, %dma_start3A_180] : memref<20000x128xf32, #tpu.memory_space<hbm>> -> memref<20000x128xf32, #tpu.memory_space<hbm>>
        tpu.enqueue_indirect_dma source(%dma_start3A_181 : memref<20000x128xf32, #tpu.memory_space<hbm>>) target(%arg9 : memref<80x128xf32, #tpu.memory_space<vmem>>) offsets(%dma_start3A_178 : memref<80xi32, #tpu.memory_space<vmem>>) semaphore(%arg13 : memref<!tpu.dma_semaphore, #tpu.memory_space<semaphore_mem>>)
      } else {
      }
      %add3A_155 = arith.constant 2 : i32
      %add3A_156 = arith.addi %mul3A_72, %add3A_155 : i32
      %mul3A_157 = arith.constant 80 : i32
      %mul3A_158 = arith.muli %add3A_156, %mul3A_157 : i32
      %dma_wait3A_159 = tpu.memref_slice %arg7[%mul3A_158] : memref<10000xi32, #tpu.memory_space<vmem>> -> memref<80xi32, #tpu.memory_space<vmem>>
      %dma_wait3A_160 = arith.constant 0 : i32
      %dma_wait3A_161 = arith.constant 0 : i32
      %dma_wait3A_162 = tpu.memref_slice %arg11[%dma_wait3A_160, %dma_wait3A_161] : memref<10000x128xf32, #tpu.memory_space<vmem_shared>> -> memref<10000x128xf32, #tpu.memory_space<vmem_shared>>
      tpu.wait_indirect_dma semaphore(%arg17 : memref<!tpu.dma_semaphore, #tpu.memory_space<semaphore_mem>>) src(%arg10 : memref<80x128xf32, #tpu.memory_space<vmem>>) dst(%dma_wait3A_162 : memref<10000x128xf32, #tpu.memory_space<vmem_shared>>)
      %add3A_163 = arith.constant 2 : i32
      %add3A_164 = arith.addi %mul3A_72, %add3A_163 : i32
      %add3A_165 = arith.constant 3 : i32
      %add3A_166 = arith.addi %add3A_164, %add3A_165 : i32
      %lt3A_167 = arith.constant 125 : i32
      %lt3A_168 = arith.cmpi slt, %add3A_166, %lt3A_167 : i32
      %convert_element_type3A_169 = arith.extui %lt3A_168 : i1 to i32
      %cond3A_170 = arith.constant 0 : i32
      %cond3A_171 = arith.cmpi ne, %convert_element_type3A_169, %cond3A_170 : i32
      scf.if %cond3A_171 {
        %add3A_172 = arith.constant 2 : i32
        %add3A_173 = arith.addi %mul3A_72, %add3A_172 : i32
        %add3A_174 = arith.constant 3 : i32
        %add3A_175 = arith.addi %add3A_173, %add3A_174 : i32
        %mul3A_176 = arith.constant 80 : i32
        %mul3A_177 = arith.muli %add3A_175, %mul3A_176 : i32
        %dma_start3A_178 = tpu.memref_slice %arg6[%mul3A_177] : memref<10000xi32, #tpu.memory_space<vmem>> -> memref<80xi32, #tpu.memory_space<vmem>>
        %dma_start3A_179 = arith.constant 0 : i32
        %dma_start3A_180 = arith.constant 0 : i32
        %dma_start3A_181 = tpu.memref_slice %arg2[%dma_start3A_179, %dma_start3A_180] : memref<20000x128xf32, #tpu.memory_space<hbm>> -> memref<20000x128xf32, #tpu.memory_space<hbm>>
        tpu.enqueue_indirect_dma source(%dma_start3A_181 : memref<20000x128xf32, #tpu.memory_space<hbm>>) target(%arg10 : memref<80x128xf32, #tpu.memory_space<vmem>>) offsets(%dma_start3A_178 : memref<80xi32, #tpu.memory_space<vmem>>) semaphore(%arg14 : memref<!tpu.dma_semaphore, #tpu.memory_space<semaphore_mem>>)
      } else {
      }
    }
    %scan3A_49 = arith.constant 41 : i32
    %dma_wait3A_50 = arith.constant 9840 : i32
    %dma_wait3A_51 = tpu.memref_slice %arg6[%dma_wait3A_50] : memref<10000xi32, #tpu.memory_space<vmem>> -> memref<80xi32, #tpu.memory_space<vmem>>
    %dma_wait3A_52 = arith.constant 0 : i32
    %dma_wait3A_53 = arith.constant 0 : i32
    %dma_wait3A_54 = tpu.memref_slice %arg2[%dma_wait3A_52, %dma_wait3A_53] : memref<20000x128xf32, #tpu.memory_space<hbm>> -> memref<20000x128xf32, #tpu.memory_space<hbm>>
    tpu.wait_indirect_dma semaphore(%arg12 : memref<!tpu.dma_semaphore, #tpu.memory_space<semaphore_mem>>) src(%dma_wait3A_54 : memref<20000x128xf32, #tpu.memory_space<hbm>>) dst(%arg8 : memref<80x128xf32, #tpu.memory_space<vmem>>)
    "tpu.region"() ({
      %run_scoped3A = tpu.sem_alloc : memref<!tpu.dma_semaphore, #tpu.memory_space<semaphore_mem>>
      %dma_start3A_66 = arith.constant 9840 : i32
      %dma_start3A_67 = tpu.memref_slice %arg7[%dma_start3A_66] : memref<10000xi32, #tpu.memory_space<vmem>> -> memref<80xi32, #tpu.memory_space<vmem>>
      %dma_start3A_68 = arith.constant 0 : i32
      %dma_start3A_69 = arith.constant 0 : i32
      %dma_start3A_70 = tpu.memref_slice %arg11[%dma_start3A_68, %dma_start3A_69] : memref<10000x128xf32, #tpu.memory_space<vmem_shared>> -> memref<10000x128xf32, #tpu.memory_space<vmem_shared>>
      tpu.enqueue_indirect_dma source(%arg8 : memref<80x128xf32, #tpu.memory_space<vmem>>) target(%dma_start3A_70 : memref<10000x128xf32, #tpu.memory_space<vmem_shared>>) offsets(%dma_start3A_67 : memref<80xi32, #tpu.memory_space<vmem>>) semaphore(%run_scoped3A : memref<!tpu.dma_semaphore, #tpu.memory_space<semaphore_mem>>) {add = true}
      %dma_wait3A_71 = arith.constant 9840 : i32
      %dma_wait3A_72 = tpu.memref_slice %arg7[%dma_wait3A_71] : memref<10000xi32, #tpu.memory_space<vmem>> -> memref<80xi32, #tpu.memory_space<vmem>>
      %dma_wait3A_73 = arith.constant 0 : i32
      %dma_wait3A_74 = arith.constant 0 : i32
      %dma_wait3A_75 = tpu.memref_slice %arg11[%dma_wait3A_73, %dma_wait3A_74] : memref<10000x128xf32, #tpu.memory_space<vmem_shared>> -> memref<10000x128xf32, #tpu.memory_space<vmem_shared>>
      tpu.wait_indirect_dma semaphore(%run_scoped3A : memref<!tpu.dma_semaphore, #tpu.memory_space<semaphore_mem>>) src(%arg8 : memref<80x128xf32, #tpu.memory_space<vmem>>) dst(%dma_wait3A_75 : memref<10000x128xf32, #tpu.memory_space<vmem_shared>>)
      tpu.yield
    }) : () -> ()
    %dma_wait3A_55 = arith.constant 9920 : i32
    %dma_wait3A_56 = tpu.memref_slice %arg6[%dma_wait3A_55] : memref<10000xi32, #tpu.memory_space<vmem>> -> memref<80xi32, #tpu.memory_space<vmem>>
    %dma_wait3A_57 = arith.constant 0 : i32
    %dma_wait3A_58 = arith.constant 0 : i32
    %dma_wait3A_59 = tpu.memref_slice %arg2[%dma_wait3A_57, %dma_wait3A_58] : memref<20000x128xf32, #tpu.memory_space<hbm>> -> memref<20000x128xf32, #tpu.memory_space<hbm>>
    tpu.wait_indirect_dma semaphore(%arg13 : memref<!tpu.dma_semaphore, #tpu.memory_space<semaphore_mem>>) src(%dma_wait3A_59 : memref<20000x128xf32, #tpu.memory_space<hbm>>) dst(%arg9 : memref<80x128xf32, #tpu.memory_space<vmem>>)
    "tpu.region"() ({
      %run_scoped3A = tpu.sem_alloc : memref<!tpu.dma_semaphore, #tpu.memory_space<semaphore_mem>>
      %dma_start3A_66 = arith.constant 9920 : i32
      %dma_start3A_67 = tpu.memref_slice %arg7[%dma_start3A_66] : memref<10000xi32, #tpu.memory_space<vmem>> -> memref<80xi32, #tpu.memory_space<vmem>>
      %dma_start3A_68 = arith.constant 0 : i32
      %dma_start3A_69 = arith.constant 0 : i32
      %dma_start3A_70 = tpu.memref_slice %arg11[%dma_start3A_68, %dma_start3A_69] : memref<10000x128xf32, #tpu.memory_space<vmem_shared>> -> memref<10000x128xf32, #tpu.memory_space<vmem_shared>>
      tpu.enqueue_indirect_dma source(%arg9 : memref<80x128xf32, #tpu.memory_space<vmem>>) target(%dma_start3A_70 : memref<10000x128xf32, #tpu.memory_space<vmem_shared>>) offsets(%dma_start3A_67 : memref<80xi32, #tpu.memory_space<vmem>>) semaphore(%run_scoped3A : memref<!tpu.dma_semaphore, #tpu.memory_space<semaphore_mem>>) {add = true}
      %dma_wait3A_71 = arith.constant 9920 : i32
      %dma_wait3A_72 = tpu.memref_slice %arg7[%dma_wait3A_71] : memref<10000xi32, #tpu.memory_space<vmem>> -> memref<80xi32, #tpu.memory_space<vmem>>
      %dma_wait3A_73 = arith.constant 0 : i32
      %dma_wait3A_74 = arith.constant 0 : i32
      %dma_wait3A_75 = tpu.memref_slice %arg11[%dma_wait3A_73, %dma_wait3A_74] : memref<10000x128xf32, #tpu.memory_space<vmem_shared>> -> memref<10000x128xf32, #tpu.memory_space<vmem_shared>>
      tpu.wait_indirect_dma semaphore(%run_scoped3A : memref<!tpu.dma_semaphore, #tpu.memory_space<semaphore_mem>>) src(%arg9 : memref<80x128xf32, #tpu.memory_space<vmem>>) dst(%dma_wait3A_75 : memref<10000x128xf32, #tpu.memory_space<vmem_shared>>)
      tpu.yield
    }) : () -> ()
    %barrier3A_60 = arith.constant 0 : index
    tpu.barrier barrier_id(%barrier3A_60)
    %lt3A_61 = arith.constant 10 : i32
    %lt3A_62 = arith.cmpi slt, %arg1, %lt3A_61 : i32
    %convert_element_type3A_63 = arith.extui %lt3A_62 : i1 to i32
    %cond3A_64 = arith.constant 0 : i32
    %cond3A_65 = arith.cmpi ne, %convert_element_type3A_63, %cond3A_64 : i32
    scf.if %cond3A_65 {
      %mul3A_66 = arith.constant 1000 : i32
      %mul3A_67 = arith.muli %arg1, %mul3A_66 : i32
      %mul3A_68 = arith.constant 10000 : i32
      %mul3A_69 = arith.muli %arg0, %mul3A_68 : i32
      %mul3A_70 = arith.constant 1000 : i32
      %mul3A_71 = arith.muli %arg1, %mul3A_70 : i32
      %add3A_72 = arith.addi %mul3A_69, %mul3A_71 : i32
      "tpu.region"() ({
        %run_scoped3A = tpu.sem_alloc : memref<!tpu.dma_semaphore, #tpu.memory_space<semaphore_mem>>
        %dma_start3A_73 = arith.constant 0 : i32
        %dma_start3A_74 = tpu.memref_slice %arg5[%add3A_72, %dma_start3A_73] : memref<20000x128xf32, #tpu.memory_space<hbm>> -> memref<1000x128xf32, #tpu.memory_space<hbm>>
        %dma_start3A_75 = arith.constant 0 : i32
        %dma_start3A_76 = tpu.memref_slice %arg11[%mul3A_67, %dma_start3A_75] : memref<10000x128xf32, #tpu.memory_space<vmem_shared>> -> memref<1000x128xf32, #tpu.memory_space<vmem_shared>>
        tpu.enqueue_dma source(%dma_start3A_76 : memref<1000x128xf32, #tpu.memory_space<vmem_shared>>) target(%dma_start3A_74 : memref<1000x128xf32, #tpu.memory_space<hbm>>) target_semaphore(%run_scoped3A : memref<!tpu.dma_semaphore, #tpu.memory_space<semaphore_mem>>)
        %dma_wait3A_77 = arith.constant 0 : i32
        %dma_wait3A_78 = tpu.memref_slice %arg5[%add3A_72, %dma_wait3A_77] : memref<20000x128xf32, #tpu.memory_space<hbm>> -> memref<1000x128xf32, #tpu.memory_space<hbm>>
        %dma_wait3A_79 = arith.constant 0 : i32
        %dma_wait3A_80 = tpu.memref_slice %arg11[%mul3A_67, %dma_wait3A_79] : memref<10000x128xf32, #tpu.memory_space<vmem_shared>> -> memref<1000x128xf32, #tpu.memory_space<vmem_shared>>
        tpu.wait_dma2 semaphore(%run_scoped3A : memref<!tpu.dma_semaphore, #tpu.memory_space<semaphore_mem>>) src(%dma_wait3A_80 : memref<1000x128xf32, #tpu.memory_space<vmem_shared>>) dst(%dma_wait3A_78 : memref<1000x128xf32, #tpu.memory_space<hbm>>)
        tpu.yield
      }) : () -> ()
    } else {
    }
    return
  }
}

#map = affine_map<(d0, d1) -> (0, 0)>
#map1 = affine_map<(d0, d1) -> (0)>
module attributes {stable_mosaic.version = 14 : i64} {
  func.func @_segsum_body(%arg0: i32, %arg1: i32, %arg2: memref<20000x128xf32, #tpu.memory_space<hbm>>, %arg3: memref<1280000xi32, #tpu.memory_space<hbm>>, %arg4: memref<10000x128xf32, #tpu.memory_space<hbm>>, %arg5: memref<20000x128xf32, #tpu.memory_space<hbm>>, %arg6: memref<10000xi32, #tpu.memory_space<vmem>>, %arg7: memref<10000xi32, #tpu.memory_space<vmem>>, %arg8: memref<80x128xf32, #tpu.memory_space<vmem>>, %arg9: memref<80x128xf32, #tpu.memory_space<vmem>>, %arg10: memref<80x128xf32, #tpu.memory_space<vmem>>, %arg11: memref<10000x128xf32, #tpu.memory_space<vmem_shared>>, %arg12: memref<!tpu.dma_semaphore, #tpu.memory_space<semaphore_mem>>, %arg13: memref<!tpu.dma_semaphore, #tpu.memory_space<semaphore_mem>>, %arg14: memref<!tpu.dma_semaphore, #tpu.memory_space<semaphore_mem>>, %arg15: memref<!tpu.dma_semaphore, #tpu.memory_space<semaphore_mem>>, %arg16: memref<!tpu.dma_semaphore, #tpu.memory_space<semaphore_mem>>, %arg17: memref<!tpu.dma_semaphore, #tpu.memory_space<semaphore_mem>>) attributes {dimension_semantics = [#tpu.dimension_semantics<core_parallel>, #tpu.dimension_semantics<subcore_parallel>], iteration_bounds = array<i64: 2, 16>, scalar_prefetch = 0 : i64, scratch_operands = 12 : i64, tpu.core_type = #tpu.core_type<sc_vector_subcore>, window_params = [{transform_indices = #map}, {transform_indices = #map1}, {transform_indices = #map}, {transform_indices = #map}]} {
    %add3A = arith.constant 0 : i32
    %add3A_0 = arith.addi %add3A, %arg0 : i32
    %mul3A = arith.constant 2 : i32
    %mul3A_1 = arith.muli %add3A_0, %mul3A : i32
    %mul3A_2 = arith.constant 160000 : i32
    %mul3A_3 = arith.muli %mul3A_1, %mul3A_2 : i32
    %mul3A_4 = arith.constant 10000 : i32
    %mul3A_5 = arith.muli %arg1, %mul3A_4 : i32
    %add3A_6 = arith.addi %mul3A_3, %mul3A_5 : i32
    %dma_start3A = tpu.memref_slice %arg3[%add3A_6] : memref<1280000xi32, #tpu.memory_space<hbm>> -> memref<10000xi32, #tpu.memory_space<hbm>>
    %dma_start3A_7 = tpu.memref_slice %arg3[%add3A_6] : memref<1280000xi32, #tpu.memory_space<hbm>> -> memref<10000xi32, #tpu.memory_space<hbm>>
    tpu.enqueue_dma source(%dma_start3A_7 : memref<10000xi32, #tpu.memory_space<hbm>>) target(%arg6 : memref<10000xi32, #tpu.memory_space<vmem>>) target_semaphore(%arg12 : memref<!tpu.dma_semaphore, #tpu.memory_space<semaphore_mem>>)
    %add3A_8 = arith.constant 160000 : i32
    %add3A_9 = arith.addi %add3A_6, %add3A_8 : i32
    %dma_start3A_10 = tpu.memref_slice %arg3[%add3A_9] : memref<1280000xi32, #tpu.memory_space<hbm>> -> memref<10000xi32, #tpu.memory_space<hbm>>
    %dma_start3A_11 = tpu.memref_slice %arg3[%add3A_9] : memref<1280000xi32, #tpu.memory_space<hbm>> -> memref<10000xi32, #tpu.memory_space<hbm>>
    tpu.enqueue_dma source(%dma_start3A_11 : memref<10000xi32, #tpu.memory_space<hbm>>) target(%arg7 : memref<10000xi32, #tpu.memory_space<vmem>>) target_semaphore(%arg13 : memref<!tpu.dma_semaphore, #tpu.memory_space<semaphore_mem>>)
    %lt3A = arith.constant 10 : i32
    %lt3A_12 = arith.cmpi slt, %arg1, %lt3A : i32
    %convert_element_type3A = arith.extui %lt3A_12 : i1 to i32
    %cond3A = arith.constant 0 : i32
    %cond3A_13 = arith.cmpi ne, %convert_element_type3A, %cond3A : i32
    scf.if %cond3A_13 {
      %mul3A_66 = arith.constant 1000 : i32
      %mul3A_67 = arith.muli %arg1, %mul3A_66 : i32
      %mul3A_68 = arith.constant 1000 : i32
      %mul3A_69 = arith.muli %arg1, %mul3A_68 : i32
      %dma_start3A_70 = arith.constant 0 : i32
      %dma_start3A_71 = tpu.memref_slice %arg11[%mul3A_69, %dma_start3A_70] : memref<10000x128xf32, #tpu.memory_space<vmem_shared>> -> memref<1000x128xf32, #tpu.memory_space<vmem_shared>>
      %dma_start3A_72 = arith.constant 0 : i32
      %dma_start3A_73 = tpu.memref_slice %arg4[%mul3A_67, %dma_start3A_72] : memref<10000x128xf32, #tpu.memory_space<hbm>> -> memref<1000x128xf32, #tpu.memory_space<hbm>>
      tpu.enqueue_dma source(%dma_start3A_73 : memref<1000x128xf32, #tpu.memory_space<hbm>>) target(%dma_start3A_71 : memref<1000x128xf32, #tpu.memory_space<vmem_shared>>) target_semaphore(%arg14 : memref<!tpu.dma_semaphore, #tpu.memory_space<semaphore_mem>>)
    } else {
    }
    %dma_wait3A = tpu.memref_slice %arg3[%add3A_6] : memref<1280000xi32, #tpu.memory_space<hbm>> -> memref<10000xi32, #tpu.memory_space<hbm>>
    %dma_wait3A_14 = tpu.memref_slice %arg3[%add3A_6] : memref<1280000xi32, #tpu.memory_space<hbm>> -> memref<10000xi32, #tpu.memory_space<hbm>>
    tpu.wait_dma2 semaphore(%arg12 : memref<!tpu.dma_semaphore, #tpu.memory_space<semaphore_mem>>) src(%dma_wait3A_14 : memref<10000xi32, #tpu.memory_space<hbm>>) dst(%arg6 : memref<10000xi32, #tpu.memory_space<vmem>>)
    %mul3A_15 = arith.constant 10000 : i32
    %mul3A_16 = arith.muli %arg0, %mul3A_15 : i32
    %scan3A = arith.constant 0 : i32
    %scan3A_17 = arith.constant 625 : i32
    %scan3A_18 = arith.addi %scan3A, %scan3A_17 : i32
    %scan3A_19 = arith.constant 1 : i32
    scf.for %scan3A_66 = %scan3A to %scan3A_18 step %scan3A_19  : i32 {
      %mul3A_67 = arith.constant 1 : i32
      %mul3A_68 = arith.muli %scan3A_66, %mul3A_67 : i32
      %add3A_69 = arith.constant 0 : i32
      %add3A_70 = arith.addi %add3A_69, %mul3A_68 : i32
      %mul3A_71 = arith.constant 16 : i32
      %mul3A_72 = arith.muli %add3A_70, %mul3A_71 : i32
      %get3A = arith.index_cast %mul3A_72 : i32 to index
      %get3A_73 = tpu.vector_load %arg6[%get3A] {strides = array<i32>} : memref<10000xi32, #tpu.memory_space<vmem>>, vector<16xi32>,
      %get3A_74 = vector.shape_cast %get3A_73 : vector<16xi32> to vector<16xi32>
      %add3A_75 = vector.broadcast %mul3A_16 : i32 to vector<16xi32>
      %add3A_76 = arith.addi %get3A_74, %add3A_75 : vector<16xi32>
      %mul3A_77 = arith.constant 16 : i32
      %mul3A_78 = arith.muli %add3A_70, %mul3A_77 : i32
      %swap3A = arith.index_cast %mul3A_78 : i32 to index
      %swap3A_79 = tpu.vector_load %arg6[%swap3A] {strides = array<i32>} : memref<10000xi32, #tpu.memory_space<vmem>>, vector<16xi32>,
      %swap3A_80 = vector.shape_cast %swap3A_79 : vector<16xi32> to vector<16xi32>
      %swap3A_81 = vector.shape_cast %add3A_76 : vector<16xi32> to vector<16xi32>
      tpu.vector_store %arg6[%swap3A], %swap3A_81 {strides = array<i32>} : memref<10000xi32, #tpu.memory_space<vmem>>, vector<16xi32>,
    }
    %scan3A_20 = arith.constant 625 : i32
    %add3A_21 = arith.constant 160000 : i32
    %add3A_22 = arith.addi %add3A_6, %add3A_21 : i32
    %dma_wait3A_23 = tpu.memref_slice %arg3[%add3A_22] : memref<1280000xi32, #tpu.memory_space<hbm>> -> memref<10000xi32, #tpu.memory_space<hbm>>
    %dma_wait3A_24 = tpu.memref_slice %arg3[%add3A_22] : memref<1280000xi32, #tpu.memory_space<hbm>> -> memref<10000xi32, #tpu.memory_space<hbm>>
    tpu.wait_dma2 semaphore(%arg13 : memref<!tpu.dma_semaphore, #tpu.memory_space<semaphore_mem>>) src(%dma_wait3A_24 : memref<10000xi32, #tpu.memory_space<hbm>>) dst(%arg7 : memref<10000xi32, #tpu.memory_space<vmem>>)
    %lt3A_25 = arith.constant 10 : i32
    %lt3A_26 = arith.cmpi slt, %arg1, %lt3A_25 : i32
    %convert_element_type3A_27 = arith.extui %lt3A_26 : i1 to i32
    %cond3A_28 = arith.constant 0 : i32
    %cond3A_29 = arith.cmpi ne, %convert_element_type3A_27, %cond3A_28 : i32
    scf.if %cond3A_29 {
      %mul3A_66 = arith.constant 1000 : i32
      %mul3A_67 = arith.muli %arg1, %mul3A_66 : i32
      %mul3A_68 = arith.constant 1000 : i32
      %mul3A_69 = arith.muli %arg1, %mul3A_68 : i32
      %dma_wait3A_70 = arith.constant 0 : i32
      %dma_wait3A_71 = tpu.memref_slice %arg11[%mul3A_69, %dma_wait3A_70] : memref<10000x128xf32, #tpu.memory_space<vmem_shared>> -> memref<1000x128xf32, #tpu.memory_space<vmem_shared>>
      %dma_wait3A_72 = arith.constant 0 : i32
      %dma_wait3A_73 = tpu.memref_slice %arg4[%mul3A_67, %dma_wait3A_72] : memref<10000x128xf32, #tpu.memory_space<hbm>> -> memref<1000x128xf32, #tpu.memory_space<hbm>>
      tpu.wait_dma2 semaphore(%arg14 : memref<!tpu.dma_semaphore, #tpu.memory_space<semaphore_mem>>) src(%dma_wait3A_73 : memref<1000x128xf32, #tpu.memory_space<hbm>>) dst(%dma_wait3A_71 : memref<1000x128xf32, #tpu.memory_space<vmem_shared>>)
    } else {
    }
    %barrier3A = arith.constant 0 : index
    tpu.barrier barrier_id(%barrier3A)
    %dma_start3A_30 = arith.constant 0 : i32
    %dma_start3A_31 = tpu.memref_slice %arg6[%dma_start3A_30] : memref<10000xi32, #tpu.memory_space<vmem>> -> memref<80xi32, #tpu.memory_space<vmem>>
    %dma_start3A_32 = arith.constant 0 : i32
    %dma_start3A_33 = arith.constant 0 : i32
    %dma_start3A_34 = tpu.memref_slice %arg2[%dma_start3A_32, %dma_start3A_33] : memref<20000x128xf32, #tpu.memory_space<hbm>> -> memref<20000x128xf32, #tpu.memory_space<hbm>>
    tpu.enqueue_indirect_dma source(%dma_start3A_34 : memref<20000x128xf32, #tpu.memory_space<hbm>>) target(%arg8 : memref<80x128xf32, #tpu.memory_space<vmem>>) offsets(%dma_start3A_31 : memref<80xi32, #tpu.memory_space<vmem>>) semaphore(%arg12 : memref<!tpu.dma_semaphore, #tpu.memory_space<semaphore_mem>>)
    %dma_start3A_35 = arith.constant 80 : i32
    %dma_start3A_36 = tpu.memref_slice %arg6[%dma_start3A_35] : memref<10000xi32, #tpu.memory_space<vmem>> -> memref<80xi32, #tpu.memory_space<vmem>>
    %dma_start3A_37 = arith.constant 0 : i32
    %dma_start3A_38 = arith.constant 0 : i32
    %dma_start3A_39 = tpu.memref_slice %arg2[%dma_start3A_37, %dma_start3A_38] : memref<20000x128xf32, #tpu.memory_space<hbm>> -> memref<20000x128xf32, #tpu.memory_space<hbm>>
    tpu.enqueue_indirect_dma source(%dma_start3A_39 : memref<20000x128xf32, #tpu.memory_space<hbm>>) target(%arg9 : memref<80x128xf32, #tpu.memory_space<vmem>>) offsets(%dma_start3A_36 : memref<80xi32, #tpu.memory_space<vmem>>) semaphore(%arg13 : memref<!tpu.dma_semaphore, #tpu.memory_space<semaphore_mem>>)
    %dma_start3A_40 = arith.constant 160 : i32
    %dma_start3A_41 = tpu.memref_slice %arg6[%dma_start3A_40] : memref<10000xi32, #tpu.memory_space<vmem>> -> memref<80xi32, #tpu.memory_space<vmem>>
    %dma_start3A_42 = arith.constant 0 : i32
    %dma_start3A_43 = arith.constant 0 : i32
    %dma_start3A_44 = tpu.memref_slice %arg2[%dma_start3A_42, %dma_start3A_43] : memref<20000x128xf32, #tpu.memory_space<hbm>> -> memref<20000x128xf32, #tpu.memory_space<hbm>>
    tpu.enqueue_indirect_dma source(%dma_start3A_44 : memref<20000x128xf32, #tpu.memory_space<hbm>>) target(%arg10 : memref<80x128xf32, #tpu.memory_space<vmem>>) offsets(%dma_start3A_41 : memref<80xi32, #tpu.memory_space<vmem>>) semaphore(%arg14 : memref<!tpu.dma_semaphore, #tpu.memory_space<semaphore_mem>>)
    %scan3A_45 = arith.constant 0 : i32
    %scan3A_46 = arith.constant 41 : i32
    %scan3A_47 = arith.addi %scan3A_45, %scan3A_46 : i32
    %scan3A_48 = arith.constant 1 : i32
    scf.for %scan3A_66 = %scan3A_45 to %scan3A_47 step %scan3A_48  : i32 {
      %mul3A_67 = arith.constant 1 : i32
      %mul3A_68 = arith.muli %scan3A_66, %mul3A_67 : i32
      %add3A_69 = arith.constant 0 : i32
      %add3A_70 = arith.addi %add3A_69, %mul3A_68 : i32
      %mul3A_71 = arith.constant 3 : i32
      %mul3A_72 = arith.muli %mul3A_71, %add3A_70 : i32
      %add3A_73 = arith.constant 0 : i32
      %add3A_74 = arith.addi %mul3A_72, %add3A_73 : i32
      %mul3A_75 = arith.constant 80 : i32
      %mul3A_76 = arith.muli %add3A_74, %mul3A_75 : i32
      %dma_wait3A_77 = tpu.memref_slice %arg6[%mul3A_76] : memref<10000xi32, #tpu.memory_space<vmem>> -> memref<80xi32, #tpu.memory_space<vmem>>
      %dma_wait3A_78 = arith.constant 0 : i32
      %dma_wait3A_79 = arith.constant 0 : i32
      %dma_wait3A_80 = tpu.memref_slice %arg2[%dma_wait3A_78, %dma_wait3A_79] : memref<20000x128xf32, #tpu.memory_space<hbm>> -> memref<20000x128xf32, #tpu.memory_space<hbm>>
      tpu.wait_indirect_dma semaphore(%arg12 : memref<!tpu.dma_semaphore, #tpu.memory_space<semaphore_mem>>) src(%dma_wait3A_80 : memref<20000x128xf32, #tpu.memory_space<hbm>>) dst(%arg8 : memref<80x128xf32, #tpu.memory_space<vmem>>)
      %add3A_81 = arith.constant 0 : i32
      %add3A_82 = arith.addi %mul3A_72, %add3A_81 : i32
      %mul3A_83 = arith.constant 80 : i32
      %mul3A_84 = arith.muli %add3A_82, %mul3A_83 : i32
      %dma_start3A_85 = tpu.memref_slice %arg7[%mul3A_84] : memref<10000xi32, #tpu.memory_space<vmem>> -> memref<80xi32, #tpu.memory_space<vmem>>
      %dma_start3A_86 = arith.constant 0 : i32
      %dma_start3A_87 = arith.constant 0 : i32
      %dma_start3A_88 = tpu.memref_slice %arg11[%dma_start3A_86, %dma_start3A_87] : memref<10000x128xf32, #tpu.memory_space<vmem_shared>> -> memref<10000x128xf32, #tpu.memory_space<vmem_shared>>
      tpu.enqueue_indirect_dma source(%arg8 : memref<80x128xf32, #tpu.memory_space<vmem>>) target(%dma_start3A_88 : memref<10000x128xf32, #tpu.memory_space<vmem_shared>>) offsets(%dma_start3A_85 : memref<80xi32, #tpu.memory_space<vmem>>) semaphore(%arg15 : memref<!tpu.dma_semaphore, #tpu.memory_space<semaphore_mem>>) {add = true}
      %add3A_89 = arith.constant 1 : i32
      %add3A_90 = arith.addi %mul3A_72, %add3A_89 : i32
      %mul3A_91 = arith.constant 80 : i32
      %mul3A_92 = arith.muli %add3A_90, %mul3A_91 : i32
      %dma_wait3A_93 = tpu.memref_slice %arg6[%mul3A_92] : memref<10000xi32, #tpu.memory_space<vmem>> -> memref<80xi32, #tpu.memory_space<vmem>>
      %dma_wait3A_94 = arith.constant 0 : i32
      %dma_wait3A_95 = arith.constant 0 : i32
      %dma_wait3A_96 = tpu.memref_slice %arg2[%dma_wait3A_94, %dma_wait3A_95] : memref<20000x128xf32, #tpu.memory_space<hbm>> -> memref<20000x128xf32, #tpu.memory_space<hbm>>
      tpu.wait_indirect_dma semaphore(%arg13 : memref<!tpu.dma_semaphore, #tpu.memory_space<semaphore_mem>>) src(%dma_wait3A_96 : memref<20000x128xf32, #tpu.memory_space<hbm>>) dst(%arg9 : memref<80x128xf32, #tpu.memory_space<vmem>>)
      %add3A_97 = arith.constant 1 : i32
      %add3A_98 = arith.addi %mul3A_72, %add3A_97 : i32
      %mul3A_99 = arith.constant 80 : i32
      %mul3A_100 = arith.muli %add3A_98, %mul3A_99 : i32
      %dma_start3A_101 = tpu.memref_slice %arg7[%mul3A_100] : memref<10000xi32, #tpu.memory_space<vmem>> -> memref<80xi32, #tpu.memory_space<vmem>>
      %dma_start3A_102 = arith.constant 0 : i32
      %dma_start3A_103 = arith.constant 0 : i32
      %dma_start3A_104 = tpu.memref_slice %arg11[%dma_start3A_102, %dma_start3A_103] : memref<10000x128xf32, #tpu.memory_space<vmem_shared>> -> memref<10000x128xf32, #tpu.memory_space<vmem_shared>>
      tpu.enqueue_indirect_dma source(%arg9 : memref<80x128xf32, #tpu.memory_space<vmem>>) target(%dma_start3A_104 : memref<10000x128xf32, #tpu.memory_space<vmem_shared>>) offsets(%dma_start3A_101 : memref<80xi32, #tpu.memory_space<vmem>>) semaphore(%arg16 : memref<!tpu.dma_semaphore, #tpu.memory_space<semaphore_mem>>) {add = true}
      %add3A_105 = arith.constant 2 : i32
      %add3A_106 = arith.addi %mul3A_72, %add3A_105 : i32
      %mul3A_107 = arith.constant 80 : i32
      %mul3A_108 = arith.muli %add3A_106, %mul3A_107 : i32
      %dma_wait3A_109 = tpu.memref_slice %arg6[%mul3A_108] : memref<10000xi32, #tpu.memory_space<vmem>> -> memref<80xi32, #tpu.memory_space<vmem>>
      %dma_wait3A_110 = arith.constant 0 : i32
      %dma_wait3A_111 = arith.constant 0 : i32
      %dma_wait3A_112 = tpu.memref_slice %arg2[%dma_wait3A_110, %dma_wait3A_111] : memref<20000x128xf32, #tpu.memory_space<hbm>> -> memref<20000x128xf32, #tpu.memory_space<hbm>>
      tpu.wait_indirect_dma semaphore(%arg14 : memref<!tpu.dma_semaphore, #tpu.memory_space<semaphore_mem>>) src(%dma_wait3A_112 : memref<20000x128xf32, #tpu.memory_space<hbm>>) dst(%arg10 : memref<80x128xf32, #tpu.memory_space<vmem>>)
      %add3A_113 = arith.constant 2 : i32
      %add3A_114 = arith.addi %mul3A_72, %add3A_113 : i32
      %mul3A_115 = arith.constant 80 : i32
      %mul3A_116 = arith.muli %add3A_114, %mul3A_115 : i32
      %dma_start3A_117 = tpu.memref_slice %arg7[%mul3A_116] : memref<10000xi32, #tpu.memory_space<vmem>> -> memref<80xi32, #tpu.memory_space<vmem>>
      %dma_start3A_118 = arith.constant 0 : i32
      %dma_start3A_119 = arith.constant 0 : i32
      %dma_start3A_120 = tpu.memref_slice %arg11[%dma_start3A_118, %dma_start3A_119] : memref<10000x128xf32, #tpu.memory_space<vmem_shared>> -> memref<10000x128xf32, #tpu.memory_space<vmem_shared>>
      tpu.enqueue_indirect_dma source(%arg10 : memref<80x128xf32, #tpu.memory_space<vmem>>) target(%dma_start3A_120 : memref<10000x128xf32, #tpu.memory_space<vmem_shared>>) offsets(%dma_start3A_117 : memref<80xi32, #tpu.memory_space<vmem>>) semaphore(%arg17 : memref<!tpu.dma_semaphore, #tpu.memory_space<semaphore_mem>>) {add = true}
      %add3A_121 = arith.constant 0 : i32
      %add3A_122 = arith.addi %mul3A_72, %add3A_121 : i32
      %mul3A_123 = arith.constant 80 : i32
      %mul3A_124 = arith.muli %add3A_122, %mul3A_123 : i32
      %dma_wait3A_125 = tpu.memref_slice %arg7[%mul3A_124] : memref<10000xi32, #tpu.memory_space<vmem>> -> memref<80xi32, #tpu.memory_space<vmem>>
      %dma_wait3A_126 = arith.constant 0 : i32
      %dma_wait3A_127 = arith.constant 0 : i32
      %dma_wait3A_128 = tpu.memref_slice %arg11[%dma_wait3A_126, %dma_wait3A_127] : memref<10000x128xf32, #tpu.memory_space<vmem_shared>> -> memref<10000x128xf32, #tpu.memory_space<vmem_shared>>
      tpu.wait_indirect_dma semaphore(%arg15 : memref<!tpu.dma_semaphore, #tpu.memory_space<semaphore_mem>>) src(%arg8 : memref<80x128xf32, #tpu.memory_space<vmem>>) dst(%dma_wait3A_128 : memref<10000x128xf32, #tpu.memory_space<vmem_shared>>)
      %add3A_129 = arith.constant 0 : i32
      %add3A_130 = arith.addi %mul3A_72, %add3A_129 : i32
      %add3A_131 = arith.constant 3 : i32
      %add3A_132 = arith.addi %add3A_130, %add3A_131 : i32
      %lt3A_133 = arith.constant 125 : i32
      %lt3A_134 = arith.cmpi slt, %add3A_132, %lt3A_133 : i32
      %convert_element_type3A_135 = arith.extui %lt3A_134 : i1 to i32
      %cond3A_136 = arith.constant 0 : i32
      %cond3A_137 = arith.cmpi ne, %convert_element_type3A_135, %cond3A_136 : i32
      scf.if %cond3A_137 {
        %add3A_172 = arith.constant 0 : i32
        %add3A_173 = arith.addi %mul3A_72, %add3A_172 : i32
        %add3A_174 = arith.constant 3 : i32
        %add3A_175 = arith.addi %add3A_173, %add3A_174 : i32
        %mul3A_176 = arith.constant 80 : i32
        %mul3A_177 = arith.muli %add3A_175, %mul3A_176 : i32
        %dma_start3A_178 = tpu.memref_slice %arg6[%mul3A_177] : memref<10000xi32, #tpu.memory_space<vmem>> -> memref<80xi32, #tpu.memory_space<vmem>>
        %dma_start3A_179 = arith.constant 0 : i32
        %dma_start3A_180 = arith.constant 0 : i32
        %dma_start3A_181 = tpu.memref_slice %arg2[%dma_start3A_179, %dma_start3A_180] : memref<20000x128xf32, #tpu.memory_space<hbm>> -> memref<20000x128xf32, #tpu.memory_space<hbm>>
        tpu.enqueue_indirect_dma source(%dma_start3A_181 : memref<20000x128xf32, #tpu.memory_space<hbm>>) target(%arg8 : memref<80x128xf32, #tpu.memory_space<vmem>>) offsets(%dma_start3A_178 : memref<80xi32, #tpu.memory_space<vmem>>) semaphore(%arg12 : memref<!tpu.dma_semaphore, #tpu.memory_space<semaphore_mem>>)
      } else {
      }
      %add3A_138 = arith.constant 1 : i32
      %add3A_139 = arith.addi %mul3A_72, %add3A_138 : i32
      %mul3A_140 = arith.constant 80 : i32
      %mul3A_141 = arith.muli %add3A_139, %mul3A_140 : i32
      %dma_wait3A_142 = tpu.memref_slice %arg7[%mul3A_141] : memref<10000xi32, #tpu.memory_space<vmem>> -> memref<80xi32, #tpu.memory_space<vmem>>
      %dma_wait3A_143 = arith.constant 0 : i32
      %dma_wait3A_144 = arith.constant 0 : i32
      %dma_wait3A_145 = tpu.memref_slice %arg11[%dma_wait3A_143, %dma_wait3A_144] : memref<10000x128xf32, #tpu.memory_space<vmem_shared>> -> memref<10000x128xf32, #tpu.memory_space<vmem_shared>>
      tpu.wait_indirect_dma semaphore(%arg16 : memref<!tpu.dma_semaphore, #tpu.memory_space<semaphore_mem>>) src(%arg9 : memref<80x128xf32, #tpu.memory_space<vmem>>) dst(%dma_wait3A_145 : memref<10000x128xf32, #tpu.memory_space<vmem_shared>>)
      %add3A_146 = arith.constant 1 : i32
      %add3A_147 = arith.addi %mul3A_72, %add3A_146 : i32
      %add3A_148 = arith.constant 3 : i32
      %add3A_149 = arith.addi %add3A_147, %add3A_148 : i32
      %lt3A_150 = arith.constant 125 : i32
      %lt3A_151 = arith.cmpi slt, %add3A_149, %lt3A_150 : i32
      %convert_element_type3A_152 = arith.extui %lt3A_151 : i1 to i32
      %cond3A_153 = arith.constant 0 : i32
      %cond3A_154 = arith.cmpi ne, %convert_element_type3A_152, %cond3A_153 : i32
      scf.if %cond3A_154 {
        %add3A_172 = arith.constant 1 : i32
        %add3A_173 = arith.addi %mul3A_72, %add3A_172 : i32
        %add3A_174 = arith.constant 3 : i32
        %add3A_175 = arith.addi %add3A_173, %add3A_174 : i32
        %mul3A_176 = arith.constant 80 : i32
        %mul3A_177 = arith.muli %add3A_175, %mul3A_176 : i32
        %dma_start3A_178 = tpu.memref_slice %arg6[%mul3A_177] : memref<10000xi32, #tpu.memory_space<vmem>> -> memref<80xi32, #tpu.memory_space<vmem>>
        %dma_start3A_179 = arith.constant 0 : i32
        %dma_start3A_180 = arith.constant 0 : i32
        %dma_start3A_181 = tpu.memref_slice %arg2[%dma_start3A_179, %dma_start3A_180] : memref<20000x128xf32, #tpu.memory_space<hbm>> -> memref<20000x128xf32, #tpu.memory_space<hbm>>
        tpu.enqueue_indirect_dma source(%dma_start3A_181 : memref<20000x128xf32, #tpu.memory_space<hbm>>) target(%arg9 : memref<80x128xf32, #tpu.memory_space<vmem>>) offsets(%dma_start3A_178 : memref<80xi32, #tpu.memory_space<vmem>>) semaphore(%arg13 : memref<!tpu.dma_semaphore, #tpu.memory_space<semaphore_mem>>)
      } else {
      }
      %add3A_155 = arith.constant 2 : i32
      %add3A_156 = arith.addi %mul3A_72, %add3A_155 : i32
      %mul3A_157 = arith.constant 80 : i32
      %mul3A_158 = arith.muli %add3A_156, %mul3A_157 : i32
      %dma_wait3A_159 = tpu.memref_slice %arg7[%mul3A_158] : memref<10000xi32, #tpu.memory_space<vmem>> -> memref<80xi32, #tpu.memory_space<vmem>>
      %dma_wait3A_160 = arith.constant 0 : i32
      %dma_wait3A_161 = arith.constant 0 : i32
      %dma_wait3A_162 = tpu.memref_slice %arg11[%dma_wait3A_160, %dma_wait3A_161] : memref<10000x128xf32, #tpu.memory_space<vmem_shared>> -> memref<10000x128xf32, #tpu.memory_space<vmem_shared>>
      tpu.wait_indirect_dma semaphore(%arg17 : memref<!tpu.dma_semaphore, #tpu.memory_space<semaphore_mem>>) src(%arg10 : memref<80x128xf32, #tpu.memory_space<vmem>>) dst(%dma_wait3A_162 : memref<10000x128xf32, #tpu.memory_space<vmem_shared>>)
      %add3A_163 = arith.constant 2 : i32
      %add3A_164 = arith.addi %mul3A_72, %add3A_163 : i32
      %add3A_165 = arith.constant 3 : i32
      %add3A_166 = arith.addi %add3A_164, %add3A_165 : i32
      %lt3A_167 = arith.constant 125 : i32
      %lt3A_168 = arith.cmpi slt, %add3A_166, %lt3A_167 : i32
      %convert_element_type3A_169 = arith.extui %lt3A_168 : i1 to i32
      %cond3A_170 = arith.constant 0 : i32
      %cond3A_171 = arith.cmpi ne, %convert_element_type3A_169, %cond3A_170 : i32
      scf.if %cond3A_171 {
        %add3A_172 = arith.constant 2 : i32
        %add3A_173 = arith.addi %mul3A_72, %add3A_172 : i32
        %add3A_174 = arith.constant 3 : i32
        %add3A_175 = arith.addi %add3A_173, %add3A_174 : i32
        %mul3A_176 = arith.constant 80 : i32
        %mul3A_177 = arith.muli %add3A_175, %mul3A_176 : i32
        %dma_start3A_178 = tpu.memref_slice %arg6[%mul3A_177] : memref<10000xi32, #tpu.memory_space<vmem>> -> memref<80xi32, #tpu.memory_space<vmem>>
        %dma_start3A_179 = arith.constant 0 : i32
        %dma_start3A_180 = arith.constant 0 : i32
        %dma_start3A_181 = tpu.memref_slice %arg2[%dma_start3A_179, %dma_start3A_180] : memref<20000x128xf32, #tpu.memory_space<hbm>> -> memref<20000x128xf32, #tpu.memory_space<hbm>>
        tpu.enqueue_indirect_dma source(%dma_start3A_181 : memref<20000x128xf32, #tpu.memory_space<hbm>>) target(%arg10 : memref<80x128xf32, #tpu.memory_space<vmem>>) offsets(%dma_start3A_178 : memref<80xi32, #tpu.memory_space<vmem>>) semaphore(%arg14 : memref<!tpu.dma_semaphore, #tpu.memory_space<semaphore_mem>>)
      } else {
      }
    }
    %scan3A_49 = arith.constant 41 : i32
    %dma_wait3A_50 = arith.constant 9840 : i32
    %dma_wait3A_51 = tpu.memref_slice %arg6[%dma_wait3A_50] : memref<10000xi32, #tpu.memory_space<vmem>> -> memref<80xi32, #tpu.memory_space<vmem>>
    %dma_wait3A_52 = arith.constant 0 : i32
    %dma_wait3A_53 = arith.constant 0 : i32
    %dma_wait3A_54 = tpu.memref_slice %arg2[%dma_wait3A_52, %dma_wait3A_53] : memref<20000x128xf32, #tpu.memory_space<hbm>> -> memref<20000x128xf32, #tpu.memory_space<hbm>>
    tpu.wait_indirect_dma semaphore(%arg12 : memref<!tpu.dma_semaphore, #tpu.memory_space<semaphore_mem>>) src(%dma_wait3A_54 : memref<20000x128xf32, #tpu.memory_space<hbm>>) dst(%arg8 : memref<80x128xf32, #tpu.memory_space<vmem>>)
    "tpu.region"() ({
      %run_scoped3A = tpu.sem_alloc : memref<!tpu.dma_semaphore, #tpu.memory_space<semaphore_mem>>
      %dma_start3A_66 = arith.constant 9840 : i32
      %dma_start3A_67 = tpu.memref_slice %arg7[%dma_start3A_66] : memref<10000xi32, #tpu.memory_space<vmem>> -> memref<80xi32, #tpu.memory_space<vmem>>
      %dma_start3A_68 = arith.constant 0 : i32
      %dma_start3A_69 = arith.constant 0 : i32
      %dma_start3A_70 = tpu.memref_slice %arg11[%dma_start3A_68, %dma_start3A_69] : memref<10000x128xf32, #tpu.memory_space<vmem_shared>> -> memref<10000x128xf32, #tpu.memory_space<vmem_shared>>
      tpu.enqueue_indirect_dma source(%arg8 : memref<80x128xf32, #tpu.memory_space<vmem>>) target(%dma_start3A_70 : memref<10000x128xf32, #tpu.memory_space<vmem_shared>>) offsets(%dma_start3A_67 : memref<80xi32, #tpu.memory_space<vmem>>) semaphore(%run_scoped3A : memref<!tpu.dma_semaphore, #tpu.memory_space<semaphore_mem>>) {add = true}
      %dma_wait3A_71 = arith.constant 9840 : i32
      %dma_wait3A_72 = tpu.memref_slice %arg7[%dma_wait3A_71] : memref<10000xi32, #tpu.memory_space<vmem>> -> memref<80xi32, #tpu.memory_space<vmem>>
      %dma_wait3A_73 = arith.constant 0 : i32
      %dma_wait3A_74 = arith.constant 0 : i32
      %dma_wait3A_75 = tpu.memref_slice %arg11[%dma_wait3A_73, %dma_wait3A_74] : memref<10000x128xf32, #tpu.memory_space<vmem_shared>> -> memref<10000x128xf32, #tpu.memory_space<vmem_shared>>
      tpu.wait_indirect_dma semaphore(%run_scoped3A : memref<!tpu.dma_semaphore, #tpu.memory_space<semaphore_mem>>) src(%arg8 : memref<80x128xf32, #tpu.memory_space<vmem>>) dst(%dma_wait3A_75 : memref<10000x128xf32, #tpu.memory_space<vmem_shared>>)
      tpu.yield
    }) : () -> ()
    %dma_wait3A_55 = arith.constant 9920 : i32
    %dma_wait3A_56 = tpu.memref_slice %arg6[%dma_wait3A_55] : memref<10000xi32, #tpu.memory_space<vmem>> -> memref<80xi32, #tpu.memory_space<vmem>>
    %dma_wait3A_57 = arith.constant 0 : i32
    %dma_wait3A_58 = arith.constant 0 : i32
    %dma_wait3A_59 = tpu.memref_slice %arg2[%dma_wait3A_57, %dma_wait3A_58] : memref<20000x128xf32, #tpu.memory_space<hbm>> -> memref<20000x128xf32, #tpu.memory_space<hbm>>
    tpu.wait_indirect_dma semaphore(%arg13 : memref<!tpu.dma_semaphore, #tpu.memory_space<semaphore_mem>>) src(%dma_wait3A_59 : memref<20000x128xf32, #tpu.memory_space<hbm>>) dst(%arg9 : memref<80x128xf32, #tpu.memory_space<vmem>>)
    "tpu.region"() ({
      %run_scoped3A = tpu.sem_alloc : memref<!tpu.dma_semaphore, #tpu.memory_space<semaphore_mem>>
      %dma_start3A_66 = arith.constant 9920 : i32
      %dma_start3A_67 = tpu.memref_slice %arg7[%dma_start3A_66] : memref<10000xi32, #tpu.memory_space<vmem>> -> memref<80xi32, #tpu.memory_space<vmem>>
      %dma_start3A_68 = arith.constant 0 : i32
      %dma_start3A_69 = arith.constant 0 : i32
      %dma_start3A_70 = tpu.memref_slice %arg11[%dma_start3A_68, %dma_start3A_69] : memref<10000x128xf32, #tpu.memory_space<vmem_shared>> -> memref<10000x128xf32, #tpu.memory_space<vmem_shared>>
      tpu.enqueue_indirect_dma source(%arg9 : memref<80x128xf32, #tpu.memory_space<vmem>>) target(%dma_start3A_70 : memref<10000x128xf32, #tpu.memory_space<vmem_shared>>) offsets(%dma_start3A_67 : memref<80xi32, #tpu.memory_space<vmem>>) semaphore(%run_scoped3A : memref<!tpu.dma_semaphore, #tpu.memory_space<semaphore_mem>>) {add = true}
      %dma_wait3A_71 = arith.constant 9920 : i32
      %dma_wait3A_72 = tpu.memref_slice %arg7[%dma_wait3A_71] : memref<10000xi32, #tpu.memory_space<vmem>> -> memref<80xi32, #tpu.memory_space<vmem>>
      %dma_wait3A_73 = arith.constant 0 : i32
      %dma_wait3A_74 = arith.constant 0 : i32
      %dma_wait3A_75 = tpu.memref_slice %arg11[%dma_wait3A_73, %dma_wait3A_74] : memref<10000x128xf32, #tpu.memory_space<vmem_shared>> -> memref<10000x128xf32, #tpu.memory_space<vmem_shared>>
      tpu.wait_indirect_dma semaphore(%run_scoped3A : memref<!tpu.dma_semaphore, #tpu.memory_space<semaphore_mem>>) src(%arg9 : memref<80x128xf32, #tpu.memory_space<vmem>>) dst(%dma_wait3A_75 : memref<10000x128xf32, #tpu.memory_space<vmem_shared>>)
      tpu.yield
    }) : () -> ()
    %barrier3A_60 = arith.constant 0 : index
    tpu.barrier barrier_id(%barrier3A_60)
    %lt3A_61 = arith.constant 10 : i32
    %lt3A_62 = arith.cmpi slt, %arg1, %lt3A_61 : i32
    %convert_element_type3A_63 = arith.extui %lt3A_62 : i1 to i32
    %cond3A_64 = arith.constant 0 : i32
    %cond3A_65 = arith.cmpi ne, %convert_element_type3A_63, %cond3A_64 : i32
    scf.if %cond3A_65 {
      %mul3A_66 = arith.constant 1000 : i32
      %mul3A_67 = arith.muli %arg1, %mul3A_66 : i32
      %mul3A_68 = arith.constant 10000 : i32
      %mul3A_69 = arith.muli %arg0, %mul3A_68 : i32
      %mul3A_70 = arith.constant 1000 : i32
      %mul3A_71 = arith.muli %arg1, %mul3A_70 : i32
      %add3A_72 = arith.addi %mul3A_69, %mul3A_71 : i32
      "tpu.region"() ({
        %run_scoped3A = tpu.sem_alloc : memref<!tpu.dma_semaphore, #tpu.memory_space<semaphore_mem>>
        %dma_start3A_73 = arith.constant 0 : i32
        %dma_start3A_74 = tpu.memref_slice %arg5[%add3A_72, %dma_start3A_73] : memref<20000x128xf32, #tpu.memory_space<hbm>> -> memref<1000x128xf32, #tpu.memory_space<hbm>>
        %dma_start3A_75 = arith.constant 0 : i32
        %dma_start3A_76 = tpu.memref_slice %arg11[%mul3A_67, %dma_start3A_75] : memref<10000x128xf32, #tpu.memory_space<vmem_shared>> -> memref<1000x128xf32, #tpu.memory_space<vmem_shared>>
        tpu.enqueue_dma source(%dma_start3A_76 : memref<1000x128xf32, #tpu.memory_space<vmem_shared>>) target(%dma_start3A_74 : memref<1000x128xf32, #tpu.memory_space<hbm>>) target_semaphore(%run_scoped3A : memref<!tpu.dma_semaphore, #tpu.memory_space<semaphore_mem>>)
        %dma_wait3A_77 = arith.constant 0 : i32
        %dma_wait3A_78 = tpu.memref_slice %arg5[%add3A_72, %dma_wait3A_77] : memref<20000x128xf32, #tpu.memory_space<hbm>> -> memref<1000x128xf32, #tpu.memory_space<hbm>>
        %dma_wait3A_79 = arith.constant 0 : i32
        %dma_wait3A_80 = tpu.memref_slice %arg11[%mul3A_67, %dma_wait3A_79] : memref<10000x128xf32, #tpu.memory_space<vmem_shared>> -> memref<1000x128xf32, #tpu.memory_space<vmem_shared>>
        tpu.wait_dma2 semaphore(%run_scoped3A : memref<!tpu.dma_semaphore, #tpu.memory_space<semaphore_mem>>) src(%dma_wait3A_80 : memref<1000x128xf32, #tpu.memory_space<vmem_shared>>) dst(%dma_wait3A_78 : memref<1000x128xf32, #tpu.memory_space<hbm>>)
        tpu.yield
      }) : () -> ()
    } else {
    }
    return
  }
}

#map = affine_map<(d0, d1) -> (0, 0)>
#map1 = affine_map<(d0, d1) -> (0)>
module attributes {stable_mosaic.version = 14 : i64} {
  func.func @_segsum_body(%arg0: i32, %arg1: i32, %arg2: memref<20000x128xf32, #tpu.memory_space<hbm>>, %arg3: memref<1280000xi32, #tpu.memory_space<hbm>>, %arg4: memref<10000x128xf32, #tpu.memory_space<hbm>>, %arg5: memref<20000x128xf32, #tpu.memory_space<hbm>>, %arg6: memref<10000xi32, #tpu.memory_space<vmem>>, %arg7: memref<10000xi32, #tpu.memory_space<vmem>>, %arg8: memref<80x128xf32, #tpu.memory_space<vmem>>, %arg9: memref<80x128xf32, #tpu.memory_space<vmem>>, %arg10: memref<80x128xf32, #tpu.memory_space<vmem>>, %arg11: memref<10000x128xf32, #tpu.memory_space<vmem_shared>>, %arg12: memref<!tpu.dma_semaphore, #tpu.memory_space<semaphore_mem>>, %arg13: memref<!tpu.dma_semaphore, #tpu.memory_space<semaphore_mem>>, %arg14: memref<!tpu.dma_semaphore, #tpu.memory_space<semaphore_mem>>, %arg15: memref<!tpu.dma_semaphore, #tpu.memory_space<semaphore_mem>>, %arg16: memref<!tpu.dma_semaphore, #tpu.memory_space<semaphore_mem>>, %arg17: memref<!tpu.dma_semaphore, #tpu.memory_space<semaphore_mem>>) attributes {dimension_semantics = [#tpu.dimension_semantics<core_parallel>, #tpu.dimension_semantics<subcore_parallel>], iteration_bounds = array<i64: 2, 16>, scalar_prefetch = 0 : i64, scratch_operands = 12 : i64, tpu.core_type = #tpu.core_type<sc_vector_subcore>, window_params = [{transform_indices = #map}, {transform_indices = #map1}, {transform_indices = #map}, {transform_indices = #map}]} {
    %add3A = arith.constant 0 : i32
    %add3A_0 = arith.addi %add3A, %arg0 : i32
    %mul3A = arith.constant 2 : i32
    %mul3A_1 = arith.muli %add3A_0, %mul3A : i32
    %mul3A_2 = arith.constant 160000 : i32
    %mul3A_3 = arith.muli %mul3A_1, %mul3A_2 : i32
    %mul3A_4 = arith.constant 10000 : i32
    %mul3A_5 = arith.muli %arg1, %mul3A_4 : i32
    %add3A_6 = arith.addi %mul3A_3, %mul3A_5 : i32
    %dma_start3A = tpu.memref_slice %arg3[%add3A_6] : memref<1280000xi32, #tpu.memory_space<hbm>> -> memref<10000xi32, #tpu.memory_space<hbm>>
    %dma_start3A_7 = tpu.memref_slice %arg3[%add3A_6] : memref<1280000xi32, #tpu.memory_space<hbm>> -> memref<10000xi32, #tpu.memory_space<hbm>>
    tpu.enqueue_dma source(%dma_start3A_7 : memref<10000xi32, #tpu.memory_space<hbm>>) target(%arg6 : memref<10000xi32, #tpu.memory_space<vmem>>) target_semaphore(%arg12 : memref<!tpu.dma_semaphore, #tpu.memory_space<semaphore_mem>>)
    %add3A_8 = arith.constant 160000 : i32
    %add3A_9 = arith.addi %add3A_6, %add3A_8 : i32
    %dma_start3A_10 = tpu.memref_slice %arg3[%add3A_9] : memref<1280000xi32, #tpu.memory_space<hbm>> -> memref<10000xi32, #tpu.memory_space<hbm>>
    %dma_start3A_11 = tpu.memref_slice %arg3[%add3A_9] : memref<1280000xi32, #tpu.memory_space<hbm>> -> memref<10000xi32, #tpu.memory_space<hbm>>
    tpu.enqueue_dma source(%dma_start3A_11 : memref<10000xi32, #tpu.memory_space<hbm>>) target(%arg7 : memref<10000xi32, #tpu.memory_space<vmem>>) target_semaphore(%arg13 : memref<!tpu.dma_semaphore, #tpu.memory_space<semaphore_mem>>)
    %lt3A = arith.constant 10 : i32
    %lt3A_12 = arith.cmpi slt, %arg1, %lt3A : i32
    %convert_element_type3A = arith.extui %lt3A_12 : i1 to i32
    %cond3A = arith.constant 0 : i32
    %cond3A_13 = arith.cmpi ne, %convert_element_type3A, %cond3A : i32
    scf.if %cond3A_13 {
      %mul3A_66 = arith.constant 1000 : i32
      %mul3A_67 = arith.muli %arg1, %mul3A_66 : i32
      %mul3A_68 = arith.constant 1000 : i32
      %mul3A_69 = arith.muli %arg1, %mul3A_68 : i32
      %dma_start3A_70 = arith.constant 0 : i32
      %dma_start3A_71 = tpu.memref_slice %arg11[%mul3A_69, %dma_start3A_70] : memref<10000x128xf32, #tpu.memory_space<vmem_shared>> -> memref<1000x128xf32, #tpu.memory_space<vmem_shared>>
      %dma_start3A_72 = arith.constant 0 : i32
      %dma_start3A_73 = tpu.memref_slice %arg4[%mul3A_67, %dma_start3A_72] : memref<10000x128xf32, #tpu.memory_space<hbm>> -> memref<1000x128xf32, #tpu.memory_space<hbm>>
      tpu.enqueue_dma source(%dma_start3A_73 : memref<1000x128xf32, #tpu.memory_space<hbm>>) target(%dma_start3A_71 : memref<1000x128xf32, #tpu.memory_space<vmem_shared>>) target_semaphore(%arg14 : memref<!tpu.dma_semaphore, #tpu.memory_space<semaphore_mem>>)
    } else {
    }
    %dma_wait3A = tpu.memref_slice %arg3[%add3A_6] : memref<1280000xi32, #tpu.memory_space<hbm>> -> memref<10000xi32, #tpu.memory_space<hbm>>
    %dma_wait3A_14 = tpu.memref_slice %arg3[%add3A_6] : memref<1280000xi32, #tpu.memory_space<hbm>> -> memref<10000xi32, #tpu.memory_space<hbm>>
    tpu.wait_dma2 semaphore(%arg12 : memref<!tpu.dma_semaphore, #tpu.memory_space<semaphore_mem>>) src(%dma_wait3A_14 : memref<10000xi32, #tpu.memory_space<hbm>>) dst(%arg6 : memref<10000xi32, #tpu.memory_space<vmem>>)
    %mul3A_15 = arith.constant 10000 : i32
    %mul3A_16 = arith.muli %arg0, %mul3A_15 : i32
    %scan3A = arith.constant 0 : i32
    %scan3A_17 = arith.constant 625 : i32
    %scan3A_18 = arith.addi %scan3A, %scan3A_17 : i32
    %scan3A_19 = arith.constant 1 : i32
    scf.for %scan3A_66 = %scan3A to %scan3A_18 step %scan3A_19  : i32 {
      %mul3A_67 = arith.constant 1 : i32
      %mul3A_68 = arith.muli %scan3A_66, %mul3A_67 : i32
      %add3A_69 = arith.constant 0 : i32
      %add3A_70 = arith.addi %add3A_69, %mul3A_68 : i32
      %mul3A_71 = arith.constant 16 : i32
      %mul3A_72 = arith.muli %add3A_70, %mul3A_71 : i32
      %get3A = arith.index_cast %mul3A_72 : i32 to index
      %get3A_73 = tpu.vector_load %arg6[%get3A] {strides = array<i32>} : memref<10000xi32, #tpu.memory_space<vmem>>, vector<16xi32>,
      %get3A_74 = vector.shape_cast %get3A_73 : vector<16xi32> to vector<16xi32>
      %add3A_75 = vector.broadcast %mul3A_16 : i32 to vector<16xi32>
      %add3A_76 = arith.addi %get3A_74, %add3A_75 : vector<16xi32>
      %mul3A_77 = arith.constant 16 : i32
      %mul3A_78 = arith.muli %add3A_70, %mul3A_77 : i32
      %swap3A = arith.index_cast %mul3A_78 : i32 to index
      %swap3A_79 = tpu.vector_load %arg6[%swap3A] {strides = array<i32>} : memref<10000xi32, #tpu.memory_space<vmem>>, vector<16xi32>,
      %swap3A_80 = vector.shape_cast %swap3A_79 : vector<16xi32> to vector<16xi32>
      %swap3A_81 = vector.shape_cast %add3A_76 : vector<16xi32> to vector<16xi32>
      tpu.vector_store %arg6[%swap3A], %swap3A_81 {strides = array<i32>} : memref<10000xi32, #tpu.memory_space<vmem>>, vector<16xi32>,
    }
    %scan3A_20 = arith.constant 625 : i32
    %add3A_21 = arith.constant 160000 : i32
    %add3A_22 = arith.addi %add3A_6, %add3A_21 : i32
    %dma_wait3A_23 = tpu.memref_slice %arg3[%add3A_22] : memref<1280000xi32, #tpu.memory_space<hbm>> -> memref<10000xi32, #tpu.memory_space<hbm>>
    %dma_wait3A_24 = tpu.memref_slice %arg3[%add3A_22] : memref<1280000xi32, #tpu.memory_space<hbm>> -> memref<10000xi32, #tpu.memory_space<hbm>>
    tpu.wait_dma2 semaphore(%arg13 : memref<!tpu.dma_semaphore, #tpu.memory_space<semaphore_mem>>) src(%dma_wait3A_24 : memref<10000xi32, #tpu.memory_space<hbm>>) dst(%arg7 : memref<10000xi32, #tpu.memory_space<vmem>>)
    %lt3A_25 = arith.constant 10 : i32
    %lt3A_26 = arith.cmpi slt, %arg1, %lt3A_25 : i32
    %convert_element_type3A_27 = arith.extui %lt3A_26 : i1 to i32
    %cond3A_28 = arith.constant 0 : i32
    %cond3A_29 = arith.cmpi ne, %convert_element_type3A_27, %cond3A_28 : i32
    scf.if %cond3A_29 {
      %mul3A_66 = arith.constant 1000 : i32
      %mul3A_67 = arith.muli %arg1, %mul3A_66 : i32
      %mul3A_68 = arith.constant 1000 : i32
      %mul3A_69 = arith.muli %arg1, %mul3A_68 : i32
      %dma_wait3A_70 = arith.constant 0 : i32
      %dma_wait3A_71 = tpu.memref_slice %arg11[%mul3A_69, %dma_wait3A_70] : memref<10000x128xf32, #tpu.memory_space<vmem_shared>> -> memref<1000x128xf32, #tpu.memory_space<vmem_shared>>
      %dma_wait3A_72 = arith.constant 0 : i32
      %dma_wait3A_73 = tpu.memref_slice %arg4[%mul3A_67, %dma_wait3A_72] : memref<10000x128xf32, #tpu.memory_space<hbm>> -> memref<1000x128xf32, #tpu.memory_space<hbm>>
      tpu.wait_dma2 semaphore(%arg14 : memref<!tpu.dma_semaphore, #tpu.memory_space<semaphore_mem>>) src(%dma_wait3A_73 : memref<1000x128xf32, #tpu.memory_space<hbm>>) dst(%dma_wait3A_71 : memref<1000x128xf32, #tpu.memory_space<vmem_shared>>)
    } else {
    }
    %barrier3A = arith.constant 0 : index
    tpu.barrier barrier_id(%barrier3A)
    %dma_start3A_30 = arith.constant 0 : i32
    %dma_start3A_31 = tpu.memref_slice %arg6[%dma_start3A_30] : memref<10000xi32, #tpu.memory_space<vmem>> -> memref<80xi32, #tpu.memory_space<vmem>>
    %dma_start3A_32 = arith.constant 0 : i32
    %dma_start3A_33 = arith.constant 0 : i32
    %dma_start3A_34 = tpu.memref_slice %arg2[%dma_start3A_32, %dma_start3A_33] : memref<20000x128xf32, #tpu.memory_space<hbm>> -> memref<20000x128xf32, #tpu.memory_space<hbm>>
    tpu.enqueue_indirect_dma source(%dma_start3A_34 : memref<20000x128xf32, #tpu.memory_space<hbm>>) target(%arg8 : memref<80x128xf32, #tpu.memory_space<vmem>>) offsets(%dma_start3A_31 : memref<80xi32, #tpu.memory_space<vmem>>) semaphore(%arg12 : memref<!tpu.dma_semaphore, #tpu.memory_space<semaphore_mem>>)
    %dma_start3A_35 = arith.constant 80 : i32
    %dma_start3A_36 = tpu.memref_slice %arg6[%dma_start3A_35] : memref<10000xi32, #tpu.memory_space<vmem>> -> memref<80xi32, #tpu.memory_space<vmem>>
    %dma_start3A_37 = arith.constant 0 : i32
    %dma_start3A_38 = arith.constant 0 : i32
    %dma_start3A_39 = tpu.memref_slice %arg2[%dma_start3A_37, %dma_start3A_38] : memref<20000x128xf32, #tpu.memory_space<hbm>> -> memref<20000x128xf32, #tpu.memory_space<hbm>>
    tpu.enqueue_indirect_dma source(%dma_start3A_39 : memref<20000x128xf32, #tpu.memory_space<hbm>>) target(%arg9 : memref<80x128xf32, #tpu.memory_space<vmem>>) offsets(%dma_start3A_36 : memref<80xi32, #tpu.memory_space<vmem>>) semaphore(%arg13 : memref<!tpu.dma_semaphore, #tpu.memory_space<semaphore_mem>>)
    %dma_start3A_40 = arith.constant 160 : i32
    %dma_start3A_41 = tpu.memref_slice %arg6[%dma_start3A_40] : memref<10000xi32, #tpu.memory_space<vmem>> -> memref<80xi32, #tpu.memory_space<vmem>>
    %dma_start3A_42 = arith.constant 0 : i32
    %dma_start3A_43 = arith.constant 0 : i32
    %dma_start3A_44 = tpu.memref_slice %arg2[%dma_start3A_42, %dma_start3A_43] : memref<20000x128xf32, #tpu.memory_space<hbm>> -> memref<20000x128xf32, #tpu.memory_space<hbm>>
    tpu.enqueue_indirect_dma source(%dma_start3A_44 : memref<20000x128xf32, #tpu.memory_space<hbm>>) target(%arg10 : memref<80x128xf32, #tpu.memory_space<vmem>>) offsets(%dma_start3A_41 : memref<80xi32, #tpu.memory_space<vmem>>) semaphore(%arg14 : memref<!tpu.dma_semaphore, #tpu.memory_space<semaphore_mem>>)
    %scan3A_45 = arith.constant 0 : i32
    %scan3A_46 = arith.constant 41 : i32
    %scan3A_47 = arith.addi %scan3A_45, %scan3A_46 : i32
    %scan3A_48 = arith.constant 1 : i32
    scf.for %scan3A_66 = %scan3A_45 to %scan3A_47 step %scan3A_48  : i32 {
      %mul3A_67 = arith.constant 1 : i32
      %mul3A_68 = arith.muli %scan3A_66, %mul3A_67 : i32
      %add3A_69 = arith.constant 0 : i32
      %add3A_70 = arith.addi %add3A_69, %mul3A_68 : i32
      %mul3A_71 = arith.constant 3 : i32
      %mul3A_72 = arith.muli %mul3A_71, %add3A_70 : i32
      %add3A_73 = arith.constant 0 : i32
      %add3A_74 = arith.addi %mul3A_72, %add3A_73 : i32
      %mul3A_75 = arith.constant 80 : i32
      %mul3A_76 = arith.muli %add3A_74, %mul3A_75 : i32
      %dma_wait3A_77 = tpu.memref_slice %arg6[%mul3A_76] : memref<10000xi32, #tpu.memory_space<vmem>> -> memref<80xi32, #tpu.memory_space<vmem>>
      %dma_wait3A_78 = arith.constant 0 : i32
      %dma_wait3A_79 = arith.constant 0 : i32
      %dma_wait3A_80 = tpu.memref_slice %arg2[%dma_wait3A_78, %dma_wait3A_79] : memref<20000x128xf32, #tpu.memory_space<hbm>> -> memref<20000x128xf32, #tpu.memory_space<hbm>>
      tpu.wait_indirect_dma semaphore(%arg12 : memref<!tpu.dma_semaphore, #tpu.memory_space<semaphore_mem>>) src(%dma_wait3A_80 : memref<20000x128xf32, #tpu.memory_space<hbm>>) dst(%arg8 : memref<80x128xf32, #tpu.memory_space<vmem>>)
      %add3A_81 = arith.constant 0 : i32
      %add3A_82 = arith.addi %mul3A_72, %add3A_81 : i32
      %mul3A_83 = arith.constant 80 : i32
      %mul3A_84 = arith.muli %add3A_82, %mul3A_83 : i32
      %dma_start3A_85 = tpu.memref_slice %arg7[%mul3A_84] : memref<10000xi32, #tpu.memory_space<vmem>> -> memref<80xi32, #tpu.memory_space<vmem>>
      %dma_start3A_86 = arith.constant 0 : i32
      %dma_start3A_87 = arith.constant 0 : i32
      %dma_start3A_88 = tpu.memref_slice %arg11[%dma_start3A_86, %dma_start3A_87] : memref<10000x128xf32, #tpu.memory_space<vmem_shared>> -> memref<10000x128xf32, #tpu.memory_space<vmem_shared>>
      tpu.enqueue_indirect_dma source(%arg8 : memref<80x128xf32, #tpu.memory_space<vmem>>) target(%dma_start3A_88 : memref<10000x128xf32, #tpu.memory_space<vmem_shared>>) offsets(%dma_start3A_85 : memref<80xi32, #tpu.memory_space<vmem>>) semaphore(%arg15 : memref<!tpu.dma_semaphore, #tpu.memory_space<semaphore_mem>>) {add = true}
      %add3A_89 = arith.constant 1 : i32
      %add3A_90 = arith.addi %mul3A_72, %add3A_89 : i32
      %mul3A_91 = arith.constant 80 : i32
      %mul3A_92 = arith.muli %add3A_90, %mul3A_91 : i32
      %dma_wait3A_93 = tpu.memref_slice %arg6[%mul3A_92] : memref<10000xi32, #tpu.memory_space<vmem>> -> memref<80xi32, #tpu.memory_space<vmem>>
      %dma_wait3A_94 = arith.constant 0 : i32
      %dma_wait3A_95 = arith.constant 0 : i32
      %dma_wait3A_96 = tpu.memref_slice %arg2[%dma_wait3A_94, %dma_wait3A_95] : memref<20000x128xf32, #tpu.memory_space<hbm>> -> memref<20000x128xf32, #tpu.memory_space<hbm>>
      tpu.wait_indirect_dma semaphore(%arg13 : memref<!tpu.dma_semaphore, #tpu.memory_space<semaphore_mem>>) src(%dma_wait3A_96 : memref<20000x128xf32, #tpu.memory_space<hbm>>) dst(%arg9 : memref<80x128xf32, #tpu.memory_space<vmem>>)
      %add3A_97 = arith.constant 1 : i32
      %add3A_98 = arith.addi %mul3A_72, %add3A_97 : i32
      %mul3A_99 = arith.constant 80 : i32
      %mul3A_100 = arith.muli %add3A_98, %mul3A_99 : i32
      %dma_start3A_101 = tpu.memref_slice %arg7[%mul3A_100] : memref<10000xi32, #tpu.memory_space<vmem>> -> memref<80xi32, #tpu.memory_space<vmem>>
      %dma_start3A_102 = arith.constant 0 : i32
      %dma_start3A_103 = arith.constant 0 : i32
      %dma_start3A_104 = tpu.memref_slice %arg11[%dma_start3A_102, %dma_start3A_103] : memref<10000x128xf32, #tpu.memory_space<vmem_shared>> -> memref<10000x128xf32, #tpu.memory_space<vmem_shared>>
      tpu.enqueue_indirect_dma source(%arg9 : memref<80x128xf32, #tpu.memory_space<vmem>>) target(%dma_start3A_104 : memref<10000x128xf32, #tpu.memory_space<vmem_shared>>) offsets(%dma_start3A_101 : memref<80xi32, #tpu.memory_space<vmem>>) semaphore(%arg16 : memref<!tpu.dma_semaphore, #tpu.memory_space<semaphore_mem>>) {add = true}
      %add3A_105 = arith.constant 2 : i32
      %add3A_106 = arith.addi %mul3A_72, %add3A_105 : i32
      %mul3A_107 = arith.constant 80 : i32
      %mul3A_108 = arith.muli %add3A_106, %mul3A_107 : i32
      %dma_wait3A_109 = tpu.memref_slice %arg6[%mul3A_108] : memref<10000xi32, #tpu.memory_space<vmem>> -> memref<80xi32, #tpu.memory_space<vmem>>
      %dma_wait3A_110 = arith.constant 0 : i32
      %dma_wait3A_111 = arith.constant 0 : i32
      %dma_wait3A_112 = tpu.memref_slice %arg2[%dma_wait3A_110, %dma_wait3A_111] : memref<20000x128xf32, #tpu.memory_space<hbm>> -> memref<20000x128xf32, #tpu.memory_space<hbm>>
      tpu.wait_indirect_dma semaphore(%arg14 : memref<!tpu.dma_semaphore, #tpu.memory_space<semaphore_mem>>) src(%dma_wait3A_112 : memref<20000x128xf32, #tpu.memory_space<hbm>>) dst(%arg10 : memref<80x128xf32, #tpu.memory_space<vmem>>)
      %add3A_113 = arith.constant 2 : i32
      %add3A_114 = arith.addi %mul3A_72, %add3A_113 : i32
      %mul3A_115 = arith.constant 80 : i32
      %mul3A_116 = arith.muli %add3A_114, %mul3A_115 : i32
      %dma_start3A_117 = tpu.memref_slice %arg7[%mul3A_116] : memref<10000xi32, #tpu.memory_space<vmem>> -> memref<80xi32, #tpu.memory_space<vmem>>
      %dma_start3A_118 = arith.constant 0 : i32
      %dma_start3A_119 = arith.constant 0 : i32
      %dma_start3A_120 = tpu.memref_slice %arg11[%dma_start3A_118, %dma_start3A_119] : memref<10000x128xf32, #tpu.memory_space<vmem_shared>> -> memref<10000x128xf32, #tpu.memory_space<vmem_shared>>
      tpu.enqueue_indirect_dma source(%arg10 : memref<80x128xf32, #tpu.memory_space<vmem>>) target(%dma_start3A_120 : memref<10000x128xf32, #tpu.memory_space<vmem_shared>>) offsets(%dma_start3A_117 : memref<80xi32, #tpu.memory_space<vmem>>) semaphore(%arg17 : memref<!tpu.dma_semaphore, #tpu.memory_space<semaphore_mem>>) {add = true}
      %add3A_121 = arith.constant 0 : i32
      %add3A_122 = arith.addi %mul3A_72, %add3A_121 : i32
      %mul3A_123 = arith.constant 80 : i32
      %mul3A_124 = arith.muli %add3A_122, %mul3A_123 : i32
      %dma_wait3A_125 = tpu.memref_slice %arg7[%mul3A_124] : memref<10000xi32, #tpu.memory_space<vmem>> -> memref<80xi32, #tpu.memory_space<vmem>>
      %dma_wait3A_126 = arith.constant 0 : i32
      %dma_wait3A_127 = arith.constant 0 : i32
      %dma_wait3A_128 = tpu.memref_slice %arg11[%dma_wait3A_126, %dma_wait3A_127] : memref<10000x128xf32, #tpu.memory_space<vmem_shared>> -> memref<10000x128xf32, #tpu.memory_space<vmem_shared>>
      tpu.wait_indirect_dma semaphore(%arg15 : memref<!tpu.dma_semaphore, #tpu.memory_space<semaphore_mem>>) src(%arg8 : memref<80x128xf32, #tpu.memory_space<vmem>>) dst(%dma_wait3A_128 : memref<10000x128xf32, #tpu.memory_space<vmem_shared>>)
      %add3A_129 = arith.constant 0 : i32
      %add3A_130 = arith.addi %mul3A_72, %add3A_129 : i32
      %add3A_131 = arith.constant 3 : i32
      %add3A_132 = arith.addi %add3A_130, %add3A_131 : i32
      %lt3A_133 = arith.constant 125 : i32
      %lt3A_134 = arith.cmpi slt, %add3A_132, %lt3A_133 : i32
      %convert_element_type3A_135 = arith.extui %lt3A_134 : i1 to i32
      %cond3A_136 = arith.constant 0 : i32
      %cond3A_137 = arith.cmpi ne, %convert_element_type3A_135, %cond3A_136 : i32
      scf.if %cond3A_137 {
        %add3A_172 = arith.constant 0 : i32
        %add3A_173 = arith.addi %mul3A_72, %add3A_172 : i32
        %add3A_174 = arith.constant 3 : i32
        %add3A_175 = arith.addi %add3A_173, %add3A_174 : i32
        %mul3A_176 = arith.constant 80 : i32
        %mul3A_177 = arith.muli %add3A_175, %mul3A_176 : i32
        %dma_start3A_178 = tpu.memref_slice %arg6[%mul3A_177] : memref<10000xi32, #tpu.memory_space<vmem>> -> memref<80xi32, #tpu.memory_space<vmem>>
        %dma_start3A_179 = arith.constant 0 : i32
        %dma_start3A_180 = arith.constant 0 : i32
        %dma_start3A_181 = tpu.memref_slice %arg2[%dma_start3A_179, %dma_start3A_180] : memref<20000x128xf32, #tpu.memory_space<hbm>> -> memref<20000x128xf32, #tpu.memory_space<hbm>>
        tpu.enqueue_indirect_dma source(%dma_start3A_181 : memref<20000x128xf32, #tpu.memory_space<hbm>>) target(%arg8 : memref<80x128xf32, #tpu.memory_space<vmem>>) offsets(%dma_start3A_178 : memref<80xi32, #tpu.memory_space<vmem>>) semaphore(%arg12 : memref<!tpu.dma_semaphore, #tpu.memory_space<semaphore_mem>>)
      } else {
      }
      %add3A_138 = arith.constant 1 : i32
      %add3A_139 = arith.addi %mul3A_72, %add3A_138 : i32
      %mul3A_140 = arith.constant 80 : i32
      %mul3A_141 = arith.muli %add3A_139, %mul3A_140 : i32
      %dma_wait3A_142 = tpu.memref_slice %arg7[%mul3A_141] : memref<10000xi32, #tpu.memory_space<vmem>> -> memref<80xi32, #tpu.memory_space<vmem>>
      %dma_wait3A_143 = arith.constant 0 : i32
      %dma_wait3A_144 = arith.constant 0 : i32
      %dma_wait3A_145 = tpu.memref_slice %arg11[%dma_wait3A_143, %dma_wait3A_144] : memref<10000x128xf32, #tpu.memory_space<vmem_shared>> -> memref<10000x128xf32, #tpu.memory_space<vmem_shared>>
      tpu.wait_indirect_dma semaphore(%arg16 : memref<!tpu.dma_semaphore, #tpu.memory_space<semaphore_mem>>) src(%arg9 : memref<80x128xf32, #tpu.memory_space<vmem>>) dst(%dma_wait3A_145 : memref<10000x128xf32, #tpu.memory_space<vmem_shared>>)
      %add3A_146 = arith.constant 1 : i32
      %add3A_147 = arith.addi %mul3A_72, %add3A_146 : i32
      %add3A_148 = arith.constant 3 : i32
      %add3A_149 = arith.addi %add3A_147, %add3A_148 : i32
      %lt3A_150 = arith.constant 125 : i32
      %lt3A_151 = arith.cmpi slt, %add3A_149, %lt3A_150 : i32
      %convert_element_type3A_152 = arith.extui %lt3A_151 : i1 to i32
      %cond3A_153 = arith.constant 0 : i32
      %cond3A_154 = arith.cmpi ne, %convert_element_type3A_152, %cond3A_153 : i32
      scf.if %cond3A_154 {
        %add3A_172 = arith.constant 1 : i32
        %add3A_173 = arith.addi %mul3A_72, %add3A_172 : i32
        %add3A_174 = arith.constant 3 : i32
        %add3A_175 = arith.addi %add3A_173, %add3A_174 : i32
        %mul3A_176 = arith.constant 80 : i32
        %mul3A_177 = arith.muli %add3A_175, %mul3A_176 : i32
        %dma_start3A_178 = tpu.memref_slice %arg6[%mul3A_177] : memref<10000xi32, #tpu.memory_space<vmem>> -> memref<80xi32, #tpu.memory_space<vmem>>
        %dma_start3A_179 = arith.constant 0 : i32
        %dma_start3A_180 = arith.constant 0 : i32
        %dma_start3A_181 = tpu.memref_slice %arg2[%dma_start3A_179, %dma_start3A_180] : memref<20000x128xf32, #tpu.memory_space<hbm>> -> memref<20000x128xf32, #tpu.memory_space<hbm>>
        tpu.enqueue_indirect_dma source(%dma_start3A_181 : memref<20000x128xf32, #tpu.memory_space<hbm>>) target(%arg9 : memref<80x128xf32, #tpu.memory_space<vmem>>) offsets(%dma_start3A_178 : memref<80xi32, #tpu.memory_space<vmem>>) semaphore(%arg13 : memref<!tpu.dma_semaphore, #tpu.memory_space<semaphore_mem>>)
      } else {
      }
      %add3A_155 = arith.constant 2 : i32
      %add3A_156 = arith.addi %mul3A_72, %add3A_155 : i32
      %mul3A_157 = arith.constant 80 : i32
      %mul3A_158 = arith.muli %add3A_156, %mul3A_157 : i32
      %dma_wait3A_159 = tpu.memref_slice %arg7[%mul3A_158] : memref<10000xi32, #tpu.memory_space<vmem>> -> memref<80xi32, #tpu.memory_space<vmem>>
      %dma_wait3A_160 = arith.constant 0 : i32
      %dma_wait3A_161 = arith.constant 0 : i32
      %dma_wait3A_162 = tpu.memref_slice %arg11[%dma_wait3A_160, %dma_wait3A_161] : memref<10000x128xf32, #tpu.memory_space<vmem_shared>> -> memref<10000x128xf32, #tpu.memory_space<vmem_shared>>
      tpu.wait_indirect_dma semaphore(%arg17 : memref<!tpu.dma_semaphore, #tpu.memory_space<semaphore_mem>>) src(%arg10 : memref<80x128xf32, #tpu.memory_space<vmem>>) dst(%dma_wait3A_162 : memref<10000x128xf32, #tpu.memory_space<vmem_shared>>)
      %add3A_163 = arith.constant 2 : i32
      %add3A_164 = arith.addi %mul3A_72, %add3A_163 : i32
      %add3A_165 = arith.constant 3 : i32
      %add3A_166 = arith.addi %add3A_164, %add3A_165 : i32
      %lt3A_167 = arith.constant 125 : i32
      %lt3A_168 = arith.cmpi slt, %add3A_166, %lt3A_167 : i32
      %convert_element_type3A_169 = arith.extui %lt3A_168 : i1 to i32
      %cond3A_170 = arith.constant 0 : i32
      %cond3A_171 = arith.cmpi ne, %convert_element_type3A_169, %cond3A_170 : i32
      scf.if %cond3A_171 {
        %add3A_172 = arith.constant 2 : i32
        %add3A_173 = arith.addi %mul3A_72, %add3A_172 : i32
        %add3A_174 = arith.constant 3 : i32
        %add3A_175 = arith.addi %add3A_173, %add3A_174 : i32
        %mul3A_176 = arith.constant 80 : i32
        %mul3A_177 = arith.muli %add3A_175, %mul3A_176 : i32
        %dma_start3A_178 = tpu.memref_slice %arg6[%mul3A_177] : memref<10000xi32, #tpu.memory_space<vmem>> -> memref<80xi32, #tpu.memory_space<vmem>>
        %dma_start3A_179 = arith.constant 0 : i32
        %dma_start3A_180 = arith.constant 0 : i32
        %dma_start3A_181 = tpu.memref_slice %arg2[%dma_start3A_179, %dma_start3A_180] : memref<20000x128xf32, #tpu.memory_space<hbm>> -> memref<20000x128xf32, #tpu.memory_space<hbm>>
        tpu.enqueue_indirect_dma source(%dma_start3A_181 : memref<20000x128xf32, #tpu.memory_space<hbm>>) target(%arg10 : memref<80x128xf32, #tpu.memory_space<vmem>>) offsets(%dma_start3A_178 : memref<80xi32, #tpu.memory_space<vmem>>) semaphore(%arg14 : memref<!tpu.dma_semaphore, #tpu.memory_space<semaphore_mem>>)
      } else {
      }
    }
    %scan3A_49 = arith.constant 41 : i32
    %dma_wait3A_50 = arith.constant 9840 : i32
    %dma_wait3A_51 = tpu.memref_slice %arg6[%dma_wait3A_50] : memref<10000xi32, #tpu.memory_space<vmem>> -> memref<80xi32, #tpu.memory_space<vmem>>
    %dma_wait3A_52 = arith.constant 0 : i32
    %dma_wait3A_53 = arith.constant 0 : i32
    %dma_wait3A_54 = tpu.memref_slice %arg2[%dma_wait3A_52, %dma_wait3A_53] : memref<20000x128xf32, #tpu.memory_space<hbm>> -> memref<20000x128xf32, #tpu.memory_space<hbm>>
    tpu.wait_indirect_dma semaphore(%arg12 : memref<!tpu.dma_semaphore, #tpu.memory_space<semaphore_mem>>) src(%dma_wait3A_54 : memref<20000x128xf32, #tpu.memory_space<hbm>>) dst(%arg8 : memref<80x128xf32, #tpu.memory_space<vmem>>)
    "tpu.region"() ({
      %run_scoped3A = tpu.sem_alloc : memref<!tpu.dma_semaphore, #tpu.memory_space<semaphore_mem>>
      %dma_start3A_66 = arith.constant 9840 : i32
      %dma_start3A_67 = tpu.memref_slice %arg7[%dma_start3A_66] : memref<10000xi32, #tpu.memory_space<vmem>> -> memref<80xi32, #tpu.memory_space<vmem>>
      %dma_start3A_68 = arith.constant 0 : i32
      %dma_start3A_69 = arith.constant 0 : i32
      %dma_start3A_70 = tpu.memref_slice %arg11[%dma_start3A_68, %dma_start3A_69] : memref<10000x128xf32, #tpu.memory_space<vmem_shared>> -> memref<10000x128xf32, #tpu.memory_space<vmem_shared>>
      tpu.enqueue_indirect_dma source(%arg8 : memref<80x128xf32, #tpu.memory_space<vmem>>) target(%dma_start3A_70 : memref<10000x128xf32, #tpu.memory_space<vmem_shared>>) offsets(%dma_start3A_67 : memref<80xi32, #tpu.memory_space<vmem>>) semaphore(%run_scoped3A : memref<!tpu.dma_semaphore, #tpu.memory_space<semaphore_mem>>) {add = true}
      %dma_wait3A_71 = arith.constant 9840 : i32
      %dma_wait3A_72 = tpu.memref_slice %arg7[%dma_wait3A_71] : memref<10000xi32, #tpu.memory_space<vmem>> -> memref<80xi32, #tpu.memory_space<vmem>>
      %dma_wait3A_73 = arith.constant 0 : i32
      %dma_wait3A_74 = arith.constant 0 : i32
      %dma_wait3A_75 = tpu.memref_slice %arg11[%dma_wait3A_73, %dma_wait3A_74] : memref<10000x128xf32, #tpu.memory_space<vmem_shared>> -> memref<10000x128xf32, #tpu.memory_space<vmem_shared>>
      tpu.wait_indirect_dma semaphore(%run_scoped3A : memref<!tpu.dma_semaphore, #tpu.memory_space<semaphore_mem>>) src(%arg8 : memref<80x128xf32, #tpu.memory_space<vmem>>) dst(%dma_wait3A_75 : memref<10000x128xf32, #tpu.memory_space<vmem_shared>>)
      tpu.yield
    }) : () -> ()
    %dma_wait3A_55 = arith.constant 9920 : i32
    %dma_wait3A_56 = tpu.memref_slice %arg6[%dma_wait3A_55] : memref<10000xi32, #tpu.memory_space<vmem>> -> memref<80xi32, #tpu.memory_space<vmem>>
    %dma_wait3A_57 = arith.constant 0 : i32
    %dma_wait3A_58 = arith.constant 0 : i32
    %dma_wait3A_59 = tpu.memref_slice %arg2[%dma_wait3A_57, %dma_wait3A_58] : memref<20000x128xf32, #tpu.memory_space<hbm>> -> memref<20000x128xf32, #tpu.memory_space<hbm>>
    tpu.wait_indirect_dma semaphore(%arg13 : memref<!tpu.dma_semaphore, #tpu.memory_space<semaphore_mem>>) src(%dma_wait3A_59 : memref<20000x128xf32, #tpu.memory_space<hbm>>) dst(%arg9 : memref<80x128xf32, #tpu.memory_space<vmem>>)
    "tpu.region"() ({
      %run_scoped3A = tpu.sem_alloc : memref<!tpu.dma_semaphore, #tpu.memory_space<semaphore_mem>>
      %dma_start3A_66 = arith.constant 9920 : i32
      %dma_start3A_67 = tpu.memref_slice %arg7[%dma_start3A_66] : memref<10000xi32, #tpu.memory_space<vmem>> -> memref<80xi32, #tpu.memory_space<vmem>>
      %dma_start3A_68 = arith.constant 0 : i32
      %dma_start3A_69 = arith.constant 0 : i32
      %dma_start3A_70 = tpu.memref_slice %arg11[%dma_start3A_68, %dma_start3A_69] : memref<10000x128xf32, #tpu.memory_space<vmem_shared>> -> memref<10000x128xf32, #tpu.memory_space<vmem_shared>>
      tpu.enqueue_indirect_dma source(%arg9 : memref<80x128xf32, #tpu.memory_space<vmem>>) target(%dma_start3A_70 : memref<10000x128xf32, #tpu.memory_space<vmem_shared>>) offsets(%dma_start3A_67 : memref<80xi32, #tpu.memory_space<vmem>>) semaphore(%run_scoped3A : memref<!tpu.dma_semaphore, #tpu.memory_space<semaphore_mem>>) {add = true}
      %dma_wait3A_71 = arith.constant 9920 : i32
      %dma_wait3A_72 = tpu.memref_slice %arg7[%dma_wait3A_71] : memref<10000xi32, #tpu.memory_space<vmem>> -> memref<80xi32, #tpu.memory_space<vmem>>
      %dma_wait3A_73 = arith.constant 0 : i32
      %dma_wait3A_74 = arith.constant 0 : i32
      %dma_wait3A_75 = tpu.memref_slice %arg11[%dma_wait3A_73, %dma_wait3A_74] : memref<10000x128xf32, #tpu.memory_space<vmem_shared>> -> memref<10000x128xf32, #tpu.memory_space<vmem_shared>>
      tpu.wait_indirect_dma semaphore(%run_scoped3A : memref<!tpu.dma_semaphore, #tpu.memory_space<semaphore_mem>>) src(%arg9 : memref<80x128xf32, #tpu.memory_space<vmem>>) dst(%dma_wait3A_75 : memref<10000x128xf32, #tpu.memory_space<vmem_shared>>)
      tpu.yield
    }) : () -> ()
    %barrier3A_60 = arith.constant 0 : index
    tpu.barrier barrier_id(%barrier3A_60)
    %lt3A_61 = arith.constant 10 : i32
    %lt3A_62 = arith.cmpi slt, %arg1, %lt3A_61 : i32
    %convert_element_type3A_63 = arith.extui %lt3A_62 : i1 to i32
    %cond3A_64 = arith.constant 0 : i32
    %cond3A_65 = arith.cmpi ne, %convert_element_type3A_63, %cond3A_64 : i32
    scf.if %cond3A_65 {
      %mul3A_66 = arith.constant 1000 : i32
      %mul3A_67 = arith.muli %arg1, %mul3A_66 : i32
      %mul3A_68 = arith.constant 10000 : i32
      %mul3A_69 = arith.muli %arg0, %mul3A_68 : i32
      %mul3A_70 = arith.constant 1000 : i32
      %mul3A_71 = arith.muli %arg1, %mul3A_70 : i32
      %add3A_72 = arith.addi %mul3A_69, %mul3A_71 : i32
      "tpu.region"() ({
        %run_scoped3A = tpu.sem_alloc : memref<!tpu.dma_semaphore, #tpu.memory_space<semaphore_mem>>
        %dma_start3A_73 = arith.constant 0 : i32
        %dma_start3A_74 = tpu.memref_slice %arg5[%add3A_72, %dma_start3A_73] : memref<20000x128xf32, #tpu.memory_space<hbm>> -> memref<1000x128xf32, #tpu.memory_space<hbm>>
        %dma_start3A_75 = arith.constant 0 : i32
        %dma_start3A_76 = tpu.memref_slice %arg11[%mul3A_67, %dma_start3A_75] : memref<10000x128xf32, #tpu.memory_space<vmem_shared>> -> memref<1000x128xf32, #tpu.memory_space<vmem_shared>>
        tpu.enqueue_dma source(%dma_start3A_76 : memref<1000x128xf32, #tpu.memory_space<vmem_shared>>) target(%dma_start3A_74 : memref<1000x128xf32, #tpu.memory_space<hbm>>) target_semaphore(%run_scoped3A : memref<!tpu.dma_semaphore, #tpu.memory_space<semaphore_mem>>)
        %dma_wait3A_77 = arith.constant 0 : i32
        %dma_wait3A_78 = tpu.memref_slice %arg5[%add3A_72, %dma_wait3A_77] : memref<20000x128xf32, #tpu.memory_space<hbm>> -> memref<1000x128xf32, #tpu.memory_space<hbm>>
        %dma_wait3A_79 = arith.constant 0 : i32
        %dma_wait3A_80 = tpu.memref_slice %arg11[%mul3A_67, %dma_wait3A_79] : memref<10000x128xf32, #tpu.memory_space<vmem_shared>> -> memref<1000x128xf32, #tpu.memory_space<vmem_shared>>
        tpu.wait_dma2 semaphore(%run_scoped3A : memref<!tpu.dma_semaphore, #tpu.memory_space<semaphore_mem>>) src(%dma_wait3A_80 : memref<1000x128xf32, #tpu.memory_space<vmem_shared>>) dst(%dma_wait3A_78 : memref<1000x128xf32, #tpu.memory_space<hbm>>)
        tpu.yield
      }) : () -> ()
    } else {
    }
    return
  }
}

#map = affine_map<(d0, d1) -> (0, 0)>
#map1 = affine_map<(d0, d1) -> (0)>
module attributes {stable_mosaic.version = 14 : i64} {
  func.func @_segsum_body(%arg0: i32, %arg1: i32, %arg2: memref<20000x128xf32, #tpu.memory_space<hbm>>, %arg3: memref<1280000xi32, #tpu.memory_space<hbm>>, %arg4: memref<10000x128xf32, #tpu.memory_space<hbm>>, %arg5: memref<20000x128xf32, #tpu.memory_space<hbm>>, %arg6: memref<10000xi32, #tpu.memory_space<vmem>>, %arg7: memref<10000xi32, #tpu.memory_space<vmem>>, %arg8: memref<80x128xf32, #tpu.memory_space<vmem>>, %arg9: memref<80x128xf32, #tpu.memory_space<vmem>>, %arg10: memref<80x128xf32, #tpu.memory_space<vmem>>, %arg11: memref<10000x128xf32, #tpu.memory_space<vmem_shared>>, %arg12: memref<!tpu.dma_semaphore, #tpu.memory_space<semaphore_mem>>, %arg13: memref<!tpu.dma_semaphore, #tpu.memory_space<semaphore_mem>>, %arg14: memref<!tpu.dma_semaphore, #tpu.memory_space<semaphore_mem>>, %arg15: memref<!tpu.dma_semaphore, #tpu.memory_space<semaphore_mem>>, %arg16: memref<!tpu.dma_semaphore, #tpu.memory_space<semaphore_mem>>, %arg17: memref<!tpu.dma_semaphore, #tpu.memory_space<semaphore_mem>>) attributes {dimension_semantics = [#tpu.dimension_semantics<core_parallel>, #tpu.dimension_semantics<subcore_parallel>], iteration_bounds = array<i64: 2, 16>, scalar_prefetch = 0 : i64, scratch_operands = 12 : i64, tpu.core_type = #tpu.core_type<sc_vector_subcore>, window_params = [{transform_indices = #map}, {transform_indices = #map1}, {transform_indices = #map}, {transform_indices = #map}]} {
    %add3A = arith.constant 2 : i32
    %add3A_0 = arith.addi %add3A, %arg0 : i32
    %mul3A = arith.constant 2 : i32
    %mul3A_1 = arith.muli %add3A_0, %mul3A : i32
    %mul3A_2 = arith.constant 160000 : i32
    %mul3A_3 = arith.muli %mul3A_1, %mul3A_2 : i32
    %mul3A_4 = arith.constant 10000 : i32
    %mul3A_5 = arith.muli %arg1, %mul3A_4 : i32
    %add3A_6 = arith.addi %mul3A_3, %mul3A_5 : i32
    %dma_start3A = tpu.memref_slice %arg3[%add3A_6] : memref<1280000xi32, #tpu.memory_space<hbm>> -> memref<10000xi32, #tpu.memory_space<hbm>>
    %dma_start3A_7 = tpu.memref_slice %arg3[%add3A_6] : memref<1280000xi32, #tpu.memory_space<hbm>> -> memref<10000xi32, #tpu.memory_space<hbm>>
    tpu.enqueue_dma source(%dma_start3A_7 : memref<10000xi32, #tpu.memory_space<hbm>>) target(%arg6 : memref<10000xi32, #tpu.memory_space<vmem>>) target_semaphore(%arg12 : memref<!tpu.dma_semaphore, #tpu.memory_space<semaphore_mem>>)
    %add3A_8 = arith.constant 160000 : i32
    %add3A_9 = arith.addi %add3A_6, %add3A_8 : i32
    %dma_start3A_10 = tpu.memref_slice %arg3[%add3A_9] : memref<1280000xi32, #tpu.memory_space<hbm>> -> memref<10000xi32, #tpu.memory_space<hbm>>
    %dma_start3A_11 = tpu.memref_slice %arg3[%add3A_9] : memref<1280000xi32, #tpu.memory_space<hbm>> -> memref<10000xi32, #tpu.memory_space<hbm>>
    tpu.enqueue_dma source(%dma_start3A_11 : memref<10000xi32, #tpu.memory_space<hbm>>) target(%arg7 : memref<10000xi32, #tpu.memory_space<vmem>>) target_semaphore(%arg13 : memref<!tpu.dma_semaphore, #tpu.memory_space<semaphore_mem>>)
    %lt3A = arith.constant 10 : i32
    %lt3A_12 = arith.cmpi slt, %arg1, %lt3A : i32
    %convert_element_type3A = arith.extui %lt3A_12 : i1 to i32
    %cond3A = arith.constant 0 : i32
    %cond3A_13 = arith.cmpi ne, %convert_element_type3A, %cond3A : i32
    scf.if %cond3A_13 {
      %mul3A_66 = arith.constant 1000 : i32
      %mul3A_67 = arith.muli %arg1, %mul3A_66 : i32
      %mul3A_68 = arith.constant 1000 : i32
      %mul3A_69 = arith.muli %arg1, %mul3A_68 : i32
      %dma_start3A_70 = arith.constant 0 : i32
      %dma_start3A_71 = tpu.memref_slice %arg11[%mul3A_69, %dma_start3A_70] : memref<10000x128xf32, #tpu.memory_space<vmem_shared>> -> memref<1000x128xf32, #tpu.memory_space<vmem_shared>>
      %dma_start3A_72 = arith.constant 0 : i32
      %dma_start3A_73 = tpu.memref_slice %arg4[%mul3A_67, %dma_start3A_72] : memref<10000x128xf32, #tpu.memory_space<hbm>> -> memref<1000x128xf32, #tpu.memory_space<hbm>>
      tpu.enqueue_dma source(%dma_start3A_73 : memref<1000x128xf32, #tpu.memory_space<hbm>>) target(%dma_start3A_71 : memref<1000x128xf32, #tpu.memory_space<vmem_shared>>) target_semaphore(%arg14 : memref<!tpu.dma_semaphore, #tpu.memory_space<semaphore_mem>>)
    } else {
    }
    %dma_wait3A = tpu.memref_slice %arg3[%add3A_6] : memref<1280000xi32, #tpu.memory_space<hbm>> -> memref<10000xi32, #tpu.memory_space<hbm>>
    %dma_wait3A_14 = tpu.memref_slice %arg3[%add3A_6] : memref<1280000xi32, #tpu.memory_space<hbm>> -> memref<10000xi32, #tpu.memory_space<hbm>>
    tpu.wait_dma2 semaphore(%arg12 : memref<!tpu.dma_semaphore, #tpu.memory_space<semaphore_mem>>) src(%dma_wait3A_14 : memref<10000xi32, #tpu.memory_space<hbm>>) dst(%arg6 : memref<10000xi32, #tpu.memory_space<vmem>>)
    %mul3A_15 = arith.constant 10000 : i32
    %mul3A_16 = arith.muli %arg0, %mul3A_15 : i32
    %scan3A = arith.constant 0 : i32
    %scan3A_17 = arith.constant 625 : i32
    %scan3A_18 = arith.addi %scan3A, %scan3A_17 : i32
    %scan3A_19 = arith.constant 1 : i32
    scf.for %scan3A_66 = %scan3A to %scan3A_18 step %scan3A_19  : i32 {
      %mul3A_67 = arith.constant 1 : i32
      %mul3A_68 = arith.muli %scan3A_66, %mul3A_67 : i32
      %add3A_69 = arith.constant 0 : i32
      %add3A_70 = arith.addi %add3A_69, %mul3A_68 : i32
      %mul3A_71 = arith.constant 16 : i32
      %mul3A_72 = arith.muli %add3A_70, %mul3A_71 : i32
      %get3A = arith.index_cast %mul3A_72 : i32 to index
      %get3A_73 = tpu.vector_load %arg6[%get3A] {strides = array<i32>} : memref<10000xi32, #tpu.memory_space<vmem>>, vector<16xi32>,
      %get3A_74 = vector.shape_cast %get3A_73 : vector<16xi32> to vector<16xi32>
      %add3A_75 = vector.broadcast %mul3A_16 : i32 to vector<16xi32>
      %add3A_76 = arith.addi %get3A_74, %add3A_75 : vector<16xi32>
      %mul3A_77 = arith.constant 16 : i32
      %mul3A_78 = arith.muli %add3A_70, %mul3A_77 : i32
      %swap3A = arith.index_cast %mul3A_78 : i32 to index
      %swap3A_79 = tpu.vector_load %arg6[%swap3A] {strides = array<i32>} : memref<10000xi32, #tpu.memory_space<vmem>>, vector<16xi32>,
      %swap3A_80 = vector.shape_cast %swap3A_79 : vector<16xi32> to vector<16xi32>
      %swap3A_81 = vector.shape_cast %add3A_76 : vector<16xi32> to vector<16xi32>
      tpu.vector_store %arg6[%swap3A], %swap3A_81 {strides = array<i32>} : memref<10000xi32, #tpu.memory_space<vmem>>, vector<16xi32>,
    }
    %scan3A_20 = arith.constant 625 : i32
    %add3A_21 = arith.constant 160000 : i32
    %add3A_22 = arith.addi %add3A_6, %add3A_21 : i32
    %dma_wait3A_23 = tpu.memref_slice %arg3[%add3A_22] : memref<1280000xi32, #tpu.memory_space<hbm>> -> memref<10000xi32, #tpu.memory_space<hbm>>
    %dma_wait3A_24 = tpu.memref_slice %arg3[%add3A_22] : memref<1280000xi32, #tpu.memory_space<hbm>> -> memref<10000xi32, #tpu.memory_space<hbm>>
    tpu.wait_dma2 semaphore(%arg13 : memref<!tpu.dma_semaphore, #tpu.memory_space<semaphore_mem>>) src(%dma_wait3A_24 : memref<10000xi32, #tpu.memory_space<hbm>>) dst(%arg7 : memref<10000xi32, #tpu.memory_space<vmem>>)
    %lt3A_25 = arith.constant 10 : i32
    %lt3A_26 = arith.cmpi slt, %arg1, %lt3A_25 : i32
    %convert_element_type3A_27 = arith.extui %lt3A_26 : i1 to i32
    %cond3A_28 = arith.constant 0 : i32
    %cond3A_29 = arith.cmpi ne, %convert_element_type3A_27, %cond3A_28 : i32
    scf.if %cond3A_29 {
      %mul3A_66 = arith.constant 1000 : i32
      %mul3A_67 = arith.muli %arg1, %mul3A_66 : i32
      %mul3A_68 = arith.constant 1000 : i32
      %mul3A_69 = arith.muli %arg1, %mul3A_68 : i32
      %dma_wait3A_70 = arith.constant 0 : i32
      %dma_wait3A_71 = tpu.memref_slice %arg11[%mul3A_69, %dma_wait3A_70] : memref<10000x128xf32, #tpu.memory_space<vmem_shared>> -> memref<1000x128xf32, #tpu.memory_space<vmem_shared>>
      %dma_wait3A_72 = arith.constant 0 : i32
      %dma_wait3A_73 = tpu.memref_slice %arg4[%mul3A_67, %dma_wait3A_72] : memref<10000x128xf32, #tpu.memory_space<hbm>> -> memref<1000x128xf32, #tpu.memory_space<hbm>>
      tpu.wait_dma2 semaphore(%arg14 : memref<!tpu.dma_semaphore, #tpu.memory_space<semaphore_mem>>) src(%dma_wait3A_73 : memref<1000x128xf32, #tpu.memory_space<hbm>>) dst(%dma_wait3A_71 : memref<1000x128xf32, #tpu.memory_space<vmem_shared>>)
    } else {
    }
    %barrier3A = arith.constant 0 : index
    tpu.barrier barrier_id(%barrier3A)
    %dma_start3A_30 = arith.constant 0 : i32
    %dma_start3A_31 = tpu.memref_slice %arg6[%dma_start3A_30] : memref<10000xi32, #tpu.memory_space<vmem>> -> memref<80xi32, #tpu.memory_space<vmem>>
    %dma_start3A_32 = arith.constant 0 : i32
    %dma_start3A_33 = arith.constant 0 : i32
    %dma_start3A_34 = tpu.memref_slice %arg2[%dma_start3A_32, %dma_start3A_33] : memref<20000x128xf32, #tpu.memory_space<hbm>> -> memref<20000x128xf32, #tpu.memory_space<hbm>>
    tpu.enqueue_indirect_dma source(%dma_start3A_34 : memref<20000x128xf32, #tpu.memory_space<hbm>>) target(%arg8 : memref<80x128xf32, #tpu.memory_space<vmem>>) offsets(%dma_start3A_31 : memref<80xi32, #tpu.memory_space<vmem>>) semaphore(%arg12 : memref<!tpu.dma_semaphore, #tpu.memory_space<semaphore_mem>>)
    %dma_start3A_35 = arith.constant 80 : i32
    %dma_start3A_36 = tpu.memref_slice %arg6[%dma_start3A_35] : memref<10000xi32, #tpu.memory_space<vmem>> -> memref<80xi32, #tpu.memory_space<vmem>>
    %dma_start3A_37 = arith.constant 0 : i32
    %dma_start3A_38 = arith.constant 0 : i32
    %dma_start3A_39 = tpu.memref_slice %arg2[%dma_start3A_37, %dma_start3A_38] : memref<20000x128xf32, #tpu.memory_space<hbm>> -> memref<20000x128xf32, #tpu.memory_space<hbm>>
    tpu.enqueue_indirect_dma source(%dma_start3A_39 : memref<20000x128xf32, #tpu.memory_space<hbm>>) target(%arg9 : memref<80x128xf32, #tpu.memory_space<vmem>>) offsets(%dma_start3A_36 : memref<80xi32, #tpu.memory_space<vmem>>) semaphore(%arg13 : memref<!tpu.dma_semaphore, #tpu.memory_space<semaphore_mem>>)
    %dma_start3A_40 = arith.constant 160 : i32
    %dma_start3A_41 = tpu.memref_slice %arg6[%dma_start3A_40] : memref<10000xi32, #tpu.memory_space<vmem>> -> memref<80xi32, #tpu.memory_space<vmem>>
    %dma_start3A_42 = arith.constant 0 : i32
    %dma_start3A_43 = arith.constant 0 : i32
    %dma_start3A_44 = tpu.memref_slice %arg2[%dma_start3A_42, %dma_start3A_43] : memref<20000x128xf32, #tpu.memory_space<hbm>> -> memref<20000x128xf32, #tpu.memory_space<hbm>>
    tpu.enqueue_indirect_dma source(%dma_start3A_44 : memref<20000x128xf32, #tpu.memory_space<hbm>>) target(%arg10 : memref<80x128xf32, #tpu.memory_space<vmem>>) offsets(%dma_start3A_41 : memref<80xi32, #tpu.memory_space<vmem>>) semaphore(%arg14 : memref<!tpu.dma_semaphore, #tpu.memory_space<semaphore_mem>>)
    %scan3A_45 = arith.constant 0 : i32
    %scan3A_46 = arith.constant 41 : i32
    %scan3A_47 = arith.addi %scan3A_45, %scan3A_46 : i32
    %scan3A_48 = arith.constant 1 : i32
    scf.for %scan3A_66 = %scan3A_45 to %scan3A_47 step %scan3A_48  : i32 {
      %mul3A_67 = arith.constant 1 : i32
      %mul3A_68 = arith.muli %scan3A_66, %mul3A_67 : i32
      %add3A_69 = arith.constant 0 : i32
      %add3A_70 = arith.addi %add3A_69, %mul3A_68 : i32
      %mul3A_71 = arith.constant 3 : i32
      %mul3A_72 = arith.muli %mul3A_71, %add3A_70 : i32
      %add3A_73 = arith.constant 0 : i32
      %add3A_74 = arith.addi %mul3A_72, %add3A_73 : i32
      %mul3A_75 = arith.constant 80 : i32
      %mul3A_76 = arith.muli %add3A_74, %mul3A_75 : i32
      %dma_wait3A_77 = tpu.memref_slice %arg6[%mul3A_76] : memref<10000xi32, #tpu.memory_space<vmem>> -> memref<80xi32, #tpu.memory_space<vmem>>
      %dma_wait3A_78 = arith.constant 0 : i32
      %dma_wait3A_79 = arith.constant 0 : i32
      %dma_wait3A_80 = tpu.memref_slice %arg2[%dma_wait3A_78, %dma_wait3A_79] : memref<20000x128xf32, #tpu.memory_space<hbm>> -> memref<20000x128xf32, #tpu.memory_space<hbm>>
      tpu.wait_indirect_dma semaphore(%arg12 : memref<!tpu.dma_semaphore, #tpu.memory_space<semaphore_mem>>) src(%dma_wait3A_80 : memref<20000x128xf32, #tpu.memory_space<hbm>>) dst(%arg8 : memref<80x128xf32, #tpu.memory_space<vmem>>)
      %add3A_81 = arith.constant 0 : i32
      %add3A_82 = arith.addi %mul3A_72, %add3A_81 : i32
      %mul3A_83 = arith.constant 80 : i32
      %mul3A_84 = arith.muli %add3A_82, %mul3A_83 : i32
      %dma_start3A_85 = tpu.memref_slice %arg7[%mul3A_84] : memref<10000xi32, #tpu.memory_space<vmem>> -> memref<80xi32, #tpu.memory_space<vmem>>
      %dma_start3A_86 = arith.constant 0 : i32
      %dma_start3A_87 = arith.constant 0 : i32
      %dma_start3A_88 = tpu.memref_slice %arg11[%dma_start3A_86, %dma_start3A_87] : memref<10000x128xf32, #tpu.memory_space<vmem_shared>> -> memref<10000x128xf32, #tpu.memory_space<vmem_shared>>
      tpu.enqueue_indirect_dma source(%arg8 : memref<80x128xf32, #tpu.memory_space<vmem>>) target(%dma_start3A_88 : memref<10000x128xf32, #tpu.memory_space<vmem_shared>>) offsets(%dma_start3A_85 : memref<80xi32, #tpu.memory_space<vmem>>) semaphore(%arg15 : memref<!tpu.dma_semaphore, #tpu.memory_space<semaphore_mem>>) {add = true}
      %add3A_89 = arith.constant 1 : i32
      %add3A_90 = arith.addi %mul3A_72, %add3A_89 : i32
      %mul3A_91 = arith.constant 80 : i32
      %mul3A_92 = arith.muli %add3A_90, %mul3A_91 : i32
      %dma_wait3A_93 = tpu.memref_slice %arg6[%mul3A_92] : memref<10000xi32, #tpu.memory_space<vmem>> -> memref<80xi32, #tpu.memory_space<vmem>>
      %dma_wait3A_94 = arith.constant 0 : i32
      %dma_wait3A_95 = arith.constant 0 : i32
      %dma_wait3A_96 = tpu.memref_slice %arg2[%dma_wait3A_94, %dma_wait3A_95] : memref<20000x128xf32, #tpu.memory_space<hbm>> -> memref<20000x128xf32, #tpu.memory_space<hbm>>
      tpu.wait_indirect_dma semaphore(%arg13 : memref<!tpu.dma_semaphore, #tpu.memory_space<semaphore_mem>>) src(%dma_wait3A_96 : memref<20000x128xf32, #tpu.memory_space<hbm>>) dst(%arg9 : memref<80x128xf32, #tpu.memory_space<vmem>>)
      %add3A_97 = arith.constant 1 : i32
      %add3A_98 = arith.addi %mul3A_72, %add3A_97 : i32
      %mul3A_99 = arith.constant 80 : i32
      %mul3A_100 = arith.muli %add3A_98, %mul3A_99 : i32
      %dma_start3A_101 = tpu.memref_slice %arg7[%mul3A_100] : memref<10000xi32, #tpu.memory_space<vmem>> -> memref<80xi32, #tpu.memory_space<vmem>>
      %dma_start3A_102 = arith.constant 0 : i32
      %dma_start3A_103 = arith.constant 0 : i32
      %dma_start3A_104 = tpu.memref_slice %arg11[%dma_start3A_102, %dma_start3A_103] : memref<10000x128xf32, #tpu.memory_space<vmem_shared>> -> memref<10000x128xf32, #tpu.memory_space<vmem_shared>>
      tpu.enqueue_indirect_dma source(%arg9 : memref<80x128xf32, #tpu.memory_space<vmem>>) target(%dma_start3A_104 : memref<10000x128xf32, #tpu.memory_space<vmem_shared>>) offsets(%dma_start3A_101 : memref<80xi32, #tpu.memory_space<vmem>>) semaphore(%arg16 : memref<!tpu.dma_semaphore, #tpu.memory_space<semaphore_mem>>) {add = true}
      %add3A_105 = arith.constant 2 : i32
      %add3A_106 = arith.addi %mul3A_72, %add3A_105 : i32
      %mul3A_107 = arith.constant 80 : i32
      %mul3A_108 = arith.muli %add3A_106, %mul3A_107 : i32
      %dma_wait3A_109 = tpu.memref_slice %arg6[%mul3A_108] : memref<10000xi32, #tpu.memory_space<vmem>> -> memref<80xi32, #tpu.memory_space<vmem>>
      %dma_wait3A_110 = arith.constant 0 : i32
      %dma_wait3A_111 = arith.constant 0 : i32
      %dma_wait3A_112 = tpu.memref_slice %arg2[%dma_wait3A_110, %dma_wait3A_111] : memref<20000x128xf32, #tpu.memory_space<hbm>> -> memref<20000x128xf32, #tpu.memory_space<hbm>>
      tpu.wait_indirect_dma semaphore(%arg14 : memref<!tpu.dma_semaphore, #tpu.memory_space<semaphore_mem>>) src(%dma_wait3A_112 : memref<20000x128xf32, #tpu.memory_space<hbm>>) dst(%arg10 : memref<80x128xf32, #tpu.memory_space<vmem>>)
      %add3A_113 = arith.constant 2 : i32
      %add3A_114 = arith.addi %mul3A_72, %add3A_113 : i32
      %mul3A_115 = arith.constant 80 : i32
      %mul3A_116 = arith.muli %add3A_114, %mul3A_115 : i32
      %dma_start3A_117 = tpu.memref_slice %arg7[%mul3A_116] : memref<10000xi32, #tpu.memory_space<vmem>> -> memref<80xi32, #tpu.memory_space<vmem>>
      %dma_start3A_118 = arith.constant 0 : i32
      %dma_start3A_119 = arith.constant 0 : i32
      %dma_start3A_120 = tpu.memref_slice %arg11[%dma_start3A_118, %dma_start3A_119] : memref<10000x128xf32, #tpu.memory_space<vmem_shared>> -> memref<10000x128xf32, #tpu.memory_space<vmem_shared>>
      tpu.enqueue_indirect_dma source(%arg10 : memref<80x128xf32, #tpu.memory_space<vmem>>) target(%dma_start3A_120 : memref<10000x128xf32, #tpu.memory_space<vmem_shared>>) offsets(%dma_start3A_117 : memref<80xi32, #tpu.memory_space<vmem>>) semaphore(%arg17 : memref<!tpu.dma_semaphore, #tpu.memory_space<semaphore_mem>>) {add = true}
      %add3A_121 = arith.constant 0 : i32
      %add3A_122 = arith.addi %mul3A_72, %add3A_121 : i32
      %mul3A_123 = arith.constant 80 : i32
      %mul3A_124 = arith.muli %add3A_122, %mul3A_123 : i32
      %dma_wait3A_125 = tpu.memref_slice %arg7[%mul3A_124] : memref<10000xi32, #tpu.memory_space<vmem>> -> memref<80xi32, #tpu.memory_space<vmem>>
      %dma_wait3A_126 = arith.constant 0 : i32
      %dma_wait3A_127 = arith.constant 0 : i32
      %dma_wait3A_128 = tpu.memref_slice %arg11[%dma_wait3A_126, %dma_wait3A_127] : memref<10000x128xf32, #tpu.memory_space<vmem_shared>> -> memref<10000x128xf32, #tpu.memory_space<vmem_shared>>
      tpu.wait_indirect_dma semaphore(%arg15 : memref<!tpu.dma_semaphore, #tpu.memory_space<semaphore_mem>>) src(%arg8 : memref<80x128xf32, #tpu.memory_space<vmem>>) dst(%dma_wait3A_128 : memref<10000x128xf32, #tpu.memory_space<vmem_shared>>)
      %add3A_129 = arith.constant 0 : i32
      %add3A_130 = arith.addi %mul3A_72, %add3A_129 : i32
      %add3A_131 = arith.constant 3 : i32
      %add3A_132 = arith.addi %add3A_130, %add3A_131 : i32
      %lt3A_133 = arith.constant 125 : i32
      %lt3A_134 = arith.cmpi slt, %add3A_132, %lt3A_133 : i32
      %convert_element_type3A_135 = arith.extui %lt3A_134 : i1 to i32
      %cond3A_136 = arith.constant 0 : i32
      %cond3A_137 = arith.cmpi ne, %convert_element_type3A_135, %cond3A_136 : i32
      scf.if %cond3A_137 {
        %add3A_172 = arith.constant 0 : i32
        %add3A_173 = arith.addi %mul3A_72, %add3A_172 : i32
        %add3A_174 = arith.constant 3 : i32
        %add3A_175 = arith.addi %add3A_173, %add3A_174 : i32
        %mul3A_176 = arith.constant 80 : i32
        %mul3A_177 = arith.muli %add3A_175, %mul3A_176 : i32
        %dma_start3A_178 = tpu.memref_slice %arg6[%mul3A_177] : memref<10000xi32, #tpu.memory_space<vmem>> -> memref<80xi32, #tpu.memory_space<vmem>>
        %dma_start3A_179 = arith.constant 0 : i32
        %dma_start3A_180 = arith.constant 0 : i32
        %dma_start3A_181 = tpu.memref_slice %arg2[%dma_start3A_179, %dma_start3A_180] : memref<20000x128xf32, #tpu.memory_space<hbm>> -> memref<20000x128xf32, #tpu.memory_space<hbm>>
        tpu.enqueue_indirect_dma source(%dma_start3A_181 : memref<20000x128xf32, #tpu.memory_space<hbm>>) target(%arg8 : memref<80x128xf32, #tpu.memory_space<vmem>>) offsets(%dma_start3A_178 : memref<80xi32, #tpu.memory_space<vmem>>) semaphore(%arg12 : memref<!tpu.dma_semaphore, #tpu.memory_space<semaphore_mem>>)
      } else {
      }
      %add3A_138 = arith.constant 1 : i32
      %add3A_139 = arith.addi %mul3A_72, %add3A_138 : i32
      %mul3A_140 = arith.constant 80 : i32
      %mul3A_141 = arith.muli %add3A_139, %mul3A_140 : i32
      %dma_wait3A_142 = tpu.memref_slice %arg7[%mul3A_141] : memref<10000xi32, #tpu.memory_space<vmem>> -> memref<80xi32, #tpu.memory_space<vmem>>
      %dma_wait3A_143 = arith.constant 0 : i32
      %dma_wait3A_144 = arith.constant 0 : i32
      %dma_wait3A_145 = tpu.memref_slice %arg11[%dma_wait3A_143, %dma_wait3A_144] : memref<10000x128xf32, #tpu.memory_space<vmem_shared>> -> memref<10000x128xf32, #tpu.memory_space<vmem_shared>>
      tpu.wait_indirect_dma semaphore(%arg16 : memref<!tpu.dma_semaphore, #tpu.memory_space<semaphore_mem>>) src(%arg9 : memref<80x128xf32, #tpu.memory_space<vmem>>) dst(%dma_wait3A_145 : memref<10000x128xf32, #tpu.memory_space<vmem_shared>>)
      %add3A_146 = arith.constant 1 : i32
      %add3A_147 = arith.addi %mul3A_72, %add3A_146 : i32
      %add3A_148 = arith.constant 3 : i32
      %add3A_149 = arith.addi %add3A_147, %add3A_148 : i32
      %lt3A_150 = arith.constant 125 : i32
      %lt3A_151 = arith.cmpi slt, %add3A_149, %lt3A_150 : i32
      %convert_element_type3A_152 = arith.extui %lt3A_151 : i1 to i32
      %cond3A_153 = arith.constant 0 : i32
      %cond3A_154 = arith.cmpi ne, %convert_element_type3A_152, %cond3A_153 : i32
      scf.if %cond3A_154 {
        %add3A_172 = arith.constant 1 : i32
        %add3A_173 = arith.addi %mul3A_72, %add3A_172 : i32
        %add3A_174 = arith.constant 3 : i32
        %add3A_175 = arith.addi %add3A_173, %add3A_174 : i32
        %mul3A_176 = arith.constant 80 : i32
        %mul3A_177 = arith.muli %add3A_175, %mul3A_176 : i32
        %dma_start3A_178 = tpu.memref_slice %arg6[%mul3A_177] : memref<10000xi32, #tpu.memory_space<vmem>> -> memref<80xi32, #tpu.memory_space<vmem>>
        %dma_start3A_179 = arith.constant 0 : i32
        %dma_start3A_180 = arith.constant 0 : i32
        %dma_start3A_181 = tpu.memref_slice %arg2[%dma_start3A_179, %dma_start3A_180] : memref<20000x128xf32, #tpu.memory_space<hbm>> -> memref<20000x128xf32, #tpu.memory_space<hbm>>
        tpu.enqueue_indirect_dma source(%dma_start3A_181 : memref<20000x128xf32, #tpu.memory_space<hbm>>) target(%arg9 : memref<80x128xf32, #tpu.memory_space<vmem>>) offsets(%dma_start3A_178 : memref<80xi32, #tpu.memory_space<vmem>>) semaphore(%arg13 : memref<!tpu.dma_semaphore, #tpu.memory_space<semaphore_mem>>)
      } else {
      }
      %add3A_155 = arith.constant 2 : i32
      %add3A_156 = arith.addi %mul3A_72, %add3A_155 : i32
      %mul3A_157 = arith.constant 80 : i32
      %mul3A_158 = arith.muli %add3A_156, %mul3A_157 : i32
      %dma_wait3A_159 = tpu.memref_slice %arg7[%mul3A_158] : memref<10000xi32, #tpu.memory_space<vmem>> -> memref<80xi32, #tpu.memory_space<vmem>>
      %dma_wait3A_160 = arith.constant 0 : i32
      %dma_wait3A_161 = arith.constant 0 : i32
      %dma_wait3A_162 = tpu.memref_slice %arg11[%dma_wait3A_160, %dma_wait3A_161] : memref<10000x128xf32, #tpu.memory_space<vmem_shared>> -> memref<10000x128xf32, #tpu.memory_space<vmem_shared>>
      tpu.wait_indirect_dma semaphore(%arg17 : memref<!tpu.dma_semaphore, #tpu.memory_space<semaphore_mem>>) src(%arg10 : memref<80x128xf32, #tpu.memory_space<vmem>>) dst(%dma_wait3A_162 : memref<10000x128xf32, #tpu.memory_space<vmem_shared>>)
      %add3A_163 = arith.constant 2 : i32
      %add3A_164 = arith.addi %mul3A_72, %add3A_163 : i32
      %add3A_165 = arith.constant 3 : i32
      %add3A_166 = arith.addi %add3A_164, %add3A_165 : i32
      %lt3A_167 = arith.constant 125 : i32
      %lt3A_168 = arith.cmpi slt, %add3A_166, %lt3A_167 : i32
      %convert_element_type3A_169 = arith.extui %lt3A_168 : i1 to i32
      %cond3A_170 = arith.constant 0 : i32
      %cond3A_171 = arith.cmpi ne, %convert_element_type3A_169, %cond3A_170 : i32
      scf.if %cond3A_171 {
        %add3A_172 = arith.constant 2 : i32
        %add3A_173 = arith.addi %mul3A_72, %add3A_172 : i32
        %add3A_174 = arith.constant 3 : i32
        %add3A_175 = arith.addi %add3A_173, %add3A_174 : i32
        %mul3A_176 = arith.constant 80 : i32
        %mul3A_177 = arith.muli %add3A_175, %mul3A_176 : i32
        %dma_start3A_178 = tpu.memref_slice %arg6[%mul3A_177] : memref<10000xi32, #tpu.memory_space<vmem>> -> memref<80xi32, #tpu.memory_space<vmem>>
        %dma_start3A_179 = arith.constant 0 : i32
        %dma_start3A_180 = arith.constant 0 : i32
        %dma_start3A_181 = tpu.memref_slice %arg2[%dma_start3A_179, %dma_start3A_180] : memref<20000x128xf32, #tpu.memory_space<hbm>> -> memref<20000x128xf32, #tpu.memory_space<hbm>>
        tpu.enqueue_indirect_dma source(%dma_start3A_181 : memref<20000x128xf32, #tpu.memory_space<hbm>>) target(%arg10 : memref<80x128xf32, #tpu.memory_space<vmem>>) offsets(%dma_start3A_178 : memref<80xi32, #tpu.memory_space<vmem>>) semaphore(%arg14 : memref<!tpu.dma_semaphore, #tpu.memory_space<semaphore_mem>>)
      } else {
      }
    }
    %scan3A_49 = arith.constant 41 : i32
    %dma_wait3A_50 = arith.constant 9840 : i32
    %dma_wait3A_51 = tpu.memref_slice %arg6[%dma_wait3A_50] : memref<10000xi32, #tpu.memory_space<vmem>> -> memref<80xi32, #tpu.memory_space<vmem>>
    %dma_wait3A_52 = arith.constant 0 : i32
    %dma_wait3A_53 = arith.constant 0 : i32
    %dma_wait3A_54 = tpu.memref_slice %arg2[%dma_wait3A_52, %dma_wait3A_53] : memref<20000x128xf32, #tpu.memory_space<hbm>> -> memref<20000x128xf32, #tpu.memory_space<hbm>>
    tpu.wait_indirect_dma semaphore(%arg12 : memref<!tpu.dma_semaphore, #tpu.memory_space<semaphore_mem>>) src(%dma_wait3A_54 : memref<20000x128xf32, #tpu.memory_space<hbm>>) dst(%arg8 : memref<80x128xf32, #tpu.memory_space<vmem>>)
    "tpu.region"() ({
      %run_scoped3A = tpu.sem_alloc : memref<!tpu.dma_semaphore, #tpu.memory_space<semaphore_mem>>
      %dma_start3A_66 = arith.constant 9840 : i32
      %dma_start3A_67 = tpu.memref_slice %arg7[%dma_start3A_66] : memref<10000xi32, #tpu.memory_space<vmem>> -> memref<80xi32, #tpu.memory_space<vmem>>
      %dma_start3A_68 = arith.constant 0 : i32
      %dma_start3A_69 = arith.constant 0 : i32
      %dma_start3A_70 = tpu.memref_slice %arg11[%dma_start3A_68, %dma_start3A_69] : memref<10000x128xf32, #tpu.memory_space<vmem_shared>> -> memref<10000x128xf32, #tpu.memory_space<vmem_shared>>
      tpu.enqueue_indirect_dma source(%arg8 : memref<80x128xf32, #tpu.memory_space<vmem>>) target(%dma_start3A_70 : memref<10000x128xf32, #tpu.memory_space<vmem_shared>>) offsets(%dma_start3A_67 : memref<80xi32, #tpu.memory_space<vmem>>) semaphore(%run_scoped3A : memref<!tpu.dma_semaphore, #tpu.memory_space<semaphore_mem>>) {add = true}
      %dma_wait3A_71 = arith.constant 9840 : i32
      %dma_wait3A_72 = tpu.memref_slice %arg7[%dma_wait3A_71] : memref<10000xi32, #tpu.memory_space<vmem>> -> memref<80xi32, #tpu.memory_space<vmem>>
      %dma_wait3A_73 = arith.constant 0 : i32
      %dma_wait3A_74 = arith.constant 0 : i32
      %dma_wait3A_75 = tpu.memref_slice %arg11[%dma_wait3A_73, %dma_wait3A_74] : memref<10000x128xf32, #tpu.memory_space<vmem_shared>> -> memref<10000x128xf32, #tpu.memory_space<vmem_shared>>
      tpu.wait_indirect_dma semaphore(%run_scoped3A : memref<!tpu.dma_semaphore, #tpu.memory_space<semaphore_mem>>) src(%arg8 : memref<80x128xf32, #tpu.memory_space<vmem>>) dst(%dma_wait3A_75 : memref<10000x128xf32, #tpu.memory_space<vmem_shared>>)
      tpu.yield
    }) : () -> ()
    %dma_wait3A_55 = arith.constant 9920 : i32
    %dma_wait3A_56 = tpu.memref_slice %arg6[%dma_wait3A_55] : memref<10000xi32, #tpu.memory_space<vmem>> -> memref<80xi32, #tpu.memory_space<vmem>>
    %dma_wait3A_57 = arith.constant 0 : i32
    %dma_wait3A_58 = arith.constant 0 : i32
    %dma_wait3A_59 = tpu.memref_slice %arg2[%dma_wait3A_57, %dma_wait3A_58] : memref<20000x128xf32, #tpu.memory_space<hbm>> -> memref<20000x128xf32, #tpu.memory_space<hbm>>
    tpu.wait_indirect_dma semaphore(%arg13 : memref<!tpu.dma_semaphore, #tpu.memory_space<semaphore_mem>>) src(%dma_wait3A_59 : memref<20000x128xf32, #tpu.memory_space<hbm>>) dst(%arg9 : memref<80x128xf32, #tpu.memory_space<vmem>>)
    "tpu.region"() ({
      %run_scoped3A = tpu.sem_alloc : memref<!tpu.dma_semaphore, #tpu.memory_space<semaphore_mem>>
      %dma_start3A_66 = arith.constant 9920 : i32
      %dma_start3A_67 = tpu.memref_slice %arg7[%dma_start3A_66] : memref<10000xi32, #tpu.memory_space<vmem>> -> memref<80xi32, #tpu.memory_space<vmem>>
      %dma_start3A_68 = arith.constant 0 : i32
      %dma_start3A_69 = arith.constant 0 : i32
      %dma_start3A_70 = tpu.memref_slice %arg11[%dma_start3A_68, %dma_start3A_69] : memref<10000x128xf32, #tpu.memory_space<vmem_shared>> -> memref<10000x128xf32, #tpu.memory_space<vmem_shared>>
      tpu.enqueue_indirect_dma source(%arg9 : memref<80x128xf32, #tpu.memory_space<vmem>>) target(%dma_start3A_70 : memref<10000x128xf32, #tpu.memory_space<vmem_shared>>) offsets(%dma_start3A_67 : memref<80xi32, #tpu.memory_space<vmem>>) semaphore(%run_scoped3A : memref<!tpu.dma_semaphore, #tpu.memory_space<semaphore_mem>>) {add = true}
      %dma_wait3A_71 = arith.constant 9920 : i32
      %dma_wait3A_72 = tpu.memref_slice %arg7[%dma_wait3A_71] : memref<10000xi32, #tpu.memory_space<vmem>> -> memref<80xi32, #tpu.memory_space<vmem>>
      %dma_wait3A_73 = arith.constant 0 : i32
      %dma_wait3A_74 = arith.constant 0 : i32
      %dma_wait3A_75 = tpu.memref_slice %arg11[%dma_wait3A_73, %dma_wait3A_74] : memref<10000x128xf32, #tpu.memory_space<vmem_shared>> -> memref<10000x128xf32, #tpu.memory_space<vmem_shared>>
      tpu.wait_indirect_dma semaphore(%run_scoped3A : memref<!tpu.dma_semaphore, #tpu.memory_space<semaphore_mem>>) src(%arg9 : memref<80x128xf32, #tpu.memory_space<vmem>>) dst(%dma_wait3A_75 : memref<10000x128xf32, #tpu.memory_space<vmem_shared>>)
      tpu.yield
    }) : () -> ()
    %barrier3A_60 = arith.constant 0 : index
    tpu.barrier barrier_id(%barrier3A_60)
    %lt3A_61 = arith.constant 10 : i32
    %lt3A_62 = arith.cmpi slt, %arg1, %lt3A_61 : i32
    %convert_element_type3A_63 = arith.extui %lt3A_62 : i1 to i32
    %cond3A_64 = arith.constant 0 : i32
    %cond3A_65 = arith.cmpi ne, %convert_element_type3A_63, %cond3A_64 : i32
    scf.if %cond3A_65 {
      %mul3A_66 = arith.constant 1000 : i32
      %mul3A_67 = arith.muli %arg1, %mul3A_66 : i32
      %mul3A_68 = arith.constant 10000 : i32
      %mul3A_69 = arith.muli %arg0, %mul3A_68 : i32
      %mul3A_70 = arith.constant 1000 : i32
      %mul3A_71 = arith.muli %arg1, %mul3A_70 : i32
      %add3A_72 = arith.addi %mul3A_69, %mul3A_71 : i32
      "tpu.region"() ({
        %run_scoped3A = tpu.sem_alloc : memref<!tpu.dma_semaphore, #tpu.memory_space<semaphore_mem>>
        %dma_start3A_73 = arith.constant 0 : i32
        %dma_start3A_74 = tpu.memref_slice %arg5[%add3A_72, %dma_start3A_73] : memref<20000x128xf32, #tpu.memory_space<hbm>> -> memref<1000x128xf32, #tpu.memory_space<hbm>>
        %dma_start3A_75 = arith.constant 0 : i32
        %dma_start3A_76 = tpu.memref_slice %arg11[%mul3A_67, %dma_start3A_75] : memref<10000x128xf32, #tpu.memory_space<vmem_shared>> -> memref<1000x128xf32, #tpu.memory_space<vmem_shared>>
        tpu.enqueue_dma source(%dma_start3A_76 : memref<1000x128xf32, #tpu.memory_space<vmem_shared>>) target(%dma_start3A_74 : memref<1000x128xf32, #tpu.memory_space<hbm>>) target_semaphore(%run_scoped3A : memref<!tpu.dma_semaphore, #tpu.memory_space<semaphore_mem>>)
        %dma_wait3A_77 = arith.constant 0 : i32
        %dma_wait3A_78 = tpu.memref_slice %arg5[%add3A_72, %dma_wait3A_77] : memref<20000x128xf32, #tpu.memory_space<hbm>> -> memref<1000x128xf32, #tpu.memory_space<hbm>>
        %dma_wait3A_79 = arith.constant 0 : i32
        %dma_wait3A_80 = tpu.memref_slice %arg11[%mul3A_67, %dma_wait3A_79] : memref<10000x128xf32, #tpu.memory_space<vmem_shared>> -> memref<1000x128xf32, #tpu.memory_space<vmem_shared>>
        tpu.wait_dma2 semaphore(%run_scoped3A : memref<!tpu.dma_semaphore, #tpu.memory_space<semaphore_mem>>) src(%dma_wait3A_80 : memref<1000x128xf32, #tpu.memory_space<vmem_shared>>) dst(%dma_wait3A_78 : memref<1000x128xf32, #tpu.memory_space<hbm>>)
        tpu.yield
      }) : () -> ()
    } else {
    }
    return
  }
}

#map = affine_map<(d0, d1) -> (0, 0)>
#map1 = affine_map<(d0, d1) -> (0)>
module attributes {stable_mosaic.version = 14 : i64} {
  func.func @_segsum_body(%arg0: i32, %arg1: i32, %arg2: memref<20000x128xf32, #tpu.memory_space<hbm>>, %arg3: memref<1280000xi32, #tpu.memory_space<hbm>>, %arg4: memref<10000x128xf32, #tpu.memory_space<hbm>>, %arg5: memref<20000x128xf32, #tpu.memory_space<hbm>>, %arg6: memref<10000xi32, #tpu.memory_space<vmem>>, %arg7: memref<10000xi32, #tpu.memory_space<vmem>>, %arg8: memref<80x128xf32, #tpu.memory_space<vmem>>, %arg9: memref<80x128xf32, #tpu.memory_space<vmem>>, %arg10: memref<80x128xf32, #tpu.memory_space<vmem>>, %arg11: memref<10000x128xf32, #tpu.memory_space<vmem_shared>>, %arg12: memref<!tpu.dma_semaphore, #tpu.memory_space<semaphore_mem>>, %arg13: memref<!tpu.dma_semaphore, #tpu.memory_space<semaphore_mem>>, %arg14: memref<!tpu.dma_semaphore, #tpu.memory_space<semaphore_mem>>, %arg15: memref<!tpu.dma_semaphore, #tpu.memory_space<semaphore_mem>>, %arg16: memref<!tpu.dma_semaphore, #tpu.memory_space<semaphore_mem>>, %arg17: memref<!tpu.dma_semaphore, #tpu.memory_space<semaphore_mem>>) attributes {dimension_semantics = [#tpu.dimension_semantics<core_parallel>, #tpu.dimension_semantics<subcore_parallel>], iteration_bounds = array<i64: 2, 16>, scalar_prefetch = 0 : i64, scratch_operands = 12 : i64, tpu.core_type = #tpu.core_type<sc_vector_subcore>, window_params = [{transform_indices = #map}, {transform_indices = #map1}, {transform_indices = #map}, {transform_indices = #map}]} {
    %add3A = arith.constant 0 : i32
    %add3A_0 = arith.addi %add3A, %arg0 : i32
    %mul3A = arith.constant 2 : i32
    %mul3A_1 = arith.muli %add3A_0, %mul3A : i32
    %mul3A_2 = arith.constant 160000 : i32
    %mul3A_3 = arith.muli %mul3A_1, %mul3A_2 : i32
    %mul3A_4 = arith.constant 10000 : i32
    %mul3A_5 = arith.muli %arg1, %mul3A_4 : i32
    %add3A_6 = arith.addi %mul3A_3, %mul3A_5 : i32
    %dma_start3A = tpu.memref_slice %arg3[%add3A_6] : memref<1280000xi32, #tpu.memory_space<hbm>> -> memref<10000xi32, #tpu.memory_space<hbm>>
    %dma_start3A_7 = tpu.memref_slice %arg3[%add3A_6] : memref<1280000xi32, #tpu.memory_space<hbm>> -> memref<10000xi32, #tpu.memory_space<hbm>>
    tpu.enqueue_dma source(%dma_start3A_7 : memref<10000xi32, #tpu.memory_space<hbm>>) target(%arg6 : memref<10000xi32, #tpu.memory_space<vmem>>) target_semaphore(%arg12 : memref<!tpu.dma_semaphore, #tpu.memory_space<semaphore_mem>>)
    %add3A_8 = arith.constant 160000 : i32
    %add3A_9 = arith.addi %add3A_6, %add3A_8 : i32
    %dma_start3A_10 = tpu.memref_slice %arg3[%add3A_9] : memref<1280000xi32, #tpu.memory_space<hbm>> -> memref<10000xi32, #tpu.memory_space<hbm>>
    %dma_start3A_11 = tpu.memref_slice %arg3[%add3A_9] : memref<1280000xi32, #tpu.memory_space<hbm>> -> memref<10000xi32, #tpu.memory_space<hbm>>
    tpu.enqueue_dma source(%dma_start3A_11 : memref<10000xi32, #tpu.memory_space<hbm>>) target(%arg7 : memref<10000xi32, #tpu.memory_space<vmem>>) target_semaphore(%arg13 : memref<!tpu.dma_semaphore, #tpu.memory_space<semaphore_mem>>)
    %lt3A = arith.constant 10 : i32
    %lt3A_12 = arith.cmpi slt, %arg1, %lt3A : i32
    %convert_element_type3A = arith.extui %lt3A_12 : i1 to i32
    %cond3A = arith.constant 0 : i32
    %cond3A_13 = arith.cmpi ne, %convert_element_type3A, %cond3A : i32
    scf.if %cond3A_13 {
      %mul3A_66 = arith.constant 1000 : i32
      %mul3A_67 = arith.muli %arg1, %mul3A_66 : i32
      %mul3A_68 = arith.constant 1000 : i32
      %mul3A_69 = arith.muli %arg1, %mul3A_68 : i32
      %dma_start3A_70 = arith.constant 0 : i32
      %dma_start3A_71 = tpu.memref_slice %arg11[%mul3A_69, %dma_start3A_70] : memref<10000x128xf32, #tpu.memory_space<vmem_shared>> -> memref<1000x128xf32, #tpu.memory_space<vmem_shared>>
      %dma_start3A_72 = arith.constant 0 : i32
      %dma_start3A_73 = tpu.memref_slice %arg4[%mul3A_67, %dma_start3A_72] : memref<10000x128xf32, #tpu.memory_space<hbm>> -> memref<1000x128xf32, #tpu.memory_space<hbm>>
      tpu.enqueue_dma source(%dma_start3A_73 : memref<1000x128xf32, #tpu.memory_space<hbm>>) target(%dma_start3A_71 : memref<1000x128xf32, #tpu.memory_space<vmem_shared>>) target_semaphore(%arg14 : memref<!tpu.dma_semaphore, #tpu.memory_space<semaphore_mem>>)
    } else {
    }
    %dma_wait3A = tpu.memref_slice %arg3[%add3A_6] : memref<1280000xi32, #tpu.memory_space<hbm>> -> memref<10000xi32, #tpu.memory_space<hbm>>
    %dma_wait3A_14 = tpu.memref_slice %arg3[%add3A_6] : memref<1280000xi32, #tpu.memory_space<hbm>> -> memref<10000xi32, #tpu.memory_space<hbm>>
    tpu.wait_dma2 semaphore(%arg12 : memref<!tpu.dma_semaphore, #tpu.memory_space<semaphore_mem>>) src(%dma_wait3A_14 : memref<10000xi32, #tpu.memory_space<hbm>>) dst(%arg6 : memref<10000xi32, #tpu.memory_space<vmem>>)
    %mul3A_15 = arith.constant 10000 : i32
    %mul3A_16 = arith.muli %arg0, %mul3A_15 : i32
    %scan3A = arith.constant 0 : i32
    %scan3A_17 = arith.constant 625 : i32
    %scan3A_18 = arith.addi %scan3A, %scan3A_17 : i32
    %scan3A_19 = arith.constant 1 : i32
    scf.for %scan3A_66 = %scan3A to %scan3A_18 step %scan3A_19  : i32 {
      %mul3A_67 = arith.constant 1 : i32
      %mul3A_68 = arith.muli %scan3A_66, %mul3A_67 : i32
      %add3A_69 = arith.constant 0 : i32
      %add3A_70 = arith.addi %add3A_69, %mul3A_68 : i32
      %mul3A_71 = arith.constant 16 : i32
      %mul3A_72 = arith.muli %add3A_70, %mul3A_71 : i32
      %get3A = arith.index_cast %mul3A_72 : i32 to index
      %get3A_73 = tpu.vector_load %arg6[%get3A] {strides = array<i32>} : memref<10000xi32, #tpu.memory_space<vmem>>, vector<16xi32>,
      %get3A_74 = vector.shape_cast %get3A_73 : vector<16xi32> to vector<16xi32>
      %add3A_75 = vector.broadcast %mul3A_16 : i32 to vector<16xi32>
      %add3A_76 = arith.addi %get3A_74, %add3A_75 : vector<16xi32>
      %mul3A_77 = arith.constant 16 : i32
      %mul3A_78 = arith.muli %add3A_70, %mul3A_77 : i32
      %swap3A = arith.index_cast %mul3A_78 : i32 to index
      %swap3A_79 = tpu.vector_load %arg6[%swap3A] {strides = array<i32>} : memref<10000xi32, #tpu.memory_space<vmem>>, vector<16xi32>,
      %swap3A_80 = vector.shape_cast %swap3A_79 : vector<16xi32> to vector<16xi32>
      %swap3A_81 = vector.shape_cast %add3A_76 : vector<16xi32> to vector<16xi32>
      tpu.vector_store %arg6[%swap3A], %swap3A_81 {strides = array<i32>} : memref<10000xi32, #tpu.memory_space<vmem>>, vector<16xi32>,
    }
    %scan3A_20 = arith.constant 625 : i32
    %add3A_21 = arith.constant 160000 : i32
    %add3A_22 = arith.addi %add3A_6, %add3A_21 : i32
    %dma_wait3A_23 = tpu.memref_slice %arg3[%add3A_22] : memref<1280000xi32, #tpu.memory_space<hbm>> -> memref<10000xi32, #tpu.memory_space<hbm>>
    %dma_wait3A_24 = tpu.memref_slice %arg3[%add3A_22] : memref<1280000xi32, #tpu.memory_space<hbm>> -> memref<10000xi32, #tpu.memory_space<hbm>>
    tpu.wait_dma2 semaphore(%arg13 : memref<!tpu.dma_semaphore, #tpu.memory_space<semaphore_mem>>) src(%dma_wait3A_24 : memref<10000xi32, #tpu.memory_space<hbm>>) dst(%arg7 : memref<10000xi32, #tpu.memory_space<vmem>>)
    %lt3A_25 = arith.constant 10 : i32
    %lt3A_26 = arith.cmpi slt, %arg1, %lt3A_25 : i32
    %convert_element_type3A_27 = arith.extui %lt3A_26 : i1 to i32
    %cond3A_28 = arith.constant 0 : i32
    %cond3A_29 = arith.cmpi ne, %convert_element_type3A_27, %cond3A_28 : i32
    scf.if %cond3A_29 {
      %mul3A_66 = arith.constant 1000 : i32
      %mul3A_67 = arith.muli %arg1, %mul3A_66 : i32
      %mul3A_68 = arith.constant 1000 : i32
      %mul3A_69 = arith.muli %arg1, %mul3A_68 : i32
      %dma_wait3A_70 = arith.constant 0 : i32
      %dma_wait3A_71 = tpu.memref_slice %arg11[%mul3A_69, %dma_wait3A_70] : memref<10000x128xf32, #tpu.memory_space<vmem_shared>> -> memref<1000x128xf32, #tpu.memory_space<vmem_shared>>
      %dma_wait3A_72 = arith.constant 0 : i32
      %dma_wait3A_73 = tpu.memref_slice %arg4[%mul3A_67, %dma_wait3A_72] : memref<10000x128xf32, #tpu.memory_space<hbm>> -> memref<1000x128xf32, #tpu.memory_space<hbm>>
      tpu.wait_dma2 semaphore(%arg14 : memref<!tpu.dma_semaphore, #tpu.memory_space<semaphore_mem>>) src(%dma_wait3A_73 : memref<1000x128xf32, #tpu.memory_space<hbm>>) dst(%dma_wait3A_71 : memref<1000x128xf32, #tpu.memory_space<vmem_shared>>)
    } else {
    }
    %barrier3A = arith.constant 0 : index
    tpu.barrier barrier_id(%barrier3A)
    %dma_start3A_30 = arith.constant 0 : i32
    %dma_start3A_31 = tpu.memref_slice %arg6[%dma_start3A_30] : memref<10000xi32, #tpu.memory_space<vmem>> -> memref<80xi32, #tpu.memory_space<vmem>>
    %dma_start3A_32 = arith.constant 0 : i32
    %dma_start3A_33 = arith.constant 0 : i32
    %dma_start3A_34 = tpu.memref_slice %arg2[%dma_start3A_32, %dma_start3A_33] : memref<20000x128xf32, #tpu.memory_space<hbm>> -> memref<20000x128xf32, #tpu.memory_space<hbm>>
    tpu.enqueue_indirect_dma source(%dma_start3A_34 : memref<20000x128xf32, #tpu.memory_space<hbm>>) target(%arg8 : memref<80x128xf32, #tpu.memory_space<vmem>>) offsets(%dma_start3A_31 : memref<80xi32, #tpu.memory_space<vmem>>) semaphore(%arg12 : memref<!tpu.dma_semaphore, #tpu.memory_space<semaphore_mem>>)
    %dma_start3A_35 = arith.constant 80 : i32
    %dma_start3A_36 = tpu.memref_slice %arg6[%dma_start3A_35] : memref<10000xi32, #tpu.memory_space<vmem>> -> memref<80xi32, #tpu.memory_space<vmem>>
    %dma_start3A_37 = arith.constant 0 : i32
    %dma_start3A_38 = arith.constant 0 : i32
    %dma_start3A_39 = tpu.memref_slice %arg2[%dma_start3A_37, %dma_start3A_38] : memref<20000x128xf32, #tpu.memory_space<hbm>> -> memref<20000x128xf32, #tpu.memory_space<hbm>>
    tpu.enqueue_indirect_dma source(%dma_start3A_39 : memref<20000x128xf32, #tpu.memory_space<hbm>>) target(%arg9 : memref<80x128xf32, #tpu.memory_space<vmem>>) offsets(%dma_start3A_36 : memref<80xi32, #tpu.memory_space<vmem>>) semaphore(%arg13 : memref<!tpu.dma_semaphore, #tpu.memory_space<semaphore_mem>>)
    %dma_start3A_40 = arith.constant 160 : i32
    %dma_start3A_41 = tpu.memref_slice %arg6[%dma_start3A_40] : memref<10000xi32, #tpu.memory_space<vmem>> -> memref<80xi32, #tpu.memory_space<vmem>>
    %dma_start3A_42 = arith.constant 0 : i32
    %dma_start3A_43 = arith.constant 0 : i32
    %dma_start3A_44 = tpu.memref_slice %arg2[%dma_start3A_42, %dma_start3A_43] : memref<20000x128xf32, #tpu.memory_space<hbm>> -> memref<20000x128xf32, #tpu.memory_space<hbm>>
    tpu.enqueue_indirect_dma source(%dma_start3A_44 : memref<20000x128xf32, #tpu.memory_space<hbm>>) target(%arg10 : memref<80x128xf32, #tpu.memory_space<vmem>>) offsets(%dma_start3A_41 : memref<80xi32, #tpu.memory_space<vmem>>) semaphore(%arg14 : memref<!tpu.dma_semaphore, #tpu.memory_space<semaphore_mem>>)
    %scan3A_45 = arith.constant 0 : i32
    %scan3A_46 = arith.constant 41 : i32
    %scan3A_47 = arith.addi %scan3A_45, %scan3A_46 : i32
    %scan3A_48 = arith.constant 1 : i32
    scf.for %scan3A_66 = %scan3A_45 to %scan3A_47 step %scan3A_48  : i32 {
      %mul3A_67 = arith.constant 1 : i32
      %mul3A_68 = arith.muli %scan3A_66, %mul3A_67 : i32
      %add3A_69 = arith.constant 0 : i32
      %add3A_70 = arith.addi %add3A_69, %mul3A_68 : i32
      %mul3A_71 = arith.constant 3 : i32
      %mul3A_72 = arith.muli %mul3A_71, %add3A_70 : i32
      %add3A_73 = arith.constant 0 : i32
      %add3A_74 = arith.addi %mul3A_72, %add3A_73 : i32
      %mul3A_75 = arith.constant 80 : i32
      %mul3A_76 = arith.muli %add3A_74, %mul3A_75 : i32
      %dma_wait3A_77 = tpu.memref_slice %arg6[%mul3A_76] : memref<10000xi32, #tpu.memory_space<vmem>> -> memref<80xi32, #tpu.memory_space<vmem>>
      %dma_wait3A_78 = arith.constant 0 : i32
      %dma_wait3A_79 = arith.constant 0 : i32
      %dma_wait3A_80 = tpu.memref_slice %arg2[%dma_wait3A_78, %dma_wait3A_79] : memref<20000x128xf32, #tpu.memory_space<hbm>> -> memref<20000x128xf32, #tpu.memory_space<hbm>>
      tpu.wait_indirect_dma semaphore(%arg12 : memref<!tpu.dma_semaphore, #tpu.memory_space<semaphore_mem>>) src(%dma_wait3A_80 : memref<20000x128xf32, #tpu.memory_space<hbm>>) dst(%arg8 : memref<80x128xf32, #tpu.memory_space<vmem>>)
      %add3A_81 = arith.constant 0 : i32
      %add3A_82 = arith.addi %mul3A_72, %add3A_81 : i32
      %mul3A_83 = arith.constant 80 : i32
      %mul3A_84 = arith.muli %add3A_82, %mul3A_83 : i32
      %dma_start3A_85 = tpu.memref_slice %arg7[%mul3A_84] : memref<10000xi32, #tpu.memory_space<vmem>> -> memref<80xi32, #tpu.memory_space<vmem>>
      %dma_start3A_86 = arith.constant 0 : i32
      %dma_start3A_87 = arith.constant 0 : i32
      %dma_start3A_88 = tpu.memref_slice %arg11[%dma_start3A_86, %dma_start3A_87] : memref<10000x128xf32, #tpu.memory_space<vmem_shared>> -> memref<10000x128xf32, #tpu.memory_space<vmem_shared>>
      tpu.enqueue_indirect_dma source(%arg8 : memref<80x128xf32, #tpu.memory_space<vmem>>) target(%dma_start3A_88 : memref<10000x128xf32, #tpu.memory_space<vmem_shared>>) offsets(%dma_start3A_85 : memref<80xi32, #tpu.memory_space<vmem>>) semaphore(%arg15 : memref<!tpu.dma_semaphore, #tpu.memory_space<semaphore_mem>>) {add = true}
      %add3A_89 = arith.constant 1 : i32
      %add3A_90 = arith.addi %mul3A_72, %add3A_89 : i32
      %mul3A_91 = arith.constant 80 : i32
      %mul3A_92 = arith.muli %add3A_90, %mul3A_91 : i32
      %dma_wait3A_93 = tpu.memref_slice %arg6[%mul3A_92] : memref<10000xi32, #tpu.memory_space<vmem>> -> memref<80xi32, #tpu.memory_space<vmem>>
      %dma_wait3A_94 = arith.constant 0 : i32
      %dma_wait3A_95 = arith.constant 0 : i32
      %dma_wait3A_96 = tpu.memref_slice %arg2[%dma_wait3A_94, %dma_wait3A_95] : memref<20000x128xf32, #tpu.memory_space<hbm>> -> memref<20000x128xf32, #tpu.memory_space<hbm>>
      tpu.wait_indirect_dma semaphore(%arg13 : memref<!tpu.dma_semaphore, #tpu.memory_space<semaphore_mem>>) src(%dma_wait3A_96 : memref<20000x128xf32, #tpu.memory_space<hbm>>) dst(%arg9 : memref<80x128xf32, #tpu.memory_space<vmem>>)
      %add3A_97 = arith.constant 1 : i32
      %add3A_98 = arith.addi %mul3A_72, %add3A_97 : i32
      %mul3A_99 = arith.constant 80 : i32
      %mul3A_100 = arith.muli %add3A_98, %mul3A_99 : i32
      %dma_start3A_101 = tpu.memref_slice %arg7[%mul3A_100] : memref<10000xi32, #tpu.memory_space<vmem>> -> memref<80xi32, #tpu.memory_space<vmem>>
      %dma_start3A_102 = arith.constant 0 : i32
      %dma_start3A_103 = arith.constant 0 : i32
      %dma_start3A_104 = tpu.memref_slice %arg11[%dma_start3A_102, %dma_start3A_103] : memref<10000x128xf32, #tpu.memory_space<vmem_shared>> -> memref<10000x128xf32, #tpu.memory_space<vmem_shared>>
      tpu.enqueue_indirect_dma source(%arg9 : memref<80x128xf32, #tpu.memory_space<vmem>>) target(%dma_start3A_104 : memref<10000x128xf32, #tpu.memory_space<vmem_shared>>) offsets(%dma_start3A_101 : memref<80xi32, #tpu.memory_space<vmem>>) semaphore(%arg16 : memref<!tpu.dma_semaphore, #tpu.memory_space<semaphore_mem>>) {add = true}
      %add3A_105 = arith.constant 2 : i32
      %add3A_106 = arith.addi %mul3A_72, %add3A_105 : i32
      %mul3A_107 = arith.constant 80 : i32
      %mul3A_108 = arith.muli %add3A_106, %mul3A_107 : i32
      %dma_wait3A_109 = tpu.memref_slice %arg6[%mul3A_108] : memref<10000xi32, #tpu.memory_space<vmem>> -> memref<80xi32, #tpu.memory_space<vmem>>
      %dma_wait3A_110 = arith.constant 0 : i32
      %dma_wait3A_111 = arith.constant 0 : i32
      %dma_wait3A_112 = tpu.memref_slice %arg2[%dma_wait3A_110, %dma_wait3A_111] : memref<20000x128xf32, #tpu.memory_space<hbm>> -> memref<20000x128xf32, #tpu.memory_space<hbm>>
      tpu.wait_indirect_dma semaphore(%arg14 : memref<!tpu.dma_semaphore, #tpu.memory_space<semaphore_mem>>) src(%dma_wait3A_112 : memref<20000x128xf32, #tpu.memory_space<hbm>>) dst(%arg10 : memref<80x128xf32, #tpu.memory_space<vmem>>)
      %add3A_113 = arith.constant 2 : i32
      %add3A_114 = arith.addi %mul3A_72, %add3A_113 : i32
      %mul3A_115 = arith.constant 80 : i32
      %mul3A_116 = arith.muli %add3A_114, %mul3A_115 : i32
      %dma_start3A_117 = tpu.memref_slice %arg7[%mul3A_116] : memref<10000xi32, #tpu.memory_space<vmem>> -> memref<80xi32, #tpu.memory_space<vmem>>
      %dma_start3A_118 = arith.constant 0 : i32
      %dma_start3A_119 = arith.constant 0 : i32
      %dma_start3A_120 = tpu.memref_slice %arg11[%dma_start3A_118, %dma_start3A_119] : memref<10000x128xf32, #tpu.memory_space<vmem_shared>> -> memref<10000x128xf32, #tpu.memory_space<vmem_shared>>
      tpu.enqueue_indirect_dma source(%arg10 : memref<80x128xf32, #tpu.memory_space<vmem>>) target(%dma_start3A_120 : memref<10000x128xf32, #tpu.memory_space<vmem_shared>>) offsets(%dma_start3A_117 : memref<80xi32, #tpu.memory_space<vmem>>) semaphore(%arg17 : memref<!tpu.dma_semaphore, #tpu.memory_space<semaphore_mem>>) {add = true}
      %add3A_121 = arith.constant 0 : i32
      %add3A_122 = arith.addi %mul3A_72, %add3A_121 : i32
      %mul3A_123 = arith.constant 80 : i32
      %mul3A_124 = arith.muli %add3A_122, %mul3A_123 : i32
      %dma_wait3A_125 = tpu.memref_slice %arg7[%mul3A_124] : memref<10000xi32, #tpu.memory_space<vmem>> -> memref<80xi32, #tpu.memory_space<vmem>>
      %dma_wait3A_126 = arith.constant 0 : i32
      %dma_wait3A_127 = arith.constant 0 : i32
      %dma_wait3A_128 = tpu.memref_slice %arg11[%dma_wait3A_126, %dma_wait3A_127] : memref<10000x128xf32, #tpu.memory_space<vmem_shared>> -> memref<10000x128xf32, #tpu.memory_space<vmem_shared>>
      tpu.wait_indirect_dma semaphore(%arg15 : memref<!tpu.dma_semaphore, #tpu.memory_space<semaphore_mem>>) src(%arg8 : memref<80x128xf32, #tpu.memory_space<vmem>>) dst(%dma_wait3A_128 : memref<10000x128xf32, #tpu.memory_space<vmem_shared>>)
      %add3A_129 = arith.constant 0 : i32
      %add3A_130 = arith.addi %mul3A_72, %add3A_129 : i32
      %add3A_131 = arith.constant 3 : i32
      %add3A_132 = arith.addi %add3A_130, %add3A_131 : i32
      %lt3A_133 = arith.constant 125 : i32
      %lt3A_134 = arith.cmpi slt, %add3A_132, %lt3A_133 : i32
      %convert_element_type3A_135 = arith.extui %lt3A_134 : i1 to i32
      %cond3A_136 = arith.constant 0 : i32
      %cond3A_137 = arith.cmpi ne, %convert_element_type3A_135, %cond3A_136 : i32
      scf.if %cond3A_137 {
        %add3A_172 = arith.constant 0 : i32
        %add3A_173 = arith.addi %mul3A_72, %add3A_172 : i32
        %add3A_174 = arith.constant 3 : i32
        %add3A_175 = arith.addi %add3A_173, %add3A_174 : i32
        %mul3A_176 = arith.constant 80 : i32
        %mul3A_177 = arith.muli %add3A_175, %mul3A_176 : i32
        %dma_start3A_178 = tpu.memref_slice %arg6[%mul3A_177] : memref<10000xi32, #tpu.memory_space<vmem>> -> memref<80xi32, #tpu.memory_space<vmem>>
        %dma_start3A_179 = arith.constant 0 : i32
        %dma_start3A_180 = arith.constant 0 : i32
        %dma_start3A_181 = tpu.memref_slice %arg2[%dma_start3A_179, %dma_start3A_180] : memref<20000x128xf32, #tpu.memory_space<hbm>> -> memref<20000x128xf32, #tpu.memory_space<hbm>>
        tpu.enqueue_indirect_dma source(%dma_start3A_181 : memref<20000x128xf32, #tpu.memory_space<hbm>>) target(%arg8 : memref<80x128xf32, #tpu.memory_space<vmem>>) offsets(%dma_start3A_178 : memref<80xi32, #tpu.memory_space<vmem>>) semaphore(%arg12 : memref<!tpu.dma_semaphore, #tpu.memory_space<semaphore_mem>>)
      } else {
      }
      %add3A_138 = arith.constant 1 : i32
      %add3A_139 = arith.addi %mul3A_72, %add3A_138 : i32
      %mul3A_140 = arith.constant 80 : i32
      %mul3A_141 = arith.muli %add3A_139, %mul3A_140 : i32
      %dma_wait3A_142 = tpu.memref_slice %arg7[%mul3A_141] : memref<10000xi32, #tpu.memory_space<vmem>> -> memref<80xi32, #tpu.memory_space<vmem>>
      %dma_wait3A_143 = arith.constant 0 : i32
      %dma_wait3A_144 = arith.constant 0 : i32
      %dma_wait3A_145 = tpu.memref_slice %arg11[%dma_wait3A_143, %dma_wait3A_144] : memref<10000x128xf32, #tpu.memory_space<vmem_shared>> -> memref<10000x128xf32, #tpu.memory_space<vmem_shared>>
      tpu.wait_indirect_dma semaphore(%arg16 : memref<!tpu.dma_semaphore, #tpu.memory_space<semaphore_mem>>) src(%arg9 : memref<80x128xf32, #tpu.memory_space<vmem>>) dst(%dma_wait3A_145 : memref<10000x128xf32, #tpu.memory_space<vmem_shared>>)
      %add3A_146 = arith.constant 1 : i32
      %add3A_147 = arith.addi %mul3A_72, %add3A_146 : i32
      %add3A_148 = arith.constant 3 : i32
      %add3A_149 = arith.addi %add3A_147, %add3A_148 : i32
      %lt3A_150 = arith.constant 125 : i32
      %lt3A_151 = arith.cmpi slt, %add3A_149, %lt3A_150 : i32
      %convert_element_type3A_152 = arith.extui %lt3A_151 : i1 to i32
      %cond3A_153 = arith.constant 0 : i32
      %cond3A_154 = arith.cmpi ne, %convert_element_type3A_152, %cond3A_153 : i32
      scf.if %cond3A_154 {
        %add3A_172 = arith.constant 1 : i32
        %add3A_173 = arith.addi %mul3A_72, %add3A_172 : i32
        %add3A_174 = arith.constant 3 : i32
        %add3A_175 = arith.addi %add3A_173, %add3A_174 : i32
        %mul3A_176 = arith.constant 80 : i32
        %mul3A_177 = arith.muli %add3A_175, %mul3A_176 : i32
        %dma_start3A_178 = tpu.memref_slice %arg6[%mul3A_177] : memref<10000xi32, #tpu.memory_space<vmem>> -> memref<80xi32, #tpu.memory_space<vmem>>
        %dma_start3A_179 = arith.constant 0 : i32
        %dma_start3A_180 = arith.constant 0 : i32
        %dma_start3A_181 = tpu.memref_slice %arg2[%dma_start3A_179, %dma_start3A_180] : memref<20000x128xf32, #tpu.memory_space<hbm>> -> memref<20000x128xf32, #tpu.memory_space<hbm>>
        tpu.enqueue_indirect_dma source(%dma_start3A_181 : memref<20000x128xf32, #tpu.memory_space<hbm>>) target(%arg9 : memref<80x128xf32, #tpu.memory_space<vmem>>) offsets(%dma_start3A_178 : memref<80xi32, #tpu.memory_space<vmem>>) semaphore(%arg13 : memref<!tpu.dma_semaphore, #tpu.memory_space<semaphore_mem>>)
      } else {
      }
      %add3A_155 = arith.constant 2 : i32
      %add3A_156 = arith.addi %mul3A_72, %add3A_155 : i32
      %mul3A_157 = arith.constant 80 : i32
      %mul3A_158 = arith.muli %add3A_156, %mul3A_157 : i32
      %dma_wait3A_159 = tpu.memref_slice %arg7[%mul3A_158] : memref<10000xi32, #tpu.memory_space<vmem>> -> memref<80xi32, #tpu.memory_space<vmem>>
      %dma_wait3A_160 = arith.constant 0 : i32
      %dma_wait3A_161 = arith.constant 0 : i32
      %dma_wait3A_162 = tpu.memref_slice %arg11[%dma_wait3A_160, %dma_wait3A_161] : memref<10000x128xf32, #tpu.memory_space<vmem_shared>> -> memref<10000x128xf32, #tpu.memory_space<vmem_shared>>
      tpu.wait_indirect_dma semaphore(%arg17 : memref<!tpu.dma_semaphore, #tpu.memory_space<semaphore_mem>>) src(%arg10 : memref<80x128xf32, #tpu.memory_space<vmem>>) dst(%dma_wait3A_162 : memref<10000x128xf32, #tpu.memory_space<vmem_shared>>)
      %add3A_163 = arith.constant 2 : i32
      %add3A_164 = arith.addi %mul3A_72, %add3A_163 : i32
      %add3A_165 = arith.constant 3 : i32
      %add3A_166 = arith.addi %add3A_164, %add3A_165 : i32
      %lt3A_167 = arith.constant 125 : i32
      %lt3A_168 = arith.cmpi slt, %add3A_166, %lt3A_167 : i32
      %convert_element_type3A_169 = arith.extui %lt3A_168 : i1 to i32
      %cond3A_170 = arith.constant 0 : i32
      %cond3A_171 = arith.cmpi ne, %convert_element_type3A_169, %cond3A_170 : i32
      scf.if %cond3A_171 {
        %add3A_172 = arith.constant 2 : i32
        %add3A_173 = arith.addi %mul3A_72, %add3A_172 : i32
        %add3A_174 = arith.constant 3 : i32
        %add3A_175 = arith.addi %add3A_173, %add3A_174 : i32
        %mul3A_176 = arith.constant 80 : i32
        %mul3A_177 = arith.muli %add3A_175, %mul3A_176 : i32
        %dma_start3A_178 = tpu.memref_slice %arg6[%mul3A_177] : memref<10000xi32, #tpu.memory_space<vmem>> -> memref<80xi32, #tpu.memory_space<vmem>>
        %dma_start3A_179 = arith.constant 0 : i32
        %dma_start3A_180 = arith.constant 0 : i32
        %dma_start3A_181 = tpu.memref_slice %arg2[%dma_start3A_179, %dma_start3A_180] : memref<20000x128xf32, #tpu.memory_space<hbm>> -> memref<20000x128xf32, #tpu.memory_space<hbm>>
        tpu.enqueue_indirect_dma source(%dma_start3A_181 : memref<20000x128xf32, #tpu.memory_space<hbm>>) target(%arg10 : memref<80x128xf32, #tpu.memory_space<vmem>>) offsets(%dma_start3A_178 : memref<80xi32, #tpu.memory_space<vmem>>) semaphore(%arg14 : memref<!tpu.dma_semaphore, #tpu.memory_space<semaphore_mem>>)
      } else {
      }
    }
    %scan3A_49 = arith.constant 41 : i32
    %dma_wait3A_50 = arith.constant 9840 : i32
    %dma_wait3A_51 = tpu.memref_slice %arg6[%dma_wait3A_50] : memref<10000xi32, #tpu.memory_space<vmem>> -> memref<80xi32, #tpu.memory_space<vmem>>
    %dma_wait3A_52 = arith.constant 0 : i32
    %dma_wait3A_53 = arith.constant 0 : i32
    %dma_wait3A_54 = tpu.memref_slice %arg2[%dma_wait3A_52, %dma_wait3A_53] : memref<20000x128xf32, #tpu.memory_space<hbm>> -> memref<20000x128xf32, #tpu.memory_space<hbm>>
    tpu.wait_indirect_dma semaphore(%arg12 : memref<!tpu.dma_semaphore, #tpu.memory_space<semaphore_mem>>) src(%dma_wait3A_54 : memref<20000x128xf32, #tpu.memory_space<hbm>>) dst(%arg8 : memref<80x128xf32, #tpu.memory_space<vmem>>)
    "tpu.region"() ({
      %run_scoped3A = tpu.sem_alloc : memref<!tpu.dma_semaphore, #tpu.memory_space<semaphore_mem>>
      %dma_start3A_66 = arith.constant 9840 : i32
      %dma_start3A_67 = tpu.memref_slice %arg7[%dma_start3A_66] : memref<10000xi32, #tpu.memory_space<vmem>> -> memref<80xi32, #tpu.memory_space<vmem>>
      %dma_start3A_68 = arith.constant 0 : i32
      %dma_start3A_69 = arith.constant 0 : i32
      %dma_start3A_70 = tpu.memref_slice %arg11[%dma_start3A_68, %dma_start3A_69] : memref<10000x128xf32, #tpu.memory_space<vmem_shared>> -> memref<10000x128xf32, #tpu.memory_space<vmem_shared>>
      tpu.enqueue_indirect_dma source(%arg8 : memref<80x128xf32, #tpu.memory_space<vmem>>) target(%dma_start3A_70 : memref<10000x128xf32, #tpu.memory_space<vmem_shared>>) offsets(%dma_start3A_67 : memref<80xi32, #tpu.memory_space<vmem>>) semaphore(%run_scoped3A : memref<!tpu.dma_semaphore, #tpu.memory_space<semaphore_mem>>) {add = true}
      %dma_wait3A_71 = arith.constant 9840 : i32
      %dma_wait3A_72 = tpu.memref_slice %arg7[%dma_wait3A_71] : memref<10000xi32, #tpu.memory_space<vmem>> -> memref<80xi32, #tpu.memory_space<vmem>>
      %dma_wait3A_73 = arith.constant 0 : i32
      %dma_wait3A_74 = arith.constant 0 : i32
      %dma_wait3A_75 = tpu.memref_slice %arg11[%dma_wait3A_73, %dma_wait3A_74] : memref<10000x128xf32, #tpu.memory_space<vmem_shared>> -> memref<10000x128xf32, #tpu.memory_space<vmem_shared>>
      tpu.wait_indirect_dma semaphore(%run_scoped3A : memref<!tpu.dma_semaphore, #tpu.memory_space<semaphore_mem>>) src(%arg8 : memref<80x128xf32, #tpu.memory_space<vmem>>) dst(%dma_wait3A_75 : memref<10000x128xf32, #tpu.memory_space<vmem_shared>>)
      tpu.yield
    }) : () -> ()
    %dma_wait3A_55 = arith.constant 9920 : i32
    %dma_wait3A_56 = tpu.memref_slice %arg6[%dma_wait3A_55] : memref<10000xi32, #tpu.memory_space<vmem>> -> memref<80xi32, #tpu.memory_space<vmem>>
    %dma_wait3A_57 = arith.constant 0 : i32
    %dma_wait3A_58 = arith.constant 0 : i32
    %dma_wait3A_59 = tpu.memref_slice %arg2[%dma_wait3A_57, %dma_wait3A_58] : memref<20000x128xf32, #tpu.memory_space<hbm>> -> memref<20000x128xf32, #tpu.memory_space<hbm>>
    tpu.wait_indirect_dma semaphore(%arg13 : memref<!tpu.dma_semaphore, #tpu.memory_space<semaphore_mem>>) src(%dma_wait3A_59 : memref<20000x128xf32, #tpu.memory_space<hbm>>) dst(%arg9 : memref<80x128xf32, #tpu.memory_space<vmem>>)
    "tpu.region"() ({
      %run_scoped3A = tpu.sem_alloc : memref<!tpu.dma_semaphore, #tpu.memory_space<semaphore_mem>>
      %dma_start3A_66 = arith.constant 9920 : i32
      %dma_start3A_67 = tpu.memref_slice %arg7[%dma_start3A_66] : memref<10000xi32, #tpu.memory_space<vmem>> -> memref<80xi32, #tpu.memory_space<vmem>>
      %dma_start3A_68 = arith.constant 0 : i32
      %dma_start3A_69 = arith.constant 0 : i32
      %dma_start3A_70 = tpu.memref_slice %arg11[%dma_start3A_68, %dma_start3A_69] : memref<10000x128xf32, #tpu.memory_space<vmem_shared>> -> memref<10000x128xf32, #tpu.memory_space<vmem_shared>>
      tpu.enqueue_indirect_dma source(%arg9 : memref<80x128xf32, #tpu.memory_space<vmem>>) target(%dma_start3A_70 : memref<10000x128xf32, #tpu.memory_space<vmem_shared>>) offsets(%dma_start3A_67 : memref<80xi32, #tpu.memory_space<vmem>>) semaphore(%run_scoped3A : memref<!tpu.dma_semaphore, #tpu.memory_space<semaphore_mem>>) {add = true}
      %dma_wait3A_71 = arith.constant 9920 : i32
      %dma_wait3A_72 = tpu.memref_slice %arg7[%dma_wait3A_71] : memref<10000xi32, #tpu.memory_space<vmem>> -> memref<80xi32, #tpu.memory_space<vmem>>
      %dma_wait3A_73 = arith.constant 0 : i32
      %dma_wait3A_74 = arith.constant 0 : i32
      %dma_wait3A_75 = tpu.memref_slice %arg11[%dma_wait3A_73, %dma_wait3A_74] : memref<10000x128xf32, #tpu.memory_space<vmem_shared>> -> memref<10000x128xf32, #tpu.memory_space<vmem_shared>>
      tpu.wait_indirect_dma semaphore(%run_scoped3A : memref<!tpu.dma_semaphore, #tpu.memory_space<semaphore_mem>>) src(%arg9 : memref<80x128xf32, #tpu.memory_space<vmem>>) dst(%dma_wait3A_75 : memref<10000x128xf32, #tpu.memory_space<vmem_shared>>)
      tpu.yield
    }) : () -> ()
    %barrier3A_60 = arith.constant 0 : index
    tpu.barrier barrier_id(%barrier3A_60)
    %lt3A_61 = arith.constant 10 : i32
    %lt3A_62 = arith.cmpi slt, %arg1, %lt3A_61 : i32
    %convert_element_type3A_63 = arith.extui %lt3A_62 : i1 to i32
    %cond3A_64 = arith.constant 0 : i32
    %cond3A_65 = arith.cmpi ne, %convert_element_type3A_63, %cond3A_64 : i32
    scf.if %cond3A_65 {
      %mul3A_66 = arith.constant 1000 : i32
      %mul3A_67 = arith.muli %arg1, %mul3A_66 : i32
      %mul3A_68 = arith.constant 10000 : i32
      %mul3A_69 = arith.muli %arg0, %mul3A_68 : i32
      %mul3A_70 = arith.constant 1000 : i32
      %mul3A_71 = arith.muli %arg1, %mul3A_70 : i32
      %add3A_72 = arith.addi %mul3A_69, %mul3A_71 : i32
      "tpu.region"() ({
        %run_scoped3A = tpu.sem_alloc : memref<!tpu.dma_semaphore, #tpu.memory_space<semaphore_mem>>
        %dma_start3A_73 = arith.constant 0 : i32
        %dma_start3A_74 = tpu.memref_slice %arg5[%add3A_72, %dma_start3A_73] : memref<20000x128xf32, #tpu.memory_space<hbm>> -> memref<1000x128xf32, #tpu.memory_space<hbm>>
        %dma_start3A_75 = arith.constant 0 : i32
        %dma_start3A_76 = tpu.memref_slice %arg11[%mul3A_67, %dma_start3A_75] : memref<10000x128xf32, #tpu.memory_space<vmem_shared>> -> memref<1000x128xf32, #tpu.memory_space<vmem_shared>>
        tpu.enqueue_dma source(%dma_start3A_76 : memref<1000x128xf32, #tpu.memory_space<vmem_shared>>) target(%dma_start3A_74 : memref<1000x128xf32, #tpu.memory_space<hbm>>) target_semaphore(%run_scoped3A : memref<!tpu.dma_semaphore, #tpu.memory_space<semaphore_mem>>)
        %dma_wait3A_77 = arith.constant 0 : i32
        %dma_wait3A_78 = tpu.memref_slice %arg5[%add3A_72, %dma_wait3A_77] : memref<20000x128xf32, #tpu.memory_space<hbm>> -> memref<1000x128xf32, #tpu.memory_space<hbm>>
        %dma_wait3A_79 = arith.constant 0 : i32
        %dma_wait3A_80 = tpu.memref_slice %arg11[%mul3A_67, %dma_wait3A_79] : memref<10000x128xf32, #tpu.memory_space<vmem_shared>> -> memref<1000x128xf32, #tpu.memory_space<vmem_shared>>
        tpu.wait_dma2 semaphore(%run_scoped3A : memref<!tpu.dma_semaphore, #tpu.memory_space<semaphore_mem>>) src(%dma_wait3A_80 : memref<1000x128xf32, #tpu.memory_space<vmem_shared>>) dst(%dma_wait3A_78 : memref<1000x128xf32, #tpu.memory_space<hbm>>)
        tpu.yield
      }) : () -> ()
    } else {
    }
    return
  }
}

#map = affine_map<(d0, d1) -> (0, 0)>
#map1 = affine_map<(d0, d1) -> (0)>
module attributes {stable_mosaic.version = 14 : i64} {
  func.func @_segsum_body(%arg0: i32, %arg1: i32, %arg2: memref<20000x128xf32, #tpu.memory_space<hbm>>, %arg3: memref<1280000xi32, #tpu.memory_space<hbm>>, %arg4: memref<10000x128xf32, #tpu.memory_space<hbm>>, %arg5: memref<20000x128xf32, #tpu.memory_space<hbm>>, %arg6: memref<10000xi32, #tpu.memory_space<vmem>>, %arg7: memref<10000xi32, #tpu.memory_space<vmem>>, %arg8: memref<80x128xf32, #tpu.memory_space<vmem>>, %arg9: memref<80x128xf32, #tpu.memory_space<vmem>>, %arg10: memref<80x128xf32, #tpu.memory_space<vmem>>, %arg11: memref<10000x128xf32, #tpu.memory_space<vmem_shared>>, %arg12: memref<!tpu.dma_semaphore, #tpu.memory_space<semaphore_mem>>, %arg13: memref<!tpu.dma_semaphore, #tpu.memory_space<semaphore_mem>>, %arg14: memref<!tpu.dma_semaphore, #tpu.memory_space<semaphore_mem>>, %arg15: memref<!tpu.dma_semaphore, #tpu.memory_space<semaphore_mem>>, %arg16: memref<!tpu.dma_semaphore, #tpu.memory_space<semaphore_mem>>, %arg17: memref<!tpu.dma_semaphore, #tpu.memory_space<semaphore_mem>>) attributes {dimension_semantics = [#tpu.dimension_semantics<core_parallel>, #tpu.dimension_semantics<subcore_parallel>], iteration_bounds = array<i64: 2, 16>, scalar_prefetch = 0 : i64, scratch_operands = 12 : i64, tpu.core_type = #tpu.core_type<sc_vector_subcore>, window_params = [{transform_indices = #map}, {transform_indices = #map1}, {transform_indices = #map}, {transform_indices = #map}]} {
    %add3A = arith.constant 2 : i32
    %add3A_0 = arith.addi %add3A, %arg0 : i32
    %mul3A = arith.constant 2 : i32
    %mul3A_1 = arith.muli %add3A_0, %mul3A : i32
    %mul3A_2 = arith.constant 160000 : i32
    %mul3A_3 = arith.muli %mul3A_1, %mul3A_2 : i32
    %mul3A_4 = arith.constant 10000 : i32
    %mul3A_5 = arith.muli %arg1, %mul3A_4 : i32
    %add3A_6 = arith.addi %mul3A_3, %mul3A_5 : i32
    %dma_start3A = tpu.memref_slice %arg3[%add3A_6] : memref<1280000xi32, #tpu.memory_space<hbm>> -> memref<10000xi32, #tpu.memory_space<hbm>>
    %dma_start3A_7 = tpu.memref_slice %arg3[%add3A_6] : memref<1280000xi32, #tpu.memory_space<hbm>> -> memref<10000xi32, #tpu.memory_space<hbm>>
    tpu.enqueue_dma source(%dma_start3A_7 : memref<10000xi32, #tpu.memory_space<hbm>>) target(%arg6 : memref<10000xi32, #tpu.memory_space<vmem>>) target_semaphore(%arg12 : memref<!tpu.dma_semaphore, #tpu.memory_space<semaphore_mem>>)
    %add3A_8 = arith.constant 160000 : i32
    %add3A_9 = arith.addi %add3A_6, %add3A_8 : i32
    %dma_start3A_10 = tpu.memref_slice %arg3[%add3A_9] : memref<1280000xi32, #tpu.memory_space<hbm>> -> memref<10000xi32, #tpu.memory_space<hbm>>
    %dma_start3A_11 = tpu.memref_slice %arg3[%add3A_9] : memref<1280000xi32, #tpu.memory_space<hbm>> -> memref<10000xi32, #tpu.memory_space<hbm>>
    tpu.enqueue_dma source(%dma_start3A_11 : memref<10000xi32, #tpu.memory_space<hbm>>) target(%arg7 : memref<10000xi32, #tpu.memory_space<vmem>>) target_semaphore(%arg13 : memref<!tpu.dma_semaphore, #tpu.memory_space<semaphore_mem>>)
    %lt3A = arith.constant 10 : i32
    %lt3A_12 = arith.cmpi slt, %arg1, %lt3A : i32
    %convert_element_type3A = arith.extui %lt3A_12 : i1 to i32
    %cond3A = arith.constant 0 : i32
    %cond3A_13 = arith.cmpi ne, %convert_element_type3A, %cond3A : i32
    scf.if %cond3A_13 {
      %mul3A_66 = arith.constant 1000 : i32
      %mul3A_67 = arith.muli %arg1, %mul3A_66 : i32
      %mul3A_68 = arith.constant 1000 : i32
      %mul3A_69 = arith.muli %arg1, %mul3A_68 : i32
      %dma_start3A_70 = arith.constant 0 : i32
      %dma_start3A_71 = tpu.memref_slice %arg11[%mul3A_69, %dma_start3A_70] : memref<10000x128xf32, #tpu.memory_space<vmem_shared>> -> memref<1000x128xf32, #tpu.memory_space<vmem_shared>>
      %dma_start3A_72 = arith.constant 0 : i32
      %dma_start3A_73 = tpu.memref_slice %arg4[%mul3A_67, %dma_start3A_72] : memref<10000x128xf32, #tpu.memory_space<hbm>> -> memref<1000x128xf32, #tpu.memory_space<hbm>>
      tpu.enqueue_dma source(%dma_start3A_73 : memref<1000x128xf32, #tpu.memory_space<hbm>>) target(%dma_start3A_71 : memref<1000x128xf32, #tpu.memory_space<vmem_shared>>) target_semaphore(%arg14 : memref<!tpu.dma_semaphore, #tpu.memory_space<semaphore_mem>>)
    } else {
    }
    %dma_wait3A = tpu.memref_slice %arg3[%add3A_6] : memref<1280000xi32, #tpu.memory_space<hbm>> -> memref<10000xi32, #tpu.memory_space<hbm>>
    %dma_wait3A_14 = tpu.memref_slice %arg3[%add3A_6] : memref<1280000xi32, #tpu.memory_space<hbm>> -> memref<10000xi32, #tpu.memory_space<hbm>>
    tpu.wait_dma2 semaphore(%arg12 : memref<!tpu.dma_semaphore, #tpu.memory_space<semaphore_mem>>) src(%dma_wait3A_14 : memref<10000xi32, #tpu.memory_space<hbm>>) dst(%arg6 : memref<10000xi32, #tpu.memory_space<vmem>>)
    %mul3A_15 = arith.constant 10000 : i32
    %mul3A_16 = arith.muli %arg0, %mul3A_15 : i32
    %scan3A = arith.constant 0 : i32
    %scan3A_17 = arith.constant 625 : i32
    %scan3A_18 = arith.addi %scan3A, %scan3A_17 : i32
    %scan3A_19 = arith.constant 1 : i32
    scf.for %scan3A_66 = %scan3A to %scan3A_18 step %scan3A_19  : i32 {
      %mul3A_67 = arith.constant 1 : i32
      %mul3A_68 = arith.muli %scan3A_66, %mul3A_67 : i32
      %add3A_69 = arith.constant 0 : i32
      %add3A_70 = arith.addi %add3A_69, %mul3A_68 : i32
      %mul3A_71 = arith.constant 16 : i32
      %mul3A_72 = arith.muli %add3A_70, %mul3A_71 : i32
      %get3A = arith.index_cast %mul3A_72 : i32 to index
      %get3A_73 = tpu.vector_load %arg6[%get3A] {strides = array<i32>} : memref<10000xi32, #tpu.memory_space<vmem>>, vector<16xi32>,
      %get3A_74 = vector.shape_cast %get3A_73 : vector<16xi32> to vector<16xi32>
      %add3A_75 = vector.broadcast %mul3A_16 : i32 to vector<16xi32>
      %add3A_76 = arith.addi %get3A_74, %add3A_75 : vector<16xi32>
      %mul3A_77 = arith.constant 16 : i32
      %mul3A_78 = arith.muli %add3A_70, %mul3A_77 : i32
      %swap3A = arith.index_cast %mul3A_78 : i32 to index
      %swap3A_79 = tpu.vector_load %arg6[%swap3A] {strides = array<i32>} : memref<10000xi32, #tpu.memory_space<vmem>>, vector<16xi32>,
      %swap3A_80 = vector.shape_cast %swap3A_79 : vector<16xi32> to vector<16xi32>
      %swap3A_81 = vector.shape_cast %add3A_76 : vector<16xi32> to vector<16xi32>
      tpu.vector_store %arg6[%swap3A], %swap3A_81 {strides = array<i32>} : memref<10000xi32, #tpu.memory_space<vmem>>, vector<16xi32>,
    }
    %scan3A_20 = arith.constant 625 : i32
    %add3A_21 = arith.constant 160000 : i32
    %add3A_22 = arith.addi %add3A_6, %add3A_21 : i32
    %dma_wait3A_23 = tpu.memref_slice %arg3[%add3A_22] : memref<1280000xi32, #tpu.memory_space<hbm>> -> memref<10000xi32, #tpu.memory_space<hbm>>
    %dma_wait3A_24 = tpu.memref_slice %arg3[%add3A_22] : memref<1280000xi32, #tpu.memory_space<hbm>> -> memref<10000xi32, #tpu.memory_space<hbm>>
    tpu.wait_dma2 semaphore(%arg13 : memref<!tpu.dma_semaphore, #tpu.memory_space<semaphore_mem>>) src(%dma_wait3A_24 : memref<10000xi32, #tpu.memory_space<hbm>>) dst(%arg7 : memref<10000xi32, #tpu.memory_space<vmem>>)
    %lt3A_25 = arith.constant 10 : i32
    %lt3A_26 = arith.cmpi slt, %arg1, %lt3A_25 : i32
    %convert_element_type3A_27 = arith.extui %lt3A_26 : i1 to i32
    %cond3A_28 = arith.constant 0 : i32
    %cond3A_29 = arith.cmpi ne, %convert_element_type3A_27, %cond3A_28 : i32
    scf.if %cond3A_29 {
      %mul3A_66 = arith.constant 1000 : i32
      %mul3A_67 = arith.muli %arg1, %mul3A_66 : i32
      %mul3A_68 = arith.constant 1000 : i32
      %mul3A_69 = arith.muli %arg1, %mul3A_68 : i32
      %dma_wait3A_70 = arith.constant 0 : i32
      %dma_wait3A_71 = tpu.memref_slice %arg11[%mul3A_69, %dma_wait3A_70] : memref<10000x128xf32, #tpu.memory_space<vmem_shared>> -> memref<1000x128xf32, #tpu.memory_space<vmem_shared>>
      %dma_wait3A_72 = arith.constant 0 : i32
      %dma_wait3A_73 = tpu.memref_slice %arg4[%mul3A_67, %dma_wait3A_72] : memref<10000x128xf32, #tpu.memory_space<hbm>> -> memref<1000x128xf32, #tpu.memory_space<hbm>>
      tpu.wait_dma2 semaphore(%arg14 : memref<!tpu.dma_semaphore, #tpu.memory_space<semaphore_mem>>) src(%dma_wait3A_73 : memref<1000x128xf32, #tpu.memory_space<hbm>>) dst(%dma_wait3A_71 : memref<1000x128xf32, #tpu.memory_space<vmem_shared>>)
    } else {
    }
    %barrier3A = arith.constant 0 : index
    tpu.barrier barrier_id(%barrier3A)
    %dma_start3A_30 = arith.constant 0 : i32
    %dma_start3A_31 = tpu.memref_slice %arg6[%dma_start3A_30] : memref<10000xi32, #tpu.memory_space<vmem>> -> memref<80xi32, #tpu.memory_space<vmem>>
    %dma_start3A_32 = arith.constant 0 : i32
    %dma_start3A_33 = arith.constant 0 : i32
    %dma_start3A_34 = tpu.memref_slice %arg2[%dma_start3A_32, %dma_start3A_33] : memref<20000x128xf32, #tpu.memory_space<hbm>> -> memref<20000x128xf32, #tpu.memory_space<hbm>>
    tpu.enqueue_indirect_dma source(%dma_start3A_34 : memref<20000x128xf32, #tpu.memory_space<hbm>>) target(%arg8 : memref<80x128xf32, #tpu.memory_space<vmem>>) offsets(%dma_start3A_31 : memref<80xi32, #tpu.memory_space<vmem>>) semaphore(%arg12 : memref<!tpu.dma_semaphore, #tpu.memory_space<semaphore_mem>>)
    %dma_start3A_35 = arith.constant 80 : i32
    %dma_start3A_36 = tpu.memref_slice %arg6[%dma_start3A_35] : memref<10000xi32, #tpu.memory_space<vmem>> -> memref<80xi32, #tpu.memory_space<vmem>>
    %dma_start3A_37 = arith.constant 0 : i32
    %dma_start3A_38 = arith.constant 0 : i32
    %dma_start3A_39 = tpu.memref_slice %arg2[%dma_start3A_37, %dma_start3A_38] : memref<20000x128xf32, #tpu.memory_space<hbm>> -> memref<20000x128xf32, #tpu.memory_space<hbm>>
    tpu.enqueue_indirect_dma source(%dma_start3A_39 : memref<20000x128xf32, #tpu.memory_space<hbm>>) target(%arg9 : memref<80x128xf32, #tpu.memory_space<vmem>>) offsets(%dma_start3A_36 : memref<80xi32, #tpu.memory_space<vmem>>) semaphore(%arg13 : memref<!tpu.dma_semaphore, #tpu.memory_space<semaphore_mem>>)
    %dma_start3A_40 = arith.constant 160 : i32
    %dma_start3A_41 = tpu.memref_slice %arg6[%dma_start3A_40] : memref<10000xi32, #tpu.memory_space<vmem>> -> memref<80xi32, #tpu.memory_space<vmem>>
    %dma_start3A_42 = arith.constant 0 : i32
    %dma_start3A_43 = arith.constant 0 : i32
    %dma_start3A_44 = tpu.memref_slice %arg2[%dma_start3A_42, %dma_start3A_43] : memref<20000x128xf32, #tpu.memory_space<hbm>> -> memref<20000x128xf32, #tpu.memory_space<hbm>>
    tpu.enqueue_indirect_dma source(%dma_start3A_44 : memref<20000x128xf32, #tpu.memory_space<hbm>>) target(%arg10 : memref<80x128xf32, #tpu.memory_space<vmem>>) offsets(%dma_start3A_41 : memref<80xi32, #tpu.memory_space<vmem>>) semaphore(%arg14 : memref<!tpu.dma_semaphore, #tpu.memory_space<semaphore_mem>>)
    %scan3A_45 = arith.constant 0 : i32
    %scan3A_46 = arith.constant 41 : i32
    %scan3A_47 = arith.addi %scan3A_45, %scan3A_46 : i32
    %scan3A_48 = arith.constant 1 : i32
    scf.for %scan3A_66 = %scan3A_45 to %scan3A_47 step %scan3A_48  : i32 {
      %mul3A_67 = arith.constant 1 : i32
      %mul3A_68 = arith.muli %scan3A_66, %mul3A_67 : i32
      %add3A_69 = arith.constant 0 : i32
      %add3A_70 = arith.addi %add3A_69, %mul3A_68 : i32
      %mul3A_71 = arith.constant 3 : i32
      %mul3A_72 = arith.muli %mul3A_71, %add3A_70 : i32
      %add3A_73 = arith.constant 0 : i32
      %add3A_74 = arith.addi %mul3A_72, %add3A_73 : i32
      %mul3A_75 = arith.constant 80 : i32
      %mul3A_76 = arith.muli %add3A_74, %mul3A_75 : i32
      %dma_wait3A_77 = tpu.memref_slice %arg6[%mul3A_76] : memref<10000xi32, #tpu.memory_space<vmem>> -> memref<80xi32, #tpu.memory_space<vmem>>
      %dma_wait3A_78 = arith.constant 0 : i32
      %dma_wait3A_79 = arith.constant 0 : i32
      %dma_wait3A_80 = tpu.memref_slice %arg2[%dma_wait3A_78, %dma_wait3A_79] : memref<20000x128xf32, #tpu.memory_space<hbm>> -> memref<20000x128xf32, #tpu.memory_space<hbm>>
      tpu.wait_indirect_dma semaphore(%arg12 : memref<!tpu.dma_semaphore, #tpu.memory_space<semaphore_mem>>) src(%dma_wait3A_80 : memref<20000x128xf32, #tpu.memory_space<hbm>>) dst(%arg8 : memref<80x128xf32, #tpu.memory_space<vmem>>)
      %add3A_81 = arith.constant 0 : i32
      %add3A_82 = arith.addi %mul3A_72, %add3A_81 : i32
      %mul3A_83 = arith.constant 80 : i32
      %mul3A_84 = arith.muli %add3A_82, %mul3A_83 : i32
      %dma_start3A_85 = tpu.memref_slice %arg7[%mul3A_84] : memref<10000xi32, #tpu.memory_space<vmem>> -> memref<80xi32, #tpu.memory_space<vmem>>
      %dma_start3A_86 = arith.constant 0 : i32
      %dma_start3A_87 = arith.constant 0 : i32
      %dma_start3A_88 = tpu.memref_slice %arg11[%dma_start3A_86, %dma_start3A_87] : memref<10000x128xf32, #tpu.memory_space<vmem_shared>> -> memref<10000x128xf32, #tpu.memory_space<vmem_shared>>
      tpu.enqueue_indirect_dma source(%arg8 : memref<80x128xf32, #tpu.memory_space<vmem>>) target(%dma_start3A_88 : memref<10000x128xf32, #tpu.memory_space<vmem_shared>>) offsets(%dma_start3A_85 : memref<80xi32, #tpu.memory_space<vmem>>) semaphore(%arg15 : memref<!tpu.dma_semaphore, #tpu.memory_space<semaphore_mem>>) {add = true}
      %add3A_89 = arith.constant 1 : i32
      %add3A_90 = arith.addi %mul3A_72, %add3A_89 : i32
      %mul3A_91 = arith.constant 80 : i32
      %mul3A_92 = arith.muli %add3A_90, %mul3A_91 : i32
      %dma_wait3A_93 = tpu.memref_slice %arg6[%mul3A_92] : memref<10000xi32, #tpu.memory_space<vmem>> -> memref<80xi32, #tpu.memory_space<vmem>>
      %dma_wait3A_94 = arith.constant 0 : i32
      %dma_wait3A_95 = arith.constant 0 : i32
      %dma_wait3A_96 = tpu.memref_slice %arg2[%dma_wait3A_94, %dma_wait3A_95] : memref<20000x128xf32, #tpu.memory_space<hbm>> -> memref<20000x128xf32, #tpu.memory_space<hbm>>
      tpu.wait_indirect_dma semaphore(%arg13 : memref<!tpu.dma_semaphore, #tpu.memory_space<semaphore_mem>>) src(%dma_wait3A_96 : memref<20000x128xf32, #tpu.memory_space<hbm>>) dst(%arg9 : memref<80x128xf32, #tpu.memory_space<vmem>>)
      %add3A_97 = arith.constant 1 : i32
      %add3A_98 = arith.addi %mul3A_72, %add3A_97 : i32
      %mul3A_99 = arith.constant 80 : i32
      %mul3A_100 = arith.muli %add3A_98, %mul3A_99 : i32
      %dma_start3A_101 = tpu.memref_slice %arg7[%mul3A_100] : memref<10000xi32, #tpu.memory_space<vmem>> -> memref<80xi32, #tpu.memory_space<vmem>>
      %dma_start3A_102 = arith.constant 0 : i32
      %dma_start3A_103 = arith.constant 0 : i32
      %dma_start3A_104 = tpu.memref_slice %arg11[%dma_start3A_102, %dma_start3A_103] : memref<10000x128xf32, #tpu.memory_space<vmem_shared>> -> memref<10000x128xf32, #tpu.memory_space<vmem_shared>>
      tpu.enqueue_indirect_dma source(%arg9 : memref<80x128xf32, #tpu.memory_space<vmem>>) target(%dma_start3A_104 : memref<10000x128xf32, #tpu.memory_space<vmem_shared>>) offsets(%dma_start3A_101 : memref<80xi32, #tpu.memory_space<vmem>>) semaphore(%arg16 : memref<!tpu.dma_semaphore, #tpu.memory_space<semaphore_mem>>) {add = true}
      %add3A_105 = arith.constant 2 : i32
      %add3A_106 = arith.addi %mul3A_72, %add3A_105 : i32
      %mul3A_107 = arith.constant 80 : i32
      %mul3A_108 = arith.muli %add3A_106, %mul3A_107 : i32
      %dma_wait3A_109 = tpu.memref_slice %arg6[%mul3A_108] : memref<10000xi32, #tpu.memory_space<vmem>> -> memref<80xi32, #tpu.memory_space<vmem>>
      %dma_wait3A_110 = arith.constant 0 : i32
      %dma_wait3A_111 = arith.constant 0 : i32
      %dma_wait3A_112 = tpu.memref_slice %arg2[%dma_wait3A_110, %dma_wait3A_111] : memref<20000x128xf32, #tpu.memory_space<hbm>> -> memref<20000x128xf32, #tpu.memory_space<hbm>>
      tpu.wait_indirect_dma semaphore(%arg14 : memref<!tpu.dma_semaphore, #tpu.memory_space<semaphore_mem>>) src(%dma_wait3A_112 : memref<20000x128xf32, #tpu.memory_space<hbm>>) dst(%arg10 : memref<80x128xf32, #tpu.memory_space<vmem>>)
      %add3A_113 = arith.constant 2 : i32
      %add3A_114 = arith.addi %mul3A_72, %add3A_113 : i32
      %mul3A_115 = arith.constant 80 : i32
      %mul3A_116 = arith.muli %add3A_114, %mul3A_115 : i32
      %dma_start3A_117 = tpu.memref_slice %arg7[%mul3A_116] : memref<10000xi32, #tpu.memory_space<vmem>> -> memref<80xi32, #tpu.memory_space<vmem>>
      %dma_start3A_118 = arith.constant 0 : i32
      %dma_start3A_119 = arith.constant 0 : i32
      %dma_start3A_120 = tpu.memref_slice %arg11[%dma_start3A_118, %dma_start3A_119] : memref<10000x128xf32, #tpu.memory_space<vmem_shared>> -> memref<10000x128xf32, #tpu.memory_space<vmem_shared>>
      tpu.enqueue_indirect_dma source(%arg10 : memref<80x128xf32, #tpu.memory_space<vmem>>) target(%dma_start3A_120 : memref<10000x128xf32, #tpu.memory_space<vmem_shared>>) offsets(%dma_start3A_117 : memref<80xi32, #tpu.memory_space<vmem>>) semaphore(%arg17 : memref<!tpu.dma_semaphore, #tpu.memory_space<semaphore_mem>>) {add = true}
      %add3A_121 = arith.constant 0 : i32
      %add3A_122 = arith.addi %mul3A_72, %add3A_121 : i32
      %mul3A_123 = arith.constant 80 : i32
      %mul3A_124 = arith.muli %add3A_122, %mul3A_123 : i32
      %dma_wait3A_125 = tpu.memref_slice %arg7[%mul3A_124] : memref<10000xi32, #tpu.memory_space<vmem>> -> memref<80xi32, #tpu.memory_space<vmem>>
      %dma_wait3A_126 = arith.constant 0 : i32
      %dma_wait3A_127 = arith.constant 0 : i32
      %dma_wait3A_128 = tpu.memref_slice %arg11[%dma_wait3A_126, %dma_wait3A_127] : memref<10000x128xf32, #tpu.memory_space<vmem_shared>> -> memref<10000x128xf32, #tpu.memory_space<vmem_shared>>
      tpu.wait_indirect_dma semaphore(%arg15 : memref<!tpu.dma_semaphore, #tpu.memory_space<semaphore_mem>>) src(%arg8 : memref<80x128xf32, #tpu.memory_space<vmem>>) dst(%dma_wait3A_128 : memref<10000x128xf32, #tpu.memory_space<vmem_shared>>)
      %add3A_129 = arith.constant 0 : i32
      %add3A_130 = arith.addi %mul3A_72, %add3A_129 : i32
      %add3A_131 = arith.constant 3 : i32
      %add3A_132 = arith.addi %add3A_130, %add3A_131 : i32
      %lt3A_133 = arith.constant 125 : i32
      %lt3A_134 = arith.cmpi slt, %add3A_132, %lt3A_133 : i32
      %convert_element_type3A_135 = arith.extui %lt3A_134 : i1 to i32
      %cond3A_136 = arith.constant 0 : i32
      %cond3A_137 = arith.cmpi ne, %convert_element_type3A_135, %cond3A_136 : i32
      scf.if %cond3A_137 {
        %add3A_172 = arith.constant 0 : i32
        %add3A_173 = arith.addi %mul3A_72, %add3A_172 : i32
        %add3A_174 = arith.constant 3 : i32
        %add3A_175 = arith.addi %add3A_173, %add3A_174 : i32
        %mul3A_176 = arith.constant 80 : i32
        %mul3A_177 = arith.muli %add3A_175, %mul3A_176 : i32
        %dma_start3A_178 = tpu.memref_slice %arg6[%mul3A_177] : memref<10000xi32, #tpu.memory_space<vmem>> -> memref<80xi32, #tpu.memory_space<vmem>>
        %dma_start3A_179 = arith.constant 0 : i32
        %dma_start3A_180 = arith.constant 0 : i32
        %dma_start3A_181 = tpu.memref_slice %arg2[%dma_start3A_179, %dma_start3A_180] : memref<20000x128xf32, #tpu.memory_space<hbm>> -> memref<20000x128xf32, #tpu.memory_space<hbm>>
        tpu.enqueue_indirect_dma source(%dma_start3A_181 : memref<20000x128xf32, #tpu.memory_space<hbm>>) target(%arg8 : memref<80x128xf32, #tpu.memory_space<vmem>>) offsets(%dma_start3A_178 : memref<80xi32, #tpu.memory_space<vmem>>) semaphore(%arg12 : memref<!tpu.dma_semaphore, #tpu.memory_space<semaphore_mem>>)
      } else {
      }
      %add3A_138 = arith.constant 1 : i32
      %add3A_139 = arith.addi %mul3A_72, %add3A_138 : i32
      %mul3A_140 = arith.constant 80 : i32
      %mul3A_141 = arith.muli %add3A_139, %mul3A_140 : i32
      %dma_wait3A_142 = tpu.memref_slice %arg7[%mul3A_141] : memref<10000xi32, #tpu.memory_space<vmem>> -> memref<80xi32, #tpu.memory_space<vmem>>
      %dma_wait3A_143 = arith.constant 0 : i32
      %dma_wait3A_144 = arith.constant 0 : i32
      %dma_wait3A_145 = tpu.memref_slice %arg11[%dma_wait3A_143, %dma_wait3A_144] : memref<10000x128xf32, #tpu.memory_space<vmem_shared>> -> memref<10000x128xf32, #tpu.memory_space<vmem_shared>>
      tpu.wait_indirect_dma semaphore(%arg16 : memref<!tpu.dma_semaphore, #tpu.memory_space<semaphore_mem>>) src(%arg9 : memref<80x128xf32, #tpu.memory_space<vmem>>) dst(%dma_wait3A_145 : memref<10000x128xf32, #tpu.memory_space<vmem_shared>>)
      %add3A_146 = arith.constant 1 : i32
      %add3A_147 = arith.addi %mul3A_72, %add3A_146 : i32
      %add3A_148 = arith.constant 3 : i32
      %add3A_149 = arith.addi %add3A_147, %add3A_148 : i32
      %lt3A_150 = arith.constant 125 : i32
      %lt3A_151 = arith.cmpi slt, %add3A_149, %lt3A_150 : i32
      %convert_element_type3A_152 = arith.extui %lt3A_151 : i1 to i32
      %cond3A_153 = arith.constant 0 : i32
      %cond3A_154 = arith.cmpi ne, %convert_element_type3A_152, %cond3A_153 : i32
      scf.if %cond3A_154 {
        %add3A_172 = arith.constant 1 : i32
        %add3A_173 = arith.addi %mul3A_72, %add3A_172 : i32
        %add3A_174 = arith.constant 3 : i32
        %add3A_175 = arith.addi %add3A_173, %add3A_174 : i32
        %mul3A_176 = arith.constant 80 : i32
        %mul3A_177 = arith.muli %add3A_175, %mul3A_176 : i32
        %dma_start3A_178 = tpu.memref_slice %arg6[%mul3A_177] : memref<10000xi32, #tpu.memory_space<vmem>> -> memref<80xi32, #tpu.memory_space<vmem>>
        %dma_start3A_179 = arith.constant 0 : i32
        %dma_start3A_180 = arith.constant 0 : i32
        %dma_start3A_181 = tpu.memref_slice %arg2[%dma_start3A_179, %dma_start3A_180] : memref<20000x128xf32, #tpu.memory_space<hbm>> -> memref<20000x128xf32, #tpu.memory_space<hbm>>
        tpu.enqueue_indirect_dma source(%dma_start3A_181 : memref<20000x128xf32, #tpu.memory_space<hbm>>) target(%arg9 : memref<80x128xf32, #tpu.memory_space<vmem>>) offsets(%dma_start3A_178 : memref<80xi32, #tpu.memory_space<vmem>>) semaphore(%arg13 : memref<!tpu.dma_semaphore, #tpu.memory_space<semaphore_mem>>)
      } else {
      }
      %add3A_155 = arith.constant 2 : i32
      %add3A_156 = arith.addi %mul3A_72, %add3A_155 : i32
      %mul3A_157 = arith.constant 80 : i32
      %mul3A_158 = arith.muli %add3A_156, %mul3A_157 : i32
      %dma_wait3A_159 = tpu.memref_slice %arg7[%mul3A_158] : memref<10000xi32, #tpu.memory_space<vmem>> -> memref<80xi32, #tpu.memory_space<vmem>>
      %dma_wait3A_160 = arith.constant 0 : i32
      %dma_wait3A_161 = arith.constant 0 : i32
      %dma_wait3A_162 = tpu.memref_slice %arg11[%dma_wait3A_160, %dma_wait3A_161] : memref<10000x128xf32, #tpu.memory_space<vmem_shared>> -> memref<10000x128xf32, #tpu.memory_space<vmem_shared>>
      tpu.wait_indirect_dma semaphore(%arg17 : memref<!tpu.dma_semaphore, #tpu.memory_space<semaphore_mem>>) src(%arg10 : memref<80x128xf32, #tpu.memory_space<vmem>>) dst(%dma_wait3A_162 : memref<10000x128xf32, #tpu.memory_space<vmem_shared>>)
      %add3A_163 = arith.constant 2 : i32
      %add3A_164 = arith.addi %mul3A_72, %add3A_163 : i32
      %add3A_165 = arith.constant 3 : i32
      %add3A_166 = arith.addi %add3A_164, %add3A_165 : i32
      %lt3A_167 = arith.constant 125 : i32
      %lt3A_168 = arith.cmpi slt, %add3A_166, %lt3A_167 : i32
      %convert_element_type3A_169 = arith.extui %lt3A_168 : i1 to i32
      %cond3A_170 = arith.constant 0 : i32
      %cond3A_171 = arith.cmpi ne, %convert_element_type3A_169, %cond3A_170 : i32
      scf.if %cond3A_171 {
        %add3A_172 = arith.constant 2 : i32
        %add3A_173 = arith.addi %mul3A_72, %add3A_172 : i32
        %add3A_174 = arith.constant 3 : i32
        %add3A_175 = arith.addi %add3A_173, %add3A_174 : i32
        %mul3A_176 = arith.constant 80 : i32
        %mul3A_177 = arith.muli %add3A_175, %mul3A_176 : i32
        %dma_start3A_178 = tpu.memref_slice %arg6[%mul3A_177] : memref<10000xi32, #tpu.memory_space<vmem>> -> memref<80xi32, #tpu.memory_space<vmem>>
        %dma_start3A_179 = arith.constant 0 : i32
        %dma_start3A_180 = arith.constant 0 : i32
        %dma_start3A_181 = tpu.memref_slice %arg2[%dma_start3A_179, %dma_start3A_180] : memref<20000x128xf32, #tpu.memory_space<hbm>> -> memref<20000x128xf32, #tpu.memory_space<hbm>>
        tpu.enqueue_indirect_dma source(%dma_start3A_181 : memref<20000x128xf32, #tpu.memory_space<hbm>>) target(%arg10 : memref<80x128xf32, #tpu.memory_space<vmem>>) offsets(%dma_start3A_178 : memref<80xi32, #tpu.memory_space<vmem>>) semaphore(%arg14 : memref<!tpu.dma_semaphore, #tpu.memory_space<semaphore_mem>>)
      } else {
      }
    }
    %scan3A_49 = arith.constant 41 : i32
    %dma_wait3A_50 = arith.constant 9840 : i32
    %dma_wait3A_51 = tpu.memref_slice %arg6[%dma_wait3A_50] : memref<10000xi32, #tpu.memory_space<vmem>> -> memref<80xi32, #tpu.memory_space<vmem>>
    %dma_wait3A_52 = arith.constant 0 : i32
    %dma_wait3A_53 = arith.constant 0 : i32
    %dma_wait3A_54 = tpu.memref_slice %arg2[%dma_wait3A_52, %dma_wait3A_53] : memref<20000x128xf32, #tpu.memory_space<hbm>> -> memref<20000x128xf32, #tpu.memory_space<hbm>>
    tpu.wait_indirect_dma semaphore(%arg12 : memref<!tpu.dma_semaphore, #tpu.memory_space<semaphore_mem>>) src(%dma_wait3A_54 : memref<20000x128xf32, #tpu.memory_space<hbm>>) dst(%arg8 : memref<80x128xf32, #tpu.memory_space<vmem>>)
    "tpu.region"() ({
      %run_scoped3A = tpu.sem_alloc : memref<!tpu.dma_semaphore, #tpu.memory_space<semaphore_mem>>
      %dma_start3A_66 = arith.constant 9840 : i32
      %dma_start3A_67 = tpu.memref_slice %arg7[%dma_start3A_66] : memref<10000xi32, #tpu.memory_space<vmem>> -> memref<80xi32, #tpu.memory_space<vmem>>
      %dma_start3A_68 = arith.constant 0 : i32
      %dma_start3A_69 = arith.constant 0 : i32
      %dma_start3A_70 = tpu.memref_slice %arg11[%dma_start3A_68, %dma_start3A_69] : memref<10000x128xf32, #tpu.memory_space<vmem_shared>> -> memref<10000x128xf32, #tpu.memory_space<vmem_shared>>
      tpu.enqueue_indirect_dma source(%arg8 : memref<80x128xf32, #tpu.memory_space<vmem>>) target(%dma_start3A_70 : memref<10000x128xf32, #tpu.memory_space<vmem_shared>>) offsets(%dma_start3A_67 : memref<80xi32, #tpu.memory_space<vmem>>) semaphore(%run_scoped3A : memref<!tpu.dma_semaphore, #tpu.memory_space<semaphore_mem>>) {add = true}
      %dma_wait3A_71 = arith.constant 9840 : i32
      %dma_wait3A_72 = tpu.memref_slice %arg7[%dma_wait3A_71] : memref<10000xi32, #tpu.memory_space<vmem>> -> memref<80xi32, #tpu.memory_space<vmem>>
      %dma_wait3A_73 = arith.constant 0 : i32
      %dma_wait3A_74 = arith.constant 0 : i32
      %dma_wait3A_75 = tpu.memref_slice %arg11[%dma_wait3A_73, %dma_wait3A_74] : memref<10000x128xf32, #tpu.memory_space<vmem_shared>> -> memref<10000x128xf32, #tpu.memory_space<vmem_shared>>
      tpu.wait_indirect_dma semaphore(%run_scoped3A : memref<!tpu.dma_semaphore, #tpu.memory_space<semaphore_mem>>) src(%arg8 : memref<80x128xf32, #tpu.memory_space<vmem>>) dst(%dma_wait3A_75 : memref<10000x128xf32, #tpu.memory_space<vmem_shared>>)
      tpu.yield
    }) : () -> ()
    %dma_wait3A_55 = arith.constant 9920 : i32
    %dma_wait3A_56 = tpu.memref_slice %arg6[%dma_wait3A_55] : memref<10000xi32, #tpu.memory_space<vmem>> -> memref<80xi32, #tpu.memory_space<vmem>>
    %dma_wait3A_57 = arith.constant 0 : i32
    %dma_wait3A_58 = arith.constant 0 : i32
    %dma_wait3A_59 = tpu.memref_slice %arg2[%dma_wait3A_57, %dma_wait3A_58] : memref<20000x128xf32, #tpu.memory_space<hbm>> -> memref<20000x128xf32, #tpu.memory_space<hbm>>
    tpu.wait_indirect_dma semaphore(%arg13 : memref<!tpu.dma_semaphore, #tpu.memory_space<semaphore_mem>>) src(%dma_wait3A_59 : memref<20000x128xf32, #tpu.memory_space<hbm>>) dst(%arg9 : memref<80x128xf32, #tpu.memory_space<vmem>>)
    "tpu.region"() ({
      %run_scoped3A = tpu.sem_alloc : memref<!tpu.dma_semaphore, #tpu.memory_space<semaphore_mem>>
      %dma_start3A_66 = arith.constant 9920 : i32
      %dma_start3A_67 = tpu.memref_slice %arg7[%dma_start3A_66] : memref<10000xi32, #tpu.memory_space<vmem>> -> memref<80xi32, #tpu.memory_space<vmem>>
      %dma_start3A_68 = arith.constant 0 : i32
      %dma_start3A_69 = arith.constant 0 : i32
      %dma_start3A_70 = tpu.memref_slice %arg11[%dma_start3A_68, %dma_start3A_69] : memref<10000x128xf32, #tpu.memory_space<vmem_shared>> -> memref<10000x128xf32, #tpu.memory_space<vmem_shared>>
      tpu.enqueue_indirect_dma source(%arg9 : memref<80x128xf32, #tpu.memory_space<vmem>>) target(%dma_start3A_70 : memref<10000x128xf32, #tpu.memory_space<vmem_shared>>) offsets(%dma_start3A_67 : memref<80xi32, #tpu.memory_space<vmem>>) semaphore(%run_scoped3A : memref<!tpu.dma_semaphore, #tpu.memory_space<semaphore_mem>>) {add = true}
      %dma_wait3A_71 = arith.constant 9920 : i32
      %dma_wait3A_72 = tpu.memref_slice %arg7[%dma_wait3A_71] : memref<10000xi32, #tpu.memory_space<vmem>> -> memref<80xi32, #tpu.memory_space<vmem>>
      %dma_wait3A_73 = arith.constant 0 : i32
      %dma_wait3A_74 = arith.constant 0 : i32
      %dma_wait3A_75 = tpu.memref_slice %arg11[%dma_wait3A_73, %dma_wait3A_74] : memref<10000x128xf32, #tpu.memory_space<vmem_shared>> -> memref<10000x128xf32, #tpu.memory_space<vmem_shared>>
      tpu.wait_indirect_dma semaphore(%run_scoped3A : memref<!tpu.dma_semaphore, #tpu.memory_space<semaphore_mem>>) src(%arg9 : memref<80x128xf32, #tpu.memory_space<vmem>>) dst(%dma_wait3A_75 : memref<10000x128xf32, #tpu.memory_space<vmem_shared>>)
      tpu.yield
    }) : () -> ()
    %barrier3A_60 = arith.constant 0 : index
    tpu.barrier barrier_id(%barrier3A_60)
    %lt3A_61 = arith.constant 10 : i32
    %lt3A_62 = arith.cmpi slt, %arg1, %lt3A_61 : i32
    %convert_element_type3A_63 = arith.extui %lt3A_62 : i1 to i32
    %cond3A_64 = arith.constant 0 : i32
    %cond3A_65 = arith.cmpi ne, %convert_element_type3A_63, %cond3A_64 : i32
    scf.if %cond3A_65 {
      %mul3A_66 = arith.constant 1000 : i32
      %mul3A_67 = arith.muli %arg1, %mul3A_66 : i32
      %mul3A_68 = arith.constant 10000 : i32
      %mul3A_69 = arith.muli %arg0, %mul3A_68 : i32
      %mul3A_70 = arith.constant 1000 : i32
      %mul3A_71 = arith.muli %arg1, %mul3A_70 : i32
      %add3A_72 = arith.addi %mul3A_69, %mul3A_71 : i32
      "tpu.region"() ({
        %run_scoped3A = tpu.sem_alloc : memref<!tpu.dma_semaphore, #tpu.memory_space<semaphore_mem>>
        %dma_start3A_73 = arith.constant 0 : i32
        %dma_start3A_74 = tpu.memref_slice %arg5[%add3A_72, %dma_start3A_73] : memref<20000x128xf32, #tpu.memory_space<hbm>> -> memref<1000x128xf32, #tpu.memory_space<hbm>>
        %dma_start3A_75 = arith.constant 0 : i32
        %dma_start3A_76 = tpu.memref_slice %arg11[%mul3A_67, %dma_start3A_75] : memref<10000x128xf32, #tpu.memory_space<vmem_shared>> -> memref<1000x128xf32, #tpu.memory_space<vmem_shared>>
        tpu.enqueue_dma source(%dma_start3A_76 : memref<1000x128xf32, #tpu.memory_space<vmem_shared>>) target(%dma_start3A_74 : memref<1000x128xf32, #tpu.memory_space<hbm>>) target_semaphore(%run_scoped3A : memref<!tpu.dma_semaphore, #tpu.memory_space<semaphore_mem>>)
        %dma_wait3A_77 = arith.constant 0 : i32
        %dma_wait3A_78 = tpu.memref_slice %arg5[%add3A_72, %dma_wait3A_77] : memref<20000x128xf32, #tpu.memory_space<hbm>> -> memref<1000x128xf32, #tpu.memory_space<hbm>>
        %dma_wait3A_79 = arith.constant 0 : i32
        %dma_wait3A_80 = tpu.memref_slice %arg11[%mul3A_67, %dma_wait3A_79] : memref<10000x128xf32, #tpu.memory_space<vmem_shared>> -> memref<1000x128xf32, #tpu.memory_space<vmem_shared>>
        tpu.wait_dma2 semaphore(%run_scoped3A : memref<!tpu.dma_semaphore, #tpu.memory_space<semaphore_mem>>) src(%dma_wait3A_80 : memref<1000x128xf32, #tpu.memory_space<vmem_shared>>) dst(%dma_wait3A_78 : memref<1000x128xf32, #tpu.memory_space<hbm>>)
        tpu.yield
      }) : () -> ()
    } else {
    }
    return
  }
}

module attributes {stable_mosaic.version = 14 : i64} {
  func.func @_gin_body(%arg0: i32, %arg1: memref<2000x128xf32, #tpu.memory_space<vmem>>, %arg2: memref<128x128xf32, #tpu.memory_space<vmem>>, %arg3: memref<1x128xf32, #tpu.memory_space<vmem>>, %arg4: memref<1x128xf32, #tpu.memory_space<vmem>>, %arg5: memref<1x128xf32, #tpu.memory_space<vmem>>, %arg6: memref<2000x128xf32, #tpu.memory_space<vmem>>) attributes {dimension_semantics = [#tpu.dimension_semantics<arbitrary>], iteration_bounds = array<i64: 10>, scalar_prefetch = 0 : i64, scratch_operands = 0 : i64, tpu.core_type = #tpu.core_type<tc>, window_params = [{transform_indices = @transform_0, window_bounds = array<i64: 2000, 128>}, {pipeline_mode = #tpu.pipeline_mode<synchronous>, transform_indices = @transform_1, window_bounds = array<i64: 128, 128>}, {pipeline_mode = #tpu.pipeline_mode<synchronous>, transform_indices = @transform_2, window_bounds = array<i64: 1, 128>}, {pipeline_mode = #tpu.pipeline_mode<synchronous>, transform_indices = @transform_3, window_bounds = array<i64: 1, 128>}, {pipeline_mode = #tpu.pipeline_mode<synchronous>, transform_indices = @transform_4, window_bounds = array<i64: 1, 128>}, {transform_indices = @transform_5, window_bounds = array<i64: 2000, 128>}]} {
    %get3A = arith.constant 0 : index
    %get3A_0 = arith.constant 0 : index
    %get3A_1 = vector.load %arg1[%get3A, %get3A_0] : memref<2000x128xf32, #tpu.memory_space<vmem>>, vector<2000x128xf32>
    %get3A_2 = arith.constant 0 : index
    %get3A_3 = arith.constant 0 : index
    %get3A_4 = vector.load %arg2[%get3A_2, %get3A_3] : memref<128x128xf32, #tpu.memory_space<vmem>>, vector<128x128xf32>
    %dot_general3A = arith.constant dense<0.000000e+00> : vector<2000x128xf32>
    %dot_general3A_5 = tpu.matmul %get3A_1, %get3A_4, %dot_general3A {dimension_numbers = #tpu.dot_dimension_numbers<[1], [0], [0], [1], [0, 0, 1, 1], [], []>, transpose_lhs_hint = false} : vector<2000x128xf32>, vector<128x128xf32>, vector<2000x128xf32> -> vector<2000x128xf32>
    %get3A_6 = arith.constant 0 : index
    %get3A_7 = arith.constant 0 : index
    %get3A_8 = vector.load %arg3[%get3A_6, %get3A_7] : memref<1x128xf32, #tpu.memory_space<vmem>>, vector<1x128xf32>
    %add3A = vector.broadcast %get3A_8 : vector<1x128xf32> to vector<2000x128xf32>
    %add3A_9 = arith.addf %dot_general3A_5, %add3A : vector<2000x128xf32>
    %reduce_sum3A = arith.constant dense<0.000000e+00> : vector<2000xf32>
    %reduce_sum3A_10 = vector.multi_reduction <add>, %add3A_9, %reduce_sum3A [1] : vector<2000x128xf32> to vector<2000xf32>
    %broadcast_in_dim3A = vector.shape_cast %reduce_sum3A_10 : vector<2000xf32> to vector<2000x1xf32>
    %div3A = arith.constant 1.280000e+02 : f32
    %div3A_11 = vector.broadcast %div3A : f32 to vector<2000x1xf32>
    %div3A_12 = arith.divf %broadcast_in_dim3A, %div3A_11 : vector<2000x1xf32>
    %sub3A = vector.broadcast %div3A_12 : vector<2000x1xf32> to vector<2000x128xf32>
    %sub3A_13 = arith.subf %add3A_9, %sub3A : vector<2000x128xf32>
    %integer_pow3A = arith.mulf %sub3A_13, %sub3A_13 : vector<2000x128xf32>
    %reduce_sum3A_14 = arith.constant dense<0.000000e+00> : vector<2000xf32>
    %reduce_sum3A_15 = vector.multi_reduction <add>, %integer_pow3A, %reduce_sum3A_14 [1] : vector<2000x128xf32> to vector<2000xf32>
    %broadcast_in_dim3A_16 = vector.shape_cast %reduce_sum3A_15 : vector<2000xf32> to vector<2000x1xf32>
    %div3A_17 = arith.constant 1.280000e+02 : f32
    %div3A_18 = vector.broadcast %div3A_17 : f32 to vector<2000x1xf32>
    %div3A_19 = arith.divf %broadcast_in_dim3A_16, %div3A_18 : vector<2000x1xf32>
    %sub3A_20 = vector.broadcast %div3A_12 : vector<2000x1xf32> to vector<2000x128xf32>
    %sub3A_21 = arith.subf %add3A_9, %sub3A_20 : vector<2000x128xf32>
    %add3A_22 = arith.constant 9.99999974E-6 : f32
    %add3A_23 = vector.broadcast %add3A_22 : f32 to vector<2000x1xf32>
    %add3A_24 = arith.addf %div3A_19, %add3A_23 : vector<2000x1xf32>
    %rsqrt3A = math.rsqrt %add3A_24 : vector<2000x1xf32>
    %mul3A = vector.broadcast %rsqrt3A : vector<2000x1xf32> to vector<2000x128xf32>
    %mul3A_25 = arith.mulf %sub3A_21, %mul3A : vector<2000x128xf32>
    %get3A_26 = arith.constant 0 : index
    %get3A_27 = arith.constant 0 : index
    %get3A_28 = vector.load %arg4[%get3A_26, %get3A_27] : memref<1x128xf32, #tpu.memory_space<vmem>>, vector<1x128xf32>
    %mul3A_29 = vector.broadcast %get3A_28 : vector<1x128xf32> to vector<2000x128xf32>
    %mul3A_30 = arith.mulf %mul3A_25, %mul3A_29 : vector<2000x128xf32>
    %get3A_31 = arith.constant 0 : index
    %get3A_32 = arith.constant 0 : index
    %get3A_33 = vector.load %arg5[%get3A_31, %get3A_32] : memref<1x128xf32, #tpu.memory_space<vmem>>, vector<1x128xf32>
    %add3A_34 = vector.broadcast %get3A_33 : vector<1x128xf32> to vector<2000x128xf32>
    %add3A_35 = arith.addf %mul3A_30, %add3A_34 : vector<2000x128xf32>
    %max3A = arith.constant 0.000000e+00 : f32
    %max3A_36 = vector.broadcast %max3A : f32 to vector<2000x128xf32>
    %max3A_37 = arith.maximumf %add3A_35, %max3A_36 : vector<2000x128xf32>
    %swap3A = arith.constant 0 : index
    %swap3A_38 = arith.constant 0 : index
    %swap3A_39 = vector.load %arg6[%swap3A, %swap3A_38] : memref<2000x128xf32, #tpu.memory_space<vmem>>, vector<2000x128xf32>
    tpu.vector_store %arg6[%swap3A, %swap3A_38], %max3A_37 {strides = array<i32>} : memref<2000x128xf32, #tpu.memory_space<vmem>>, vector<2000x128xf32>,
    return
  }
  func.func @transform_0(%arg0: i32) -> (i32, i32) {
    %c0_i32 = arith.constant 0 : i32
    %c0_i32_0 = arith.constant 0 : i32
    return %arg0, %c0_i32 : i32, i32
  }
  func.func @transform_1(%arg0: i32) -> (i32, i32) {
    %c0_i32 = arith.constant 0 : i32
    %c0_i32_0 = arith.constant 0 : i32
    %c0_i32_1 = arith.constant 0 : i32
    return %c0_i32, %c0_i32_0 : i32, i32
  }
  func.func @transform_2(%arg0: i32) -> (i32, i32) {
    %c0_i32 = arith.constant 0 : i32
    %c0_i32_0 = arith.constant 0 : i32
    %c0_i32_1 = arith.constant 0 : i32
    return %c0_i32, %c0_i32_0 : i32, i32
  }
  func.func @transform_3(%arg0: i32) -> (i32, i32) {
    %c0_i32 = arith.constant 0 : i32
    %c0_i32_0 = arith.constant 0 : i32
    %c0_i32_1 = arith.constant 0 : i32
    return %c0_i32, %c0_i32_0 : i32, i32
  }
  func.func @transform_4(%arg0: i32) -> (i32, i32) {
    %c0_i32 = arith.constant 0 : i32
    %c0_i32_0 = arith.constant 0 : i32
    %c0_i32_1 = arith.constant 0 : i32
    return %c0_i32, %c0_i32_0 : i32, i32
  }
  func.func @transform_5(%arg0: i32) -> (i32, i32) {
    %c0_i32 = arith.constant 0 : i32
    %c0_i32_0 = arith.constant 0 : i32
    return %arg0, %c0_i32 : i32, i32
  }
}

module attributes {stable_mosaic.version = 14 : i64} {
  func.func @_final_body(%arg0: i32, %arg1: memref<2000x128xf32, #tpu.memory_space<vmem>>, %arg2: memref<2000x128xf32, #tpu.memory_space<vmem>>, %arg3: memref<2000x128xf32, #tpu.memory_space<vmem>>, %arg4: memref<2000x128xf32, #tpu.memory_space<vmem>>, %arg5: memref<128x128xf32, #tpu.memory_space<vmem>>, %arg6: memref<1x128xf32, #tpu.memory_space<vmem>>, %arg7: memref<1x128xf32, #tpu.memory_space<vmem>>, %arg8: memref<1x128xf32, #tpu.memory_space<vmem>>, %arg9: memref<128x256xf32, #tpu.memory_space<vmem>>, %arg10: memref<128x256xf32, #tpu.memory_space<vmem>>, %arg11: memref<128x256xf32, #tpu.memory_space<vmem>>, %arg12: memref<128x256xf32, #tpu.memory_space<vmem>>, %arg13: memref<1x256xf32, #tpu.memory_space<vmem>>, %arg14: memref<1x256xf32, #tpu.memory_space<vmem>>, %arg15: memref<1x256xf32, #tpu.memory_space<vmem>>, %arg16: memref<1x256xf32, #tpu.memory_space<vmem>>, %arg17: memref<2x128xf32, #tpu.memory_space<vmem>>) attributes {dimension_semantics = [#tpu.dimension_semantics<arbitrary>], iteration_bounds = array<i64: 10>, scalar_prefetch = 0 : i64, scratch_operands = 0 : i64, tpu.core_type = #tpu.core_type<tc>, window_params = [{transform_indices = @transform_0, window_bounds = array<i64: 2000, 128>}, {transform_indices = @transform_1, window_bounds = array<i64: 2000, 128>}, {transform_indices = @transform_2, window_bounds = array<i64: 2000, 128>}, {transform_indices = @transform_3, window_bounds = array<i64: 2000, 128>}, {pipeline_mode = #tpu.pipeline_mode<synchronous>, transform_indices = @transform_4, window_bounds = array<i64: 128, 128>}, {pipeline_mode = #tpu.pipeline_mode<synchronous>, transform_indices = @transform_5, window_bounds = array<i64: 1, 128>}, {pipeline_mode = #tpu.pipeline_mode<synchronous>, transform_indices = @transform_6, window_bounds = array<i64: 1, 128>}, {pipeline_mode = #tpu.pipeline_mode<synchronous>, transform_indices = @transform_7, window_bounds = array<i64: 1, 128>}, {pipeline_mode = #tpu.pipeline_mode<synchronous>, transform_indices = @transform_8, window_bounds = array<i64: 128, 256>}, {pipeline_mode = #tpu.pipeline_mode<synchronous>, transform_indices = @transform_9, window_bounds = array<i64: 128, 256>}, {pipeline_mode = #tpu.pipeline_mode<synchronous>, transform_indices = @transform_10, window_bounds = array<i64: 128, 256>}, {pipeline_mode = #tpu.pipeline_mode<synchronous>, transform_indices = @transform_11, window_bounds = array<i64: 128, 256>}, {pipeline_mode = #tpu.pipeline_mode<synchronous>, transform_indices = @transform_12, window_bounds = array<i64: 1, 256>}, {pipeline_mode = #tpu.pipeline_mode<synchronous>, transform_indices = @transform_13, window_bounds = array<i64: 1, 256>}, {pipeline_mode = #tpu.pipeline_mode<synchronous>, transform_indices = @transform_14, window_bounds = array<i64: 1, 256>}, {pipeline_mode = #tpu.pipeline_mode<synchronous>, transform_indices = @transform_15, window_bounds = array<i64: 1, 256>}, {pipeline_mode = #tpu.pipeline_mode<synchronous>, transform_indices = @transform_16, window_bounds = array<i64: 2, 128>}]} {
    %get3A = arith.constant 0 : index
    %get3A_0 = arith.constant 0 : index
    %get3A_1 = vector.load %arg1[%get3A, %get3A_0] : memref<2000x128xf32, #tpu.memory_space<vmem>>, vector<2000x128xf32>
    %get3A_2 = arith.constant 0 : index
    %get3A_3 = arith.constant 0 : index
    %get3A_4 = vector.load %arg5[%get3A_2, %get3A_3] : memref<128x128xf32, #tpu.memory_space<vmem>>, vector<128x128xf32>
    %dot_general3A = arith.constant dense<0.000000e+00> : vector<2000x128xf32>
    %dot_general3A_5 = tpu.matmul %get3A_1, %get3A_4, %dot_general3A {dimension_numbers = #tpu.dot_dimension_numbers<[1], [0], [0], [1], [0, 0, 1, 1], [], []>, transpose_lhs_hint = false} : vector<2000x128xf32>, vector<128x128xf32>, vector<2000x128xf32> -> vector<2000x128xf32>
    %get3A_6 = arith.constant 0 : index
    %get3A_7 = arith.constant 0 : index
    %get3A_8 = vector.load %arg6[%get3A_6, %get3A_7] : memref<1x128xf32, #tpu.memory_space<vmem>>, vector<1x128xf32>
    %add3A = vector.broadcast %get3A_8 : vector<1x128xf32> to vector<2000x128xf32>
    %add3A_9 = arith.addf %dot_general3A_5, %add3A : vector<2000x128xf32>
    %reduce_sum3A = arith.constant dense<0.000000e+00> : vector<2000xf32>
    %reduce_sum3A_10 = vector.multi_reduction <add>, %add3A_9, %reduce_sum3A [1] : vector<2000x128xf32> to vector<2000xf32>
    %broadcast_in_dim3A = vector.shape_cast %reduce_sum3A_10 : vector<2000xf32> to vector<2000x1xf32>
    %div3A = arith.constant 1.280000e+02 : f32
    %div3A_11 = vector.broadcast %div3A : f32 to vector<2000x1xf32>
    %div3A_12 = arith.divf %broadcast_in_dim3A, %div3A_11 : vector<2000x1xf32>
    %sub3A = vector.broadcast %div3A_12 : vector<2000x1xf32> to vector<2000x128xf32>
    %sub3A_13 = arith.subf %add3A_9, %sub3A : vector<2000x128xf32>
    %integer_pow3A = arith.mulf %sub3A_13, %sub3A_13 : vector<2000x128xf32>
    %reduce_sum3A_14 = arith.constant dense<0.000000e+00> : vector<2000xf32>
    %reduce_sum3A_15 = vector.multi_reduction <add>, %integer_pow3A, %reduce_sum3A_14 [1] : vector<2000x128xf32> to vector<2000xf32>
    %broadcast_in_dim3A_16 = vector.shape_cast %reduce_sum3A_15 : vector<2000xf32> to vector<2000x1xf32>
    %div3A_17 = arith.constant 1.280000e+02 : f32
    %div3A_18 = vector.broadcast %div3A_17 : f32 to vector<2000x1xf32>
    %div3A_19 = arith.divf %broadcast_in_dim3A_16, %div3A_18 : vector<2000x1xf32>
    %sub3A_20 = vector.broadcast %div3A_12 : vector<2000x1xf32> to vector<2000x128xf32>
    %sub3A_21 = arith.subf %add3A_9, %sub3A_20 : vector<2000x128xf32>
    %add3A_22 = arith.constant 9.99999974E-6 : f32
    %add3A_23 = vector.broadcast %add3A_22 : f32 to vector<2000x1xf32>
    %add3A_24 = arith.addf %div3A_19, %add3A_23 : vector<2000x1xf32>
    %rsqrt3A = math.rsqrt %add3A_24 : vector<2000x1xf32>
    %mul3A = vector.broadcast %rsqrt3A : vector<2000x1xf32> to vector<2000x128xf32>
    %mul3A_25 = arith.mulf %sub3A_21, %mul3A : vector<2000x128xf32>
    %get3A_26 = arith.constant 0 : index
    %get3A_27 = arith.constant 0 : index
    %get3A_28 = vector.load %arg7[%get3A_26, %get3A_27] : memref<1x128xf32, #tpu.memory_space<vmem>>, vector<1x128xf32>
    %mul3A_29 = vector.broadcast %get3A_28 : vector<1x128xf32> to vector<2000x128xf32>
    %mul3A_30 = arith.mulf %mul3A_25, %mul3A_29 : vector<2000x128xf32>
    %get3A_31 = arith.constant 0 : index
    %get3A_32 = arith.constant 0 : index
    %get3A_33 = vector.load %arg8[%get3A_31, %get3A_32] : memref<1x128xf32, #tpu.memory_space<vmem>>, vector<1x128xf32>
    %add3A_34 = vector.broadcast %get3A_33 : vector<1x128xf32> to vector<2000x128xf32>
    %add3A_35 = arith.addf %mul3A_30, %add3A_34 : vector<2000x128xf32>
    %max3A = arith.constant 0.000000e+00 : f32
    %max3A_36 = vector.broadcast %max3A : f32 to vector<2000x128xf32>
    %max3A_37 = arith.maximumf %add3A_35, %max3A_36 : vector<2000x128xf32>
    %get3A_38 = arith.constant 0 : index
    %get3A_39 = arith.constant 0 : index
    %get3A_40 = vector.load %arg2[%get3A_38, %get3A_39] : memref<2000x128xf32, #tpu.memory_space<vmem>>, vector<2000x128xf32>
    %get3A_41 = arith.constant 0 : index
    %get3A_42 = arith.constant 0 : index
    %get3A_43 = vector.load %arg9[%get3A_41, %get3A_42] : memref<128x256xf32, #tpu.memory_space<vmem>>, vector<128x256xf32>
    %dot_general3A_44 = arith.constant dense<0.000000e+00> : vector<2000x256xf32>
    %dot_general3A_45 = tpu.matmul %get3A_40, %get3A_43, %dot_general3A_44 {dimension_numbers = #tpu.dot_dimension_numbers<[1], [0], [0], [1], [0, 0, 1, 1], [], []>, transpose_lhs_hint = false} : vector<2000x128xf32>, vector<128x256xf32>, vector<2000x256xf32> -> vector<2000x256xf32>
    %get3A_46 = arith.constant 0 : index
    %get3A_47 = arith.constant 0 : index
    %get3A_48 = vector.load %arg3[%get3A_46, %get3A_47] : memref<2000x128xf32, #tpu.memory_space<vmem>>, vector<2000x128xf32>
    %get3A_49 = arith.constant 0 : index
    %get3A_50 = arith.constant 0 : index
    %get3A_51 = vector.load %arg10[%get3A_49, %get3A_50] : memref<128x256xf32, #tpu.memory_space<vmem>>, vector<128x256xf32>
    %dot_general3A_52 = arith.constant dense<0.000000e+00> : vector<2000x256xf32>
    %dot_general3A_53 = tpu.matmul %get3A_48, %get3A_51, %dot_general3A_52 {dimension_numbers = #tpu.dot_dimension_numbers<[1], [0], [0], [1], [0, 0, 1, 1], [], []>, transpose_lhs_hint = false} : vector<2000x128xf32>, vector<128x256xf32>, vector<2000x256xf32> -> vector<2000x256xf32>
    %add3A_54 = arith.addf %dot_general3A_45, %dot_general3A_53 : vector<2000x256xf32>
    %get3A_55 = arith.constant 0 : index
    %get3A_56 = arith.constant 0 : index
    %get3A_57 = vector.load %arg4[%get3A_55, %get3A_56] : memref<2000x128xf32, #tpu.memory_space<vmem>>, vector<2000x128xf32>
    %get3A_58 = arith.constant 0 : index
    %get3A_59 = arith.constant 0 : index
    %get3A_60 = vector.load %arg11[%get3A_58, %get3A_59] : memref<128x256xf32, #tpu.memory_space<vmem>>, vector<128x256xf32>
    %dot_general3A_61 = arith.constant dense<0.000000e+00> : vector<2000x256xf32>
    %dot_general3A_62 = tpu.matmul %get3A_57, %get3A_60, %dot_general3A_61 {dimension_numbers = #tpu.dot_dimension_numbers<[1], [0], [0], [1], [0, 0, 1, 1], [], []>, transpose_lhs_hint = false} : vector<2000x128xf32>, vector<128x256xf32>, vector<2000x256xf32> -> vector<2000x256xf32>
    %add3A_63 = arith.addf %add3A_54, %dot_general3A_62 : vector<2000x256xf32>
    %get3A_64 = arith.constant 0 : index
    %get3A_65 = arith.constant 0 : index
    %get3A_66 = vector.load %arg12[%get3A_64, %get3A_65] : memref<128x256xf32, #tpu.memory_space<vmem>>, vector<128x256xf32>
    %dot_general3A_67 = arith.constant dense<0.000000e+00> : vector<2000x256xf32>
    %dot_general3A_68 = tpu.matmul %max3A_37, %get3A_66, %dot_general3A_67 {dimension_numbers = #tpu.dot_dimension_numbers<[1], [0], [0], [1], [0, 0, 1, 1], [], []>, transpose_lhs_hint = false} : vector<2000x128xf32>, vector<128x256xf32>, vector<2000x256xf32> -> vector<2000x256xf32>
    %add3A_69 = arith.addf %add3A_63, %dot_general3A_68 : vector<2000x256xf32>
    %get3A_70 = arith.constant 0 : index
    %get3A_71 = arith.constant 0 : index
    %get3A_72 = vector.load %arg13[%get3A_70, %get3A_71] : memref<1x256xf32, #tpu.memory_space<vmem>>, vector<1x256xf32>
    %add3A_73 = vector.broadcast %get3A_72 : vector<1x256xf32> to vector<2000x256xf32>
    %add3A_74 = arith.addf %add3A_69, %add3A_73 : vector<2000x256xf32>
    %get3A_75 = arith.constant 0 : index
    %get3A_76 = arith.constant 0 : index
    %get3A_77 = vector.load %arg14[%get3A_75, %get3A_76] : memref<1x256xf32, #tpu.memory_space<vmem>>, vector<1x256xf32>
    %mul3A_78 = vector.broadcast %get3A_77 : vector<1x256xf32> to vector<2000x256xf32>
    %mul3A_79 = arith.mulf %add3A_74, %mul3A_78 : vector<2000x256xf32>
    %get3A_80 = arith.constant 0 : index
    %get3A_81 = arith.constant 0 : index
    %get3A_82 = vector.load %arg15[%get3A_80, %get3A_81] : memref<1x256xf32, #tpu.memory_space<vmem>>, vector<1x256xf32>
    %add3A_83 = vector.broadcast %get3A_82 : vector<1x256xf32> to vector<2000x256xf32>
    %add3A_84 = arith.addf %mul3A_79, %add3A_83 : vector<2000x256xf32>
    %max3A_85 = arith.constant 0.000000e+00 : f32
    %max3A_86 = vector.broadcast %max3A_85 : f32 to vector<2000x256xf32>
    %max3A_87 = arith.maximumf %add3A_84, %max3A_86 : vector<2000x256xf32>
    %get3A_88 = arith.constant 0 : index
    %get3A_89 = arith.constant 0 : index
    %get3A_90 = vector.load %arg16[%get3A_88, %get3A_89] : memref<1x256xf32, #tpu.memory_space<vmem>>, vector<1x256xf32>
    %mul3A_91 = vector.broadcast %get3A_90 : vector<1x256xf32> to vector<2000x256xf32>
    %mul3A_92 = arith.mulf %max3A_87, %mul3A_91 : vector<2000x256xf32>
    %reduce_sum3A_93 = arith.constant dense<0.000000e+00> : vector<2000xf32>
    %reduce_sum3A_94 = vector.multi_reduction <add>, %mul3A_92, %reduce_sum3A_93 [1] : vector<2000x256xf32> to vector<2000xf32>
    %reduce_sum3A_95 = vector.shape_cast %reduce_sum3A_94 : vector<2000xf32> to vector<1x2000xf32>
    %reduce_sum3A_96 = arith.constant dense<0.000000e+00> : vector<1xf32>
    %reduce_sum3A_97 = vector.multi_reduction <add>, %reduce_sum3A_95, %reduce_sum3A_96 [1] : vector<1x2000xf32> to vector<1xf32>
    %reduce_sum3A_98 = vector.shape_cast %reduce_sum3A_97 : vector<1xf32> to vector<1x1xf32>
    %reduce_sum3A_99 = vector.extract %reduce_sum3A_98[0, 0] : f32 from vector<1x1xf32>
    %mul3A_100 = arith.constant 9.99999974E-5 : f32
    %mul3A_101 = arith.mulf %reduce_sum3A_99, %mul3A_100 : f32
    %eq3A = arith.constant 0 : i32
    %eq3A_102 = arith.cmpi eq, %arg0, %eq3A : i32
    %convert_element_type3A = arith.extui %eq3A_102 : i1 to i32
    %cond3A = arith.constant 0 : i32
    %cond3A_103 = arith.cmpi ne, %convert_element_type3A, %cond3A : i32
    scf.if %cond3A_103 {
      %broadcast_in_dim3A_134 = arith.constant 0.000000e+00 : f32
      %broadcast_in_dim3A_135 = vector.broadcast %broadcast_in_dim3A_134 : f32 to vector<2x128xf32>
      %swap3A_136 = arith.constant 0 : index
      %swap3A_137 = arith.constant 0 : index
      %swap3A_138 = vector.load %arg17[%swap3A_136, %swap3A_137] : memref<2x128xf32, #tpu.memory_space<vmem>>, vector<2x128xf32>
      tpu.vector_store %arg17[%swap3A_136, %swap3A_137], %broadcast_in_dim3A_135 {strides = array<i32>} : memref<2x128xf32, #tpu.memory_space<vmem>>, vector<2x128xf32>,
    } else {
    }
    %jit3A = arith.constant 5 : i32
    %div3A_104 = arith.divsi %arg0, %jit3A : i32
    %sign3A = arith.constant 0 : i32
    %sign3A_105 = arith.cmpi sgt, %arg0, %sign3A : i32
    %sign3A_106 = arith.extui %sign3A_105 : i1 to i32
    %sign3A_107 = arith.constant 0 : i32
    %sign3A_108 = arith.cmpi slt, %arg0, %sign3A_107 : i32
    %sign3A_109 = arith.extui %sign3A_108 : i1 to i32
    %sign3A_110 = arith.subi %sign3A_106, %sign3A_109 : i32
    %sign3A_111 = arith.constant 0 : i32
    %sign3A_112 = arith.cmpi sgt, %jit3A, %sign3A_111 : i32
    %sign3A_113 = arith.extui %sign3A_112 : i1 to i32
    %sign3A_114 = arith.constant 0 : i32
    %sign3A_115 = arith.cmpi slt, %jit3A, %sign3A_114 : i32
    %sign3A_116 = arith.extui %sign3A_115 : i1 to i32
    %sign3A_117 = arith.subi %sign3A_113, %sign3A_116 : i32
    %ne3A = arith.cmpi ne, %sign3A_110, %sign3A_117 : i32
    %rem3A = arith.remsi %arg0, %jit3A : i32
    %ne3A_118 = arith.constant 0 : i32
    %ne3A_119 = arith.cmpi ne, %rem3A, %ne3A_118 : i32
    %and3A = arith.andi %ne3A, %ne3A_119 : i1
    %sub3A_120 = arith.constant 1 : i32
    %sub3A_121 = arith.subi %div3A_104, %sub3A_120 : i32
    %select_n3A = arith.select %and3A, %sub3A_121, %div3A_104 : i32
    %iota3A = tpu.iota {dimensions = array<i32: 0>} : vector<2x128xi32>
    %get3A_122 = arith.constant 0 : index
    %get3A_123 = arith.constant 0 : index
    %get3A_124 = vector.load %arg17[%get3A_122, %get3A_123] : memref<2x128xf32, #tpu.memory_space<vmem>>, vector<2x128xf32>
    %eq3A_125 = vector.broadcast %select_n3A : i32 to vector<2x128xi32>
    %eq3A_126 = arith.cmpi eq, %iota3A, %eq3A_125 : vector<2x128xi32>
    %jit3A_127 = arith.constant 0.000000e+00 : f32
    %broadcast_in_dim3A_128 = vector.broadcast %mul3A_101 : f32 to vector<2x128xf32>
    %broadcast_in_dim3A_129 = vector.broadcast %jit3A_127 : f32 to vector<2x128xf32>
    %select_n3A_130 = arith.select %eq3A_126, %broadcast_in_dim3A_128, %broadcast_in_dim3A_129 : vector<2x128xi1>, vector<2x128xf32>
    %add3A_131 = arith.addf %get3A_124, %select_n3A_130 : vector<2x128xf32>
    %swap3A = arith.constant 0 : index
    %swap3A_132 = arith.constant 0 : index
    %swap3A_133 = vector.load %arg17[%swap3A, %swap3A_132] : memref<2x128xf32, #tpu.memory_space<vmem>>, vector<2x128xf32>
    tpu.vector_store %arg17[%swap3A, %swap3A_132], %add3A_131 {strides = array<i32>} : memref<2x128xf32, #tpu.memory_space<vmem>>, vector<2x128xf32>,
    return
  }
  func.func @transform_0(%arg0: i32) -> (i32, i32) {
    %c0_i32 = arith.constant 0 : i32
    %c0_i32_0 = arith.constant 0 : i32
    return %arg0, %c0_i32 : i32, i32
  }
  func.func @transform_1(%arg0: i32) -> (i32, i32) {
    %c0_i32 = arith.constant 0 : i32
    %c0_i32_0 = arith.constant 0 : i32
    return %arg0, %c0_i32 : i32, i32
  }
  func.func @transform_2(%arg0: i32) -> (i32, i32) {
    %c0_i32 = arith.constant 0 : i32
    %c0_i32_0 = arith.constant 0 : i32
    return %arg0, %c0_i32 : i32, i32
  }
  func.func @transform_3(%arg0: i32) -> (i32, i32) {
    %c0_i32 = arith.constant 0 : i32
    %c0_i32_0 = arith.constant 0 : i32
    return %arg0, %c0_i32 : i32, i32
  }
  func.func @transform_4(%arg0: i32) -> (i32, i32) {
    %c0_i32 = arith.constant 0 : i32
    %c0_i32_0 = arith.constant 0 : i32
    %c0_i32_1 = arith.constant 0 : i32
    return %c0_i32, %c0_i32_0 : i32, i32
  }
  func.func @transform_5(%arg0: i32) -> (i32, i32) {
    %c0_i32 = arith.constant 0 : i32
    %c0_i32_0 = arith.constant 0 : i32
    %c0_i32_1 = arith.constant 0 : i32
    return %c0_i32, %c0_i32_0 : i32, i32
  }
  func.func @transform_6(%arg0: i32) -> (i32, i32) {
    %c0_i32 = arith.constant 0 : i32
    %c0_i32_0 = arith.constant 0 : i32
    %c0_i32_1 = arith.constant 0 : i32
    return %c0_i32, %c0_i32_0 : i32, i32
  }
  func.func @transform_7(%arg0: i32) -> (i32, i32) {
    %c0_i32 = arith.constant 0 : i32
    %c0_i32_0 = arith.constant 0 : i32
    %c0_i32_1 = arith.constant 0 : i32
    return %c0_i32, %c0_i32_0 : i32, i32
  }
  func.func @transform_8(%arg0: i32) -> (i32, i32) {
    %c0_i32 = arith.constant 0 : i32
    %c0_i32_0 = arith.constant 0 : i32
    %c0_i32_1 = arith.constant 0 : i32
    return %c0_i32, %c0_i32_0 : i32, i32
  }
  func.func @transform_9(%arg0: i32) -> (i32, i32) {
    %c0_i32 = arith.constant 0 : i32
    %c0_i32_0 = arith.constant 0 : i32
    %c0_i32_1 = arith.constant 0 : i32
    return %c0_i32, %c0_i32_0 : i32, i32
  }
  func.func @transform_10(%arg0: i32) -> (i32, i32) {
    %c0_i32 = arith.constant 0 : i32
    %c0_i32_0 = arith.constant 0 : i32
    %c0_i32_1 = arith.constant 0 : i32
    return %c0_i32, %c0_i32_0 : i32, i32
  }
  func.func @transform_11(%arg0: i32) -> (i32, i32) {
    %c0_i32 = arith.constant 0 : i32
    %c0_i32_0 = arith.constant 0 : i32
    %c0_i32_1 = arith.constant 0 : i32
    return %c0_i32, %c0_i32_0 : i32, i32
  }
  func.func @transform_12(%arg0: i32) -> (i32, i32) {
    %c0_i32 = arith.constant 0 : i32
    %c0_i32_0 = arith.constant 0 : i32
    %c0_i32_1 = arith.constant 0 : i32
    return %c0_i32, %c0_i32_0 : i32, i32
  }
  func.func @transform_13(%arg0: i32) -> (i32, i32) {
    %c0_i32 = arith.constant 0 : i32
    %c0_i32_0 = arith.constant 0 : i32
    %c0_i32_1 = arith.constant 0 : i32
    return %c0_i32, %c0_i32_0 : i32, i32
  }
  func.func @transform_14(%arg0: i32) -> (i32, i32) {
    %c0_i32 = arith.constant 0 : i32
    %c0_i32_0 = arith.constant 0 : i32
    %c0_i32_1 = arith.constant 0 : i32
    return %c0_i32, %c0_i32_0 : i32, i32
  }
  func.func @transform_15(%arg0: i32) -> (i32, i32) {
    %c0_i32 = arith.constant 0 : i32
    %c0_i32_0 = arith.constant 0 : i32
    %c0_i32_1 = arith.constant 0 : i32
    return %c0_i32, %c0_i32_0 : i32, i32
  }
  func.func @transform_16(%arg0: i32) -> (i32, i32) {
    %c0_i32 = arith.constant 0 : i32
    %c0_i32_0 = arith.constant 0 : i32
    %c0_i32_1 = arith.constant 0 : i32
    return %c0_i32, %c0_i32_0 : i32, i32
  }
}

</mosaic_0001>

<sc_bundles>
// kernel: kernel.14.cloned.1.call-start
scs
__scs_entry_jumppad:
0x0: {  	(pc) =	sbr.rel $0x88, $3  }
0x1: {  	(tag) =	ssettag $0x0;
	lr =	simm.s32 $0x1  }
0x2: {  	[smem:$0x3F8D] =	sst lr;
	_ =	strace $0xD0000000  }
0x3: {  	_ = 	snop  }
0x4: {  	_ = 	snop  }
0x5: {  	_ = 	snop  }
0x6: {  	_ = 	snop  }
0x7: {  	_ = 	snop  }
__scs_overlays_trampoline_lowered:
0x8: {  	[smem:$0x3F9C] =	sst s0  }
0x9: {  	[smem:$0x3F9D] =	sst s1  }
0xa: {  	[smem:$0x3F9E] =	sst s2  }
0xb: {  	[smem:$0x3F9F] =	sst s3  }
0xc: {  	[smem:$0x3FA0] =	sst s4  }
0xd: {  	[smem:$0x3FA1] =	sst s5  }
0xe: {  	[smem:$0x3FA2] =	sst s6  }
0xf: {  	[smem:$0x3FA3] =	sst s7  }
0x10: {  	[smem:$0x3FA4] =	sst s8  }
0x11: {  	[smem:$0x3FA5] =	sst s9;
	s0 =	simm.s32 @!p0 $0x0  }
0x12: {  	s1 =	sld [smem:$0x3F8B];
	s0 =	simm.s32 @p0 $0x1  }
0x13: {  	[smem:$0x3FA6] =	sst s0;
	s0 =	simm.s32 @!p1 $0x0  }
0x14: {  	s2 =	sld [smem:$0x3F8A];
	s0 =	simm.s32 @p1 $0x1  }
0x15: {  	[smem:$0x3FA7] =	sst s0;
	s0 =	simm.s32 @!p2 $0x0  }
0x16: {  	s3 =	sld [smem:$0x3FDB];
	s0 =	simm.s32 @p2 $0x1  }
0x17: {  	s4 =	simm.s32 $0x1BF5;
	[smem:$0x3FA9] =	sst s0  }
0x18: {  	s0 =	sld [smem:$0x3F8C];
	_ =	swait.ge [sflag:s4], $0x0  }
0x19: {  	s7 =	sld [smem:$0x3F8D]  }
0x1a: {  	s8 =	sadd.s32 $0xFFFFE003, lr  }
0x1b: {  	s9 =	sadd.s32 $0xFFFFFEF7, lr;
	s5 =	simm.s32 $0xFFFFFFFF;
	p2 =	slt.u32 s8, $0xFFFFF086  }
0x1c: {  	p1 =	slt.u32 s9, $0xF7A;
	s5 =	simm.s32 @!p2 $0x0  }
0x1d: {  	s5 =	simm.s32 @p1 $0x1;
	p0 =	seq.s32 s7, s2  }
0x1e: {  	s7 =	smul.u32 @!p0 $0xF7A, s2;
	p2 =	seq.s32 @!p0 s5, $0x0  }
0x1f: {  	s9 =	smul.u32 $0xF7A, s1;
	s8 =	simm.s32 @!p0 $0x1BF5;
	p2 =	por !p2, p0  }
0x20: {  	[sflag:s8] =	ssyncset.s32 @!p0 $0xFFFFF086;
	s6 =	sadd.s32 @!p0 s3, s7;
	s7 =	simm.s32 @!p0 $0x108  }
0x21: {  	s3 =	sadd.s32 s3, s9;
	s6 =	sadd.s32 @!p0 $0x88, s6;
	s7 =	simm.s32 @p2 $0x1082  }
0x22: {  	[simem:s7], [sflag:s8] =	dma.local @!p0 [hbm:s6], $0xF7A  }
0x23: {  	s9 =	sor.u32 $0xD0000000, s2;
	s6 =	simm.s32 $0x108;
	_ =	swait.ge @!p0 [sflag:s8], $0x0  }
0x24: {  	s3 =	sadd.s32 $0x88, s3;
	s6 =	simm.s32 @!p1 $0x1082;
	[sflag:s4] =	ssyncset.s32 $0xFFFFF086  }
0x25: {  	[simem:s6], [sflag:s4] =	dma.local [hbm:s3], $0xF7A  }
0x26: {  	[smem:$0x3F8D] =	sst s1;
	(tag) =	ssettag s2;
	_ =	strace s9  }
0x27: {  	s1 =	sld [smem:$0x3F9D]  }
0x28: {  	s2 =	sld [smem:$0x3F9E]  }
0x29: {  	s4 =	sld [smem:$0x3FA0]  }
0x2a: {  	p0 =	seq.s32 s5, $0x0;
	s5 =	sld [smem:$0x3FA1]  }
0x2b: {  	s6 =	sld [smem:$0x3FA2]  }
0x2c: {  	s7 =	sld [smem:$0x3FA3]  }
0x2d: {  	s3 =	simm.s32 $0x108;
	s8 =	sld [smem:$0x3FA4]  }
0x2e: {  	s3 =	simm.s32 @!p0 $0x1082;
	s9 =	sld [smem:$0x3FA5]  }
0x2f: {  	lr =	sadd.s32 s0, s3;
	s0 =	sld [smem:$0x3F9C]  }
0x30: {  	s3 =	sld [smem:$0x3F9F]  }
0x31: {  	[smem:$0x3FA8] =	sst s10  }
0x32: {  	s10 =	sld [smem:$0x3FA6];
	_ =	sdelay $0x3  }
0x33: {  	p0 =	seq.s32 s10, $0x1;
	s10 =	sld [smem:$0x3FA8];
	_ =	sdelay $0x3  }
0x34: {  	[smem:$0x3FA8] =	sst s10  }
0x35: {  	s10 =	sld [smem:$0x3FA7];
	_ =	sdelay $0x3  }
0x36: {  	p1 =	seq.s32 s10, $0x1;
	s10 =	sld [smem:$0x3FA8];
	_ =	sdelay $0x3  }
0x37: {  	[smem:$0x3FA8] =	sst s10  }
0x38: {  	s10 =	sld [smem:$0x3FA9]  }
0x39: {  	_ = 	snop;
	(pc) =	sbr.ind lr, $3  }
0x3a: {  	_ = 	snop  }
0x3b: {  	_ = 	snop  }
0x3c: {  	p2 =	seq.s32 s10, $0x1;
	s10 =	sld [smem:$0x3FA8]  }
0x3d: {  	_ =	shalt  }
0x3e: {  	_ =	shalt  }
0x3f: {  	_ =	shalt  }
0x40: {  	_ =	shalt  }
0x41: {  	_ =	shalt  }
0x42: {  	_ =	shalt  }
0x43: {  	_ =	shalt  }
0x44: {  	_ =	shalt  }
0x45: {  	_ =	shalt  }
0x46: {  	_ =	shalt  }
0x47: {  	_ =	shalt  }
0x48: {  	_ =	shalt  }
0x49: {  	_ =	shalt  }
0x4a: {  	_ =	shalt  }
0x4b: {  	_ =	shalt  }
0x4c: {  	_ =	shalt  }
0x4d: {  	_ =	shalt  }
0x4e: {  	_ =	shalt  }
0x4f: {  	_ =	shalt  }
0x50: {  	_ =	shalt  }
0x51: {  	_ =	shalt  }
0x52: {  	_ =	shalt  }
0x53: {  	_ =	shalt  }
0x54: {  	_ =	shalt  }
0x55: {  	_ =	shalt  }
0x56: {  	_ =	shalt  }
0x57: {  	_ =	shalt  }
0x58: {  	_ =	shalt  }
0x59: {  	_ =	shalt  }
0x5a: {  	_ =	shalt  }
0x5b: {  	_ =	shalt  }
0x5c: {  	_ =	shalt  }
0x5d: {  	_ =	shalt  }
0x5e: {  	_ =	shalt  }
0x5f: {  	_ =	shalt  }
0x60: {  	_ =	shalt  }
0x61: {  	_ =	shalt  }
0x62: {  	_ =	shalt  }
0x63: {  	_ =	shalt  }
0x64: {  	_ =	shalt  }
0x65: {  	_ =	shalt  }
0x66: {  	_ =	shalt  }
0x67: {  	_ =	shalt  }
0x68: {  	_ =	shalt  }
0x69: {  	_ =	shalt  }
0x6a: {  	_ =	shalt  }
0x6b: {  	_ =	shalt  }
0x6c: {  	_ =	shalt  }
0x6d: {  	_ =	shalt  }
0x6e: {  	_ =	shalt  }
0x6f: {  	_ =	shalt  }
0x70: {  	_ =	shalt  }
0x71: {  	_ =	shalt  }
0x72: {  	_ =	shalt  }
0x73: {  	_ =	shalt  }
0x74: {  	_ =	shalt  }
0x75: {  	_ =	shalt  }
0x76: {  	_ =	shalt  }
0x77: {  	_ =	shalt  }
0x78: {  	_ =	shalt  }
0x79: {  	_ =	shalt  }
0x7a: {  	_ =	shalt  }
0x7b: {  	_ =	shalt  }
0x7c: {  	_ =	shalt  }
0x7d: {  	_ =	shalt  }
0x7e: {  	_ =	shalt  }
0x7f: {  	_ =	shalt  }
0x80: {  	_ =	shalt  }
0x81: {  	_ =	shalt  }
0x82: {  	_ =	shalt  }
0x83: {  	_ =	shalt  }
0x84: {  	_ =	shalt  }
0x85: {  	_ =	shalt  }
0x86: {  	_ =	shalt  }
0x87: {  	_ =	shalt  }
.Lfunc_end0:
.L_simem_size_0:
called_computation_lowered:
.L_overlay_start_0:
0x88: {  	s2 =	sld [smem:$0x3FD9]  }
0x89: {  	s3 =	sld [smem:$0x3FFE];
	_ =	sdelay $0x1  }
0x8a: {  	s1 =	srdreg.scid  }
0x8b: {  	s0 =	sand.u32 $0x1, s1  }
0x8c: {  	s16 =	sshll.u32 s0, $0xA;
	s2 =	sadd.s32 s3, s2  }
0x8d: {  	s2 =	sadd.s32 s2, s16  }
0x8e: {  	[smem:$0x3FB4] =	sst s2  }
0x8f: {  	_ = 	snop  }
0x90: {  	(tm) =	ssettm $0x1  }
0x91: {  	s17 =	sld [smem:$0x3FFB];
	_ =	sdelay $0x3  }
0x92: {  	_ =	strace s17  }
0x93: {  	s2 =	sld [smem:$0x3FFC];
	_ =	sdelay $0x3  }
0x94: {  	_ =	strace s2  }
0x95: {  	s2 =	sld [smem:$0x3FFD];
	_ =	sdelay $0x3  }
0x96: {  	_ =	strace s2  }
0x97: {  	_ =	strace $0x8FFFFFFF  }
0x98: {  	s18 =	sld [smem:$0x3FDB];
	_ =	sdelay $0x1  }
0x99: {  	s19 =	simm.s32 $_scs_section_size  }
0x9a: {  	s4 =	simm.s32 $_size__tile_overlayer_lowered;
	s5 =	simm.s32 $_tile_overlayer_lowered  }
0x9b: {  	s22 =	simm.s32 $0x1BFF;
	s21 =	sshll.u32 s5, $0x1;
	s2 =	sadd.s32 s19, s18  }
0x9c: {  	s6 =	simm.s32 $0x0;
	s20 =	sshll.u32 s4, $0x1;
	s4 =	sadd.s32 s21, s2  }
0x9d: {  	[timem:s6], [sflag:s22] =	dma.local [hbm:s4], s20  }
0x9e: {  	_ =	swait.ge [sflag:s22], s20  }
0x9f: {  	s3 =	ssub.s32 $0x0, s20;
	[sflag:s22] =	ssyncset.done $0x0  }
0xa0: {  	[sflag:s22] =	ssyncadd.s32 s3;
	_ =	sdelay $0x1  }
0xa1: {  	s23 =	simm.s32 $0x1B8B  }
0xa2: {  	_ =	swait.ge [sflag:s23], $0x1  }
0xa3: {  	[sflag:s23] =	ssyncset.done $0x0  }
0xa4: {  	s25 =	simm.s32 $0x1B8E;
	s24 =	sld [smem:$0x3FFE];
	[sflag:s23] =	ssyncadd.s32 $0xFFFFFFFF  }
0xa5: {  	s26 =	simm.s32 $execute0_lowered;
	[smem:$0x3FD2] =	sst s25  }
0xa6: {  	s4 =	sshll.u32 s26, $0x1;
	_ =	strace $0x80000046;
	[dreg:$0x1] =	wrdreg $0xFFFFFFFF  }
0xa7: {  	s28 =	simm.s32 $_size_execute0_lowered;
	s2 =	sadd.s32 s2, s4;
	[dreg:$0x0] =	wrdreg $0x0  }
0xa8: {  	s4 =	sshll.u32 s28, $0x1;
	[dreg:$0x2] =	wrdreg s2  }
0xa9: {  	[dreg:$0x3] =	wrdreg s4  }
0xaa: {  	[dreg:$0x4] =	wrdreg $0xC0  }
0xab: {  	_ =	task [dreg:s6], $0x5FFFF  }
0xac: {  	[dreg:$0x1] =	wrdreg $0xFFFFFFFF  }
0xad: {  	[dreg:$0x0] =	wrdreg $0x60  }
0xae: {  	[dreg:$0x2] =	wrdreg s24  }
0xaf: {  	[dreg:$0x3] =	wrdreg $0xC7000  }
0xb0: {  	[dreg:$0x4] =	wrdreg $0x9  }
0xb1: {  	_ =	task.clear_ibuf [dreg:s6], $0x5FFFF;
	_ =	strace $0x90000046  }
0xb2: {  	s29 =	simm.s32 $0x9;
	_ =	strace $0x80000048  }
0xb3: {  	_ =	swait.ge [sflag:s29], $0x1  }
0xb4: {  	[sflag:s29] =	ssyncadd.s32 $0xFFFFFFFF  }
0xb5: {  	_ =	strace $0x90000048  }
0xb6: {  	_ =	sfence  }
0xb7: {  	s30 =	sld [smem:$0x0];
	_ =	sdelay $0x2  }
0xb8: {  	s31 =	sshll.u32 s1, $0xD;
	s1 =	sshrl.u32 s1, $0x2  }
0xb9: {  	s3 =	sand.u32 $0x4000, s31;
	s1 =	sadd.s32 s1, s30  }
0xba: {  	s0 =	sor.u32 s3, s0;
	s1 =	sshll.u32 s1, $0x11  }
0xbb: {  	s0 =	sor.u32 s1, s0  }
0xbc: {  	s0 =	sadd.s32 $0x8F2B, s0  }
0xbd: {  	[sflag:s0] =	ssyncadd.remote.s32 $0x1  }
0xbe: {  	_ =	sfence.sel $0xFFFF  }
0xbf: {  	[dreg:$0x0] =	wrdreg $0xFFFFFFFF;
	(pc) =	sbr.abs _section_cstart, $3  }
0xc0: {  	[dreg:$0x1] =	wrdreg $0xFFFFFFFF  }
0xc1: {  	_ =	task.clear_ibuf [dreg:s6], $0x2FFFF;
	_ =	strace $0x9FFFFFFF  }
0xc2: {  	(tm) =	ssettm $0x7FFFFFFF  }
0xc3: {  	_ =	shalt  }
tec
execute0_lowered:
.L_overlay_start_1:
0x0: {  	(tag) =	ssettag $0x1  }
0x1: {  	s0 =	srdreg.scid;
	s1 =	rddreg [dreg:$0x0]  }
0x2: {  	s10 =	stileid.u32;
	s2 =	rddreg [dreg:$0x1];
	s3 =	simm.s32 $0x0  }
0x3: {  	s14 =	simm.s32 $0x1;
	s15 =	simm.s32 $0x2;
	s16 =	simm.s32 $0x50  }
0x4: {  	s17 =	simm.s32 $0x4F00;
	s18 =	simm.s32 $0x7700;
	s20 =	simm.s32 $0x9F00  }
0x5: {  	s21 =	simm.s32 $0x3;
	s22 =	simm.s32 $0x4;
	s5 =	smul.u32 $0x2710, s10  }
0x6: {  	s23 =	simm.s32 $0x5;
	s24 =	simm.s32 $0x6;
	s6 =	smul.u32 $0x3E8, s10  }
0x7: {  	s28 =	simm.s32 $0x4DA0;
	s29 =	simm.s32 $0x2670;
	s25 =	smul.u32 $0x3E80, s10  }
0x8: {  	s30 =	simm.s32 $0x26C0;
	s0 =	sand.u32 $0x1, s0;
	s8 =	smul.u32 $0x7D000, s10  }
0x9: {  	s31 =	simm.s32 $0x4DF0;
	[smem:$0x7FF] =	sst s3;
	s4 =	smul.u32 $0x4E200, s0  }
0xa: {  	p0 =	sgt.u32 s10, $0x9;
	s11 =	smul.u32 $0x2710, s0;
	s0 =	ssub.s32 $0x2, s0  }
0xb: {  	_ =	strace $0x80000047;
	s9 =	sadd.s32 s25, s1;
	s26 =	sshrl.u32 s0, $0x1  }
0xc: {  	s8 =	sshrl.u32 s8, $0x2;
	s5 =	sadd.s32 s5, s4;
	s4 =	sadd.s32 $0x2E400, s1  }
0xd: {  	s6 =	sadd.s32 s6, s11;
	s0 =	ssub.s32 s0, s26;
	s13 =	sadd.s32 s8, s2  }
0xe: {  	v0 =	vmov s11;
	s11 =	simm.s32 $0x0;
	s5 =	sshrl.u32 s5, $0x3;
	s6 =	sshll.u32 s6, $0x4  }
0xf: {  	s13 =	sshrl.u32 @!p0 s13, $0x3;
	s7 =	sadd.s32 s5, s1;
	s1 =	sadd.s32 s6, s1  }
0x10: {  	s5 =	sadd.s32 $0x7200, s7;
	s6 =	sadd.s32 $0xC020, s7;
	s7 =	sadd.s32 $0x7C600, s9  }
0x11: {  	s8 =	sadd.s32 $0xA3800, s1;
	s9 =	sshll.u32 @!p0 s10, $0x6;
	s10 =	smax.u32 s0, $0x1  }
0x12: {  	s1 =	simm.s32 $0x7;
	s0 =	simm.s32 $0x4E40;
	s12 =	sor.u32 @!p0 $0x1C03, s9  }
.LBB2_1:
0x13: {  	[tilespmem:s3], [sflag:$0x1] =	stream.linear.gather [hbm4b:s5+s3], $0x2710, $0x38;
	[tilespmem:$0x1FF80] =	vst v63  }
0x14: {  	s19 =	simm.s32 $0x2780  }
0x15: {  	[tilespmem:s19], [sflag:$0x2] =	stream.linear.gather [hbm4b:s6+s3], $0x2710, $0x38;
	[tilespmem:$0x1FF80] =	vst v63  }
0x16: {  	[spmem:s13], [sflag:s12] =	dma.local @!p0 [hbm:s7], $0x3E80  }
0x17: {  	_ =	swait.ge [sflag:s14], $0x2710  }
0x18: {  	[sflag:s14] =	ssyncset.done $0x0  }
0x19: {  	s25 =	simm.s32 $0x40;
	s19 =	simm.s32 $0x0;
	[sflag:s14] =	ssyncadd.s32 $0xFFFFD8F0  }
.LBB2_2:
0x1a: {  	p1 =	sne.s32 s25, $0x9C00;
	v1 =	vld [tilespmem:s19+$0x0];
	_ =	sdelay $0x1  }
.Ltmp0:
0x1b: {  	(pc) =	sbr.rel @p1 .LBB2_2-.Ltmp0, $3  }
0x1c: {  	_ =	sdelay $0x1  }
0x1d: {  	v1 =	vadd.s32 v0, v1  }
0x1e: {  	[tilespmem:s19+$0x0] =	vst v1;
	s19 =	sshra.s32 s25, $0x2;
	s25 =	sadd.s32 $0x40, s25  }
0x1f: {  	v1 =	vld [tilespmem:s19+$0x0];
	_ =	sdelay $0x4  }
0x20: {  	v1 =	vadd.s32 v0, v1  }
0x21: {  	[tilespmem:s19+$0x0] =	vst v1  }
0x22: {  	_ =	swait.ge [sflag:s15], $0x2710  }
0x23: {  	[sflag:s15] =	ssyncset.done $0x0  }
0x24: {  	s19 =	simm.s32 @!p0 $0x3;
	[sflag:s15] =	ssyncadd.s32 $0xFFFFD8F0  }
0x25: {  	_ =	swait.ge @!p0 [sflag:s19], $0x3E80  }
0x26: {  	[sflag:s19] =	ssyncset.done @!p0 $0x0  }
0x27: {  	[sflag:s19] =	ssyncadd.s32 @!p0 $0xFFFFC180  }
0x28: {  	s26 =	simm.s32 $0x0;
	[bflag:$0x0] =	sbarrier.arrive $0xFFFF  }
0x29: {  	[tilespmem:s17], [sflag:$0x1] =	stream.indirect.gather [hbm4b:s4+s16], $0x80, s26, s16, $0xb8;
	[tilespmem:$0x1FF80] =	vst v63  }
0x2a: {  	_ = 	snop  }
0x2b: {  	[tilespmem:s18], [sflag:$0x2] =	stream.indirect.gather [hbm4b:s4+s16], $0x80, s16, s16, $0xb8;
	[tilespmem:$0x1FF80] =	vst v63  }
0x2c: {  	s25 =	simm.s32 $0xA0  }
0x2d: {  	[tilespmem:s20], [sflag:$0x3] =	stream.indirect.gather [hbm4b:s4+s16], $0x80, s25, s16, $0xb8;
	[tilespmem:$0x1FF80] =	vst v63  }
0x2e: {  	_ =	swait.ge [sflag:s14], $0x2800  }
0x2f: {  	[sflag:s14] =	ssyncset.done $0x0  }
0x30: {  	s26 =	simm.s32 $0x2780;
	[sflag:s14] =	ssyncadd.s32 $0xFFFFD800  }
0x31: {  	[spmem:s2] =	stream.indirect.scatter.add.f32 [tilespmem:s17], [sflag:$0x4], $0x80, s26, s16, $0xb8;
	[tilespmem:$0x1FF80] =	vst v63  }
0x32: {  	_ =	swait.ge [sflag:s15], $0x2800  }
0x33: {  	[sflag:s15] =	ssyncset.done $0x0  }
0x34: {  	s25 =	simm.s32 $0x27D0;
	[sflag:s15] =	ssyncadd.s32 $0xFFFFD800  }
0x35: {  	[spmem:s2] =	stream.indirect.scatter.add.f32 [tilespmem:s18], [sflag:$0x5], $0x80, s25, s16, $0xb8;
	[tilespmem:$0x1FF80] =	vst v63  }
0x36: {  	_ =	swait.ge [sflag:s21], $0x2800  }
0x37: {  	[sflag:s21] =	ssyncset.done $0x0  }
0x38: {  	s26 =	simm.s32 $0x2820;
	[sflag:s21] =	ssyncadd.s32 $0xFFFFD800  }
0x39: {  	[spmem:s2] =	stream.indirect.scatter.add.f32 [tilespmem:s20], [sflag:$0x6], $0x80, s26, s16, $0xb8;
	[tilespmem:$0x1FF80] =	vst v63  }
0x3a: {  	_ =	swait.ge [sflag:s22], $0x2800  }
0x3b: {  	[sflag:s22] =	ssyncset.done $0x0  }
0x3c: {  	s25 =	simm.s32 $0xF0;
	[sflag:s22] =	ssyncadd.s32 $0xFFFFD800  }
0x3d: {  	[tilespmem:s17], [sflag:$0x1] =	stream.indirect.gather [hbm4b:s4+s16], $0x80, s25, s16, $0xb8;
	[tilespmem:$0x1FF80] =	vst v63  }
0x3e: {  	_ =	swait.ge [sflag:s23], $0x2800  }
0x3f: {  	[sflag:s23] =	ssyncset.done $0x0  }
0x40: {  	s26 =	simm.s32 $0x140;
	[sflag:s23] =	ssyncadd.s32 $0xFFFFD800  }
0x41: {  	[tilespmem:s18], [sflag:$0x2] =	stream.indirect.gather [hbm4b:s4+s16], $0x80, s26, s16, $0xb8;
	[tilespmem:$0x1FF80] =	vst v63  }
0x42: {  	_ =	swait.ge [sflag:s24], $0x2800  }
0x43: {  	[sflag:s24] =	ssyncset.done $0x0  }
0x44: {  	s19 =	simm.s32 $0x3C0;
	s25 =	simm.s32 $0x190;
	[sflag:s24] =	ssyncadd.s32 $0xFFFFD800  }
.LBB2_4:
0x45: {  	[tilespmem:s20], [sflag:$0x3] =	stream.indirect.gather [hbm4b:s4+s16], $0x80, s25, s16, $0xb8;
	[tilespmem:$0x1FF80] =	vst v63  }
0x46: {  	s25 =	smov.u32 s19  }
0x47: {  	p1 =	sne.s32 s19, $0x9240;
	s19 =	sadd.s32 $0x3C0, s19;
	_ =	swait.ge [sflag:s14], $0x2800  }
0x48: {  	s25 =	sshra.s32 s25, $0x2;
	[sflag:s14] =	ssyncset.done $0x0  }
0x49: {  	s26 =	sadd.s32 $0x2780, s25;
	[sflag:s14] =	ssyncadd.s32 $0xFFFFD800  }
0x4a: {  	[spmem:s2] =	stream.indirect.scatter.add.f32 [tilespmem:s17], [sflag:$0x4], $0x80, s26, s16, $0xb8;
	[tilespmem:$0x1FF80] =	vst v63  }
0x4b: {  	_ =	swait.ge [sflag:s15], $0x2800  }
0x4c: {  	[sflag:s15] =	ssyncset.done $0x0  }
0x4d: {  	s26 =	sadd.s32 $0x27D0, s25;
	[sflag:s15] =	ssyncadd.s32 $0xFFFFD800  }
0x4e: {  	[spmem:s2] =	stream.indirect.scatter.add.f32 [tilespmem:s18], [sflag:$0x5], $0x80, s26, s16, $0xb8;
	[tilespmem:$0x1FF80] =	vst v63  }
0x4f: {  	_ =	swait.ge [sflag:s21], $0x2800  }
0x50: {  	[sflag:s21] =	ssyncset.done $0x0  }
0x51: {  	s26 =	sadd.s32 $0x2820, s25;
	[sflag:s21] =	ssyncadd.s32 $0xFFFFD800  }
0x52: {  	[spmem:s2] =	stream.indirect.scatter.add.f32 [tilespmem:s20], [sflag:$0x6], $0x80, s26, s16, $0xb8;
	[tilespmem:$0x1FF80] =	vst v63  }
0x53: {  	_ =	swait.ge [sflag:s22], $0x2800  }
0x54: {  	[sflag:s22] =	ssyncset.done $0x0  }
0x55: {  	s26 =	sadd.s32 $0xF0, s25;
	[sflag:s22] =	ssyncadd.s32 $0xFFFFD800  }
0x56: {  	[tilespmem:s17], [sflag:$0x1] =	stream.indirect.gather [hbm4b:s4+s16], $0x80, s26, s16, $0xb8;
	[tilespmem:$0x1FF80] =	vst v63  }
0x57: {  	_ =	swait.ge [sflag:s23], $0x2800  }
0x58: {  	[sflag:s23] =	ssyncset.done $0x0  }
.Ltmp1:
0x59: {  	s26 =	sadd.s32 $0x140, s25;
	[sflag:s23] =	ssyncadd.s32 $0xFFFFD800;
	(pc) =	sbr.rel @p1 .LBB2_4-.Ltmp1, $4  }
0x5a: {  	[tilespmem:s18], [sflag:$0x2] =	stream.indirect.gather [hbm4b:s4+s16], $0x80, s26, s16, $0xb8;
	[tilespmem:$0x1FF80] =	vst v63  }
0x5b: {  	_ =	swait.ge [sflag:s24], $0x2800  }
0x5c: {  	[sflag:s24] =	ssyncset.done $0x0  }
0x5d: {  	s25 =	sadd.s32 $0x190, s25;
	[sflag:s24] =	ssyncadd.s32 $0xFFFFD800  }
0x5e: {  	[tilespmem:s20], [sflag:$0x3] =	stream.indirect.gather [hbm4b:s4+s16], $0x80, s25, s16, $0xb8;
	[tilespmem:$0x1FF80] =	vst v63  }
0x5f: {  	_ =	swait.ge [sflag:s14], $0x2800  }
0x60: {  	[sflag:s14] =	ssyncset.done $0x0  }
0x61: {  	s19 =	simm.s32 $0x4D00;
	[sflag:s14] =	ssyncadd.s32 $0xFFFFD800  }
0x62: {  	[spmem:s2] =	stream.indirect.scatter.add.f32 [tilespmem:s17], [sflag:$0x4], $0x80, s19, s16, $0xb8;
	[tilespmem:$0x1FF80] =	vst v63  }
0x63: {  	_ =	swait.ge [sflag:s15], $0x2800  }
0x64: {  	[sflag:s15] =	ssyncset.done $0x0  }
0x65: {  	s26 =	simm.s32 $0x4D50;
	[sflag:s15] =	ssyncadd.s32 $0xFFFFD800  }
0x66: {  	[spmem:s2] =	stream.indirect.scatter.add.f32 [tilespmem:s18], [sflag:$0x5], $0x80, s26, s16, $0xb8;
	[tilespmem:$0x1FF80] =	vst v63  }
0x67: {  	_ =	swait.ge [sflag:s21], $0x2800  }
0x68: {  	[sflag:s21] =	ssyncset.done $0x0  }
0x69: {  	[sflag:s21] =	ssyncadd.s32 $0xFFFFD800  }
0x6a: {  	[spmem:s2] =	stream.indirect.scatter.add.f32 [tilespmem:s20], [sflag:$0x6], $0x80, s28, s16, $0xb8;
	[tilespmem:$0x1FF80] =	vst v63  }
0x6b: {  	_ =	swait.ge [sflag:s22], $0x2800  }
0x6c: {  	[sflag:s22] =	ssyncset.done $0x0  }
0x6d: {  	[sflag:s22] =	ssyncadd.s32 $0xFFFFD800  }
0x6e: {  	[tilespmem:s17], [sflag:$0x1] =	stream.indirect.gather [hbm4b:s4+s16], $0x80, s29, s16, $0xb8;
	[tilespmem:$0x1FF80] =	vst v63  }
0x6f: {  	_ =	swait.ge [sflag:s23], $0x2800  }
0x70: {  	[sflag:s23] =	ssyncset.done $0x0  }
0x71: {  	[sflag:s23] =	ssyncadd.s32 $0xFFFFD800  }
0x72: {  	[tilespmem:s18], [sflag:$0x2] =	stream.indirect.gather [hbm4b:s4+s16], $0x80, s30, s16, $0xb8;
	[tilespmem:$0x1FF80] =	vst v63  }
0x73: {  	_ =	swait.ge [sflag:s24], $0x2800  }
0x74: {  	[sflag:s24] =	ssyncset.done $0x0  }
0x75: {  	[sflag:s24] =	ssyncadd.s32 $0xFFFFD800  }
0x76: {  	_ =	swait.ge [sflag:s14], $0x2800  }
0x77: {  	[sflag:s14] =	ssyncset.done $0x0  }
0x78: {  	[sflag:s14] =	ssyncadd.s32 $0xFFFFD800  }
0x79: {  	[spmem:s2] =	stream.indirect.scatter.add.f32 [tilespmem:s17], [sflag:$0x7], $0x80, s31, s16, $0xb8;
	[tilespmem:$0x1FF80] =	vst v63  }
0x7a: {  	_ =	swait.ge [sflag:s1], $0x2800  }
0x7b: {  	[sflag:s1] =	ssyncset.done $0x0  }
0x7c: {  	[sflag:s1] =	ssyncadd.s32 $0xFFFFD800  }
0x7d: {  	_ =	swait.ge [sflag:s15], $0x2800  }
0x7e: {  	[sflag:s15] =	ssyncset.done $0x0  }
0x7f: {  	[sflag:s15] =	ssyncadd.s32 $0xFFFFD800  }
0x80: {  	[spmem:s2] =	stream.indirect.scatter.add.f32 [tilespmem:s18], [sflag:$0x7], $0x80, s0, s16, $0xb8;
	[tilespmem:$0x1FF80] =	vst v63  }
0x81: {  	_ =	swait.ge [sflag:s1], $0x2800  }
0x82: {  	[sflag:s1] =	ssyncset.done $0x0  }
0x83: {  	s11 =	sadd.s32 $0x1, s11;
	[sflag:s1] =	ssyncadd.s32 $0xFFFFD800  }
0x84: {  	p1 =	sne.s32 s11, s10;
	s19 =	sor.u32 @!p0 $0x1C07, s9;
	[bflag:$0x0] =	sbarrier.arrive $0xFFFF  }
0x85: {  	[hbm:s8], [sflag:s19] =	dma.local @!p0 [spmem:s13], $0x3E80  }
.Ltmp2:
0x86: {  	_ = 	snop;
	(pc) =	sbr.rel @p1 .LBB2_1-.Ltmp2, $4  }
0x87: {  	s19 =	simm.s32 @!p0 $0x7  }
0x88: {  	_ =	swait.ge @!p0 [sflag:s19], $0x3E80  }
0x89: {  	[sflag:s19] =	ssyncset.done @!p0 $0x0  }
0x8a: {  	[sflag:s19] =	ssyncadd.s32 @!p0 $0xFFFFC180  }
0x8b: {  	_ =	sfence.sel $0x180000  }
0x8c: {  	[bflag:$0x0] =	sbarrier.arrive $0xFFFF  }
0x8d: {  	_ =	strace $0x90000047  }
0x8e: {  	s0 =	stileid.u32;
	[bflag:$0x2] =	sbarrier.arrive $0xFFFF  }
0x8f: {  	p0 =	sne.s32 s0, $0x0;
	s0 =	rddreg [dreg:$0x2]  }
0x90: {  	s0 =	sadd.s32 @!p0 $0x100000, s0  }
0x91: {  	[sflag:s0] =	ssyncadd.tile.s32 @!p0 $0x1;
	_ =	shalt  }
.Lfunc_end2:
_tile_overlayer_lowered:
.L_overlay_start_2:
0x92: {  	(tag) =	ssettag $0x2  }
0x93: {  	s0 =	rddreg [dreg:$0x0];
	s2 =	stileid.u32  }
0x94: {  	s1 =	rddreg [dreg:$0x1];
	p0 =	sne.s32 s2, $0x0  }
0x95: {  	s3 =	rddreg [dreg:$0x2];
	[bflag:$0x3] =	sbarrier.arrive $0xFFFF;
	s2 =	simm.s32 @!p0 $0x1C07  }
0x96: {  	[timem:s3], [sflag:s2] =	dma.local @!p0 [hbm:s0], s1  }
0x97: {  	s0 =	simm.s32 @!p0 $0x7  }
0x98: {  	_ =	swait.ge @!p0 [sflag:s0], s1  }
0x99: {  	s1 =	ssub.s32 @!p0 $0x0, s1;
	[sflag:s0] =	ssyncset.done @!p0 $0x0  }
0x9a: {  	[sflag:s0] =	ssyncadd.s32 @!p0 s1  }
0x9b: {  	[bflag:$0x3] =	sbarrier.arrive $0xFFFF  }
0x9c: {  	_ =	shalt  }

// kernel: kernel.17.cloned.1.call-start
scs
__scs_entry_jumppad:
0x0: {  	(pc) =	sbr.rel $0x88, $3  }
0x1: {  	(tag) =	ssettag $0x0;
	lr =	simm.s32 $0x1  }
0x2: {  	[smem:$0x3F8D] =	sst lr;
	_ =	strace $0xD0000000  }
0x3: {  	_ = 	snop  }
0x4: {  	_ = 	snop  }
0x5: {  	_ = 	snop  }
0x6: {  	_ = 	snop  }
0x7: {  	_ = 	snop  }
__scs_overlays_trampoline_lowered:
0x8: {  	[smem:$0x3F9C] =	sst s0  }
0x9: {  	[smem:$0x3F9D] =	sst s1  }
0xa: {  	[smem:$0x3F9E] =	sst s2  }
0xb: {  	[smem:$0x3F9F] =	sst s3  }
0xc: {  	[smem:$0x3FA0] =	sst s4  }
0xd: {  	[smem:$0x3FA1] =	sst s5  }
0xe: {  	[smem:$0x3FA2] =	sst s6  }
0xf: {  	[smem:$0x3FA3] =	sst s7  }
0x10: {  	[smem:$0x3FA4] =	sst s8  }
0x11: {  	[smem:$0x3FA5] =	sst s9;
	s0 =	simm.s32 @!p0 $0x0  }
0x12: {  	s1 =	sld [smem:$0x3F8B];
	s0 =	simm.s32 @p0 $0x1  }
0x13: {  	[smem:$0x3FA6] =	sst s0;
	s0 =	simm.s32 @!p1 $0x0  }
0x14: {  	s2 =	sld [smem:$0x3F8A];
	s0 =	simm.s32 @p1 $0x1  }
0x15: {  	[smem:$0x3FA7] =	sst s0;
	s0 =	simm.s32 @!p2 $0x0  }
0x16: {  	s3 =	sld [smem:$0x3FDB];
	s0 =	simm.s32 @p2 $0x1  }
0x17: {  	s4 =	simm.s32 $0x1BF5;
	[smem:$0x3FA9] =	sst s0  }
0x18: {  	s0 =	sld [smem:$0x3F8C];
	_ =	swait.ge [sflag:s4], $0x0  }
0x19: {  	s7 =	sld [smem:$0x3F8D]  }
0x1a: {  	s8 =	sadd.s32 $0xFFFFE003, lr  }
0x1b: {  	s9 =	sadd.s32 $0xFFFFFEF7, lr;
	s5 =	simm.s32 $0xFFFFFFFF;
	p2 =	slt.u32 s8, $0xFFFFF086  }
0x1c: {  	p1 =	slt.u32 s9, $0xF7A;
	s5 =	simm.s32 @!p2 $0x0  }
0x1d: {  	s5 =	simm.s32 @p1 $0x1;
	p0 =	seq.s32 s7, s2  }
0x1e: {  	s7 =	smul.u32 @!p0 $0xF7A, s2;
	p2 =	seq.s32 @!p0 s5, $0x0  }
0x1f: {  	s9 =	smul.u32 $0xF7A, s1;
	s8 =	simm.s32 @!p0 $0x1BF5;
	p2 =	por !p2, p0  }
0x20: {  	[sflag:s8] =	ssyncset.s32 @!p0 $0xFFFFF086;
	s6 =	sadd.s32 @!p0 s3, s7;
	s7 =	simm.s32 @!p0 $0x108  }
0x21: {  	s3 =	sadd.s32 s3, s9;
	s6 =	sadd.s32 @!p0 $0x88, s6;
	s7 =	simm.s32 @p2 $0x1082  }
0x22: {  	[simem:s7], [sflag:s8] =	dma.local @!p0 [hbm:s6], $0xF7A  }
0x23: {  	s9 =	sor.u32 $0xD0000000, s2;
	s6 =	simm.s32 $0x108;
	_ =	swait.ge @!p0 [sflag:s8], $0x0  }
0x24: {  	s3 =	sadd.s32 $0x88, s3;
	s6 =	simm.s32 @!p1 $0x1082;
	[sflag:s4] =	ssyncset.s32 $0xFFFFF086  }
0x25: {  	[simem:s6], [sflag:s4] =	dma.local [hbm:s3], $0xF7A  }
0x26: {  	[smem:$0x3F8D] =	sst s1;
	(tag) =	ssettag s2;
	_ =	strace s9  }
0x27: {  	s1 =	sld [smem:$0x3F9D]  }
0x28: {  	s2 =	sld [smem:$0x3F9E]  }
0x29: {  	s4 =	sld [smem:$0x3FA0]  }
0x2a: {  	p0 =	seq.s32 s5, $0x0;
	s5 =	sld [smem:$0x3FA1]  }
0x2b: {  	s6 =	sld [smem:$0x3FA2]  }
0x2c: {  	s7 =	sld [smem:$0x3FA3]  }
0x2d: {  	s3 =	simm.s32 $0x108;
	s8 =	sld [smem:$0x3FA4]  }
0x2e: {  	s3 =	simm.s32 @!p0 $0x1082;
	s9 =	sld [smem:$0x3FA5]  }
0x2f: {  	lr =	sadd.s32 s0, s3;
	s0 =	sld [smem:$0x3F9C]  }
0x30: {  	s3 =	sld [smem:$0x3F9F]  }
0x31: {  	[smem:$0x3FA8] =	sst s10  }
0x32: {  	s10 =	sld [smem:$0x3FA6];
	_ =	sdelay $0x3  }
0x33: {  	p0 =	seq.s32 s10, $0x1;
	s10 =	sld [smem:$0x3FA8];
	_ =	sdelay $0x3  }
0x34: {  	[smem:$0x3FA8] =	sst s10  }
0x35: {  	s10 =	sld [smem:$0x3FA7];
	_ =	sdelay $0x3  }
0x36: {  	p1 =	seq.s32 s10, $0x1;
	s10 =	sld [smem:$0x3FA8];
	_ =	sdelay $0x3  }
0x37: {  	[smem:$0x3FA8] =	sst s10  }
0x38: {  	s10 =	sld [smem:$0x3FA9]  }
0x39: {  	_ = 	snop;
	(pc) =	sbr.ind lr, $3  }
0x3a: {  	_ = 	snop  }
0x3b: {  	_ = 	snop  }
0x3c: {  	p2 =	seq.s32 s10, $0x1;
	s10 =	sld [smem:$0x3FA8]  }
0x3d: {  	_ =	shalt  }
0x3e: {  	_ =	shalt  }
0x3f: {  	_ =	shalt  }
0x40: {  	_ =	shalt  }
0x41: {  	_ =	shalt  }
0x42: {  	_ =	shalt  }
0x43: {  	_ =	shalt  }
0x44: {  	_ =	shalt  }
0x45: {  	_ =	shalt  }
0x46: {  	_ =	shalt  }
0x47: {  	_ =	shalt  }
0x48: {  	_ =	shalt  }
0x49: {  	_ =	shalt  }
0x4a: {  	_ =	shalt  }
0x4b: {  	_ =	shalt  }
0x4c: {  	_ =	shalt  }
0x4d: {  	_ =	shalt  }
0x4e: {  	_ =	shalt  }
0x4f: {  	_ =	shalt  }
0x50: {  	_ =	shalt  }
0x51: {  	_ =	shalt  }
0x52: {  	_ =	shalt  }
0x53: {  	_ =	shalt  }
0x54: {  	_ =	shalt  }
0x55: {  	_ =	shalt  }
0x56: {  	_ =	shalt  }
0x57: {  	_ =	shalt  }
0x58: {  	_ =	shalt  }
0x59: {  	_ =	shalt  }
0x5a: {  	_ =	shalt  }
0x5b: {  	_ =	shalt  }
0x5c: {  	_ =	shalt  }
0x5d: {  	_ =	shalt  }
0x5e: {  	_ =	shalt  }
0x5f: {  	_ =	shalt  }
0x60: {  	_ =	shalt  }
0x61: {  	_ =	shalt  }
0x62: {  	_ =	shalt  }
0x63: {  	_ =	shalt  }
0x64: {  	_ =	shalt  }
0x65: {  	_ =	shalt  }
0x66: {  	_ =	shalt  }
0x67: {  	_ =	shalt  }
0x68: {  	_ =	shalt  }
0x69: {  	_ =	shalt  }
0x6a: {  	_ =	shalt  }
0x6b: {  	_ =	shalt  }
0x6c: {  	_ =	shalt  }
0x6d: {  	_ =	shalt  }
0x6e: {  	_ =	shalt  }
0x6f: {  	_ =	shalt  }
0x70: {  	_ =	shalt  }
0x71: {  	_ =	shalt  }
0x72: {  	_ =	shalt  }
0x73: {  	_ =	shalt  }
0x74: {  	_ =	shalt  }
0x75: {  	_ =	shalt  }
0x76: {  	_ =	shalt  }
0x77: {  	_ =	shalt  }
0x78: {  	_ =	shalt  }
0x79: {  	_ =	shalt  }
0x7a: {  	_ =	shalt  }
0x7b: {  	_ =	shalt  }
0x7c: {  	_ =	shalt  }
0x7d: {  	_ =	shalt  }
0x7e: {  	_ =	shalt  }
0x7f: {  	_ =	shalt  }
0x80: {  	_ =	shalt  }
0x81: {  	_ =	shalt  }
0x82: {  	_ =	shalt  }
0x83: {  	_ =	shalt  }
0x84: {  	_ =	shalt  }
0x85: {  	_ =	shalt  }
0x86: {  	_ =	shalt  }
0x87: {  	_ =	shalt  }
.Lfunc_end0:
.L_simem_size_0:
called_computation.1_lowered:
.L_overlay_start_0:
0x88: {  	s2 =	sld [smem:$0x3FD9]  }
0x89: {  	s3 =	sld [smem:$0x3FFE];
	_ =	sdelay $0x1  }
0x8a: {  	s1 =	srdreg.scid  }
0x8b: {  	s0 =	sand.u32 $0x1, s1  }
0x8c: {  	s17 =	sshll.u32 s0, $0xA;
	s2 =	sadd.s32 s3, s2  }
0x8d: {  	s2 =	sadd.s32 s2, s17  }
0x8e: {  	[smem:$0x3FB4] =	sst s2  }
0x8f: {  	_ = 	snop  }
0x90: {  	(tm) =	ssettm $0x1  }
0x91: {  	s18 =	sld [smem:$0x3FFB];
	_ =	sdelay $0x3  }
0x92: {  	_ =	strace s18  }
0x93: {  	s2 =	sld [smem:$0x3FFC];
	_ =	sdelay $0x3  }
0x94: {  	_ =	strace s2  }
0x95: {  	s2 =	sld [smem:$0x3FFD];
	_ =	sdelay $0x3  }
0x96: {  	_ =	strace s2  }
0x97: {  	_ =	strace $0x8FFFFFFF  }
0x98: {  	s19 =	sld [smem:$0x3FDB];
	_ =	sdelay $0x1  }
0x99: {  	s20 =	simm.s32 $_scs_section_size  }
0x9a: {  	s4 =	simm.s32 $_size__tile_overlayer_lowered;
	s5 =	simm.s32 $_tile_overlayer_lowered  }
0x9b: {  	s6 =	simm.s32 $0x1BFF;
	s21 =	sshll.u32 s5, $0x1;
	s3 =	sadd.s32 s20, s19  }
0x9c: {  	s22 =	simm.s32 $0x0;
	s4 =	sshll.u32 s4, $0x1;
	s5 =	sadd.s32 s21, s3  }
0x9d: {  	[timem:s22], [sflag:s6] =	dma.local [hbm:s5], s4  }
0x9e: {  	_ =	swait.ge [sflag:s6], s4  }
0x9f: {  	s4 =	ssub.s32 $0x0, s4;
	[sflag:s6] =	ssyncset.done $0x0  }
0xa0: {  	[sflag:s6] =	ssyncadd.s32 s4;
	_ =	sdelay $0x1  }
0xa1: {  	s23 =	simm.s32 $0x1B8B  }
0xa2: {  	_ =	swait.ge [sflag:s23], $0x1  }
0xa3: {  	[sflag:s23] =	ssyncset.done $0x0  }
0xa4: {  	[sflag:s23] =	ssyncadd.s32 $0xFFFFFFFF  }
0xa5: {  	s4 =	sld [smem:$0x0]  }
0xa6: {  	s5 =	sand.u32 $0xFFFFFFFE, s1  }
0xa7: {  	p0 =	sne.s32 s1, s5  }
0xa8: {  	s5 =	sshll.u32 @p0 s5, $0xE  }
0xa9: {  	s5 =	sadd.s32 @p0 $0x11B8D, s5;
	s6 =	sshll.u32 @p0 s4, $0x11  }
0xaa: {  	s5 =	sor.u32 @p0 s6, s5  }
0xab: {  	[sflag:s5] =	ssyncadd.remote.s32 @p0 $0x1;
	_ =	sdelay $0x1  }
0xac: {  	s5 =	simm.s32 @p0 $0x1B8D  }
0xad: {  	_ =	swait.eq @p0 [sflag:s5], $0x1  }
0xae: {  	[sflag:s5] =	ssyncadd.s32 @p0 $0xFFFFFFFF  }
0xaf: {  	s6 =	sshll.u32 @!p0 s1, $0xE  }
0xb0: {  	s6 =	sor.u32 @!p0 $0x4000, s6;
	s5 =	simm.s32 @!p0 $0x1B8D  }
0xb1: {  	s4 =	sshll.u32 @!p0 s4, $0x11;
	s6 =	sadd.s32 @!p0 $0x11B8D, s6;
	_ =	swait.eq @!p0 [sflag:s5], $0x1  }
0xb2: {  	s4 =	sor.u32 @!p0 s4, s6;
	[sflag:s5] =	ssyncadd.s32 @!p0 $0xFFFFFFFF  }
0xb3: {  	s25 =	simm.s32 $0x1B8E;
	s24 =	sld [smem:$0x3FFE];
	[sflag:s4] =	ssyncadd.remote.s32 @!p0 $0x1  }
0xb4: {  	s26 =	simm.s32 $execute0_lowered;
	[smem:$0x3FD2] =	sst s25  }
0xb5: {  	s5 =	sshll.u32 s26, $0x1;
	_ =	strace $0x8000004C;
	[dreg:$0x1] =	wrdreg $0xFFFFFFFF  }
0xb6: {  	s28 =	simm.s32 $_size_execute0_lowered;
	s3 =	sadd.s32 s3, s5;
	[dreg:$0x0] =	wrdreg $0x0  }
0xb7: {  	s5 =	sshll.u32 s28, $0x1;
	[dreg:$0x2] =	wrdreg s3  }
0xb8: {  	[dreg:$0x3] =	wrdreg s5  }
0xb9: {  	[dreg:$0x4] =	wrdreg $0xC0  }
0xba: {  	_ =	task [dreg:s22], $0x5FFFF  }
0xbb: {  	[dreg:$0x1] =	wrdreg $0xFFFFFFFF  }
0xbc: {  	[dreg:$0x0] =	wrdreg $0x60  }
0xbd: {  	[dreg:$0x2] =	wrdreg s24  }
0xbe: {  	[dreg:$0x3] =	wrdreg $0xC7000  }
0xbf: {  	[dreg:$0x4] =	wrdreg $0x9  }
0xc0: {  	_ =	task.clear_ibuf [dreg:s22], $0x5FFFF;
	_ =	strace $0x9000004C  }
0xc1: {  	s29 =	simm.s32 $0x9;
	_ =	strace $0x8000004E  }
0xc2: {  	_ =	swait.ge [sflag:s29], $0x1  }
0xc3: {  	[sflag:s29] =	ssyncadd.s32 $0xFFFFFFFF  }
0xc4: {  	_ =	strace $0x9000004E  }
0xc5: {  	_ =	sfence  }
0xc6: {  	s30 =	sld [smem:$0x0];
	_ =	sdelay $0x2  }
0xc7: {  	s31 =	sshll.u32 s1, $0xD;
	s1 =	sshrl.u32 s1, $0x2  }
0xc8: {  	s4 =	sand.u32 $0x4000, s31;
	s1 =	sadd.s32 s1, s30  }
0xc9: {  	s0 =	sor.u32 s4, s0;
	s1 =	sshll.u32 s1, $0x11  }
0xca: {  	s0 =	sor.u32 s1, s0  }
0xcb: {  	s0 =	sadd.s32 $0x8F2B, s0  }
0xcc: {  	[sflag:s0] =	ssyncadd.remote.s32 $0x1  }
0xcd: {  	_ =	sfence.sel $0xFFFF  }
0xce: {  	[dreg:$0x0] =	wrdreg $0xFFFFFFFF;
	(pc) =	sbr.abs _section_cstart, $3  }
0xcf: {  	[dreg:$0x1] =	wrdreg $0xFFFFFFFF  }
0xd0: {  	_ =	task.clear_ibuf [dreg:s22], $0x2FFFF;
	_ =	strace $0x9FFFFFFF  }
0xd1: {  	(tm) =	ssettm $0x7FFFFFFF  }
tec
execute0_lowered:
.L_overlay_start_1:
0x0: {  	(tag) =	ssettag $0x1  }
0x1: {  	s0 =	srdreg.scid;
	s1 =	rddreg [dreg:$0x0]  }
0x2: {  	s10 =	stileid.u32;
	s2 =	rddreg [dreg:$0x1];
	s3 =	simm.s32 $0x0  }
0x3: {  	s14 =	simm.s32 $0x1;
	s15 =	simm.s32 $0x2;
	s16 =	simm.s32 $0x50  }
0x4: {  	s17 =	simm.s32 $0x4F00;
	s18 =	simm.s32 $0x7700;
	s20 =	simm.s32 $0x9F00  }
0x5: {  	s21 =	simm.s32 $0x3;
	s22 =	simm.s32 $0x4;
	s5 =	smul.u32 $0x2710, s10  }
0x6: {  	s23 =	simm.s32 $0x5;
	s24 =	simm.s32 $0x6;
	s6 =	smul.u32 $0x3E8, s10  }
0x7: {  	s28 =	simm.s32 $0x4DA0;
	s29 =	simm.s32 $0x2670;
	s25 =	smul.u32 $0x3E80, s10  }
0x8: {  	s30 =	simm.s32 $0x26C0;
	s0 =	sand.u32 $0x1, s0;
	s8 =	smul.u32 $0x7D000, s10  }
0x9: {  	s31 =	simm.s32 $0x4DF0;
	[smem:$0x7FF] =	sst s3;
	s4 =	smul.u32 $0x4E200, s0  }
0xa: {  	p0 =	sgt.u32 s10, $0x9;
	s11 =	smul.u32 $0x2710, s0;
	s0 =	ssub.s32 $0x2, s0  }
0xb: {  	_ =	strace $0x8000004D;
	s9 =	sadd.s32 s25, s1;
	s26 =	sshrl.u32 s0, $0x1  }
0xc: {  	s8 =	sshrl.u32 s8, $0x2;
	s5 =	sadd.s32 s5, s4;
	s4 =	sadd.s32 $0xA3800, s1  }
0xd: {  	s6 =	sadd.s32 s6, s11;
	s0 =	ssub.s32 s0, s26;
	s13 =	sadd.s32 s8, s2  }
0xe: {  	v0 =	vmov s11;
	s11 =	simm.s32 $0x0;
	s5 =	sshrl.u32 s5, $0x3;
	s6 =	sshll.u32 s6, $0x4  }
0xf: {  	s13 =	sshrl.u32 @!p0 s13, $0x3;
	s7 =	sadd.s32 s5, s1;
	s1 =	sadd.s32 s6, s1  }
0x10: {  	s5 =	sadd.s32 $0x7200, s7;
	s6 =	sadd.s32 $0xC020, s7;
	s7 =	sadd.s32 $0x7C600, s9  }
0x11: {  	s8 =	sadd.s32 $0x18DE00, s1;
	s9 =	sshll.u32 @!p0 s10, $0x6;
	s10 =	smax.u32 s0, $0x1  }
0x12: {  	s1 =	simm.s32 $0x7;
	s0 =	simm.s32 $0x4E40;
	s12 =	sor.u32 @!p0 $0x1C03, s9  }
.LBB2_1:
0x13: {  	[tilespmem:s3], [sflag:$0x1] =	stream.linear.gather [hbm4b:s5+s3], $0x2710, $0x38;
	[tilespmem:$0x1FF80] =	vst v63  }
0x14: {  	s19 =	simm.s32 $0x2780  }
0x15: {  	[tilespmem:s19], [sflag:$0x2] =	stream.linear.gather [hbm4b:s6+s3], $0x2710, $0x38;
	[tilespmem:$0x1FF80] =	vst v63  }
0x16: {  	[spmem:s13], [sflag:s12] =	dma.local @!p0 [hbm:s7], $0x3E80  }
0x17: {  	_ =	swait.ge [sflag:s14], $0x2710  }
0x18: {  	[sflag:s14] =	ssyncset.done $0x0  }
0x19: {  	s25 =	simm.s32 $0x40;
	s19 =	simm.s32 $0x0;
	[sflag:s14] =	ssyncadd.s32 $0xFFFFD8F0  }
.LBB2_2:
0x1a: {  	p1 =	sne.s32 s25, $0x9C00;
	v1 =	vld [tilespmem:s19+$0x0];
	_ =	sdelay $0x1  }
.Ltmp0:
0x1b: {  	(pc) =	sbr.rel @p1 .LBB2_2-.Ltmp0, $3  }
0x1c: {  	_ =	sdelay $0x1  }
0x1d: {  	v1 =	vadd.s32 v0, v1  }
0x1e: {  	[tilespmem:s19+$0x0] =	vst v1;
	s19 =	sshra.s32 s25, $0x2;
	s25 =	sadd.s32 $0x40, s25  }
0x1f: {  	v1 =	vld [tilespmem:s19+$0x0];
	_ =	sdelay $0x4  }
0x20: {  	v1 =	vadd.s32 v0, v1  }
0x21: {  	[tilespmem:s19+$0x0] =	vst v1  }
0x22: {  	_ =	swait.ge [sflag:s15], $0x2710  }
0x23: {  	[sflag:s15] =	ssyncset.done $0x0  }
0x24: {  	s19 =	simm.s32 @!p0 $0x3;
	[sflag:s15] =	ssyncadd.s32 $0xFFFFD8F0  }
0x25: {  	_ =	swait.ge @!p0 [sflag:s19], $0x3E80  }
0x26: {  	[sflag:s19] =	ssyncset.done @!p0 $0x0  }
0x27: {  	[sflag:s19] =	ssyncadd.s32 @!p0 $0xFFFFC180  }
0x28: {  	s26 =	simm.s32 $0x0;
	[bflag:$0x0] =	sbarrier.arrive $0xFFFF  }
0x29: {  	[tilespmem:s17], [sflag:$0x1] =	stream.indirect.gather [hbm4b:s4+s16], $0x80, s26, s16, $0xb8;
	[tilespmem:$0x1FF80] =	vst v63  }
0x2a: {  	_ = 	snop  }
0x2b: {  	[tilespmem:s18], [sflag:$0x2] =	stream.indirect.gather [hbm4b:s4+s16], $0x80, s16, s16, $0xb8;
	[tilespmem:$0x1FF80] =	vst v63  }
0x2c: {  	s25 =	simm.s32 $0xA0  }
0x2d: {  	[tilespmem:s20], [sflag:$0x3] =	stream.indirect.gather [hbm4b:s4+s16], $0x80, s25, s16, $0xb8;
	[tilespmem:$0x1FF80] =	vst v63  }
0x2e: {  	_ =	swait.ge [sflag:s14], $0x2800  }
0x2f: {  	[sflag:s14] =	ssyncset.done $0x0  }
0x30: {  	s26 =	simm.s32 $0x2780;
	[sflag:s14] =	ssyncadd.s32 $0xFFFFD800  }
0x31: {  	[spmem:s2] =	stream.indirect.scatter.add.f32 [tilespmem:s17], [sflag:$0x4], $0x80, s26, s16, $0xb8;
	[tilespmem:$0x1FF80] =	vst v63  }
0x32: {  	_ =	swait.ge [sflag:s15], $0x2800  }
0x33: {  	[sflag:s15] =	ssyncset.done $0x0  }
0x34: {  	s25 =	simm.s32 $0x27D0;
	[sflag:s15] =	ssyncadd.s32 $0xFFFFD800  }
0x35: {  	[spmem:s2] =	stream.indirect.scatter.add.f32 [tilespmem:s18], [sflag:$0x5], $0x80, s25, s16, $0xb8;
	[tilespmem:$0x1FF80] =	vst v63  }
0x36: {  	_ =	swait.ge [sflag:s21], $0x2800  }
0x37: {  	[sflag:s21] =	ssyncset.done $0x0  }
0x38: {  	s26 =	simm.s32 $0x2820;
	[sflag:s21] =	ssyncadd.s32 $0xFFFFD800  }
0x39: {  	[spmem:s2] =	stream.indirect.scatter.add.f32 [tilespmem:s20], [sflag:$0x6], $0x80, s26, s16, $0xb8;
	[tilespmem:$0x1FF80] =	vst v63  }
0x3a: {  	_ =	swait.ge [sflag:s22], $0x2800  }
0x3b: {  	[sflag:s22] =	ssyncset.done $0x0  }
0x3c: {  	s25 =	simm.s32 $0xF0;
	[sflag:s22] =	ssyncadd.s32 $0xFFFFD800  }
0x3d: {  	[tilespmem:s17], [sflag:$0x1] =	stream.indirect.gather [hbm4b:s4+s16], $0x80, s25, s16, $0xb8;
	[tilespmem:$0x1FF80] =	vst v63  }
0x3e: {  	_ =	swait.ge [sflag:s23], $0x2800  }
0x3f: {  	[sflag:s23] =	ssyncset.done $0x0  }
0x40: {  	s26 =	simm.s32 $0x140;
	[sflag:s23] =	ssyncadd.s32 $0xFFFFD800  }
0x41: {  	[tilespmem:s18], [sflag:$0x2] =	stream.indirect.gather [hbm4b:s4+s16], $0x80, s26, s16, $0xb8;
	[tilespmem:$0x1FF80] =	vst v63  }
0x42: {  	_ =	swait.ge [sflag:s24], $0x2800  }
0x43: {  	[sflag:s24] =	ssyncset.done $0x0  }
0x44: {  	s19 =	simm.s32 $0x3C0;
	s25 =	simm.s32 $0x190;
	[sflag:s24] =	ssyncadd.s32 $0xFFFFD800  }
.LBB2_4:
0x45: {  	[tilespmem:s20], [sflag:$0x3] =	stream.indirect.gather [hbm4b:s4+s16], $0x80, s25, s16, $0xb8;
	[tilespmem:$0x1FF80] =	vst v63  }
0x46: {  	s25 =	smov.u32 s19  }
0x47: {  	p1 =	sne.s32 s19, $0x9240;
	s19 =	sadd.s32 $0x3C0, s19;
	_ =	swait.ge [sflag:s14], $0x2800  }
0x48: {  	s25 =	sshra.s32 s25, $0x2;
	[sflag:s14] =	ssyncset.done $0x0  }
0x49: {  	s26 =	sadd.s32 $0x2780, s25;
	[sflag:s14] =	ssyncadd.s32 $0xFFFFD800  }
0x4a: {  	[spmem:s2] =	stream.indirect.scatter.add.f32 [tilespmem:s17], [sflag:$0x4], $0x80, s26, s16, $0xb8;
	[tilespmem:$0x1FF80] =	vst v63  }
0x4b: {  	_ =	swait.ge [sflag:s15], $0x2800  }
0x4c: {  	[sflag:s15] =	ssyncset.done $0x0  }
0x4d: {  	s26 =	sadd.s32 $0x27D0, s25;
	[sflag:s15] =	ssyncadd.s32 $0xFFFFD800  }
0x4e: {  	[spmem:s2] =	stream.indirect.scatter.add.f32 [tilespmem:s18], [sflag:$0x5], $0x80, s26, s16, $0xb8;
	[tilespmem:$0x1FF80] =	vst v63  }
0x4f: {  	_ =	swait.ge [sflag:s21], $0x2800  }
0x50: {  	[sflag:s21] =	ssyncset.done $0x0  }
0x51: {  	s26 =	sadd.s32 $0x2820, s25;
	[sflag:s21] =	ssyncadd.s32 $0xFFFFD800  }
0x52: {  	[spmem:s2] =	stream.indirect.scatter.add.f32 [tilespmem:s20], [sflag:$0x6], $0x80, s26, s16, $0xb8;
	[tilespmem:$0x1FF80] =	vst v63  }
0x53: {  	_ =	swait.ge [sflag:s22], $0x2800  }
0x54: {  	[sflag:s22] =	ssyncset.done $0x0  }
0x55: {  	s26 =	sadd.s32 $0xF0, s25;
	[sflag:s22] =	ssyncadd.s32 $0xFFFFD800  }
0x56: {  	[tilespmem:s17], [sflag:$0x1] =	stream.indirect.gather [hbm4b:s4+s16], $0x80, s26, s16, $0xb8;
	[tilespmem:$0x1FF80] =	vst v63  }
0x57: {  	_ =	swait.ge [sflag:s23], $0x2800  }
0x58: {  	[sflag:s23] =	ssyncset.done $0x0  }
.Ltmp1:
0x59: {  	s26 =	sadd.s32 $0x140, s25;
	[sflag:s23] =	ssyncadd.s32 $0xFFFFD800;
	(pc) =	sbr.rel @p1 .LBB2_4-.Ltmp1, $4  }
0x5a: {  	[tilespmem:s18], [sflag:$0x2] =	stream.indirect.gather [hbm4b:s4+s16], $0x80, s26, s16, $0xb8;
	[tilespmem:$0x1FF80] =	vst v63  }
0x5b: {  	_ =	swait.ge [sflag:s24], $0x2800  }
0x5c: {  	[sflag:s24] =	ssyncset.done $0x0  }
0x5d: {  	s25 =	sadd.s32 $0x190, s25;
	[sflag:s24] =	ssyncadd.s32 $0xFFFFD800  }
0x5e: {  	[tilespmem:s20], [sflag:$0x3] =	stream.indirect.gather [hbm4b:s4+s16], $0x80, s25, s16, $0xb8;
	[tilespmem:$0x1FF80] =	vst v63  }
0x5f: {  	_ =	swait.ge [sflag:s14], $0x2800  }
0x60: {  	[sflag:s14] =	ssyncset.done $0x0  }
0x61: {  	s19 =	simm.s32 $0x4D00;
	[sflag:s14] =	ssyncadd.s32 $0xFFFFD800  }
0x62: {  	[spmem:s2] =	stream.indirect.scatter.add.f32 [tilespmem:s17], [sflag:$0x4], $0x80, s19, s16, $0xb8;
	[tilespmem:$0x1FF80] =	vst v63  }
0x63: {  	_ =	swait.ge [sflag:s15], $0x2800  }
0x64: {  	[sflag:s15] =	ssyncset.done $0x0  }
0x65: {  	s26 =	simm.s32 $0x4D50;
	[sflag:s15] =	ssyncadd.s32 $0xFFFFD800  }
0x66: {  	[spmem:s2] =	stream.indirect.scatter.add.f32 [tilespmem:s18], [sflag:$0x5], $0x80, s26, s16, $0xb8;
	[tilespmem:$0x1FF80] =	vst v63  }
0x67: {  	_ =	swait.ge [sflag:s21], $0x2800  }
0x68: {  	[sflag:s21] =	ssyncset.done $0x0  }
0x69: {  	[sflag:s21] =	ssyncadd.s32 $0xFFFFD800  }
0x6a: {  	[spmem:s2] =	stream.indirect.scatter.add.f32 [tilespmem:s20], [sflag:$0x6], $0x80, s28, s16, $0xb8;
	[tilespmem:$0x1FF80] =	vst v63  }
0x6b: {  	_ =	swait.ge [sflag:s22], $0x2800  }
0x6c: {  	[sflag:s22] =	ssyncset.done $0x0  }
0x6d: {  	[sflag:s22] =	ssyncadd.s32 $0xFFFFD800  }
0x6e: {  	[tilespmem:s17], [sflag:$0x1] =	stream.indirect.gather [hbm4b:s4+s16], $0x80, s29, s16, $0xb8;
	[tilespmem:$0x1FF80] =	vst v63  }
0x6f: {  	_ =	swait.ge [sflag:s23], $0x2800  }
0x70: {  	[sflag:s23] =	ssyncset.done $0x0  }
0x71: {  	[sflag:s23] =	ssyncadd.s32 $0xFFFFD800  }
0x72: {  	[tilespmem:s18], [sflag:$0x2] =	stream.indirect.gather [hbm4b:s4+s16], $0x80, s30, s16, $0xb8;
	[tilespmem:$0x1FF80] =	vst v63  }
0x73: {  	_ =	swait.ge [sflag:s24], $0x2800  }
0x74: {  	[sflag:s24] =	ssyncset.done $0x0  }
0x75: {  	[sflag:s24] =	ssyncadd.s32 $0xFFFFD800  }
0x76: {  	_ =	swait.ge [sflag:s14], $0x2800  }
0x77: {  	[sflag:s14] =	ssyncset.done $0x0  }
0x78: {  	[sflag:s14] =	ssyncadd.s32 $0xFFFFD800  }
0x79: {  	[spmem:s2] =	stream.indirect.scatter.add.f32 [tilespmem:s17], [sflag:$0x7], $0x80, s31, s16, $0xb8;
	[tilespmem:$0x1FF80] =	vst v63  }
0x7a: {  	_ =	swait.ge [sflag:s1], $0x2800  }
0x7b: {  	[sflag:s1] =	ssyncset.done $0x0  }
0x7c: {  	[sflag:s1] =	ssyncadd.s32 $0xFFFFD800  }
0x7d: {  	_ =	swait.ge [sflag:s15], $0x2800  }
0x7e: {  	[sflag:s15] =	ssyncset.done $0x0  }
0x7f: {  	[sflag:s15] =	ssyncadd.s32 $0xFFFFD800  }
0x80: {  	[spmem:s2] =	stream.indirect.scatter.add.f32 [tilespmem:s18], [sflag:$0x7], $0x80, s0, s16, $0xb8;
	[tilespmem:$0x1FF80] =	vst v63  }
0x81: {  	_ =	swait.ge [sflag:s1], $0x2800  }
0x82: {  	[sflag:s1] =	ssyncset.done $0x0  }
0x83: {  	s11 =	sadd.s32 $0x1, s11;
	[sflag:s1] =	ssyncadd.s32 $0xFFFFD800  }
0x84: {  	p1 =	sne.s32 s11, s10;
	s19 =	sor.u32 @!p0 $0x1C07, s9;
	[bflag:$0x0] =	sbarrier.arrive $0xFFFF  }
0x85: {  	[hbm:s8], [sflag:s19] =	dma.local @!p0 [spmem:s13], $0x3E80  }
.Ltmp2:
0x86: {  	_ = 	snop;
	(pc) =	sbr.rel @p1 .LBB2_1-.Ltmp2, $4  }
0x87: {  	s19 =	simm.s32 @!p0 $0x7  }
0x88: {  	_ =	swait.ge @!p0 [sflag:s19], $0x3E80  }
0x89: {  	[sflag:s19] =	ssyncset.done @!p0 $0x0  }
0x8a: {  	[sflag:s19] =	ssyncadd.s32 @!p0 $0xFFFFC180  }
0x8b: {  	_ =	sfence.sel $0x180000  }
0x8c: {  	[bflag:$0x0] =	sbarrier.arrive $0xFFFF  }
0x8d: {  	_ =	strace $0x9000004D  }
0x8e: {  	s0 =	stileid.u32;
	[bflag:$0x2] =	sbarrier.arrive $0xFFFF  }
0x8f: {  	p0 =	sne.s32 s0, $0x0;
	s0 =	rddreg [dreg:$0x2]  }
0x90: {  	s0 =	sadd.s32 @!p0 $0x100000, s0  }
0x91: {  	[sflag:s0] =	ssyncadd.tile.s32 @!p0 $0x1;
	_ =	shalt  }
.Lfunc_end2:
_tile_overlayer_lowered:
.L_overlay_start_2:
0x92: {  	(tag) =	ssettag $0x2  }
0x93: {  	s0 =	rddreg [dreg:$0x0];
	s2 =	stileid.u32  }
0x94: {  	s1 =	rddreg [dreg:$0x1];
	p0 =	sne.s32 s2, $0x0  }
0x95: {  	s3 =	rddreg [dreg:$0x2];
	[bflag:$0x3] =	sbarrier.arrive $0xFFFF;
	s2 =	simm.s32 @!p0 $0x1C07  }
0x96: {  	[timem:s3], [sflag:s2] =	dma.local @!p0 [hbm:s0], s1  }
0x97: {  	s0 =	simm.s32 @!p0 $0x7  }
0x98: {  	_ =	swait.ge @!p0 [sflag:s0], s1  }
0x99: {  	s1 =	ssub.s32 @!p0 $0x0, s1;
	[sflag:s0] =	ssyncset.done @!p0 $0x0  }
0x9a: {  	[sflag:s0] =	ssyncadd.s32 @!p0 s1  }
0x9b: {  	[bflag:$0x3] =	sbarrier.arrive $0xFFFF  }
0x9c: {  	_ =	shalt  }

// kernel: kernel.20.cloned.1.call-start
scs
__scs_entry_jumppad:
0x0: {  	(pc) =	sbr.rel $0x88, $3  }
0x1: {  	(tag) =	ssettag $0x0;
	lr =	simm.s32 $0x1  }
0x2: {  	[smem:$0x3F8D] =	sst lr;
	_ =	strace $0xD0000000  }
0x3: {  	_ = 	snop  }
0x4: {  	_ = 	snop  }
0x5: {  	_ = 	snop  }
0x6: {  	_ = 	snop  }
0x7: {  	_ = 	snop  }
__scs_overlays_trampoline_lowered:
0x8: {  	[smem:$0x3F9C] =	sst s0  }
0x9: {  	[smem:$0x3F9D] =	sst s1  }
0xa: {  	[smem:$0x3F9E] =	sst s2  }
0xb: {  	[smem:$0x3F9F] =	sst s3  }
0xc: {  	[smem:$0x3FA0] =	sst s4  }
0xd: {  	[smem:$0x3FA1] =	sst s5  }
0xe: {  	[smem:$0x3FA2] =	sst s6  }
0xf: {  	[smem:$0x3FA3] =	sst s7  }
0x10: {  	[smem:$0x3FA4] =	sst s8  }
0x11: {  	[smem:$0x3FA5] =	sst s9;
	s0 =	simm.s32 @!p0 $0x0  }
0x12: {  	s1 =	sld [smem:$0x3F8B];
	s0 =	simm.s32 @p0 $0x1  }
0x13: {  	[smem:$0x3FA6] =	sst s0;
	s0 =	simm.s32 @!p1 $0x0  }
0x14: {  	s2 =	sld [smem:$0x3F8A];
	s0 =	simm.s32 @p1 $0x1  }
0x15: {  	[smem:$0x3FA7] =	sst s0;
	s0 =	simm.s32 @!p2 $0x0  }
0x16: {  	s3 =	sld [smem:$0x3FDB];
	s0 =	simm.s32 @p2 $0x1  }
0x17: {  	s4 =	simm.s32 $0x1BF5;
	[smem:$0x3FA9] =	sst s0  }
0x18: {  	s0 =	sld [smem:$0x3F8C];
	_ =	swait.ge [sflag:s4], $0x0  }
0x19: {  	s7 =	sld [smem:$0x3F8D]  }
0x1a: {  	s8 =	sadd.s32 $0xFFFFE003, lr  }
0x1b: {  	s9 =	sadd.s32 $0xFFFFFEF7, lr;
	s5 =	simm.s32 $0xFFFFFFFF;
	p2 =	slt.u32 s8, $0xFFFFF086  }
0x1c: {  	p1 =	slt.u32 s9, $0xF7A;
	s5 =	simm.s32 @!p2 $0x0  }
0x1d: {  	s5 =	simm.s32 @p1 $0x1;
	p0 =	seq.s32 s7, s2  }
0x1e: {  	s7 =	smul.u32 @!p0 $0xF7A, s2;
	p2 =	seq.s32 @!p0 s5, $0x0  }
0x1f: {  	s9 =	smul.u32 $0xF7A, s1;
	s8 =	simm.s32 @!p0 $0x1BF5;
	p2 =	por !p2, p0  }
0x20: {  	[sflag:s8] =	ssyncset.s32 @!p0 $0xFFFFF086;
	s6 =	sadd.s32 @!p0 s3, s7;
	s7 =	simm.s32 @!p0 $0x108  }
0x21: {  	s3 =	sadd.s32 s3, s9;
	s6 =	sadd.s32 @!p0 $0x88, s6;
	s7 =	simm.s32 @p2 $0x1082  }
0x22: {  	[simem:s7], [sflag:s8] =	dma.local @!p0 [hbm:s6], $0xF7A  }
0x23: {  	s9 =	sor.u32 $0xD0000000, s2;
	s6 =	simm.s32 $0x108;
	_ =	swait.ge @!p0 [sflag:s8], $0x0  }
0x24: {  	s3 =	sadd.s32 $0x88, s3;
	s6 =	simm.s32 @!p1 $0x1082;
	[sflag:s4] =	ssyncset.s32 $0xFFFFF086  }
0x25: {  	[simem:s6], [sflag:s4] =	dma.local [hbm:s3], $0xF7A  }
0x26: {  	[smem:$0x3F8D] =	sst s1;
	(tag) =	ssettag s2;
	_ =	strace s9  }
0x27: {  	s1 =	sld [smem:$0x3F9D]  }
0x28: {  	s2 =	sld [smem:$0x3F9E]  }
0x29: {  	s4 =	sld [smem:$0x3FA0]  }
0x2a: {  	p0 =	seq.s32 s5, $0x0;
	s5 =	sld [smem:$0x3FA1]  }
0x2b: {  	s6 =	sld [smem:$0x3FA2]  }
0x2c: {  	s7 =	sld [smem:$0x3FA3]  }
0x2d: {  	s3 =	simm.s32 $0x108;
	s8 =	sld [smem:$0x3FA4]  }
0x2e: {  	s3 =	simm.s32 @!p0 $0x1082;
	s9 =	sld [smem:$0x3FA5]  }
0x2f: {  	lr =	sadd.s32 s0, s3;
	s0 =	sld [smem:$0x3F9C]  }
0x30: {  	s3 =	sld [smem:$0x3F9F]  }
0x31: {  	[smem:$0x3FA8] =	sst s10  }
0x32: {  	s10 =	sld [smem:$0x3FA6];
	_ =	sdelay $0x3  }
0x33: {  	p0 =	seq.s32 s10, $0x1;
	s10 =	sld [smem:$0x3FA8];
	_ =	sdelay $0x3  }
0x34: {  	[smem:$0x3FA8] =	sst s10  }
0x35: {  	s10 =	sld [smem:$0x3FA7];
	_ =	sdelay $0x3  }
0x36: {  	p1 =	seq.s32 s10, $0x1;
	s10 =	sld [smem:$0x3FA8];
	_ =	sdelay $0x3  }
0x37: {  	[smem:$0x3FA8] =	sst s10  }
0x38: {  	s10 =	sld [smem:$0x3FA9]  }
0x39: {  	_ = 	snop;
	(pc) =	sbr.ind lr, $3  }
0x3a: {  	_ = 	snop  }
0x3b: {  	_ = 	snop  }
0x3c: {  	p2 =	seq.s32 s10, $0x1;
	s10 =	sld [smem:$0x3FA8]  }
0x3d: {  	_ =	shalt  }
0x3e: {  	_ =	shalt  }
0x3f: {  	_ =	shalt  }
0x40: {  	_ =	shalt  }
0x41: {  	_ =	shalt  }
0x42: {  	_ =	shalt  }
0x43: {  	_ =	shalt  }
0x44: {  	_ =	shalt  }
0x45: {  	_ =	shalt  }
0x46: {  	_ =	shalt  }
0x47: {  	_ =	shalt  }
0x48: {  	_ =	shalt  }
0x49: {  	_ =	shalt  }
0x4a: {  	_ =	shalt  }
0x4b: {  	_ =	shalt  }
0x4c: {  	_ =	shalt  }
0x4d: {  	_ =	shalt  }
0x4e: {  	_ =	shalt  }
0x4f: {  	_ =	shalt  }
0x50: {  	_ =	shalt  }
0x51: {  	_ =	shalt  }
0x52: {  	_ =	shalt  }
0x53: {  	_ =	shalt  }
0x54: {  	_ =	shalt  }
0x55: {  	_ =	shalt  }
0x56: {  	_ =	shalt  }
0x57: {  	_ =	shalt  }
0x58: {  	_ =	shalt  }
0x59: {  	_ =	shalt  }
0x5a: {  	_ =	shalt  }
0x5b: {  	_ =	shalt  }
0x5c: {  	_ =	shalt  }
0x5d: {  	_ =	shalt  }
0x5e: {  	_ =	shalt  }
0x5f: {  	_ =	shalt  }
0x60: {  	_ =	shalt  }
0x61: {  	_ =	shalt  }
0x62: {  	_ =	shalt  }
0x63: {  	_ =	shalt  }
0x64: {  	_ =	shalt  }
0x65: {  	_ =	shalt  }
0x66: {  	_ =	shalt  }
0x67: {  	_ =	shalt  }
0x68: {  	_ =	shalt  }
0x69: {  	_ =	shalt  }
0x6a: {  	_ =	shalt  }
0x6b: {  	_ =	shalt  }
0x6c: {  	_ =	shalt  }
0x6d: {  	_ =	shalt  }
0x6e: {  	_ =	shalt  }
0x6f: {  	_ =	shalt  }
0x70: {  	_ =	shalt  }
0x71: {  	_ =	shalt  }
0x72: {  	_ =	shalt  }
0x73: {  	_ =	shalt  }
0x74: {  	_ =	shalt  }
0x75: {  	_ =	shalt  }
0x76: {  	_ =	shalt  }
0x77: {  	_ =	shalt  }
0x78: {  	_ =	shalt  }
0x79: {  	_ =	shalt  }
0x7a: {  	_ =	shalt  }
0x7b: {  	_ =	shalt  }
0x7c: {  	_ =	shalt  }
0x7d: {  	_ =	shalt  }
0x7e: {  	_ =	shalt  }
0x7f: {  	_ =	shalt  }
0x80: {  	_ =	shalt  }
0x81: {  	_ =	shalt  }
0x82: {  	_ =	shalt  }
0x83: {  	_ =	shalt  }
0x84: {  	_ =	shalt  }
0x85: {  	_ =	shalt  }
0x86: {  	_ =	shalt  }
0x87: {  	_ =	shalt  }
.Lfunc_end0:
.L_simem_size_0:
called_computation.2_lowered:
.L_overlay_start_0:
0x88: {  	s2 =	sld [smem:$0x3FD9]  }
0x89: {  	s3 =	sld [smem:$0x3FFE];
	_ =	sdelay $0x1  }
0x8a: {  	s1 =	srdreg.scid  }
0x8b: {  	s0 =	sand.u32 $0x1, s1  }
0x8c: {  	s17 =	sshll.u32 s0, $0xA;
	s2 =	sadd.s32 s3, s2  }
0x8d: {  	s2 =	sadd.s32 s2, s17  }
0x8e: {  	[smem:$0x3FB4] =	sst s2  }
0x8f: {  	_ = 	snop  }
0x90: {  	(tm) =	ssettm $0x1  }
0x91: {  	s18 =	sld [smem:$0x3FFB];
	_ =	sdelay $0x3  }
0x92: {  	_ =	strace s18  }
0x93: {  	s2 =	sld [smem:$0x3FFC];
	_ =	sdelay $0x3  }
0x94: {  	_ =	strace s2  }
0x95: {  	s2 =	sld [smem:$0x3FFD];
	_ =	sdelay $0x3  }
0x96: {  	_ =	strace s2  }
0x97: {  	_ =	strace $0x8FFFFFFF  }
0x98: {  	s19 =	sld [smem:$0x3FDB];
	_ =	sdelay $0x1  }
0x99: {  	s20 =	simm.s32 $_scs_section_size  }
0x9a: {  	s4 =	simm.s32 $_size__tile_overlayer_lowered;
	s5 =	simm.s32 $_tile_overlayer_lowered  }
0x9b: {  	s6 =	simm.s32 $0x1BFF;
	s21 =	sshll.u32 s5, $0x1;
	s3 =	sadd.s32 s20, s19  }
0x9c: {  	s22 =	simm.s32 $0x0;
	s4 =	sshll.u32 s4, $0x1;
	s5 =	sadd.s32 s21, s3  }
0x9d: {  	[timem:s22], [sflag:s6] =	dma.local [hbm:s5], s4  }
0x9e: {  	_ =	swait.ge [sflag:s6], s4  }
0x9f: {  	s4 =	ssub.s32 $0x0, s4;
	[sflag:s6] =	ssyncset.done $0x0  }
0xa0: {  	[sflag:s6] =	ssyncadd.s32 s4;
	_ =	sdelay $0x1  }
0xa1: {  	s23 =	simm.s32 $0x1B8B  }
0xa2: {  	_ =	swait.ge [sflag:s23], $0x1  }
0xa3: {  	[sflag:s23] =	ssyncset.done $0x0  }
0xa4: {  	[sflag:s23] =	ssyncadd.s32 $0xFFFFFFFF  }
0xa5: {  	s4 =	sld [smem:$0x0]  }
0xa6: {  	s5 =	sand.u32 $0xFFFFFFFE, s1  }
0xa7: {  	p0 =	sne.s32 s1, s5  }
0xa8: {  	s5 =	sshll.u32 @p0 s5, $0xE  }
0xa9: {  	s5 =	sadd.s32 @p0 $0x11B8D, s5;
	s6 =	sshll.u32 @p0 s4, $0x11  }
0xaa: {  	s5 =	sor.u32 @p0 s6, s5  }
0xab: {  	[sflag:s5] =	ssyncadd.remote.s32 @p0 $0x1;
	_ =	sdelay $0x1  }
0xac: {  	s5 =	simm.s32 @p0 $0x1B8D  }
0xad: {  	_ =	swait.eq @p0 [sflag:s5], $0x1  }
0xae: {  	[sflag:s5] =	ssyncadd.s32 @p0 $0xFFFFFFFF  }
0xaf: {  	s6 =	sshll.u32 @!p0 s1, $0xE  }
0xb0: {  	s6 =	sor.u32 @!p0 $0x4000, s6;
	s5 =	simm.s32 @!p0 $0x1B8D  }
0xb1: {  	s4 =	sshll.u32 @!p0 s4, $0x11;
	s6 =	sadd.s32 @!p0 $0x11B8D, s6;
	_ =	swait.eq @!p0 [sflag:s5], $0x1  }
0xb2: {  	s4 =	sor.u32 @!p0 s4, s6;
	[sflag:s5] =	ssyncadd.s32 @!p0 $0xFFFFFFFF  }
0xb3: {  	s25 =	simm.s32 $0x1B8E;
	s24 =	sld [smem:$0x3FFE];
	[sflag:s4] =	ssyncadd.remote.s32 @!p0 $0x1  }
0xb4: {  	s26 =	simm.s32 $execute0_lowered;
	[smem:$0x3FD2] =	sst s25  }
0xb5: {  	s5 =	sshll.u32 s26, $0x1;
	_ =	strace $0x80000052;
	[dreg:$0x1] =	wrdreg $0xFFFFFFFF  }
0xb6: {  	s28 =	simm.s32 $_size_execute0_lowered;
	s3 =	sadd.s32 s3, s5;
	[dreg:$0x0] =	wrdreg $0x0  }
0xb7: {  	s5 =	sshll.u32 s28, $0x1;
	[dreg:$0x2] =	wrdreg s3  }
0xb8: {  	[dreg:$0x3] =	wrdreg s5  }
0xb9: {  	[dreg:$0x4] =	wrdreg $0xC0  }
0xba: {  	_ =	task [dreg:s22], $0x5FFFF  }
0xbb: {  	[dreg:$0x1] =	wrdreg $0xFFFFFFFF  }
0xbc: {  	[dreg:$0x0] =	wrdreg $0x60  }
0xbd: {  	[dreg:$0x2] =	wrdreg s24  }
0xbe: {  	[dreg:$0x3] =	wrdreg $0xC7000  }
0xbf: {  	[dreg:$0x4] =	wrdreg $0x9  }
0xc0: {  	_ =	task.clear_ibuf [dreg:s22], $0x5FFFF;
	_ =	strace $0x90000052  }
0xc1: {  	s29 =	simm.s32 $0x9;
	_ =	strace $0x80000054  }
0xc2: {  	_ =	swait.ge [sflag:s29], $0x1  }
0xc3: {  	[sflag:s29] =	ssyncadd.s32 $0xFFFFFFFF  }
0xc4: {  	_ =	strace $0x90000054  }
0xc5: {  	_ =	sfence  }
0xc6: {  	s30 =	sld [smem:$0x0];
	_ =	sdelay $0x2  }
0xc7: {  	s31 =	sshll.u32 s1, $0xD;
	s1 =	sshrl.u32 s1, $0x2  }
0xc8: {  	s4 =	sand.u32 $0x4000, s31;
	s1 =	sadd.s32 s1, s30  }
0xc9: {  	s0 =	sor.u32 s4, s0;
	s1 =	sshll.u32 s1, $0x11  }
0xca: {  	s0 =	sor.u32 s1, s0  }
0xcb: {  	s0 =	sadd.s32 $0x8F2B, s0  }
0xcc: {  	[sflag:s0] =	ssyncadd.remote.s32 $0x1  }
0xcd: {  	_ =	sfence.sel $0xFFFF  }
0xce: {  	[dreg:$0x0] =	wrdreg $0xFFFFFFFF;
	(pc) =	sbr.abs _section_cstart, $3  }
0xcf: {  	[dreg:$0x1] =	wrdreg $0xFFFFFFFF  }
0xd0: {  	_ =	task.clear_ibuf [dreg:s22], $0x2FFFF;
	_ =	strace $0x9FFFFFFF  }
0xd1: {  	(tm) =	ssettm $0x7FFFFFFF  }
tec
execute0_lowered:
.L_overlay_start_1:
0x0: {  	(tag) =	ssettag $0x1  }
0x1: {  	s0 =	srdreg.scid;
	s1 =	rddreg [dreg:$0x0]  }
0x2: {  	s10 =	stileid.u32;
	s2 =	rddreg [dreg:$0x1];
	s3 =	simm.s32 $0x0  }
0x3: {  	s14 =	simm.s32 $0x1;
	s15 =	simm.s32 $0x2;
	s16 =	simm.s32 $0x50  }
0x4: {  	s17 =	simm.s32 $0x4F00;
	s18 =	simm.s32 $0x7700;
	s20 =	simm.s32 $0x9F00  }
0x5: {  	s21 =	simm.s32 $0x3;
	s22 =	simm.s32 $0x4;
	s5 =	smul.u32 $0x2710, s10  }
0x6: {  	s23 =	simm.s32 $0x5;
	s24 =	simm.s32 $0x6;
	s6 =	smul.u32 $0x3E8, s10  }
0x7: {  	s28 =	simm.s32 $0x4DA0;
	s29 =	simm.s32 $0x2670;
	s25 =	smul.u32 $0x3E80, s10  }
0x8: {  	s30 =	simm.s32 $0x26C0;
	s0 =	sand.u32 $0x1, s0;
	s8 =	smul.u32 $0x7D000, s10  }
0x9: {  	s31 =	simm.s32 $0x4DF0;
	[smem:$0x7FF] =	sst s3;
	s4 =	smul.u32 $0x4E200, s0  }
0xa: {  	p0 =	sgt.u32 s10, $0x9;
	s11 =	smul.u32 $0x2710, s0;
	s0 =	ssub.s32 $0x2, s0  }
0xb: {  	_ =	strace $0x80000053;
	s9 =	sadd.s32 s25, s1;
	s26 =	sshrl.u32 s0, $0x1  }
0xc: {  	s8 =	sshrl.u32 s8, $0x2;
	s5 =	sadd.s32 s5, s4;
	s4 =	sadd.s32 $0x18DE00, s1  }
0xd: {  	s6 =	sadd.s32 s6, s11;
	s0 =	ssub.s32 s0, s26;
	s13 =	sadd.s32 s8, s2  }
0xe: {  	v0 =	vmov s11;
	s11 =	simm.s32 $0x0;
	s5 =	sshrl.u32 s5, $0x3;
	s6 =	sshll.u32 s6, $0x4  }
0xf: {  	s13 =	sshrl.u32 @!p0 s13, $0x3;
	s7 =	sadd.s32 s5, s1;
	s1 =	sadd.s32 s6, s1  }
0x10: {  	s5 =	sadd.s32 $0x7200, s7;
	s6 =	sadd.s32 $0xC020, s7;
	s7 =	sadd.s32 $0x7C600, s9  }
0x11: {  	s8 =	sadd.s32 $0x22A200, s1;
	s9 =	sshll.u32 @!p0 s10, $0x6;
	s10 =	smax.u32 s0, $0x1  }
0x12: {  	s1 =	simm.s32 $0x7;
	s0 =	simm.s32 $0x4E40;
	s12 =	sor.u32 @!p0 $0x1C03, s9  }
.LBB2_1:
0x13: {  	[tilespmem:s3], [sflag:$0x1] =	stream.linear.gather [hbm4b:s5+s3], $0x2710, $0x38;
	[tilespmem:$0x1FF80] =	vst v63  }
0x14: {  	s19 =	simm.s32 $0x2780  }
0x15: {  	[tilespmem:s19], [sflag:$0x2] =	stream.linear.gather [hbm4b:s6+s3], $0x2710, $0x38;
	[tilespmem:$0x1FF80] =	vst v63  }
0x16: {  	[spmem:s13], [sflag:s12] =	dma.local @!p0 [hbm:s7], $0x3E80  }
0x17: {  	_ =	swait.ge [sflag:s14], $0x2710  }
0x18: {  	[sflag:s14] =	ssyncset.done $0x0  }
0x19: {  	s25 =	simm.s32 $0x40;
	s19 =	simm.s32 $0x0;
	[sflag:s14] =	ssyncadd.s32 $0xFFFFD8F0  }
.LBB2_2:
0x1a: {  	p1 =	sne.s32 s25, $0x9C00;
	v1 =	vld [tilespmem:s19+$0x0];
	_ =	sdelay $0x1  }
.Ltmp0:
0x1b: {  	(pc) =	sbr.rel @p1 .LBB2_2-.Ltmp0, $3  }
0x1c: {  	_ =	sdelay $0x1  }
0x1d: {  	v1 =	vadd.s32 v0, v1  }
0x1e: {  	[tilespmem:s19+$0x0] =	vst v1;
	s19 =	sshra.s32 s25, $0x2;
	s25 =	sadd.s32 $0x40, s25  }
0x1f: {  	v1 =	vld [tilespmem:s19+$0x0];
	_ =	sdelay $0x4  }
0x20: {  	v1 =	vadd.s32 v0, v1  }
0x21: {  	[tilespmem:s19+$0x0] =	vst v1  }
0x22: {  	_ =	swait.ge [sflag:s15], $0x2710  }
0x23: {  	[sflag:s15] =	ssyncset.done $0x0  }
0x24: {  	s19 =	simm.s32 @!p0 $0x3;
	[sflag:s15] =	ssyncadd.s32 $0xFFFFD8F0  }
0x25: {  	_ =	swait.ge @!p0 [sflag:s19], $0x3E80  }
0x26: {  	[sflag:s19] =	ssyncset.done @!p0 $0x0  }
0x27: {  	[sflag:s19] =	ssyncadd.s32 @!p0 $0xFFFFC180  }
0x28: {  	s26 =	simm.s32 $0x0;
	[bflag:$0x0] =	sbarrier.arrive $0xFFFF  }
0x29: {  	[tilespmem:s17], [sflag:$0x1] =	stream.indirect.gather [hbm4b:s4+s16], $0x80, s26, s16, $0xb8;
	[tilespmem:$0x1FF80] =	vst v63  }
0x2a: {  	_ = 	snop  }
0x2b: {  	[tilespmem:s18], [sflag:$0x2] =	stream.indirect.gather [hbm4b:s4+s16], $0x80, s16, s16, $0xb8;
	[tilespmem:$0x1FF80] =	vst v63  }
0x2c: {  	s25 =	simm.s32 $0xA0  }
0x2d: {  	[tilespmem:s20], [sflag:$0x3] =	stream.indirect.gather [hbm4b:s4+s16], $0x80, s25, s16, $0xb8;
	[tilespmem:$0x1FF80] =	vst v63  }
0x2e: {  	_ =	swait.ge [sflag:s14], $0x2800  }
0x2f: {  	[sflag:s14] =	ssyncset.done $0x0  }
0x30: {  	s26 =	simm.s32 $0x2780;
	[sflag:s14] =	ssyncadd.s32 $0xFFFFD800  }
0x31: {  	[spmem:s2] =	stream.indirect.scatter.add.f32 [tilespmem:s17], [sflag:$0x4], $0x80, s26, s16, $0xb8;
	[tilespmem:$0x1FF80] =	vst v63  }
0x32: {  	_ =	swait.ge [sflag:s15], $0x2800  }
0x33: {  	[sflag:s15] =	ssyncset.done $0x0  }
0x34: {  	s25 =	simm.s32 $0x27D0;
	[sflag:s15] =	ssyncadd.s32 $0xFFFFD800  }
0x35: {  	[spmem:s2] =	stream.indirect.scatter.add.f32 [tilespmem:s18], [sflag:$0x5], $0x80, s25, s16, $0xb8;
	[tilespmem:$0x1FF80] =	vst v63  }
0x36: {  	_ =	swait.ge [sflag:s21], $0x2800  }
0x37: {  	[sflag:s21] =	ssyncset.done $0x0  }
0x38: {  	s26 =	simm.s32 $0x2820;
	[sflag:s21] =	ssyncadd.s32 $0xFFFFD800  }
0x39: {  	[spmem:s2] =	stream.indirect.scatter.add.f32 [tilespmem:s20], [sflag:$0x6], $0x80, s26, s16, $0xb8;
	[tilespmem:$0x1FF80] =	vst v63  }
0x3a: {  	_ =	swait.ge [sflag:s22], $0x2800  }
0x3b: {  	[sflag:s22] =	ssyncset.done $0x0  }
0x3c: {  	s25 =	simm.s32 $0xF0;
	[sflag:s22] =	ssyncadd.s32 $0xFFFFD800  }
0x3d: {  	[tilespmem:s17], [sflag:$0x1] =	stream.indirect.gather [hbm4b:s4+s16], $0x80, s25, s16, $0xb8;
	[tilespmem:$0x1FF80] =	vst v63  }
0x3e: {  	_ =	swait.ge [sflag:s23], $0x2800  }
0x3f: {  	[sflag:s23] =	ssyncset.done $0x0  }
0x40: {  	s26 =	simm.s32 $0x140;
	[sflag:s23] =	ssyncadd.s32 $0xFFFFD800  }
0x41: {  	[tilespmem:s18], [sflag:$0x2] =	stream.indirect.gather [hbm4b:s4+s16], $0x80, s26, s16, $0xb8;
	[tilespmem:$0x1FF80] =	vst v63  }
0x42: {  	_ =	swait.ge [sflag:s24], $0x2800  }
0x43: {  	[sflag:s24] =	ssyncset.done $0x0  }
0x44: {  	s19 =	simm.s32 $0x3C0;
	s25 =	simm.s32 $0x190;
	[sflag:s24] =	ssyncadd.s32 $0xFFFFD800  }
.LBB2_4:
0x45: {  	[tilespmem:s20], [sflag:$0x3] =	stream.indirect.gather [hbm4b:s4+s16], $0x80, s25, s16, $0xb8;
	[tilespmem:$0x1FF80] =	vst v63  }
0x46: {  	s25 =	smov.u32 s19  }
0x47: {  	p1 =	sne.s32 s19, $0x9240;
	s19 =	sadd.s32 $0x3C0, s19;
	_ =	swait.ge [sflag:s14], $0x2800  }
0x48: {  	s25 =	sshra.s32 s25, $0x2;
	[sflag:s14] =	ssyncset.done $0x0  }
0x49: {  	s26 =	sadd.s32 $0x2780, s25;
	[sflag:s14] =	ssyncadd.s32 $0xFFFFD800  }
0x4a: {  	[spmem:s2] =	stream.indirect.scatter.add.f32 [tilespmem:s17], [sflag:$0x4], $0x80, s26, s16, $0xb8;
	[tilespmem:$0x1FF80] =	vst v63  }
0x4b: {  	_ =	swait.ge [sflag:s15], $0x2800  }
0x4c: {  	[sflag:s15] =	ssyncset.done $0x0  }
0x4d: {  	s26 =	sadd.s32 $0x27D0, s25;
	[sflag:s15] =	ssyncadd.s32 $0xFFFFD800  }
0x4e: {  	[spmem:s2] =	stream.indirect.scatter.add.f32 [tilespmem:s18], [sflag:$0x5], $0x80, s26, s16, $0xb8;
	[tilespmem:$0x1FF80] =	vst v63  }
0x4f: {  	_ =	swait.ge [sflag:s21], $0x2800  }
0x50: {  	[sflag:s21] =	ssyncset.done $0x0  }
0x51: {  	s26 =	sadd.s32 $0x2820, s25;
	[sflag:s21] =	ssyncadd.s32 $0xFFFFD800  }
0x52: {  	[spmem:s2] =	stream.indirect.scatter.add.f32 [tilespmem:s20], [sflag:$0x6], $0x80, s26, s16, $0xb8;
	[tilespmem:$0x1FF80] =	vst v63  }
0x53: {  	_ =	swait.ge [sflag:s22], $0x2800  }
0x54: {  	[sflag:s22] =	ssyncset.done $0x0  }
0x55: {  	s26 =	sadd.s32 $0xF0, s25;
	[sflag:s22] =	ssyncadd.s32 $0xFFFFD800  }
0x56: {  	[tilespmem:s17], [sflag:$0x1] =	stream.indirect.gather [hbm4b:s4+s16], $0x80, s26, s16, $0xb8;
	[tilespmem:$0x1FF80] =	vst v63  }
0x57: {  	_ =	swait.ge [sflag:s23], $0x2800  }
0x58: {  	[sflag:s23] =	ssyncset.done $0x0  }
.Ltmp1:
0x59: {  	s26 =	sadd.s32 $0x140, s25;
	[sflag:s23] =	ssyncadd.s32 $0xFFFFD800;
	(pc) =	sbr.rel @p1 .LBB2_4-.Ltmp1, $4  }
0x5a: {  	[tilespmem:s18], [sflag:$0x2] =	stream.indirect.gather [hbm4b:s4+s16], $0x80, s26, s16, $0xb8;
	[tilespmem:$0x1FF80] =	vst v63  }
0x5b: {  	_ =	swait.ge [sflag:s24], $0x2800  }
0x5c: {  	[sflag:s24] =	ssyncset.done $0x0  }
0x5d: {  	s25 =	sadd.s32 $0x190, s25;
	[sflag:s24] =	ssyncadd.s32 $0xFFFFD800  }
0x5e: {  	[tilespmem:s20], [sflag:$0x3] =	stream.indirect.gather [hbm4b:s4+s16], $0x80, s25, s16, $0xb8;
	[tilespmem:$0x1FF80] =	vst v63  }
0x5f: {  	_ =	swait.ge [sflag:s14], $0x2800  }
0x60: {  	[sflag:s14] =	ssyncset.done $0x0  }
0x61: {  	s19 =	simm.s32 $0x4D00;
	[sflag:s14] =	ssyncadd.s32 $0xFFFFD800  }
0x62: {  	[spmem:s2] =	stream.indirect.scatter.add.f32 [tilespmem:s17], [sflag:$0x4], $0x80, s19, s16, $0xb8;
	[tilespmem:$0x1FF80] =	vst v63  }
0x63: {  	_ =	swait.ge [sflag:s15], $0x2800  }
0x64: {  	[sflag:s15] =	ssyncset.done $0x0  }
0x65: {  	s26 =	simm.s32 $0x4D50;
	[sflag:s15] =	ssyncadd.s32 $0xFFFFD800  }
0x66: {  	[spmem:s2] =	stream.indirect.scatter.add.f32 [tilespmem:s18], [sflag:$0x5], $0x80, s26, s16, $0xb8;
	[tilespmem:$0x1FF80] =	vst v63  }
0x67: {  	_ =	swait.ge [sflag:s21], $0x2800  }
0x68: {  	[sflag:s21] =	ssyncset.done $0x0  }
0x69: {  	[sflag:s21] =	ssyncadd.s32 $0xFFFFD800  }
0x6a: {  	[spmem:s2] =	stream.indirect.scatter.add.f32 [tilespmem:s20], [sflag:$0x6], $0x80, s28, s16, $0xb8;
	[tilespmem:$0x1FF80] =	vst v63  }
0x6b: {  	_ =	swait.ge [sflag:s22], $0x2800  }
0x6c: {  	[sflag:s22] =	ssyncset.done $0x0  }
0x6d: {  	[sflag:s22] =	ssyncadd.s32 $0xFFFFD800  }
0x6e: {  	[tilespmem:s17], [sflag:$0x1] =	stream.indirect.gather [hbm4b:s4+s16], $0x80, s29, s16, $0xb8;
	[tilespmem:$0x1FF80] =	vst v63  }
0x6f: {  	_ =	swait.ge [sflag:s23], $0x2800  }
0x70: {  	[sflag:s23] =	ssyncset.done $0x0  }
0x71: {  	[sflag:s23] =	ssyncadd.s32 $0xFFFFD800  }
0x72: {  	[tilespmem:s18], [sflag:$0x2] =	stream.indirect.gather [hbm4b:s4+s16], $0x80, s30, s16, $0xb8;
	[tilespmem:$0x1FF80] =	vst v63  }
0x73: {  	_ =	swait.ge [sflag:s24], $0x2800  }
0x74: {  	[sflag:s24] =	ssyncset.done $0x0  }
0x75: {  	[sflag:s24] =	ssyncadd.s32 $0xFFFFD800  }
0x76: {  	_ =	swait.ge [sflag:s14], $0x2800  }
0x77: {  	[sflag:s14] =	ssyncset.done $0x0  }
0x78: {  	[sflag:s14] =	ssyncadd.s32 $0xFFFFD800  }
0x79: {  	[spmem:s2] =	stream.indirect.scatter.add.f32 [tilespmem:s17], [sflag:$0x7], $0x80, s31, s16, $0xb8;
	[tilespmem:$0x1FF80] =	vst v63  }
0x7a: {  	_ =	swait.ge [sflag:s1], $0x2800  }
0x7b: {  	[sflag:s1] =	ssyncset.done $0x0  }
0x7c: {  	[sflag:s1] =	ssyncadd.s32 $0xFFFFD800  }
0x7d: {  	_ =	swait.ge [sflag:s15], $0x2800  }
0x7e: {  	[sflag:s15] =	ssyncset.done $0x0  }
0x7f: {  	[sflag:s15] =	ssyncadd.s32 $0xFFFFD800  }
0x80: {  	[spmem:s2] =	stream.indirect.scatter.add.f32 [tilespmem:s18], [sflag:$0x7], $0x80, s0, s16, $0xb8;
	[tilespmem:$0x1FF80] =	vst v63  }
0x81: {  	_ =	swait.ge [sflag:s1], $0x2800  }
0x82: {  	[sflag:s1] =	ssyncset.done $0x0  }
0x83: {  	s11 =	sadd.s32 $0x1, s11;
	[sflag:s1] =	ssyncadd.s32 $0xFFFFD800  }
0x84: {  	p1 =	sne.s32 s11, s10;
	s19 =	sor.u32 @!p0 $0x1C07, s9;
	[bflag:$0x0] =	sbarrier.arrive $0xFFFF  }
0x85: {  	[hbm:s8], [sflag:s19] =	dma.local @!p0 [spmem:s13], $0x3E80  }
.Ltmp2:
0x86: {  	_ = 	snop;
	(pc) =	sbr.rel @p1 .LBB2_1-.Ltmp2, $4  }
0x87: {  	s19 =	simm.s32 @!p0 $0x7  }
0x88: {  	_ =	swait.ge @!p0 [sflag:s19], $0x3E80  }
0x89: {  	[sflag:s19] =	ssyncset.done @!p0 $0x0  }
0x8a: {  	[sflag:s19] =	ssyncadd.s32 @!p0 $0xFFFFC180  }
0x8b: {  	_ =	sfence.sel $0x180000  }
0x8c: {  	[bflag:$0x0] =	sbarrier.arrive $0xFFFF  }
0x8d: {  	_ =	strace $0x90000053  }
0x8e: {  	s0 =	stileid.u32;
	[bflag:$0x2] =	sbarrier.arrive $0xFFFF  }
0x8f: {  	p0 =	sne.s32 s0, $0x0;
	s0 =	rddreg [dreg:$0x2]  }
0x90: {  	s0 =	sadd.s32 @!p0 $0x100000, s0  }
0x91: {  	[sflag:s0] =	ssyncadd.tile.s32 @!p0 $0x1;
	_ =	shalt  }
.Lfunc_end2:
_tile_overlayer_lowered:
.L_overlay_start_2:
0x92: {  	(tag) =	ssettag $0x2  }
0x93: {  	s0 =	rddreg [dreg:$0x0];
	s2 =	stileid.u32  }
0x94: {  	s1 =	rddreg [dreg:$0x1];
	p0 =	sne.s32 s2, $0x0  }
0x95: {  	s3 =	rddreg [dreg:$0x2];
	[bflag:$0x3] =	sbarrier.arrive $0xFFFF;
	s2 =	simm.s32 @!p0 $0x1C07  }
0x96: {  	[timem:s3], [sflag:s2] =	dma.local @!p0 [hbm:s0], s1  }
0x97: {  	s0 =	simm.s32 @!p0 $0x7  }
0x98: {  	_ =	swait.ge @!p0 [sflag:s0], s1  }
0x99: {  	s1 =	ssub.s32 @!p0 $0x0, s1;
	[sflag:s0] =	ssyncset.done @!p0 $0x0  }
0x9a: {  	[sflag:s0] =	ssyncadd.s32 @!p0 s1  }
0x9b: {  	[bflag:$0x3] =	sbarrier.arrive $0xFFFF  }
0x9c: {  	_ =	shalt  }

// kernel: kernel.23.cloned.1.call-start
scs
__scs_entry_jumppad:
0x0: {  	(pc) =	sbr.rel $0x88, $3  }
0x1: {  	(tag) =	ssettag $0x0;
	lr =	simm.s32 $0x1  }
0x2: {  	[smem:$0x3F8D] =	sst lr;
	_ =	strace $0xD0000000  }
0x3: {  	_ = 	snop  }
0x4: {  	_ = 	snop  }
0x5: {  	_ = 	snop  }
0x6: {  	_ = 	snop  }
0x7: {  	_ = 	snop  }
__scs_overlays_trampoline_lowered:
0x8: {  	[smem:$0x3F9C] =	sst s0  }
0x9: {  	[smem:$0x3F9D] =	sst s1  }
0xa: {  	[smem:$0x3F9E] =	sst s2  }
0xb: {  	[smem:$0x3F9F] =	sst s3  }
0xc: {  	[smem:$0x3FA0] =	sst s4  }
0xd: {  	[smem:$0x3FA1] =	sst s5  }
0xe: {  	[smem:$0x3FA2] =	sst s6  }
0xf: {  	[smem:$0x3FA3] =	sst s7  }
0x10: {  	[smem:$0x3FA4] =	sst s8  }
0x11: {  	[smem:$0x3FA5] =	sst s9;
	s0 =	simm.s32 @!p0 $0x0  }
0x12: {  	s1 =	sld [smem:$0x3F8B];
	s0 =	simm.s32 @p0 $0x1  }
0x13: {  	[smem:$0x3FA6] =	sst s0;
	s0 =	simm.s32 @!p1 $0x0  }
0x14: {  	s2 =	sld [smem:$0x3F8A];
	s0 =	simm.s32 @p1 $0x1  }
0x15: {  	[smem:$0x3FA7] =	sst s0;
	s0 =	simm.s32 @!p2 $0x0  }
0x16: {  	s3 =	sld [smem:$0x3FDB];
	s0 =	simm.s32 @p2 $0x1  }
0x17: {  	s4 =	simm.s32 $0x1BF5;
	[smem:$0x3FA9] =	sst s0  }
0x18: {  	s0 =	sld [smem:$0x3F8C];
	_ =	swait.ge [sflag:s4], $0x0  }
0x19: {  	s7 =	sld [smem:$0x3F8D]  }
0x1a: {  	s8 =	sadd.s32 $0xFFFFE003, lr  }
0x1b: {  	s9 =	sadd.s32 $0xFFFFFEF7, lr;
	s5 =	simm.s32 $0xFFFFFFFF;
	p2 =	slt.u32 s8, $0xFFFFF086  }
0x1c: {  	p1 =	slt.u32 s9, $0xF7A;
	s5 =	simm.s32 @!p2 $0x0  }
0x1d: {  	s5 =	simm.s32 @p1 $0x1;
	p0 =	seq.s32 s7, s2  }
0x1e: {  	s7 =	smul.u32 @!p0 $0xF7A, s2;
	p2 =	seq.s32 @!p0 s5, $0x0  }
0x1f: {  	s9 =	smul.u32 $0xF7A, s1;
	s8 =	simm.s32 @!p0 $0x1BF5;
	p2 =	por !p2, p0  }
0x20: {  	[sflag:s8] =	ssyncset.s32 @!p0 $0xFFFFF086;
	s6 =	sadd.s32 @!p0 s3, s7;
	s7 =	simm.s32 @!p0 $0x108  }
0x21: {  	s3 =	sadd.s32 s3, s9;
	s6 =	sadd.s32 @!p0 $0x88, s6;
	s7 =	simm.s32 @p2 $0x1082  }
0x22: {  	[simem:s7], [sflag:s8] =	dma.local @!p0 [hbm:s6], $0xF7A  }
0x23: {  	s9 =	sor.u32 $0xD0000000, s2;
	s6 =	simm.s32 $0x108;
	_ =	swait.ge @!p0 [sflag:s8], $0x0  }
0x24: {  	s3 =	sadd.s32 $0x88, s3;
	s6 =	simm.s32 @!p1 $0x1082;
	[sflag:s4] =	ssyncset.s32 $0xFFFFF086  }
0x25: {  	[simem:s6], [sflag:s4] =	dma.local [hbm:s3], $0xF7A  }
0x26: {  	[smem:$0x3F8D] =	sst s1;
	(tag) =	ssettag s2;
	_ =	strace s9  }
0x27: {  	s1 =	sld [smem:$0x3F9D]  }
0x28: {  	s2 =	sld [smem:$0x3F9E]  }
0x29: {  	s4 =	sld [smem:$0x3FA0]  }
0x2a: {  	p0 =	seq.s32 s5, $0x0;
	s5 =	sld [smem:$0x3FA1]  }
0x2b: {  	s6 =	sld [smem:$0x3FA2]  }
0x2c: {  	s7 =	sld [smem:$0x3FA3]  }
0x2d: {  	s3 =	simm.s32 $0x108;
	s8 =	sld [smem:$0x3FA4]  }
0x2e: {  	s3 =	simm.s32 @!p0 $0x1082;
	s9 =	sld [smem:$0x3FA5]  }
0x2f: {  	lr =	sadd.s32 s0, s3;
	s0 =	sld [smem:$0x3F9C]  }
0x30: {  	s3 =	sld [smem:$0x3F9F]  }
0x31: {  	[smem:$0x3FA8] =	sst s10  }
0x32: {  	s10 =	sld [smem:$0x3FA6];
	_ =	sdelay $0x3  }
0x33: {  	p0 =	seq.s32 s10, $0x1;
	s10 =	sld [smem:$0x3FA8];
	_ =	sdelay $0x3  }
0x34: {  	[smem:$0x3FA8] =	sst s10  }
0x35: {  	s10 =	sld [smem:$0x3FA7];
	_ =	sdelay $0x3  }
0x36: {  	p1 =	seq.s32 s10, $0x1;
	s10 =	sld [smem:$0x3FA8];
	_ =	sdelay $0x3  }
0x37: {  	[smem:$0x3FA8] =	sst s10  }
0x38: {  	s10 =	sld [smem:$0x3FA9]  }
0x39: {  	_ = 	snop;
	(pc) =	sbr.ind lr, $3  }
0x3a: {  	_ = 	snop  }
0x3b: {  	_ = 	snop  }
0x3c: {  	p2 =	seq.s32 s10, $0x1;
	s10 =	sld [smem:$0x3FA8]  }
0x3d: {  	_ =	shalt  }
0x3e: {  	_ =	shalt  }
0x3f: {  	_ =	shalt  }
0x40: {  	_ =	shalt  }
0x41: {  	_ =	shalt  }
0x42: {  	_ =	shalt  }
0x43: {  	_ =	shalt  }
0x44: {  	_ =	shalt  }
0x45: {  	_ =	shalt  }
0x46: {  	_ =	shalt  }
0x47: {  	_ =	shalt  }
0x48: {  	_ =	shalt  }
0x49: {  	_ =	shalt  }
0x4a: {  	_ =	shalt  }
0x4b: {  	_ =	shalt  }
0x4c: {  	_ =	shalt  }
0x4d: {  	_ =	shalt  }
0x4e: {  	_ =	shalt  }
0x4f: {  	_ =	shalt  }
0x50: {  	_ =	shalt  }
0x51: {  	_ =	shalt  }
0x52: {  	_ =	shalt  }
0x53: {  	_ =	shalt  }
0x54: {  	_ =	shalt  }
0x55: {  	_ =	shalt  }
0x56: {  	_ =	shalt  }
0x57: {  	_ =	shalt  }
0x58: {  	_ =	shalt  }
0x59: {  	_ =	shalt  }
0x5a: {  	_ =	shalt  }
0x5b: {  	_ =	shalt  }
0x5c: {  	_ =	shalt  }
0x5d: {  	_ =	shalt  }
0x5e: {  	_ =	shalt  }
0x5f: {  	_ =	shalt  }
0x60: {  	_ =	shalt  }
0x61: {  	_ =	shalt  }
0x62: {  	_ =	shalt  }
0x63: {  	_ =	shalt  }
0x64: {  	_ =	shalt  }
0x65: {  	_ =	shalt  }
0x66: {  	_ =	shalt  }
0x67: {  	_ =	shalt  }
0x68: {  	_ =	shalt  }
0x69: {  	_ =	shalt  }
0x6a: {  	_ =	shalt  }
0x6b: {  	_ =	shalt  }
0x6c: {  	_ =	shalt  }
0x6d: {  	_ =	shalt  }
0x6e: {  	_ =	shalt  }
0x6f: {  	_ =	shalt  }
0x70: {  	_ =	shalt  }
0x71: {  	_ =	shalt  }
0x72: {  	_ =	shalt  }
0x73: {  	_ =	shalt  }
0x74: {  	_ =	shalt  }
0x75: {  	_ =	shalt  }
0x76: {  	_ =	shalt  }
0x77: {  	_ =	shalt  }
0x78: {  	_ =	shalt  }
0x79: {  	_ =	shalt  }
0x7a: {  	_ =	shalt  }
0x7b: {  	_ =	shalt  }
0x7c: {  	_ =	shalt  }
0x7d: {  	_ =	shalt  }
0x7e: {  	_ =	shalt  }
0x7f: {  	_ =	shalt  }
0x80: {  	_ =	shalt  }
0x81: {  	_ =	shalt  }
0x82: {  	_ =	shalt  }
0x83: {  	_ =	shalt  }
0x84: {  	_ =	shalt  }
0x85: {  	_ =	shalt  }
0x86: {  	_ =	shalt  }
0x87: {  	_ =	shalt  }
.Lfunc_end0:
.L_simem_size_0:
called_computation.3_lowered:
.L_overlay_start_0:
0x88: {  	s2 =	sld [smem:$0x3FD9]  }
0x89: {  	s3 =	sld [smem:$0x3FFE];
	_ =	sdelay $0x1  }
0x8a: {  	s1 =	srdreg.scid  }
0x8b: {  	s0 =	sand.u32 $0x1, s1  }
0x8c: {  	s17 =	sshll.u32 s0, $0xA;
	s2 =	sadd.s32 s3, s2  }
0x8d: {  	s2 =	sadd.s32 s2, s17  }
0x8e: {  	[smem:$0x3FB4] =	sst s2  }
0x8f: {  	_ = 	snop  }
0x90: {  	(tm) =	ssettm $0x1  }
0x91: {  	s18 =	sld [smem:$0x3FFB];
	_ =	sdelay $0x3  }
0x92: {  	_ =	strace s18  }
0x93: {  	s2 =	sld [smem:$0x3FFC];
	_ =	sdelay $0x3  }
0x94: {  	_ =	strace s2  }
0x95: {  	s2 =	sld [smem:$0x3FFD];
	_ =	sdelay $0x3  }
0x96: {  	_ =	strace s2  }
0x97: {  	_ =	strace $0x8FFFFFFF  }
0x98: {  	s19 =	sld [smem:$0x3FDB];
	_ =	sdelay $0x1  }
0x99: {  	s20 =	simm.s32 $_scs_section_size  }
0x9a: {  	s4 =	simm.s32 $_size__tile_overlayer_lowered;
	s5 =	simm.s32 $_tile_overlayer_lowered  }
0x9b: {  	s6 =	simm.s32 $0x1BFF;
	s21 =	sshll.u32 s5, $0x1;
	s3 =	sadd.s32 s20, s19  }
0x9c: {  	s22 =	simm.s32 $0x0;
	s4 =	sshll.u32 s4, $0x1;
	s5 =	sadd.s32 s21, s3  }
0x9d: {  	[timem:s22], [sflag:s6] =	dma.local [hbm:s5], s4  }
0x9e: {  	_ =	swait.ge [sflag:s6], s4  }
0x9f: {  	s4 =	ssub.s32 $0x0, s4;
	[sflag:s6] =	ssyncset.done $0x0  }
0xa0: {  	[sflag:s6] =	ssyncadd.s32 s4;
	_ =	sdelay $0x1  }
0xa1: {  	s23 =	simm.s32 $0x1B8B  }
0xa2: {  	_ =	swait.ge [sflag:s23], $0x1  }
0xa3: {  	[sflag:s23] =	ssyncset.done $0x0  }
0xa4: {  	[sflag:s23] =	ssyncadd.s32 $0xFFFFFFFF  }
0xa5: {  	s4 =	sld [smem:$0x0]  }
0xa6: {  	s5 =	sand.u32 $0xFFFFFFFE, s1  }
0xa7: {  	p0 =	sne.s32 s1, s5  }
0xa8: {  	s5 =	sshll.u32 @p0 s5, $0xE  }
0xa9: {  	s5 =	sadd.s32 @p0 $0x11B8D, s5;
	s6 =	sshll.u32 @p0 s4, $0x11  }
0xaa: {  	s5 =	sor.u32 @p0 s6, s5  }
0xab: {  	[sflag:s5] =	ssyncadd.remote.s32 @p0 $0x1;
	_ =	sdelay $0x1  }
0xac: {  	s5 =	simm.s32 @p0 $0x1B8D  }
0xad: {  	_ =	swait.eq @p0 [sflag:s5], $0x1  }
0xae: {  	[sflag:s5] =	ssyncadd.s32 @p0 $0xFFFFFFFF  }
0xaf: {  	s6 =	sshll.u32 @!p0 s1, $0xE  }
0xb0: {  	s6 =	sor.u32 @!p0 $0x4000, s6;
	s5 =	simm.s32 @!p0 $0x1B8D  }
0xb1: {  	s4 =	sshll.u32 @!p0 s4, $0x11;
	s6 =	sadd.s32 @!p0 $0x11B8D, s6;
	_ =	swait.eq @!p0 [sflag:s5], $0x1  }
0xb2: {  	s4 =	sor.u32 @!p0 s4, s6;
	[sflag:s5] =	ssyncadd.s32 @!p0 $0xFFFFFFFF  }
0xb3: {  	s25 =	simm.s32 $0x1B8E;
	s24 =	sld [smem:$0x3FFE];
	[sflag:s4] =	ssyncadd.remote.s32 @!p0 $0x1  }
0xb4: {  	s26 =	simm.s32 $execute0_lowered;
	[smem:$0x3FD2] =	sst s25  }
0xb5: {  	s5 =	sshll.u32 s26, $0x1;
	_ =	strace $0x80000049;
	[dreg:$0x1] =	wrdreg $0xFFFFFFFF  }
0xb6: {  	s28 =	simm.s32 $_size_execute0_lowered;
	s3 =	sadd.s32 s3, s5;
	[dreg:$0x0] =	wrdreg $0x0  }
0xb7: {  	s5 =	sshll.u32 s28, $0x1;
	[dreg:$0x2] =	wrdreg s3  }
0xb8: {  	[dreg:$0x3] =	wrdreg s5  }
0xb9: {  	[dreg:$0x4] =	wrdreg $0xC0  }
0xba: {  	_ =	task [dreg:s22], $0x5FFFF  }
0xbb: {  	[dreg:$0x1] =	wrdreg $0xFFFFFFFF  }
0xbc: {  	[dreg:$0x0] =	wrdreg $0x60  }
0xbd: {  	[dreg:$0x2] =	wrdreg s24  }
0xbe: {  	[dreg:$0x3] =	wrdreg $0xC7000  }
0xbf: {  	[dreg:$0x4] =	wrdreg $0xA  }
0xc0: {  	_ =	task.clear_ibuf [dreg:s22], $0x5FFFF;
	_ =	strace $0x90000049  }
0xc1: {  	s29 =	simm.s32 $0xA;
	_ =	strace $0x8000004B  }
0xc2: {  	_ =	swait.ge [sflag:s29], $0x1  }
0xc3: {  	[sflag:s29] =	ssyncadd.s32 $0xFFFFFFFF  }
0xc4: {  	_ =	strace $0x9000004B  }
0xc5: {  	_ =	sfence  }
0xc6: {  	s30 =	sld [smem:$0x0];
	_ =	sdelay $0x2  }
0xc7: {  	s31 =	sshll.u32 s1, $0xD;
	s1 =	sshrl.u32 s1, $0x2  }
0xc8: {  	s4 =	sand.u32 $0x4000, s31;
	s1 =	sadd.s32 s1, s30  }
0xc9: {  	s0 =	sor.u32 s4, s0;
	s1 =	sshll.u32 s1, $0x11  }
0xca: {  	s0 =	sor.u32 s1, s0  }
0xcb: {  	s0 =	sadd.s32 $0x8F2B, s0  }
0xcc: {  	[sflag:s0] =	ssyncadd.remote.s32 $0x1  }
0xcd: {  	_ =	sfence.sel $0xFFFF  }
0xce: {  	[dreg:$0x0] =	wrdreg $0xFFFFFFFF;
	(pc) =	sbr.abs _section_cstart, $3  }
0xcf: {  	[dreg:$0x1] =	wrdreg $0xFFFFFFFF  }
0xd0: {  	_ =	task.clear_ibuf [dreg:s22], $0x2FFFF;
	_ =	strace $0x9FFFFFFF  }
0xd1: {  	(tm) =	ssettm $0x7FFFFFFF  }
tec
execute0_lowered:
.L_overlay_start_1:
0x0: {  	(tag) =	ssettag $0x1  }
0x1: {  	s10 =	stileid.u32;
	s5 =	rddreg [dreg:$0x0]  }
0x2: {  	s0 =	srdreg.scid;
	s2 =	rddreg [dreg:$0x1];
	s3 =	simm.s32 $0x0  }
0x3: {  	s14 =	simm.s32 $0x1;
	s15 =	simm.s32 $0x2;
	s16 =	simm.s32 $0x50  }
0x4: {  	s17 =	simm.s32 $0x4F00;
	s18 =	simm.s32 $0x7700;
	s20 =	simm.s32 $0x9F00  }
0x5: {  	s21 =	simm.s32 $0x3;
	s22 =	simm.s32 $0x4;
	s1 =	smul.u32 $0x3E80, s10  }
0x6: {  	s23 =	simm.s32 $0x5;
	s24 =	simm.s32 $0x6;
	s6 =	smul.u32 $0x3E8, s10  }
0x7: {  	s28 =	simm.s32 $0x4DA0;
	s29 =	simm.s32 $0x2670;
	s8 =	smul.u32 $0x2710, s10  }
0x8: {  	s30 =	simm.s32 $0x26C0;
	s0 =	sand.u32 $0x1, s0;
	s25 =	smul.u32 $0x7D000, s10  }
0x9: {  	s31 =	simm.s32 $0x4DF0;
	[smem:$0x7FF] =	sst s3;
	s11 =	smul.u32 $0x2710, s0  }
0xa: {  	s4 =	sadd.s32 $0xF1A00, s5;
	p0 =	sgt.u32 s10, $0x9;
	s7 =	smul.u32 $0x4E200, s0  }
0xb: {  	_ =	strace $0x8000004A;
	s0 =	ssub.s32 $0x2, s0;
	s1 =	sadd.s32 s1, s5  }
0xc: {  	s26 =	sshrl.u32 s0, $0x1;
	s6 =	sadd.s32 s6, s11;
	s7 =	sadd.s32 s8, s7  }
0xd: {  	s0 =	ssub.s32 s0, s26;
	s8 =	sshrl.u32 s25, $0x2;
	v0 =	vmov s11;
	s11 =	simm.s32 $0x0  }
0xe: {  	s6 =	sshll.u32 s6, $0x4;
	s7 =	sshrl.u32 s7, $0x3;
	s13 =	sadd.s32 s8, s2  }
0xf: {  	s9 =	sadd.s32 s6, s5;
	s7 =	sadd.s32 s5, s7;
	s13 =	sshrl.u32 @!p0 s13, $0x3  }
0x10: {  	s5 =	sadd.s32 $0x1AA80, s7;
	s6 =	sadd.s32 $0x1F8A0, s7;
	s7 =	sadd.s32 $0x7C600, s1  }
0x11: {  	s8 =	sadd.s32 $0x13FC00, s9;
	s9 =	sshll.u32 @!p0 s10, $0x6;
	s10 =	smax.u32 s0, $0x1  }
0x12: {  	s1 =	simm.s32 $0x7;
	s0 =	simm.s32 $0x4E40;
	s12 =	sor.u32 @!p0 $0x1C03, s9  }
.LBB2_1:
0x13: {  	[tilespmem:s3], [sflag:$0x1] =	stream.linear.gather [hbm4b:s5+s3], $0x2710, $0x38;
	[tilespmem:$0x1FF80] =	vst v63  }
0x14: {  	s19 =	simm.s32 $0x2780  }
0x15: {  	[tilespmem:s19], [sflag:$0x2] =	stream.linear.gather [hbm4b:s6+s3], $0x2710, $0x38;
	[tilespmem:$0x1FF80] =	vst v63  }
0x16: {  	[spmem:s13], [sflag:s12] =	dma.local @!p0 [hbm:s7], $0x3E80  }
0x17: {  	_ =	swait.ge [sflag:s14], $0x2710  }
0x18: {  	[sflag:s14] =	ssyncset.done $0x0  }
0x19: {  	s25 =	simm.s32 $0x40;
	s19 =	simm.s32 $0x0;
	[sflag:s14] =	ssyncadd.s32 $0xFFFFD8F0  }
.LBB2_2:
0x1a: {  	p1 =	sne.s32 s25, $0x9C00;
	v1 =	vld [tilespmem:s19+$0x0];
	_ =	sdelay $0x1  }
.Ltmp0:
0x1b: {  	(pc) =	sbr.rel @p1 .LBB2_2-.Ltmp0, $3  }
0x1c: {  	_ =	sdelay $0x1  }
0x1d: {  	v1 =	vadd.s32 v0, v1  }
0x1e: {  	[tilespmem:s19+$0x0] =	vst v1;
	s19 =	sshra.s32 s25, $0x2;
	s25 =	sadd.s32 $0x40, s25  }
0x1f: {  	v1 =	vld [tilespmem:s19+$0x0];
	_ =	sdelay $0x4  }
0x20: {  	v1 =	vadd.s32 v0, v1  }
0x21: {  	[tilespmem:s19+$0x0] =	vst v1  }
0x22: {  	_ =	swait.ge [sflag:s15], $0x2710  }
0x23: {  	[sflag:s15] =	ssyncset.done $0x0  }
0x24: {  	s19 =	simm.s32 @!p0 $0x3;
	[sflag:s15] =	ssyncadd.s32 $0xFFFFD8F0  }
0x25: {  	_ =	swait.ge @!p0 [sflag:s19], $0x3E80  }
0x26: {  	[sflag:s19] =	ssyncset.done @!p0 $0x0  }
0x27: {  	[sflag:s19] =	ssyncadd.s32 @!p0 $0xFFFFC180  }
0x28: {  	s26 =	simm.s32 $0x0;
	[bflag:$0x0] =	sbarrier.arrive $0xFFFF  }
0x29: {  	[tilespmem:s17], [sflag:$0x1] =	stream.indirect.gather [hbm4b:s4+s16], $0x80, s26, s16, $0xb8;
	[tilespmem:$0x1FF80] =	vst v63  }
0x2a: {  	_ = 	snop  }
0x2b: {  	[tilespmem:s18], [sflag:$0x2] =	stream.indirect.gather [hbm4b:s4+s16], $0x80, s16, s16, $0xb8;
	[tilespmem:$0x1FF80] =	vst v63  }
0x2c: {  	s25 =	simm.s32 $0xA0  }
0x2d: {  	[tilespmem:s20], [sflag:$0x3] =	stream.indirect.gather [hbm4b:s4+s16], $0x80, s25, s16, $0xb8;
	[tilespmem:$0x1FF80] =	vst v63  }
0x2e: {  	_ =	swait.ge [sflag:s14], $0x2800  }
0x2f: {  	[sflag:s14] =	ssyncset.done $0x0  }
0x30: {  	s26 =	simm.s32 $0x2780;
	[sflag:s14] =	ssyncadd.s32 $0xFFFFD800  }
0x31: {  	[spmem:s2] =	stream.indirect.scatter.add.f32 [tilespmem:s17], [sflag:$0x4], $0x80, s26, s16, $0xb8;
	[tilespmem:$0x1FF80] =	vst v63  }
0x32: {  	_ =	swait.ge [sflag:s15], $0x2800  }
0x33: {  	[sflag:s15] =	ssyncset.done $0x0  }
0x34: {  	s25 =	simm.s32 $0x27D0;
	[sflag:s15] =	ssyncadd.s32 $0xFFFFD800  }
0x35: {  	[spmem:s2] =	stream.indirect.scatter.add.f32 [tilespmem:s18], [sflag:$0x5], $0x80, s25, s16, $0xb8;
	[tilespmem:$0x1FF80] =	vst v63  }
0x36: {  	_ =	swait.ge [sflag:s21], $0x2800  }
0x37: {  	[sflag:s21] =	ssyncset.done $0x0  }
0x38: {  	s26 =	simm.s32 $0x2820;
	[sflag:s21] =	ssyncadd.s32 $0xFFFFD800  }
0x39: {  	[spmem:s2] =	stream.indirect.scatter.add.f32 [tilespmem:s20], [sflag:$0x6], $0x80, s26, s16, $0xb8;
	[tilespmem:$0x1FF80] =	vst v63  }
0x3a: {  	_ =	swait.ge [sflag:s22], $0x2800  }
0x3b: {  	[sflag:s22] =	ssyncset.done $0x0  }
0x3c: {  	s25 =	simm.s32 $0xF0;
	[sflag:s22] =	ssyncadd.s32 $0xFFFFD800  }
0x3d: {  	[tilespmem:s17], [sflag:$0x1] =	stream.indirect.gather [hbm4b:s4+s16], $0x80, s25, s16, $0xb8;
	[tilespmem:$0x1FF80] =	vst v63  }
0x3e: {  	_ =	swait.ge [sflag:s23], $0x2800  }
0x3f: {  	[sflag:s23] =	ssyncset.done $0x0  }
0x40: {  	s26 =	simm.s32 $0x140;
	[sflag:s23] =	ssyncadd.s32 $0xFFFFD800  }
0x41: {  	[tilespmem:s18], [sflag:$0x2] =	stream.indirect.gather [hbm4b:s4+s16], $0x80, s26, s16, $0xb8;
	[tilespmem:$0x1FF80] =	vst v63  }
0x42: {  	_ =	swait.ge [sflag:s24], $0x2800  }
0x43: {  	[sflag:s24] =	ssyncset.done $0x0  }
0x44: {  	s19 =	simm.s32 $0x3C0;
	s25 =	simm.s32 $0x190;
	[sflag:s24] =	ssyncadd.s32 $0xFFFFD800  }
.LBB2_4:
0x45: {  	[tilespmem:s20], [sflag:$0x3] =	stream.indirect.gather [hbm4b:s4+s16], $0x80, s25, s16, $0xb8;
	[tilespmem:$0x1FF80] =	vst v63  }
0x46: {  	s25 =	smov.u32 s19  }
0x47: {  	p1 =	sne.s32 s19, $0x9240;
	s19 =	sadd.s32 $0x3C0, s19;
	_ =	swait.ge [sflag:s14], $0x2800  }
0x48: {  	s25 =	sshra.s32 s25, $0x2;
	[sflag:s14] =	ssyncset.done $0x0  }
0x49: {  	s26 =	sadd.s32 $0x2780, s25;
	[sflag:s14] =	ssyncadd.s32 $0xFFFFD800  }
0x4a: {  	[spmem:s2] =	stream.indirect.scatter.add.f32 [tilespmem:s17], [sflag:$0x4], $0x80, s26, s16, $0xb8;
	[tilespmem:$0x1FF80] =	vst v63  }
0x4b: {  	_ =	swait.ge [sflag:s15], $0x2800  }
0x4c: {  	[sflag:s15] =	ssyncset.done $0x0  }
0x4d: {  	s26 =	sadd.s32 $0x27D0, s25;
	[sflag:s15] =	ssyncadd.s32 $0xFFFFD800  }
0x4e: {  	[spmem:s2] =	stream.indirect.scatter.add.f32 [tilespmem:s18], [sflag:$0x5], $0x80, s26, s16, $0xb8;
	[tilespmem:$0x1FF80] =	vst v63  }
0x4f: {  	_ =	swait.ge [sflag:s21], $0x2800  }
0x50: {  	[sflag:s21] =	ssyncset.done $0x0  }
0x51: {  	s26 =	sadd.s32 $0x2820, s25;
	[sflag:s21] =	ssyncadd.s32 $0xFFFFD800  }
0x52: {  	[spmem:s2] =	stream.indirect.scatter.add.f32 [tilespmem:s20], [sflag:$0x6], $0x80, s26, s16, $0xb8;
	[tilespmem:$0x1FF80] =	vst v63  }
0x53: {  	_ =	swait.ge [sflag:s22], $0x2800  }
0x54: {  	[sflag:s22] =	ssyncset.done $0x0  }
0x55: {  	s26 =	sadd.s32 $0xF0, s25;
	[sflag:s22] =	ssyncadd.s32 $0xFFFFD800  }
0x56: {  	[tilespmem:s17], [sflag:$0x1] =	stream.indirect.gather [hbm4b:s4+s16], $0x80, s26, s16, $0xb8;
	[tilespmem:$0x1FF80] =	vst v63  }
0x57: {  	_ =	swait.ge [sflag:s23], $0x2800  }
0x58: {  	[sflag:s23] =	ssyncset.done $0x0  }
.Ltmp1:
0x59: {  	s26 =	sadd.s32 $0x140, s25;
	[sflag:s23] =	ssyncadd.s32 $0xFFFFD800;
	(pc) =	sbr.rel @p1 .LBB2_4-.Ltmp1, $4  }
0x5a: {  	[tilespmem:s18], [sflag:$0x2] =	stream.indirect.gather [hbm4b:s4+s16], $0x80, s26, s16, $0xb8;
	[tilespmem:$0x1FF80] =	vst v63  }
0x5b: {  	_ =	swait.ge [sflag:s24], $0x2800  }
0x5c: {  	[sflag:s24] =	ssyncset.done $0x0  }
0x5d: {  	s25 =	sadd.s32 $0x190, s25;
	[sflag:s24] =	ssyncadd.s32 $0xFFFFD800  }
0x5e: {  	[tilespmem:s20], [sflag:$0x3] =	stream.indirect.gather [hbm4b:s4+s16], $0x80, s25, s16, $0xb8;
	[tilespmem:$0x1FF80] =	vst v63  }
0x5f: {  	_ =	swait.ge [sflag:s14], $0x2800  }
0x60: {  	[sflag:s14] =	ssyncset.done $0x0  }
0x61: {  	s19 =	simm.s32 $0x4D00;
	[sflag:s14] =	ssyncadd.s32 $0xFFFFD800  }
0x62: {  	[spmem:s2] =	stream.indirect.scatter.add.f32 [tilespmem:s17], [sflag:$0x4], $0x80, s19, s16, $0xb8;
	[tilespmem:$0x1FF80] =	vst v63  }
0x63: {  	_ =	swait.ge [sflag:s15], $0x2800  }
0x64: {  	[sflag:s15] =	ssyncset.done $0x0  }
0x65: {  	s26 =	simm.s32 $0x4D50;
	[sflag:s15] =	ssyncadd.s32 $0xFFFFD800  }
0x66: {  	[spmem:s2] =	stream.indirect.scatter.add.f32 [tilespmem:s18], [sflag:$0x5], $0x80, s26, s16, $0xb8;
	[tilespmem:$0x1FF80] =	vst v63  }
0x67: {  	_ =	swait.ge [sflag:s21], $0x2800  }
0x68: {  	[sflag:s21] =	ssyncset.done $0x0  }
0x69: {  	[sflag:s21] =	ssyncadd.s32 $0xFFFFD800  }
0x6a: {  	[spmem:s2] =	stream.indirect.scatter.add.f32 [tilespmem:s20], [sflag:$0x6], $0x80, s28, s16, $0xb8;
	[tilespmem:$0x1FF80] =	vst v63  }
0x6b: {  	_ =	swait.ge [sflag:s22], $0x2800  }
0x6c: {  	[sflag:s22] =	ssyncset.done $0x0  }
0x6d: {  	[sflag:s22] =	ssyncadd.s32 $0xFFFFD800  }
0x6e: {  	[tilespmem:s17], [sflag:$0x1] =	stream.indirect.gather [hbm4b:s4+s16], $0x80, s29, s16, $0xb8;
	[tilespmem:$0x1FF80] =	vst v63  }
0x6f: {  	_ =	swait.ge [sflag:s23], $0x2800  }
0x70: {  	[sflag:s23] =	ssyncset.done $0x0  }
0x71: {  	[sflag:s23] =	ssyncadd.s32 $0xFFFFD800  }
0x72: {  	[tilespmem:s18], [sflag:$0x2] =	stream.indirect.gather [hbm4b:s4+s16], $0x80, s30, s16, $0xb8;
	[tilespmem:$0x1FF80] =	vst v63  }
0x73: {  	_ =	swait.ge [sflag:s24], $0x2800  }
0x74: {  	[sflag:s24] =	ssyncset.done $0x0  }
0x75: {  	[sflag:s24] =	ssyncadd.s32 $0xFFFFD800  }
0x76: {  	_ =	swait.ge [sflag:s14], $0x2800  }
0x77: {  	[sflag:s14] =	ssyncset.done $0x0  }
0x78: {  	[sflag:s14] =	ssyncadd.s32 $0xFFFFD800  }
0x79: {  	[spmem:s2] =	stream.indirect.scatter.add.f32 [tilespmem:s17], [sflag:$0x7], $0x80, s31, s16, $0xb8;
	[tilespmem:$0x1FF80] =	vst v63  }
0x7a: {  	_ =	swait.ge [sflag:s1], $0x2800  }
0x7b: {  	[sflag:s1] =	ssyncset.done $0x0  }
0x7c: {  	[sflag:s1] =	ssyncadd.s32 $0xFFFFD800  }
0x7d: {  	_ =	swait.ge [sflag:s15], $0x2800  }
0x7e: {  	[sflag:s15] =	ssyncset.done $0x0  }
0x7f: {  	[sflag:s15] =	ssyncadd.s32 $0xFFFFD800  }
0x80: {  	[spmem:s2] =	stream.indirect.scatter.add.f32 [tilespmem:s18], [sflag:$0x7], $0x80, s0, s16, $0xb8;
	[tilespmem:$0x1FF80] =	vst v63  }
0x81: {  	_ =	swait.ge [sflag:s1], $0x2800  }
0x82: {  	[sflag:s1] =	ssyncset.done $0x0  }
0x83: {  	s11 =	sadd.s32 $0x1, s11;
	[sflag:s1] =	ssyncadd.s32 $0xFFFFD800  }
0x84: {  	p1 =	sne.s32 s11, s10;
	s19 =	sor.u32 @!p0 $0x1C07, s9;
	[bflag:$0x0] =	sbarrier.arrive $0xFFFF  }
0x85: {  	[hbm:s8], [sflag:s19] =	dma.local @!p0 [spmem:s13], $0x3E80  }
.Ltmp2:
0x86: {  	_ = 	snop;
	(pc) =	sbr.rel @p1 .LBB2_1-.Ltmp2, $4  }
0x87: {  	s19 =	simm.s32 @!p0 $0x7  }
0x88: {  	_ =	swait.ge @!p0 [sflag:s19], $0x3E80  }
0x89: {  	[sflag:s19] =	ssyncset.done @!p0 $0x0  }
0x8a: {  	[sflag:s19] =	ssyncadd.s32 @!p0 $0xFFFFC180  }
0x8b: {  	_ =	sfence.sel $0x180000  }
0x8c: {  	[bflag:$0x0] =	sbarrier.arrive $0xFFFF  }
0x8d: {  	_ =	strace $0x9000004A  }
0x8e: {  	s0 =	stileid.u32;
	[bflag:$0x2] =	sbarrier.arrive $0xFFFF  }
0x8f: {  	p0 =	sne.s32 s0, $0x0;
	s0 =	rddreg [dreg:$0x2]  }
0x90: {  	s0 =	sadd.s32 @!p0 $0x100000, s0  }
0x91: {  	[sflag:s0] =	ssyncadd.tile.s32 @!p0 $0x1;
	_ =	shalt  }
.Lfunc_end2:
_tile_overlayer_lowered:
.L_overlay_start_2:
0x92: {  	(tag) =	ssettag $0x2  }
0x93: {  	s0 =	rddreg [dreg:$0x0];
	s2 =	stileid.u32  }
0x94: {  	s1 =	rddreg [dreg:$0x1];
	p0 =	sne.s32 s2, $0x0  }
0x95: {  	s3 =	rddreg [dreg:$0x2];
	[bflag:$0x3] =	sbarrier.arrive $0xFFFF;
	s2 =	simm.s32 @!p0 $0x1C07  }
0x96: {  	[timem:s3], [sflag:s2] =	dma.local @!p0 [hbm:s0], s1  }
0x97: {  	s0 =	simm.s32 @!p0 $0x7  }
0x98: {  	_ =	swait.ge @!p0 [sflag:s0], s1  }
0x99: {  	s1 =	ssub.s32 @!p0 $0x0, s1;
	[sflag:s0] =	ssyncset.done @!p0 $0x0  }
0x9a: {  	[sflag:s0] =	ssyncadd.s32 @!p0 s1  }
0x9b: {  	[bflag:$0x3] =	sbarrier.arrive $0xFFFF  }
0x9c: {  	_ =	shalt  }

// kernel: kernel.26.cloned.1.call-start
scs
__scs_entry_jumppad:
0x0: {  	(pc) =	sbr.rel $0x88, $3  }
0x1: {  	(tag) =	ssettag $0x0;
	lr =	simm.s32 $0x1  }
0x2: {  	[smem:$0x3F8D] =	sst lr;
	_ =	strace $0xD0000000  }
0x3: {  	_ = 	snop  }
0x4: {  	_ = 	snop  }
0x5: {  	_ = 	snop  }
0x6: {  	_ = 	snop  }
0x7: {  	_ = 	snop  }
__scs_overlays_trampoline_lowered:
0x8: {  	[smem:$0x3F9C] =	sst s0  }
0x9: {  	[smem:$0x3F9D] =	sst s1  }
0xa: {  	[smem:$0x3F9E] =	sst s2  }
0xb: {  	[smem:$0x3F9F] =	sst s3  }
0xc: {  	[smem:$0x3FA0] =	sst s4  }
0xd: {  	[smem:$0x3FA1] =	sst s5  }
0xe: {  	[smem:$0x3FA2] =	sst s6  }
0xf: {  	[smem:$0x3FA3] =	sst s7  }
0x10: {  	[smem:$0x3FA4] =	sst s8  }
0x11: {  	[smem:$0x3FA5] =	sst s9;
	s0 =	simm.s32 @!p0 $0x0  }
0x12: {  	s1 =	sld [smem:$0x3F8B];
	s0 =	simm.s32 @p0 $0x1  }
0x13: {  	[smem:$0x3FA6] =	sst s0;
	s0 =	simm.s32 @!p1 $0x0  }
0x14: {  	s2 =	sld [smem:$0x3F8A];
	s0 =	simm.s32 @p1 $0x1  }
0x15: {  	[smem:$0x3FA7] =	sst s0;
	s0 =	simm.s32 @!p2 $0x0  }
0x16: {  	s3 =	sld [smem:$0x3FDB];
	s0 =	simm.s32 @p2 $0x1  }
0x17: {  	s4 =	simm.s32 $0x1BF5;
	[smem:$0x3FA9] =	sst s0  }
0x18: {  	s0 =	sld [smem:$0x3F8C];
	_ =	swait.ge [sflag:s4], $0x0  }
0x19: {  	s7 =	sld [smem:$0x3F8D]  }
0x1a: {  	s8 =	sadd.s32 $0xFFFFE003, lr  }
0x1b: {  	s9 =	sadd.s32 $0xFFFFFEF7, lr;
	s5 =	simm.s32 $0xFFFFFFFF;
	p2 =	slt.u32 s8, $0xFFFFF086  }
0x1c: {  	p1 =	slt.u32 s9, $0xF7A;
	s5 =	simm.s32 @!p2 $0x0  }
0x1d: {  	s5 =	simm.s32 @p1 $0x1;
	p0 =	seq.s32 s7, s2  }
0x1e: {  	s7 =	smul.u32 @!p0 $0xF7A, s2;
	p2 =	seq.s32 @!p0 s5, $0x0  }
0x1f: {  	s9 =	smul.u32 $0xF7A, s1;
	s8 =	simm.s32 @!p0 $0x1BF5;
	p2 =	por !p2, p0  }
0x20: {  	[sflag:s8] =	ssyncset.s32 @!p0 $0xFFFFF086;
	s6 =	sadd.s32 @!p0 s3, s7;
	s7 =	simm.s32 @!p0 $0x108  }
0x21: {  	s3 =	sadd.s32 s3, s9;
	s6 =	sadd.s32 @!p0 $0x88, s6;
	s7 =	simm.s32 @p2 $0x1082  }
0x22: {  	[simem:s7], [sflag:s8] =	dma.local @!p0 [hbm:s6], $0xF7A  }
0x23: {  	s9 =	sor.u32 $0xD0000000, s2;
	s6 =	simm.s32 $0x108;
	_ =	swait.ge @!p0 [sflag:s8], $0x0  }
0x24: {  	s3 =	sadd.s32 $0x88, s3;
	s6 =	simm.s32 @!p1 $0x1082;
	[sflag:s4] =	ssyncset.s32 $0xFFFFF086  }
0x25: {  	[simem:s6], [sflag:s4] =	dma.local [hbm:s3], $0xF7A  }
0x26: {  	[smem:$0x3F8D] =	sst s1;
	(tag) =	ssettag s2;
	_ =	strace s9  }
0x27: {  	s1 =	sld [smem:$0x3F9D]  }
0x28: {  	s2 =	sld [smem:$0x3F9E]  }
0x29: {  	s4 =	sld [smem:$0x3FA0]  }
0x2a: {  	p0 =	seq.s32 s5, $0x0;
	s5 =	sld [smem:$0x3FA1]  }
0x2b: {  	s6 =	sld [smem:$0x3FA2]  }
0x2c: {  	s7 =	sld [smem:$0x3FA3]  }
0x2d: {  	s3 =	simm.s32 $0x108;
	s8 =	sld [smem:$0x3FA4]  }
0x2e: {  	s3 =	simm.s32 @!p0 $0x1082;
	s9 =	sld [smem:$0x3FA5]  }
0x2f: {  	lr =	sadd.s32 s0, s3;
	s0 =	sld [smem:$0x3F9C]  }
0x30: {  	s3 =	sld [smem:$0x3F9F]  }
0x31: {  	[smem:$0x3FA8] =	sst s10  }
0x32: {  	s10 =	sld [smem:$0x3FA6];
	_ =	sdelay $0x3  }
0x33: {  	p0 =	seq.s32 s10, $0x1;
	s10 =	sld [smem:$0x3FA8];
	_ =	sdelay $0x3  }
0x34: {  	[smem:$0x3FA8] =	sst s10  }
0x35: {  	s10 =	sld [smem:$0x3FA7];
	_ =	sdelay $0x3  }
0x36: {  	p1 =	seq.s32 s10, $0x1;
	s10 =	sld [smem:$0x3FA8];
	_ =	sdelay $0x3  }
0x37: {  	[smem:$0x3FA8] =	sst s10  }
0x38: {  	s10 =	sld [smem:$0x3FA9]  }
0x39: {  	_ = 	snop;
	(pc) =	sbr.ind lr, $3  }
0x3a: {  	_ = 	snop  }
0x3b: {  	_ = 	snop  }
0x3c: {  	p2 =	seq.s32 s10, $0x1;
	s10 =	sld [smem:$0x3FA8]  }
0x3d: {  	_ =	shalt  }
0x3e: {  	_ =	shalt  }
0x3f: {  	_ =	shalt  }
0x40: {  	_ =	shalt  }
0x41: {  	_ =	shalt  }
0x42: {  	_ =	shalt  }
0x43: {  	_ =	shalt  }
0x44: {  	_ =	shalt  }
0x45: {  	_ =	shalt  }
0x46: {  	_ =	shalt  }
0x47: {  	_ =	shalt  }
0x48: {  	_ =	shalt  }
0x49: {  	_ =	shalt  }
0x4a: {  	_ =	shalt  }
0x4b: {  	_ =	shalt  }
0x4c: {  	_ =	shalt  }
0x4d: {  	_ =	shalt  }
0x4e: {  	_ =	shalt  }
0x4f: {  	_ =	shalt  }
0x50: {  	_ =	shalt  }
0x51: {  	_ =	shalt  }
0x52: {  	_ =	shalt  }
0x53: {  	_ =	shalt  }
0x54: {  	_ =	shalt  }
0x55: {  	_ =	shalt  }
0x56: {  	_ =	shalt  }
0x57: {  	_ =	shalt  }
0x58: {  	_ =	shalt  }
0x59: {  	_ =	shalt  }
0x5a: {  	_ =	shalt  }
0x5b: {  	_ =	shalt  }
0x5c: {  	_ =	shalt  }
0x5d: {  	_ =	shalt  }
0x5e: {  	_ =	shalt  }
0x5f: {  	_ =	shalt  }
0x60: {  	_ =	shalt  }
0x61: {  	_ =	shalt  }
0x62: {  	_ =	shalt  }
0x63: {  	_ =	shalt  }
0x64: {  	_ =	shalt  }
0x65: {  	_ =	shalt  }
0x66: {  	_ =	shalt  }
0x67: {  	_ =	shalt  }
0x68: {  	_ =	shalt  }
0x69: {  	_ =	shalt  }
0x6a: {  	_ =	shalt  }
0x6b: {  	_ =	shalt  }
0x6c: {  	_ =	shalt  }
0x6d: {  	_ =	shalt  }
0x6e: {  	_ =	shalt  }
0x6f: {  	_ =	shalt  }
0x70: {  	_ =	shalt  }
0x71: {  	_ =	shalt  }
0x72: {  	_ =	shalt  }
0x73: {  	_ =	shalt  }
0x74: {  	_ =	shalt  }
0x75: {  	_ =	shalt  }
0x76: {  	_ =	shalt  }
0x77: {  	_ =	shalt  }
0x78: {  	_ =	shalt  }
0x79: {  	_ =	shalt  }
0x7a: {  	_ =	shalt  }
0x7b: {  	_ =	shalt  }
0x7c: {  	_ =	shalt  }
0x7d: {  	_ =	shalt  }
0x7e: {  	_ =	shalt  }
0x7f: {  	_ =	shalt  }
0x80: {  	_ =	shalt  }
0x81: {  	_ =	shalt  }
0x82: {  	_ =	shalt  }
0x83: {  	_ =	shalt  }
0x84: {  	_ =	shalt  }
0x85: {  	_ =	shalt  }
0x86: {  	_ =	shalt  }
0x87: {  	_ =	shalt  }
.Lfunc_end0:
.L_simem_size_0:
called_computation.4_lowered:
.L_overlay_start_0:
0x88: {  	s2 =	sld [smem:$0x3FD9]  }
0x89: {  	s3 =	sld [smem:$0x3FFE];
	_ =	sdelay $0x1  }
0x8a: {  	s1 =	srdreg.scid  }
0x8b: {  	s0 =	sand.u32 $0x1, s1  }
0x8c: {  	s17 =	sshll.u32 s0, $0xA;
	s2 =	sadd.s32 s3, s2  }
0x8d: {  	s2 =	sadd.s32 s2, s17  }
0x8e: {  	[smem:$0x3FB4] =	sst s2  }
0x8f: {  	_ = 	snop  }
0x90: {  	(tm) =	ssettm $0x1  }
0x91: {  	s18 =	sld [smem:$0x3FFB];
	_ =	sdelay $0x3  }
0x92: {  	_ =	strace s18  }
0x93: {  	s2 =	sld [smem:$0x3FFC];
	_ =	sdelay $0x3  }
0x94: {  	_ =	strace s2  }
0x95: {  	s2 =	sld [smem:$0x3FFD];
	_ =	sdelay $0x3  }
0x96: {  	_ =	strace s2  }
0x97: {  	_ =	strace $0x8FFFFFFF  }
0x98: {  	s19 =	sld [smem:$0x3FDB];
	_ =	sdelay $0x1  }
0x99: {  	s20 =	simm.s32 $_scs_section_size  }
0x9a: {  	s4 =	simm.s32 $_size__tile_overlayer_lowered;
	s5 =	simm.s32 $_tile_overlayer_lowered  }
0x9b: {  	s6 =	simm.s32 $0x1BFF;
	s21 =	sshll.u32 s5, $0x1;
	s3 =	sadd.s32 s20, s19  }
0x9c: {  	s22 =	simm.s32 $0x0;
	s4 =	sshll.u32 s4, $0x1;
	s5 =	sadd.s32 s21, s3  }
0x9d: {  	[timem:s22], [sflag:s6] =	dma.local [hbm:s5], s4  }
0x9e: {  	_ =	swait.ge [sflag:s6], s4  }
0x9f: {  	s4 =	ssub.s32 $0x0, s4;
	[sflag:s6] =	ssyncset.done $0x0  }
0xa0: {  	[sflag:s6] =	ssyncadd.s32 s4;
	_ =	sdelay $0x1  }
0xa1: {  	s23 =	simm.s32 $0x1B8B  }
0xa2: {  	_ =	swait.ge [sflag:s23], $0x1  }
0xa3: {  	[sflag:s23] =	ssyncset.done $0x0  }
0xa4: {  	[sflag:s23] =	ssyncadd.s32 $0xFFFFFFFF  }
0xa5: {  	s4 =	sld [smem:$0x0]  }
0xa6: {  	s5 =	sand.u32 $0xFFFFFFFE, s1  }
0xa7: {  	p0 =	sne.s32 s1, s5  }
0xa8: {  	s5 =	sshll.u32 @p0 s5, $0xE  }
0xa9: {  	s5 =	sadd.s32 @p0 $0x11B8D, s5;
	s6 =	sshll.u32 @p0 s4, $0x11  }
0xaa: {  	s5 =	sor.u32 @p0 s6, s5  }
0xab: {  	[sflag:s5] =	ssyncadd.remote.s32 @p0 $0x1;
	_ =	sdelay $0x1  }
0xac: {  	s5 =	simm.s32 @p0 $0x1B8D  }
0xad: {  	_ =	swait.eq @p0 [sflag:s5], $0x1  }
0xae: {  	[sflag:s5] =	ssyncadd.s32 @p0 $0xFFFFFFFF  }
0xaf: {  	s6 =	sshll.u32 @!p0 s1, $0xE  }
0xb0: {  	s6 =	sor.u32 @!p0 $0x4000, s6;
	s5 =	simm.s32 @!p0 $0x1B8D  }
0xb1: {  	s4 =	sshll.u32 @!p0 s4, $0x11;
	s6 =	sadd.s32 @!p0 $0x11B8D, s6;
	_ =	swait.eq @!p0 [sflag:s5], $0x1  }
0xb2: {  	s4 =	sor.u32 @!p0 s4, s6;
	[sflag:s5] =	ssyncadd.s32 @!p0 $0xFFFFFFFF  }
0xb3: {  	s25 =	simm.s32 $0x1B8E;
	s24 =	sld [smem:$0x3FFE];
	[sflag:s4] =	ssyncadd.remote.s32 @!p0 $0x1  }
0xb4: {  	s26 =	simm.s32 $execute0_lowered;
	[smem:$0x3FD2] =	sst s25  }
0xb5: {  	s5 =	sshll.u32 s26, $0x1;
	_ =	strace $0x8000004F;
	[dreg:$0x1] =	wrdreg $0xFFFFFFFF  }
0xb6: {  	s28 =	simm.s32 $_size_execute0_lowered;
	s3 =	sadd.s32 s3, s5;
	[dreg:$0x0] =	wrdreg $0x0  }
0xb7: {  	s5 =	sshll.u32 s28, $0x1;
	[dreg:$0x2] =	wrdreg s3  }
0xb8: {  	[dreg:$0x3] =	wrdreg s5  }
0xb9: {  	[dreg:$0x4] =	wrdreg $0xC0  }
0xba: {  	_ =	task [dreg:s22], $0x5FFFF  }
0xbb: {  	[dreg:$0x1] =	wrdreg $0xFFFFFFFF  }
0xbc: {  	[dreg:$0x0] =	wrdreg $0x60  }
0xbd: {  	[dreg:$0x2] =	wrdreg s24  }
0xbe: {  	[dreg:$0x3] =	wrdreg $0xC7000  }
0xbf: {  	[dreg:$0x4] =	wrdreg $0xA  }
0xc0: {  	_ =	task.clear_ibuf [dreg:s22], $0x5FFFF;
	_ =	strace $0x9000004F  }
0xc1: {  	s29 =	simm.s32 $0xA;
	_ =	strace $0x80000051  }
0xc2: {  	_ =	swait.ge [sflag:s29], $0x1  }
0xc3: {  	[sflag:s29] =	ssyncadd.s32 $0xFFFFFFFF  }
0xc4: {  	_ =	strace $0x90000051  }
0xc5: {  	_ =	sfence  }
0xc6: {  	s30 =	sld [smem:$0x0];
	_ =	sdelay $0x2  }
0xc7: {  	s31 =	sshll.u32 s1, $0xD;
	s1 =	sshrl.u32 s1, $0x2  }
0xc8: {  	s4 =	sand.u32 $0x4000, s31;
	s1 =	sadd.s32 s1, s30  }
0xc9: {  	s0 =	sor.u32 s4, s0;
	s1 =	sshll.u32 s1, $0x11  }
0xca: {  	s0 =	sor.u32 s1, s0  }
0xcb: {  	s0 =	sadd.s32 $0x8F2B, s0  }
0xcc: {  	[sflag:s0] =	ssyncadd.remote.s32 $0x1  }
0xcd: {  	_ =	sfence.sel $0xFFFF  }
0xce: {  	[dreg:$0x0] =	wrdreg $0xFFFFFFFF;
	(pc) =	sbr.abs _section_cstart, $3  }
0xcf: {  	[dreg:$0x1] =	wrdreg $0xFFFFFFFF  }
0xd0: {  	_ =	task.clear_ibuf [dreg:s22], $0x2FFFF;
	_ =	strace $0x9FFFFFFF  }
0xd1: {  	(tm) =	ssettm $0x7FFFFFFF  }
tec
execute0_lowered:
.L_overlay_start_1:
0x0: {  	(tag) =	ssettag $0x1  }
0x1: {  	s10 =	stileid.u32;
	s5 =	rddreg [dreg:$0x0]  }
0x2: {  	s0 =	srdreg.scid;
	s2 =	rddreg [dreg:$0x1];
	s3 =	simm.s32 $0x0  }
0x3: {  	s14 =	simm.s32 $0x1;
	s15 =	simm.s32 $0x2;
	s16 =	simm.s32 $0x50  }
0x4: {  	s17 =	simm.s32 $0x4F00;
	s18 =	simm.s32 $0x7700;
	s20 =	simm.s32 $0x9F00  }
0x5: {  	s21 =	simm.s32 $0x3;
	s22 =	simm.s32 $0x4;
	s1 =	smul.u32 $0x3E80, s10  }
0x6: {  	s23 =	simm.s32 $0x5;
	s24 =	simm.s32 $0x6;
	s6 =	smul.u32 $0x3E8, s10  }
0x7: {  	s28 =	simm.s32 $0x4DA0;
	s29 =	simm.s32 $0x2670;
	s8 =	smul.u32 $0x2710, s10  }
0x8: {  	s30 =	simm.s32 $0x26C0;
	s0 =	sand.u32 $0x1, s0;
	s25 =	smul.u32 $0x7D000, s10  }
0x9: {  	s31 =	simm.s32 $0x4DF0;
	[smem:$0x7FF] =	sst s3;
	s11 =	smul.u32 $0x2710, s0  }
0xa: {  	s4 =	sadd.s32 $0x13FC00, s5;
	p0 =	sgt.u32 s10, $0x9;
	s7 =	smul.u32 $0x4E200, s0  }
0xb: {  	_ =	strace $0x80000050;
	s0 =	ssub.s32 $0x2, s0;
	s1 =	sadd.s32 s1, s5  }
0xc: {  	s26 =	sshrl.u32 s0, $0x1;
	s6 =	sadd.s32 s6, s11;
	s7 =	sadd.s32 s8, s7  }
0xd: {  	s0 =	ssub.s32 s0, s26;
	s8 =	sshrl.u32 s25, $0x2;
	v0 =	vmov s11;
	s11 =	simm.s32 $0x0  }
0xe: {  	s6 =	sshll.u32 s6, $0x4;
	s7 =	sshrl.u32 s7, $0x3;
	s13 =	sadd.s32 s8, s2  }
0xf: {  	s9 =	sadd.s32 s6, s5;
	s7 =	sadd.s32 s5, s7;
	s13 =	sshrl.u32 @!p0 s13, $0x3  }
0x10: {  	s5 =	sadd.s32 $0x1AA80, s7;
	s6 =	sadd.s32 $0x1F8A0, s7;
	s7 =	sadd.s32 $0x7C600, s1  }
0x11: {  	s8 =	sadd.s32 $0x1DC000, s9;
	s9 =	sshll.u32 @!p0 s10, $0x6;
	s10 =	smax.u32 s0, $0x1  }
0x12: {  	s1 =	simm.s32 $0x7;
	s0 =	simm.s32 $0x4E40;
	s12 =	sor.u32 @!p0 $0x1C03, s9  }
.LBB2_1:
0x13: {  	[tilespmem:s3], [sflag:$0x1] =	stream.linear.gather [hbm4b:s5+s3], $0x2710, $0x38;
	[tilespmem:$0x1FF80] =	vst v63  }
0x14: {  	s19 =	simm.s32 $0x2780  }
0x15: {  	[tilespmem:s19], [sflag:$0x2] =	stream.linear.gather [hbm4b:s6+s3], $0x2710, $0x38;
	[tilespmem:$0x1FF80] =	vst v63  }
0x16: {  	[spmem:s13], [sflag:s12] =	dma.local @!p0 [hbm:s7], $0x3E80  }
0x17: {  	_ =	swait.ge [sflag:s14], $0x2710  }
0x18: {  	[sflag:s14] =	ssyncset.done $0x0  }
0x19: {  	s25 =	simm.s32 $0x40;
	s19 =	simm.s32 $0x0;
	[sflag:s14] =	ssyncadd.s32 $0xFFFFD8F0  }
.LBB2_2:
0x1a: {  	p1 =	sne.s32 s25, $0x9C00;
	v1 =	vld [tilespmem:s19+$0x0];
	_ =	sdelay $0x1  }
.Ltmp0:
0x1b: {  	(pc) =	sbr.rel @p1 .LBB2_2-.Ltmp0, $3  }
0x1c: {  	_ =	sdelay $0x1  }
0x1d: {  	v1 =	vadd.s32 v0, v1  }
0x1e: {  	[tilespmem:s19+$0x0] =	vst v1;
	s19 =	sshra.s32 s25, $0x2;
	s25 =	sadd.s32 $0x40, s25  }
0x1f: {  	v1 =	vld [tilespmem:s19+$0x0];
	_ =	sdelay $0x4  }
0x20: {  	v1 =	vadd.s32 v0, v1  }
0x21: {  	[tilespmem:s19+$0x0] =	vst v1  }
0x22: {  	_ =	swait.ge [sflag:s15], $0x2710  }
0x23: {  	[sflag:s15] =	ssyncset.done $0x0  }
0x24: {  	s19 =	simm.s32 @!p0 $0x3;
	[sflag:s15] =	ssyncadd.s32 $0xFFFFD8F0  }
0x25: {  	_ =	swait.ge @!p0 [sflag:s19], $0x3E80  }
0x26: {  	[sflag:s19] =	ssyncset.done @!p0 $0x0  }
0x27: {  	[sflag:s19] =	ssyncadd.s32 @!p0 $0xFFFFC180  }
0x28: {  	s26 =	simm.s32 $0x0;
	[bflag:$0x0] =	sbarrier.arrive $0xFFFF  }
0x29: {  	[tilespmem:s17], [sflag:$0x1] =	stream.indirect.gather [hbm4b:s4+s16], $0x80, s26, s16, $0xb8;
	[tilespmem:$0x1FF80] =	vst v63  }
0x2a: {  	_ = 	snop  }
0x2b: {  	[tilespmem:s18], [sflag:$0x2] =	stream.indirect.gather [hbm4b:s4+s16], $0x80, s16, s16, $0xb8;
	[tilespmem:$0x1FF80] =	vst v63  }
0x2c: {  	s25 =	simm.s32 $0xA0  }
0x2d: {  	[tilespmem:s20], [sflag:$0x3] =	stream.indirect.gather [hbm4b:s4+s16], $0x80, s25, s16, $0xb8;
	[tilespmem:$0x1FF80] =	vst v63  }
0x2e: {  	_ =	swait.ge [sflag:s14], $0x2800  }
0x2f: {  	[sflag:s14] =	ssyncset.done $0x0  }
0x30: {  	s26 =	simm.s32 $0x2780;
	[sflag:s14] =	ssyncadd.s32 $0xFFFFD800  }
0x31: {  	[spmem:s2] =	stream.indirect.scatter.add.f32 [tilespmem:s17], [sflag:$0x4], $0x80, s26, s16, $0xb8;
	[tilespmem:$0x1FF80] =	vst v63  }
0x32: {  	_ =	swait.ge [sflag:s15], $0x2800  }
0x33: {  	[sflag:s15] =	ssyncset.done $0x0  }
0x34: {  	s25 =	simm.s32 $0x27D0;
	[sflag:s15] =	ssyncadd.s32 $0xFFFFD800  }
0x35: {  	[spmem:s2] =	stream.indirect.scatter.add.f32 [tilespmem:s18], [sflag:$0x5], $0x80, s25, s16, $0xb8;
	[tilespmem:$0x1FF80] =	vst v63  }
0x36: {  	_ =	swait.ge [sflag:s21], $0x2800  }
0x37: {  	[sflag:s21] =	ssyncset.done $0x0  }
0x38: {  	s26 =	simm.s32 $0x2820;
	[sflag:s21] =	ssyncadd.s32 $0xFFFFD800  }
0x39: {  	[spmem:s2] =	stream.indirect.scatter.add.f32 [tilespmem:s20], [sflag:$0x6], $0x80, s26, s16, $0xb8;
	[tilespmem:$0x1FF80] =	vst v63  }
0x3a: {  	_ =	swait.ge [sflag:s22], $0x2800  }
0x3b: {  	[sflag:s22] =	ssyncset.done $0x0  }
0x3c: {  	s25 =	simm.s32 $0xF0;
	[sflag:s22] =	ssyncadd.s32 $0xFFFFD800  }
0x3d: {  	[tilespmem:s17], [sflag:$0x1] =	stream.indirect.gather [hbm4b:s4+s16], $0x80, s25, s16, $0xb8;
	[tilespmem:$0x1FF80] =	vst v63  }
0x3e: {  	_ =	swait.ge [sflag:s23], $0x2800  }
0x3f: {  	[sflag:s23] =	ssyncset.done $0x0  }
0x40: {  	s26 =	simm.s32 $0x140;
	[sflag:s23] =	ssyncadd.s32 $0xFFFFD800  }
0x41: {  	[tilespmem:s18], [sflag:$0x2] =	stream.indirect.gather [hbm4b:s4+s16], $0x80, s26, s16, $0xb8;
	[tilespmem:$0x1FF80] =	vst v63  }
0x42: {  	_ =	swait.ge [sflag:s24], $0x2800  }
0x43: {  	[sflag:s24] =	ssyncset.done $0x0  }
0x44: {  	s19 =	simm.s32 $0x3C0;
	s25 =	simm.s32 $0x190;
	[sflag:s24] =	ssyncadd.s32 $0xFFFFD800  }
.LBB2_4:
0x45: {  	[tilespmem:s20], [sflag:$0x3] =	stream.indirect.gather [hbm4b:s4+s16], $0x80, s25, s16, $0xb8;
	[tilespmem:$0x1FF80] =	vst v63  }
0x46: {  	s25 =	smov.u32 s19  }
0x47: {  	p1 =	sne.s32 s19, $0x9240;
	s19 =	sadd.s32 $0x3C0, s19;
	_ =	swait.ge [sflag:s14], $0x2800  }
0x48: {  	s25 =	sshra.s32 s25, $0x2;
	[sflag:s14] =	ssyncset.done $0x0  }
0x49: {  	s26 =	sadd.s32 $0x2780, s25;
	[sflag:s14] =	ssyncadd.s32 $0xFFFFD800  }
0x4a: {  	[spmem:s2] =	stream.indirect.scatter.add.f32 [tilespmem:s17], [sflag:$0x4], $0x80, s26, s16, $0xb8;
	[tilespmem:$0x1FF80] =	vst v63  }
0x4b: {  	_ =	swait.ge [sflag:s15], $0x2800  }
0x4c: {  	[sflag:s15] =	ssyncset.done $0x0  }
0x4d: {  	s26 =	sadd.s32 $0x27D0, s25;
	[sflag:s15] =	ssyncadd.s32 $0xFFFFD800  }
0x4e: {  	[spmem:s2] =	stream.indirect.scatter.add.f32 [tilespmem:s18], [sflag:$0x5], $0x80, s26, s16, $0xb8;
	[tilespmem:$0x1FF80] =	vst v63  }
0x4f: {  	_ =	swait.ge [sflag:s21], $0x2800  }
0x50: {  	[sflag:s21] =	ssyncset.done $0x0  }
0x51: {  	s26 =	sadd.s32 $0x2820, s25;
	[sflag:s21] =	ssyncadd.s32 $0xFFFFD800  }
0x52: {  	[spmem:s2] =	stream.indirect.scatter.add.f32 [tilespmem:s20], [sflag:$0x6], $0x80, s26, s16, $0xb8;
	[tilespmem:$0x1FF80] =	vst v63  }
0x53: {  	_ =	swait.ge [sflag:s22], $0x2800  }
0x54: {  	[sflag:s22] =	ssyncset.done $0x0  }
0x55: {  	s26 =	sadd.s32 $0xF0, s25;
	[sflag:s22] =	ssyncadd.s32 $0xFFFFD800  }
0x56: {  	[tilespmem:s17], [sflag:$0x1] =	stream.indirect.gather [hbm4b:s4+s16], $0x80, s26, s16, $0xb8;
	[tilespmem:$0x1FF80] =	vst v63  }
0x57: {  	_ =	swait.ge [sflag:s23], $0x2800  }
0x58: {  	[sflag:s23] =	ssyncset.done $0x0  }
.Ltmp1:
0x59: {  	s26 =	sadd.s32 $0x140, s25;
	[sflag:s23] =	ssyncadd.s32 $0xFFFFD800;
	(pc) =	sbr.rel @p1 .LBB2_4-.Ltmp1, $4  }
0x5a: {  	[tilespmem:s18], [sflag:$0x2] =	stream.indirect.gather [hbm4b:s4+s16], $0x80, s26, s16, $0xb8;
	[tilespmem:$0x1FF80] =	vst v63  }
0x5b: {  	_ =	swait.ge [sflag:s24], $0x2800  }
0x5c: {  	[sflag:s24] =	ssyncset.done $0x0  }
0x5d: {  	s25 =	sadd.s32 $0x190, s25;
	[sflag:s24] =	ssyncadd.s32 $0xFFFFD800  }
0x5e: {  	[tilespmem:s20], [sflag:$0x3] =	stream.indirect.gather [hbm4b:s4+s16], $0x80, s25, s16, $0xb8;
	[tilespmem:$0x1FF80] =	vst v63  }
0x5f: {  	_ =	swait.ge [sflag:s14], $0x2800  }
0x60: {  	[sflag:s14] =	ssyncset.done $0x0  }
0x61: {  	s19 =	simm.s32 $0x4D00;
	[sflag:s14] =	ssyncadd.s32 $0xFFFFD800  }
0x62: {  	[spmem:s2] =	stream.indirect.scatter.add.f32 [tilespmem:s17], [sflag:$0x4], $0x80, s19, s16, $0xb8;
	[tilespmem:$0x1FF80] =	vst v63  }
0x63: {  	_ =	swait.ge [sflag:s15], $0x2800  }
0x64: {  	[sflag:s15] =	ssyncset.done $0x0  }
0x65: {  	s26 =	simm.s32 $0x4D50;
	[sflag:s15] =	ssyncadd.s32 $0xFFFFD800  }
0x66: {  	[spmem:s2] =	stream.indirect.scatter.add.f32 [tilespmem:s18], [sflag:$0x5], $0x80, s26, s16, $0xb8;
	[tilespmem:$0x1FF80] =	vst v63  }
0x67: {  	_ =	swait.ge [sflag:s21], $0x2800  }
0x68: {  	[sflag:s21] =	ssyncset.done $0x0  }
0x69: {  	[sflag:s21] =	ssyncadd.s32 $0xFFFFD800  }
0x6a: {  	[spmem:s2] =	stream.indirect.scatter.add.f32 [tilespmem:s20], [sflag:$0x6], $0x80, s28, s16, $0xb8;
	[tilespmem:$0x1FF80] =	vst v63  }
0x6b: {  	_ =	swait.ge [sflag:s22], $0x2800  }
0x6c: {  	[sflag:s22] =	ssyncset.done $0x0  }
0x6d: {  	[sflag:s22] =	ssyncadd.s32 $0xFFFFD800  }
0x6e: {  	[tilespmem:s17], [sflag:$0x1] =	stream.indirect.gather [hbm4b:s4+s16], $0x80, s29, s16, $0xb8;
	[tilespmem:$0x1FF80] =	vst v63  }
0x6f: {  	_ =	swait.ge [sflag:s23], $0x2800  }
0x70: {  	[sflag:s23] =	ssyncset.done $0x0  }
0x71: {  	[sflag:s23] =	ssyncadd.s32 $0xFFFFD800  }
0x72: {  	[tilespmem:s18], [sflag:$0x2] =	stream.indirect.gather [hbm4b:s4+s16], $0x80, s30, s16, $0xb8;
	[tilespmem:$0x1FF80] =	vst v63  }
0x73: {  	_ =	swait.ge [sflag:s24], $0x2800  }
0x74: {  	[sflag:s24] =	ssyncset.done $0x0  }
0x75: {  	[sflag:s24] =	ssyncadd.s32 $0xFFFFD800  }
0x76: {  	_ =	swait.ge [sflag:s14], $0x2800  }
0x77: {  	[sflag:s14] =	ssyncset.done $0x0  }
0x78: {  	[sflag:s14] =	ssyncadd.s32 $0xFFFFD800  }
0x79: {  	[spmem:s2] =	stream.indirect.scatter.add.f32 [tilespmem:s17], [sflag:$0x7], $0x80, s31, s16, $0xb8;
	[tilespmem:$0x1FF80] =	vst v63  }
0x7a: {  	_ =	swait.ge [sflag:s1], $0x2800  }
0x7b: {  	[sflag:s1] =	ssyncset.done $0x0  }
0x7c: {  	[sflag:s1] =	ssyncadd.s32 $0xFFFFD800  }
0x7d: {  	_ =	swait.ge [sflag:s15], $0x2800  }
0x7e: {  	[sflag:s15] =	ssyncset.done $0x0  }
0x7f: {  	[sflag:s15] =	ssyncadd.s32 $0xFFFFD800  }
0x80: {  	[spmem:s2] =	stream.indirect.scatter.add.f32 [tilespmem:s18], [sflag:$0x7], $0x80, s0, s16, $0xb8;
	[tilespmem:$0x1FF80] =	vst v63  }
0x81: {  	_ =	swait.ge [sflag:s1], $0x2800  }
0x82: {  	[sflag:s1] =	ssyncset.done $0x0  }
0x83: {  	s11 =	sadd.s32 $0x1, s11;
	[sflag:s1] =	ssyncadd.s32 $0xFFFFD800  }
0x84: {  	p1 =	sne.s32 s11, s10;
	s19 =	sor.u32 @!p0 $0x1C07, s9;
	[bflag:$0x0] =	sbarrier.arrive $0xFFFF  }
0x85: {  	[hbm:s8], [sflag:s19] =	dma.local @!p0 [spmem:s13], $0x3E80  }
.Ltmp2:
0x86: {  	_ = 	snop;
	(pc) =	sbr.rel @p1 .LBB2_1-.Ltmp2, $4  }
0x87: {  	s19 =	simm.s32 @!p0 $0x7  }
0x88: {  	_ =	swait.ge @!p0 [sflag:s19], $0x3E80  }
0x89: {  	[sflag:s19] =	ssyncset.done @!p0 $0x0  }
0x8a: {  	[sflag:s19] =	ssyncadd.s32 @!p0 $0xFFFFC180  }
0x8b: {  	_ =	sfence.sel $0x180000  }
0x8c: {  	[bflag:$0x0] =	sbarrier.arrive $0xFFFF  }
0x8d: {  	_ =	strace $0x90000050  }
0x8e: {  	s0 =	stileid.u32;
	[bflag:$0x2] =	sbarrier.arrive $0xFFFF  }
0x8f: {  	p0 =	sne.s32 s0, $0x0;
	s0 =	rddreg [dreg:$0x2]  }
0x90: {  	s0 =	sadd.s32 @!p0 $0x100000, s0  }
0x91: {  	[sflag:s0] =	ssyncadd.tile.s32 @!p0 $0x1;
	_ =	shalt  }
.Lfunc_end2:
_tile_overlayer_lowered:
.L_overlay_start_2:
0x92: {  	(tag) =	ssettag $0x2  }
0x93: {  	s0 =	rddreg [dreg:$0x0];
	s2 =	stileid.u32  }
0x94: {  	s1 =	rddreg [dreg:$0x1];
	p0 =	sne.s32 s2, $0x0  }
0x95: {  	s3 =	rddreg [dreg:$0x2];
	[bflag:$0x3] =	sbarrier.arrive $0xFFFF;
	s2 =	simm.s32 @!p0 $0x1C07  }
0x96: {  	[timem:s3], [sflag:s2] =	dma.local @!p0 [hbm:s0], s1  }
0x97: {  	s0 =	simm.s32 @!p0 $0x7  }
0x98: {  	_ =	swait.ge @!p0 [sflag:s0], s1  }
0x99: {  	s1 =	ssub.s32 @!p0 $0x0, s1;
	[sflag:s0] =	ssyncset.done @!p0 $0x0  }
0x9a: {  	[sflag:s0] =	ssyncadd.s32 @!p0 s1  }
0x9b: {  	[bflag:$0x3] =	sbarrier.arrive $0xFFFF  }
0x9c: {  	_ =	shalt  }

// kernel: kernel.29.cloned.1.call-start
scs
__scs_entry_jumppad:
0x0: {  	(pc) =	sbr.rel $0x88, $3  }
0x1: {  	(tag) =	ssettag $0x0;
	lr =	simm.s32 $0x1  }
0x2: {  	[smem:$0x3F8D] =	sst lr;
	_ =	strace $0xD0000000  }
0x3: {  	_ = 	snop  }
0x4: {  	_ = 	snop  }
0x5: {  	_ = 	snop  }
0x6: {  	_ = 	snop  }
0x7: {  	_ = 	snop  }
__scs_overlays_trampoline_lowered:
0x8: {  	[smem:$0x3F9C] =	sst s0  }
0x9: {  	[smem:$0x3F9D] =	sst s1  }
0xa: {  	[smem:$0x3F9E] =	sst s2  }
0xb: {  	[smem:$0x3F9F] =	sst s3  }
0xc: {  	[smem:$0x3FA0] =	sst s4  }
0xd: {  	[smem:$0x3FA1] =	sst s5  }
0xe: {  	[smem:$0x3FA2] =	sst s6  }
0xf: {  	[smem:$0x3FA3] =	sst s7  }
0x10: {  	[smem:$0x3FA4] =	sst s8  }
0x11: {  	[smem:$0x3FA5] =	sst s9;
	s0 =	simm.s32 @!p0 $0x0  }
0x12: {  	s1 =	sld [smem:$0x3F8B];
	s0 =	simm.s32 @p0 $0x1  }
0x13: {  	[smem:$0x3FA6] =	sst s0;
	s0 =	simm.s32 @!p1 $0x0  }
0x14: {  	s2 =	sld [smem:$0x3F8A];
	s0 =	simm.s32 @p1 $0x1  }
0x15: {  	[smem:$0x3FA7] =	sst s0;
	s0 =	simm.s32 @!p2 $0x0  }
0x16: {  	s3 =	sld [smem:$0x3FDB];
	s0 =	simm.s32 @p2 $0x1  }
0x17: {  	s4 =	simm.s32 $0x1BF5;
	[smem:$0x3FA9] =	sst s0  }
0x18: {  	s0 =	sld [smem:$0x3F8C];
	_ =	swait.ge [sflag:s4], $0x0  }
0x19: {  	s7 =	sld [smem:$0x3F8D]  }
0x1a: {  	s8 =	sadd.s32 $0xFFFFE003, lr  }
0x1b: {  	s9 =	sadd.s32 $0xFFFFFEF7, lr;
	s5 =	simm.s32 $0xFFFFFFFF;
	p2 =	slt.u32 s8, $0xFFFFF086  }
0x1c: {  	p1 =	slt.u32 s9, $0xF7A;
	s5 =	simm.s32 @!p2 $0x0  }
0x1d: {  	s5 =	simm.s32 @p1 $0x1;
	p0 =	seq.s32 s7, s2  }
0x1e: {  	s7 =	smul.u32 @!p0 $0xF7A, s2;
	p2 =	seq.s32 @!p0 s5, $0x0  }
0x1f: {  	s9 =	smul.u32 $0xF7A, s1;
	s8 =	simm.s32 @!p0 $0x1BF5;
	p2 =	por !p2, p0  }
0x20: {  	[sflag:s8] =	ssyncset.s32 @!p0 $0xFFFFF086;
	s6 =	sadd.s32 @!p0 s3, s7;
	s7 =	simm.s32 @!p0 $0x108  }
0x21: {  	s3 =	sadd.s32 s3, s9;
	s6 =	sadd.s32 @!p0 $0x88, s6;
	s7 =	simm.s32 @p2 $0x1082  }
0x22: {  	[simem:s7], [sflag:s8] =	dma.local @!p0 [hbm:s6], $0xF7A  }
0x23: {  	s9 =	sor.u32 $0xD0000000, s2;
	s6 =	simm.s32 $0x108;
	_ =	swait.ge @!p0 [sflag:s8], $0x0  }
0x24: {  	s3 =	sadd.s32 $0x88, s3;
	s6 =	simm.s32 @!p1 $0x1082;
	[sflag:s4] =	ssyncset.s32 $0xFFFFF086  }
0x25: {  	[simem:s6], [sflag:s4] =	dma.local [hbm:s3], $0xF7A  }
0x26: {  	[smem:$0x3F8D] =	sst s1;
	(tag) =	ssettag s2;
	_ =	strace s9  }
0x27: {  	s1 =	sld [smem:$0x3F9D]  }
0x28: {  	s2 =	sld [smem:$0x3F9E]  }
0x29: {  	s4 =	sld [smem:$0x3FA0]  }
0x2a: {  	p0 =	seq.s32 s5, $0x0;
	s5 =	sld [smem:$0x3FA1]  }
0x2b: {  	s6 =	sld [smem:$0x3FA2]  }
0x2c: {  	s7 =	sld [smem:$0x3FA3]  }
0x2d: {  	s3 =	simm.s32 $0x108;
	s8 =	sld [smem:$0x3FA4]  }
0x2e: {  	s3 =	simm.s32 @!p0 $0x1082;
	s9 =	sld [smem:$0x3FA5]  }
0x2f: {  	lr =	sadd.s32 s0, s3;
	s0 =	sld [smem:$0x3F9C]  }
0x30: {  	s3 =	sld [smem:$0x3F9F]  }
0x31: {  	[smem:$0x3FA8] =	sst s10  }
0x32: {  	s10 =	sld [smem:$0x3FA6];
	_ =	sdelay $0x3  }
0x33: {  	p0 =	seq.s32 s10, $0x1;
	s10 =	sld [smem:$0x3FA8];
	_ =	sdelay $0x3  }
0x34: {  	[smem:$0x3FA8] =	sst s10  }
0x35: {  	s10 =	sld [smem:$0x3FA7];
	_ =	sdelay $0x3  }
0x36: {  	p1 =	seq.s32 s10, $0x1;
	s10 =	sld [smem:$0x3FA8];
	_ =	sdelay $0x3  }
0x37: {  	[smem:$0x3FA8] =	sst s10  }
0x38: {  	s10 =	sld [smem:$0x3FA9]  }
0x39: {  	_ = 	snop;
	(pc) =	sbr.ind lr, $3  }
0x3a: {  	_ = 	snop  }
0x3b: {  	_ = 	snop  }
0x3c: {  	p2 =	seq.s32 s10, $0x1;
	s10 =	sld [smem:$0x3FA8]  }
0x3d: {  	_ =	shalt  }
0x3e: {  	_ =	shalt  }
0x3f: {  	_ =	shalt  }
0x40: {  	_ =	shalt  }
0x41: {  	_ =	shalt  }
0x42: {  	_ =	shalt  }
0x43: {  	_ =	shalt  }
0x44: {  	_ =	shalt  }
0x45: {  	_ =	shalt  }
0x46: {  	_ =	shalt  }
0x47: {  	_ =	shalt  }
0x48: {  	_ =	shalt  }
0x49: {  	_ =	shalt  }
0x4a: {  	_ =	shalt  }
0x4b: {  	_ =	shalt  }
0x4c: {  	_ =	shalt  }
0x4d: {  	_ =	shalt  }
0x4e: {  	_ =	shalt  }
0x4f: {  	_ =	shalt  }
0x50: {  	_ =	shalt  }
0x51: {  	_ =	shalt  }
0x52: {  	_ =	shalt  }
0x53: {  	_ =	shalt  }
0x54: {  	_ =	shalt  }
0x55: {  	_ =	shalt  }
0x56: {  	_ =	shalt  }
0x57: {  	_ =	shalt  }
0x58: {  	_ =	shalt  }
0x59: {  	_ =	shalt  }
0x5a: {  	_ =	shalt  }
0x5b: {  	_ =	shalt  }
0x5c: {  	_ =	shalt  }
0x5d: {  	_ =	shalt  }
0x5e: {  	_ =	shalt  }
0x5f: {  	_ =	shalt  }
0x60: {  	_ =	shalt  }
0x61: {  	_ =	shalt  }
0x62: {  	_ =	shalt  }
0x63: {  	_ =	shalt  }
0x64: {  	_ =	shalt  }
0x65: {  	_ =	shalt  }
0x66: {  	_ =	shalt  }
0x67: {  	_ =	shalt  }
0x68: {  	_ =	shalt  }
0x69: {  	_ =	shalt  }
0x6a: {  	_ =	shalt  }
0x6b: {  	_ =	shalt  }
0x6c: {  	_ =	shalt  }
0x6d: {  	_ =	shalt  }
0x6e: {  	_ =	shalt  }
0x6f: {  	_ =	shalt  }
0x70: {  	_ =	shalt  }
0x71: {  	_ =	shalt  }
0x72: {  	_ =	shalt  }
0x73: {  	_ =	shalt  }
0x74: {  	_ =	shalt  }
0x75: {  	_ =	shalt  }
0x76: {  	_ =	shalt  }
0x77: {  	_ =	shalt  }
0x78: {  	_ =	shalt  }
0x79: {  	_ =	shalt  }
0x7a: {  	_ =	shalt  }
0x7b: {  	_ =	shalt  }
0x7c: {  	_ =	shalt  }
0x7d: {  	_ =	shalt  }
0x7e: {  	_ =	shalt  }
0x7f: {  	_ =	shalt  }
0x80: {  	_ =	shalt  }
0x81: {  	_ =	shalt  }
0x82: {  	_ =	shalt  }
0x83: {  	_ =	shalt  }
0x84: {  	_ =	shalt  }
0x85: {  	_ =	shalt  }
0x86: {  	_ =	shalt  }
0x87: {  	_ =	shalt  }
.Lfunc_end0:
.L_simem_size_0:
called_computation.5_lowered:
.L_overlay_start_0:
0x88: {  	s2 =	sld [smem:$0x3FD9]  }
0x89: {  	s3 =	sld [smem:$0x3FFE];
	_ =	sdelay $0x1  }
0x8a: {  	s1 =	srdreg.scid  }
0x8b: {  	s0 =	sand.u32 $0x1, s1  }
0x8c: {  	s17 =	sshll.u32 s0, $0xA;
	s2 =	sadd.s32 s3, s2  }
0x8d: {  	s2 =	sadd.s32 s2, s17  }
0x8e: {  	[smem:$0x3FB4] =	sst s2  }
0x8f: {  	_ = 	snop  }
0x90: {  	(tm) =	ssettm $0x1  }
0x91: {  	s18 =	sld [smem:$0x3FFB];
	_ =	sdelay $0x3  }
0x92: {  	_ =	strace s18  }
0x93: {  	s2 =	sld [smem:$0x3FFC];
	_ =	sdelay $0x3  }
0x94: {  	_ =	strace s2  }
0x95: {  	s2 =	sld [smem:$0x3FFD];
	_ =	sdelay $0x3  }
0x96: {  	_ =	strace s2  }
0x97: {  	_ =	strace $0x8FFFFFFF  }
0x98: {  	s19 =	sld [smem:$0x3FDB];
	_ =	sdelay $0x1  }
0x99: {  	s20 =	simm.s32 $_scs_section_size  }
0x9a: {  	s4 =	simm.s32 $_size__tile_overlayer_lowered;
	s5 =	simm.s32 $_tile_overlayer_lowered  }
0x9b: {  	s6 =	simm.s32 $0x1BFF;
	s21 =	sshll.u32 s5, $0x1;
	s3 =	sadd.s32 s20, s19  }
0x9c: {  	s22 =	simm.s32 $0x0;
	s4 =	sshll.u32 s4, $0x1;
	s5 =	sadd.s32 s21, s3  }
0x9d: {  	[timem:s22], [sflag:s6] =	dma.local [hbm:s5], s4  }
0x9e: {  	_ =	swait.ge [sflag:s6], s4  }
0x9f: {  	s4 =	ssub.s32 $0x0, s4;
	[sflag:s6] =	ssyncset.done $0x0  }
0xa0: {  	[sflag:s6] =	ssyncadd.s32 s4;
	_ =	sdelay $0x1  }
0xa1: {  	s23 =	simm.s32 $0x1B8B  }
0xa2: {  	_ =	swait.ge [sflag:s23], $0x1  }
0xa3: {  	[sflag:s23] =	ssyncset.done $0x0  }
0xa4: {  	[sflag:s23] =	ssyncadd.s32 $0xFFFFFFFF  }
0xa5: {  	s4 =	sld [smem:$0x0]  }
0xa6: {  	s5 =	sand.u32 $0xFFFFFFFE, s1  }
0xa7: {  	p0 =	sne.s32 s1, s5  }
0xa8: {  	s5 =	sshll.u32 @p0 s5, $0xE  }
0xa9: {  	s5 =	sadd.s32 @p0 $0x11B8D, s5;
	s6 =	sshll.u32 @p0 s4, $0x11  }
0xaa: {  	s5 =	sor.u32 @p0 s6, s5  }
0xab: {  	[sflag:s5] =	ssyncadd.remote.s32 @p0 $0x1;
	_ =	sdelay $0x1  }
0xac: {  	s5 =	simm.s32 @p0 $0x1B8D  }
0xad: {  	_ =	swait.eq @p0 [sflag:s5], $0x1  }
0xae: {  	[sflag:s5] =	ssyncadd.s32 @p0 $0xFFFFFFFF  }
0xaf: {  	s6 =	sshll.u32 @!p0 s1, $0xE  }
0xb0: {  	s6 =	sor.u32 @!p0 $0x4000, s6;
	s5 =	simm.s32 @!p0 $0x1B8D  }
0xb1: {  	s4 =	sshll.u32 @!p0 s4, $0x11;
	s6 =	sadd.s32 @!p0 $0x11B8D, s6;
	_ =	swait.eq @!p0 [sflag:s5], $0x1  }
0xb2: {  	s4 =	sor.u32 @!p0 s4, s6;
	[sflag:s5] =	ssyncadd.s32 @!p0 $0xFFFFFFFF  }
0xb3: {  	s25 =	simm.s32 $0x1B8E;
	s24 =	sld [smem:$0x3FFE];
	[sflag:s4] =	ssyncadd.remote.s32 @!p0 $0x1  }
0xb4: {  	s26 =	simm.s32 $execute0_lowered;
	[smem:$0x3FD2] =	sst s25  }
0xb5: {  	s5 =	sshll.u32 s26, $0x1;
	_ =	strace $0x80000055;
	[dreg:$0x1] =	wrdreg $0xFFFFFFFF  }
0xb6: {  	s28 =	simm.s32 $_size_execute0_lowered;
	s3 =	sadd.s32 s3, s5;
	[dreg:$0x0] =	wrdreg $0x0  }
0xb7: {  	s5 =	sshll.u32 s28, $0x1;
	[dreg:$0x2] =	wrdreg s3  }
0xb8: {  	[dreg:$0x3] =	wrdreg s5  }
0xb9: {  	[dreg:$0x4] =	wrdreg $0xC0  }
0xba: {  	_ =	task [dreg:s22], $0x5FFFF  }
0xbb: {  	[dreg:$0x1] =	wrdreg $0xFFFFFFFF  }
0xbc: {  	[dreg:$0x0] =	wrdreg $0x60  }
0xbd: {  	[dreg:$0x2] =	wrdreg s24  }
0xbe: {  	[dreg:$0x3] =	wrdreg $0xC7000  }
0xbf: {  	[dreg:$0x4] =	wrdreg $0xA  }
0xc0: {  	_ =	task.clear_ibuf [dreg:s22], $0x5FFFF;
	_ =	strace $0x90000055  }
0xc1: {  	s29 =	simm.s32 $0xA;
	_ =	strace $0x80000057  }
0xc2: {  	_ =	swait.ge [sflag:s29], $0x1  }
0xc3: {  	[sflag:s29] =	ssyncadd.s32 $0xFFFFFFFF  }
0xc4: {  	_ =	strace $0x90000057  }
0xc5: {  	_ =	sfence  }
0xc6: {  	s30 =	sld [smem:$0x0];
	_ =	sdelay $0x2  }
0xc7: {  	s31 =	sshll.u32 s1, $0xD;
	s1 =	sshrl.u32 s1, $0x2  }
0xc8: {  	s4 =	sand.u32 $0x4000, s31;
	s1 =	sadd.s32 s1, s30  }
0xc9: {  	s0 =	sor.u32 s4, s0;
	s1 =	sshll.u32 s1, $0x11  }
0xca: {  	s0 =	sor.u32 s1, s0  }
0xcb: {  	s0 =	sadd.s32 $0x8F2B, s0  }
0xcc: {  	[sflag:s0] =	ssyncadd.remote.s32 $0x1  }
0xcd: {  	_ =	sfence.sel $0xFFFF  }
0xce: {  	[dreg:$0x0] =	wrdreg $0xFFFFFFFF;
	(pc) =	sbr.abs _section_cstart, $3  }
0xcf: {  	[dreg:$0x1] =	wrdreg $0xFFFFFFFF  }
0xd0: {  	_ =	task.clear_ibuf [dreg:s22], $0x2FFFF;
	_ =	strace $0x9FFFFFFF  }
0xd1: {  	(tm) =	ssettm $0x7FFFFFFF  }
tec
execute0_lowered:
.L_overlay_start_1:
0x0: {  	(tag) =	ssettag $0x1  }
0x1: {  	s10 =	stileid.u32;
	s5 =	rddreg [dreg:$0x0]  }
0x2: {  	s0 =	srdreg.scid;
	s2 =	rddreg [dreg:$0x1];
	s3 =	simm.s32 $0x0  }
0x3: {  	s14 =	simm.s32 $0x1;
	s15 =	simm.s32 $0x2;
	s16 =	simm.s32 $0x50  }
0x4: {  	s17 =	simm.s32 $0x4F00;
	s18 =	simm.s32 $0x7700;
	s20 =	simm.s32 $0x9F00  }
0x5: {  	s21 =	simm.s32 $0x3;
	s22 =	simm.s32 $0x4;
	s1 =	smul.u32 $0x3E80, s10  }
0x6: {  	s23 =	simm.s32 $0x5;
	s24 =	simm.s32 $0x6;
	s6 =	smul.u32 $0x3E8, s10  }
0x7: {  	s28 =	simm.s32 $0x4DA0;
	s29 =	simm.s32 $0x2670;
	s8 =	smul.u32 $0x2710, s10  }
0x8: {  	s30 =	simm.s32 $0x26C0;
	s0 =	sand.u32 $0x1, s0;
	s25 =	smul.u32 $0x7D000, s10  }
0x9: {  	s31 =	simm.s32 $0x4DF0;
	[smem:$0x7FF] =	sst s3;
	s11 =	smul.u32 $0x2710, s0  }
0xa: {  	s4 =	sadd.s32 $0x1DC000, s5;
	p0 =	sgt.u32 s10, $0x9;
	s7 =	smul.u32 $0x4E200, s0  }
0xb: {  	_ =	strace $0x80000056;
	s0 =	ssub.s32 $0x2, s0;
	s1 =	sadd.s32 s1, s5  }
0xc: {  	s26 =	sshrl.u32 s0, $0x1;
	s6 =	sadd.s32 s6, s11;
	s7 =	sadd.s32 s8, s7  }
0xd: {  	s0 =	ssub.s32 s0, s26;
	s8 =	sshrl.u32 s25, $0x2;
	v0 =	vmov s11;
	s11 =	simm.s32 $0x0  }
0xe: {  	s6 =	sshll.u32 s6, $0x4;
	s7 =	sshrl.u32 s7, $0x3;
	s13 =	sadd.s32 s8, s2  }
0xf: {  	s9 =	sadd.s32 s6, s5;
	s7 =	sadd.s32 s5, s7;
	s13 =	sshrl.u32 @!p0 s13, $0x3  }
0x10: {  	s5 =	sadd.s32 $0x1AA80, s7;
	s6 =	sadd.s32 $0x1F8A0, s7;
	s7 =	sadd.s32 $0x7C600, s1  }
0x11: {  	s8 =	sadd.s32 $0x278400, s9;
	s9 =	sshll.u32 @!p0 s10, $0x6;
	s10 =	smax.u32 s0, $0x1  }
0x12: {  	s1 =	simm.s32 $0x7;
	s0 =	simm.s32 $0x4E40;
	s12 =	sor.u32 @!p0 $0x1C03, s9  }
.LBB2_1:
0x13: {  	[tilespmem:s3], [sflag:$0x1] =	stream.linear.gather [hbm4b:s5+s3], $0x2710, $0x38;
	[tilespmem:$0x1FF80] =	vst v63  }
0x14: {  	s19 =	simm.s32 $0x2780  }
0x15: {  	[tilespmem:s19], [sflag:$0x2] =	stream.linear.gather [hbm4b:s6+s3], $0x2710, $0x38;
	[tilespmem:$0x1FF80] =	vst v63  }
0x16: {  	[spmem:s13], [sflag:s12] =	dma.local @!p0 [hbm:s7], $0x3E80  }
0x17: {  	_ =	swait.ge [sflag:s14], $0x2710  }
0x18: {  	[sflag:s14] =	ssyncset.done $0x0  }
0x19: {  	s25 =	simm.s32 $0x40;
	s19 =	simm.s32 $0x0;
	[sflag:s14] =	ssyncadd.s32 $0xFFFFD8F0  }
.LBB2_2:
0x1a: {  	p1 =	sne.s32 s25, $0x9C00;
	v1 =	vld [tilespmem:s19+$0x0];
	_ =	sdelay $0x1  }
.Ltmp0:
0x1b: {  	(pc) =	sbr.rel @p1 .LBB2_2-.Ltmp0, $3  }
0x1c: {  	_ =	sdelay $0x1  }
0x1d: {  	v1 =	vadd.s32 v0, v1  }
0x1e: {  	[tilespmem:s19+$0x0] =	vst v1;
	s19 =	sshra.s32 s25, $0x2;
	s25 =	sadd.s32 $0x40, s25  }
0x1f: {  	v1 =	vld [tilespmem:s19+$0x0];
	_ =	sdelay $0x4  }
0x20: {  	v1 =	vadd.s32 v0, v1  }
0x21: {  	[tilespmem:s19+$0x0] =	vst v1  }
0x22: {  	_ =	swait.ge [sflag:s15], $0x2710  }
0x23: {  	[sflag:s15] =	ssyncset.done $0x0  }
0x24: {  	s19 =	simm.s32 @!p0 $0x3;
	[sflag:s15] =	ssyncadd.s32 $0xFFFFD8F0  }
0x25: {  	_ =	swait.ge @!p0 [sflag:s19], $0x3E80  }
0x26: {  	[sflag:s19] =	ssyncset.done @!p0 $0x0  }
0x27: {  	[sflag:s19] =	ssyncadd.s32 @!p0 $0xFFFFC180  }
0x28: {  	s26 =	simm.s32 $0x0;
	[bflag:$0x0] =	sbarrier.arrive $0xFFFF  }
0x29: {  	[tilespmem:s17], [sflag:$0x1] =	stream.indirect.gather [hbm4b:s4+s16], $0x80, s26, s16, $0xb8;
	[tilespmem:$0x1FF80] =	vst v63  }
0x2a: {  	_ = 	snop  }
0x2b: {  	[tilespmem:s18], [sflag:$0x2] =	stream.indirect.gather [hbm4b:s4+s16], $0x80, s16, s16, $0xb8;
	[tilespmem:$0x1FF80] =	vst v63  }
0x2c: {  	s25 =	simm.s32 $0xA0  }
0x2d: {  	[tilespmem:s20], [sflag:$0x3] =	stream.indirect.gather [hbm4b:s4+s16], $0x80, s25, s16, $0xb8;
	[tilespmem:$0x1FF80] =	vst v63  }
0x2e: {  	_ =	swait.ge [sflag:s14], $0x2800  }
0x2f: {  	[sflag:s14] =	ssyncset.done $0x0  }
0x30: {  	s26 =	simm.s32 $0x2780;
	[sflag:s14] =	ssyncadd.s32 $0xFFFFD800  }
0x31: {  	[spmem:s2] =	stream.indirect.scatter.add.f32 [tilespmem:s17], [sflag:$0x4], $0x80, s26, s16, $0xb8;
	[tilespmem:$0x1FF80] =	vst v63  }
0x32: {  	_ =	swait.ge [sflag:s15], $0x2800  }
0x33: {  	[sflag:s15] =	ssyncset.done $0x0  }
0x34: {  	s25 =	simm.s32 $0x27D0;
	[sflag:s15] =	ssyncadd.s32 $0xFFFFD800  }
0x35: {  	[spmem:s2] =	stream.indirect.scatter.add.f32 [tilespmem:s18], [sflag:$0x5], $0x80, s25, s16, $0xb8;
	[tilespmem:$0x1FF80] =	vst v63  }
0x36: {  	_ =	swait.ge [sflag:s21], $0x2800  }
0x37: {  	[sflag:s21] =	ssyncset.done $0x0  }
0x38: {  	s26 =	simm.s32 $0x2820;
	[sflag:s21] =	ssyncadd.s32 $0xFFFFD800  }
0x39: {  	[spmem:s2] =	stream.indirect.scatter.add.f32 [tilespmem:s20], [sflag:$0x6], $0x80, s26, s16, $0xb8;
	[tilespmem:$0x1FF80] =	vst v63  }
0x3a: {  	_ =	swait.ge [sflag:s22], $0x2800  }
0x3b: {  	[sflag:s22] =	ssyncset.done $0x0  }
0x3c: {  	s25 =	simm.s32 $0xF0;
	[sflag:s22] =	ssyncadd.s32 $0xFFFFD800  }
0x3d: {  	[tilespmem:s17], [sflag:$0x1] =	stream.indirect.gather [hbm4b:s4+s16], $0x80, s25, s16, $0xb8;
	[tilespmem:$0x1FF80] =	vst v63  }
0x3e: {  	_ =	swait.ge [sflag:s23], $0x2800  }
0x3f: {  	[sflag:s23] =	ssyncset.done $0x0  }
0x40: {  	s26 =	simm.s32 $0x140;
	[sflag:s23] =	ssyncadd.s32 $0xFFFFD800  }
0x41: {  	[tilespmem:s18], [sflag:$0x2] =	stream.indirect.gather [hbm4b:s4+s16], $0x80, s26, s16, $0xb8;
	[tilespmem:$0x1FF80] =	vst v63  }
0x42: {  	_ =	swait.ge [sflag:s24], $0x2800  }
0x43: {  	[sflag:s24] =	ssyncset.done $0x0  }
0x44: {  	s19 =	simm.s32 $0x3C0;
	s25 =	simm.s32 $0x190;
	[sflag:s24] =	ssyncadd.s32 $0xFFFFD800  }
.LBB2_4:
0x45: {  	[tilespmem:s20], [sflag:$0x3] =	stream.indirect.gather [hbm4b:s4+s16], $0x80, s25, s16, $0xb8;
	[tilespmem:$0x1FF80] =	vst v63  }
0x46: {  	s25 =	smov.u32 s19  }
0x47: {  	p1 =	sne.s32 s19, $0x9240;
	s19 =	sadd.s32 $0x3C0, s19;
	_ =	swait.ge [sflag:s14], $0x2800  }
0x48: {  	s25 =	sshra.s32 s25, $0x2;
	[sflag:s14] =	ssyncset.done $0x0  }
0x49: {  	s26 =	sadd.s32 $0x2780, s25;
	[sflag:s14] =	ssyncadd.s32 $0xFFFFD800  }
0x4a: {  	[spmem:s2] =	stream.indirect.scatter.add.f32 [tilespmem:s17], [sflag:$0x4], $0x80, s26, s16, $0xb8;
	[tilespmem:$0x1FF80] =	vst v63  }
0x4b: {  	_ =	swait.ge [sflag:s15], $0x2800  }
0x4c: {  	[sflag:s15] =	ssyncset.done $0x0  }
0x4d: {  	s26 =	sadd.s32 $0x27D0, s25;
	[sflag:s15] =	ssyncadd.s32 $0xFFFFD800  }
0x4e: {  	[spmem:s2] =	stream.indirect.scatter.add.f32 [tilespmem:s18], [sflag:$0x5], $0x80, s26, s16, $0xb8;
	[tilespmem:$0x1FF80] =	vst v63  }
0x4f: {  	_ =	swait.ge [sflag:s21], $0x2800  }
0x50: {  	[sflag:s21] =	ssyncset.done $0x0  }
0x51: {  	s26 =	sadd.s32 $0x2820, s25;
	[sflag:s21] =	ssyncadd.s32 $0xFFFFD800  }
0x52: {  	[spmem:s2] =	stream.indirect.scatter.add.f32 [tilespmem:s20], [sflag:$0x6], $0x80, s26, s16, $0xb8;
	[tilespmem:$0x1FF80] =	vst v63  }
0x53: {  	_ =	swait.ge [sflag:s22], $0x2800  }
0x54: {  	[sflag:s22] =	ssyncset.done $0x0  }
0x55: {  	s26 =	sadd.s32 $0xF0, s25;
	[sflag:s22] =	ssyncadd.s32 $0xFFFFD800  }
0x56: {  	[tilespmem:s17], [sflag:$0x1] =	stream.indirect.gather [hbm4b:s4+s16], $0x80, s26, s16, $0xb8;
	[tilespmem:$0x1FF80] =	vst v63  }
0x57: {  	_ =	swait.ge [sflag:s23], $0x2800  }
0x58: {  	[sflag:s23] =	ssyncset.done $0x0  }
.Ltmp1:
0x59: {  	s26 =	sadd.s32 $0x140, s25;
	[sflag:s23] =	ssyncadd.s32 $0xFFFFD800;
	(pc) =	sbr.rel @p1 .LBB2_4-.Ltmp1, $4  }
0x5a: {  	[tilespmem:s18], [sflag:$0x2] =	stream.indirect.gather [hbm4b:s4+s16], $0x80, s26, s16, $0xb8;
	[tilespmem:$0x1FF80] =	vst v63  }
0x5b: {  	_ =	swait.ge [sflag:s24], $0x2800  }
0x5c: {  	[sflag:s24] =	ssyncset.done $0x0  }
0x5d: {  	s25 =	sadd.s32 $0x190, s25;
	[sflag:s24] =	ssyncadd.s32 $0xFFFFD800  }
0x5e: {  	[tilespmem:s20], [sflag:$0x3] =	stream.indirect.gather [hbm4b:s4+s16], $0x80, s25, s16, $0xb8;
	[tilespmem:$0x1FF80] =	vst v63  }
0x5f: {  	_ =	swait.ge [sflag:s14], $0x2800  }
0x60: {  	[sflag:s14] =	ssyncset.done $0x0  }
0x61: {  	s19 =	simm.s32 $0x4D00;
	[sflag:s14] =	ssyncadd.s32 $0xFFFFD800  }
0x62: {  	[spmem:s2] =	stream.indirect.scatter.add.f32 [tilespmem:s17], [sflag:$0x4], $0x80, s19, s16, $0xb8;
	[tilespmem:$0x1FF80] =	vst v63  }
0x63: {  	_ =	swait.ge [sflag:s15], $0x2800  }
0x64: {  	[sflag:s15] =	ssyncset.done $0x0  }
0x65: {  	s26 =	simm.s32 $0x4D50;
	[sflag:s15] =	ssyncadd.s32 $0xFFFFD800  }
0x66: {  	[spmem:s2] =	stream.indirect.scatter.add.f32 [tilespmem:s18], [sflag:$0x5], $0x80, s26, s16, $0xb8;
	[tilespmem:$0x1FF80] =	vst v63  }
0x67: {  	_ =	swait.ge [sflag:s21], $0x2800  }
0x68: {  	[sflag:s21] =	ssyncset.done $0x0  }
0x69: {  	[sflag:s21] =	ssyncadd.s32 $0xFFFFD800  }
0x6a: {  	[spmem:s2] =	stream.indirect.scatter.add.f32 [tilespmem:s20], [sflag:$0x6], $0x80, s28, s16, $0xb8;
	[tilespmem:$0x1FF80] =	vst v63  }
0x6b: {  	_ =	swait.ge [sflag:s22], $0x2800  }
0x6c: {  	[sflag:s22] =	ssyncset.done $0x0  }
0x6d: {  	[sflag:s22] =	ssyncadd.s32 $0xFFFFD800  }
0x6e: {  	[tilespmem:s17], [sflag:$0x1] =	stream.indirect.gather [hbm4b:s4+s16], $0x80, s29, s16, $0xb8;
	[tilespmem:$0x1FF80] =	vst v63  }
0x6f: {  	_ =	swait.ge [sflag:s23], $0x2800  }
0x70: {  	[sflag:s23] =	ssyncset.done $0x0  }
0x71: {  	[sflag:s23] =	ssyncadd.s32 $0xFFFFD800  }
0x72: {  	[tilespmem:s18], [sflag:$0x2] =	stream.indirect.gather [hbm4b:s4+s16], $0x80, s30, s16, $0xb8;
	[tilespmem:$0x1FF80] =	vst v63  }
0x73: {  	_ =	swait.ge [sflag:s24], $0x2800  }
0x74: {  	[sflag:s24] =	ssyncset.done $0x0  }
0x75: {  	[sflag:s24] =	ssyncadd.s32 $0xFFFFD800  }
0x76: {  	_ =	swait.ge [sflag:s14], $0x2800  }
0x77: {  	[sflag:s14] =	ssyncset.done $0x0  }
0x78: {  	[sflag:s14] =	ssyncadd.s32 $0xFFFFD800  }
0x79: {  	[spmem:s2] =	stream.indirect.scatter.add.f32 [tilespmem:s17], [sflag:$0x7], $0x80, s31, s16, $0xb8;
	[tilespmem:$0x1FF80] =	vst v63  }
0x7a: {  	_ =	swait.ge [sflag:s1], $0x2800  }
0x7b: {  	[sflag:s1] =	ssyncset.done $0x0  }
0x7c: {  	[sflag:s1] =	ssyncadd.s32 $0xFFFFD800  }
0x7d: {  	_ =	swait.ge [sflag:s15], $0x2800  }
0x7e: {  	[sflag:s15] =	ssyncset.done $0x0  }
0x7f: {  	[sflag:s15] =	ssyncadd.s32 $0xFFFFD800  }
0x80: {  	[spmem:s2] =	stream.indirect.scatter.add.f32 [tilespmem:s18], [sflag:$0x7], $0x80, s0, s16, $0xb8;
	[tilespmem:$0x1FF80] =	vst v63  }
0x81: {  	_ =	swait.ge [sflag:s1], $0x2800  }
0x82: {  	[sflag:s1] =	ssyncset.done $0x0  }
0x83: {  	s11 =	sadd.s32 $0x1, s11;
	[sflag:s1] =	ssyncadd.s32 $0xFFFFD800  }
0x84: {  	p1 =	sne.s32 s11, s10;
	s19 =	sor.u32 @!p0 $0x1C07, s9;
	[bflag:$0x0] =	sbarrier.arrive $0xFFFF  }
0x85: {  	[hbm:s8], [sflag:s19] =	dma.local @!p0 [spmem:s13], $0x3E80  }
.Ltmp2:
0x86: {  	_ = 	snop;
	(pc) =	sbr.rel @p1 .LBB2_1-.Ltmp2, $4  }
0x87: {  	s19 =	simm.s32 @!p0 $0x7  }
0x88: {  	_ =	swait.ge @!p0 [sflag:s19], $0x3E80  }
0x89: {  	[sflag:s19] =	ssyncset.done @!p0 $0x0  }
0x8a: {  	[sflag:s19] =	ssyncadd.s32 @!p0 $0xFFFFC180  }
0x8b: {  	_ =	sfence.sel $0x180000  }
0x8c: {  	[bflag:$0x0] =	sbarrier.arrive $0xFFFF  }
0x8d: {  	_ =	strace $0x90000056  }
0x8e: {  	s0 =	stileid.u32;
	[bflag:$0x2] =	sbarrier.arrive $0xFFFF  }
0x8f: {  	p0 =	sne.s32 s0, $0x0;
	s0 =	rddreg [dreg:$0x2]  }
0x90: {  	s0 =	sadd.s32 @!p0 $0x100000, s0  }
0x91: {  	[sflag:s0] =	ssyncadd.tile.s32 @!p0 $0x1;
	_ =	shalt  }
.Lfunc_end2:
_tile_overlayer_lowered:
.L_overlay_start_2:
0x92: {  	(tag) =	ssettag $0x2  }
0x93: {  	s0 =	rddreg [dreg:$0x0];
	s2 =	stileid.u32  }
0x94: {  	s1 =	rddreg [dreg:$0x1];
	p0 =	sne.s32 s2, $0x0  }
0x95: {  	s3 =	rddreg [dreg:$0x2];
	[bflag:$0x3] =	sbarrier.arrive $0xFFFF;
	s2 =	simm.s32 @!p0 $0x1C07  }
0x96: {  	[timem:s3], [sflag:s2] =	dma.local @!p0 [hbm:s0], s1  }
0x97: {  	s0 =	simm.s32 @!p0 $0x7  }
0x98: {  	_ =	swait.ge @!p0 [sflag:s0], s1  }
0x99: {  	s1 =	ssub.s32 @!p0 $0x0, s1;
	[sflag:s0] =	ssyncset.done @!p0 $0x0  }
0x9a: {  	[sflag:s0] =	ssyncadd.s32 @!p0 s1  }
0x9b: {  	[bflag:$0x3] =	sbarrier.arrive $0xFFFF  }
0x9c: {  	_ =	shalt  }

</sc_bundles>
